<compile_context>
chip_gen: v7x
topology: tpu7x:2x2x1
jax: 0.10.2.dev20260603
libtpu: 0.0.44.dev20260713+nightly
codegen_flags: <defaults>
</compile_context>

<pallas_src>
import functools

import jax
import jax.numpy as jnp
from jax import lax
from jax.experimental import pallas as pl
from jax.experimental.pallas import tpu as pltpu
from jax.experimental.pallas import tpu_sc as plsc

B = 4
N = 20000
M = 32
LANES = 16
NW = 32
WPB = 8
PAIRS_PER_W = 4
CHUNKS = N // LANES
CONF_SLICE = N // WPB
CONF_CHUNKS = (CONF_SLICE + LANES - 1) // LANES
IOU_THR = 0.2
BIG_I32 = 2 ** 30

_ATAN_COEFFS = (
    0.9999999828647296, -0.3333319654947794, 0.19996761628871834,
    -0.1425013453688434, 0.10891953602946322, -0.08252553527101676,
    0.055674573852792425, -0.029126338688523788, 0.009906944501302792,
    -0.0015853086116741147,
)

_LOG1P_COEFFS = (
    0.9999999932119505, -0.49999957772713577, 0.33332362587735553,
    -0.24988381968477616, 0.19915963425828467, -0.16267261242156672,
    0.1297016934899417, -0.09379880994704069, 0.056020253063691836,
    -0.024756563748861746, 0.006977327185597779, -0.0009239630494390083,
)


def _atan(x):
    ax = jnp.abs(x)
    inv = ax > 1.0
    z = jnp.where(inv, 1.0 / ax, ax)
    z2 = z * z
    acc = jnp.full_like(z, _ATAN_COEFFS[-1])
    for c in _ATAN_COEFFS[-2::-1]:
        acc = acc * z2 + c
    p = acc * z
    r = jnp.where(inv, jnp.float32(jnp.pi / 2) - p, p)
    return jnp.where(x < 0, -r, r)


def _log1p01(z):
    acc = jnp.full_like(z, _LOG1P_COEFFS[-1])
    for c in _LOG1P_COEFFS[-2::-1]:
        acc = acc * z + c
    return acc * z


def _focal01(x):
    e = jnp.exp(-jnp.abs(x))
    ln1pe = _log1p01(e)
    ce0 = jnp.maximum(x, 0.0) + ln1pe
    prob = jnp.where(x >= 0, 1.0, e) / (1.0 + e)
    pt0 = jnp.clip(1.0 - prob, 1e-06, 1.0 - 1e-06)
    om0 = 1.0 - pt0
    l0 = 0.75 * om0 * om0 * ce0
    pt1 = jnp.clip(prob, 1e-06, 1.0 - 1e-06)
    om1 = 1.0 - pt1
    l1 = 0.25 * om1 * om1 * (ce0 - x)
    return l0, l1


@functools.cache
def _get_sc_loss():
    mesh = plsc.VectorSubcoreMesh(core_axis_name="c", subcore_axis_name="s")

    @functools.partial(
        pl.kernel,
        mesh=mesh,
        out_type=jax.ShapeDtypeStruct((NW, LANES), jnp.float32),
        scratch_types=(
            pltpu.VMEM((5 * N,), jnp.float32),
            pltpu.VMEM((LANES,), jnp.float32),
            pltpu.VMEM((LANES,), jnp.float32),
            pltpu.VMEM((LANES,), jnp.int32),
            pltpu.VMEM((WPB * LANES,), jnp.float32),
            pltpu.VMEM((WPB * LANES,), jnp.int32),
            pltpu.VMEM((LANES,), jnp.float32),
            pltpu.VMEM_SHARED((NW * LANES,), jnp.float32),
            pltpu.VMEM_SHARED((NW * LANES,), jnp.int32),
        ),
        compiler_params=pltpu.CompilerParams(needs_layout_passes=False),
    )
    def _sc_loss(preds_hbm, targets_hbm, part_out,
                 pred_v, tgt_v, valrow_v, idxrow_v, lval_v, lidx_v, part_v,
                 shval, shidx):
        wid = lax.axis_index("c") * 16 + lax.axis_index("s")
        b = wid // WPB
        jg = wid % WPB
        j0 = jg * PAIRS_PER_W

        for k in range(5):
            pltpu.sync_copy(preds_hbm.at[pl.ds((k * B + b) * N, N)],
                            pred_v.at[pl.ds(k * N, N)])
        pltpu.sync_copy(targets_hbm.at[b, pl.ds(j0 * 4, LANES)], tgt_v)

        iota = lax.iota(jnp.int32, LANES)
        lane_lt4 = iota < PAIRS_PER_W

        tvec = tgt_v[...]
        gx1 = [tvec[g * 4 + 0] for g in range(PAIRS_PER_W)]
        gy1 = [tvec[g * 4 + 1] for g in range(PAIRS_PER_W)]
        gx2 = [tvec[g * 4 + 2] for g in range(PAIRS_PER_W)]
        gy2 = [tvec[g * 4 + 3] for g in range(PAIRS_PER_W)]
        garea = [(gx2[g] - gx1[g]) * (gy2[g] - gy1[g]) for g in range(PAIRS_PER_W)]

        UN = 2

        def chunk_body(c, carry):
            bvs, bis = list(carry[0]), list(carry[1])
            for u in range(UN):
                off = c * (LANES * UN) + u * LANES
                rows_i = off + iota
                cx = pred_v[pl.ds(off, LANES)]
                cy = pred_v[pl.ds(N + off, LANES)]
                w = jnp.maximum(pred_v[pl.ds(2 * N + off, LANES)], 0.0001)
                h = jnp.maximum(pred_v[pl.ds(3 * N + off, LANES)], 0.0001)
                x1 = cx - w / 2
                y1 = cy - h / 2
                x2 = cx + w / 2
                y2 = cy + h / 2
                area1 = (x2 - x1) * (y2 - y1)
                for g in range(PAIRS_PER_W):
                    iw = jnp.maximum(jnp.minimum(x2, gx2[g]) - jnp.maximum(x1, gx1[g]), 0.0)
                    ih = jnp.maximum(jnp.minimum(y2, gy2[g]) - jnp.maximum(y1, gy1[g]), 0.0)
                    inter = iw * ih
                    iou = inter / (area1 + garea[g] - inter)
                    upd = iou > bvs[g]
                    bvs[g] = jnp.where(upd, iou, bvs[g])
                    bis[g] = jnp.where(upd, rows_i, bis[g])
            return tuple(bvs), tuple(bis)

        init = (
            tuple(jnp.full((LANES,), -jnp.inf, jnp.float32) for _ in range(PAIRS_PER_W)),
            tuple(jnp.zeros((LANES,), jnp.int32) for _ in range(PAIRS_PER_W)),
        )
        bvs, bis = plsc.parallel_loop(0, CHUNKS // UN, 1, carry=init)(chunk_body)

        valrow = jnp.zeros((LANES,), jnp.float32)
        idxrow = jnp.zeros((LANES,), jnp.int32)
        for g in range(PAIRS_PER_W):
            m = jnp.max(bvs[g])
            mi = jnp.min(jnp.where(bvs[g] == m, bis[g], BIG_I32))
            valrow = jnp.where(iota == g, m, valrow)
            idxrow = jnp.where(iota == g, mi, idxrow)

        valrow_v[...] = valrow
        idxrow_v[...] = idxrow
        pltpu.sync_copy(valrow_v, shval.at[pl.ds(wid * LANES, LANES)])
        pltpu.sync_copy(idxrow_v, shidx.at[pl.ds(wid * LANES, LANES)])
        plsc.subcore_barrier()
        pltpu.sync_copy(shval.at[pl.ds(b * (WPB * LANES), WPB * LANES)], lval_v)
        pltpu.sync_copy(shidx.at[pl.ds(b * (WPB * LANES), WPB * LANES)], lidx_v)

        vrows = [lval_v[pl.ds(r * LANES, LANES)] for r in range(WPB)]
        irows = [lidx_v[pl.ds(r * LANES, LANES)] for r in range(WPB)]
        qrows = [vrows[r] > IOU_THR for r in range(WPB)]

        ni = jnp.int32(0)
        maskv = jnp.zeros((LANES,), jnp.int32)
        for j in range(M):
            r0, g0 = j // PAIRS_PER_W, j % PAIRS_PER_W
            idx_j = irows[r0][g0]
            qual_j = jnp.max(jnp.where((iota == g0) & qrows[r0], 1, 0))
            blk = jnp.zeros((LANES,), jnp.int32)
            for r in range(r0 + 1):
                lane_ok = lane_lt4 if r < r0 else (iota < g0)
                eq = (irows[r] == idx_j) & qrows[r] & lane_ok
                blk = jnp.maximum(blk, jnp.where(eq, 1, 0))
            blocked_j = jnp.max(blk)
            mask_j = qual_j * (1 - blocked_j)
            ni = ni + mask_j
            mine = r0 == jg
            maskv = jnp.where((iota == g0) & mine, mask_j, maskv)
        maskf = maskv.astype(jnp.float32)

        idxv = idxrow
        mcx = plsc.load_gather(pred_v, [idxv])
        mcy = plsc.load_gather(pred_v, [N + idxv])
        mw = plsc.load_gather(pred_v, [2 * N + idxv])
        mh = plsc.load_gather(pred_v, [3 * N + idxv])
        mconf = plsc.load_gather(pred_v, [4 * N + idxv])

        gl = jnp.minimum(iota, PAIRS_PER_W - 1) * 4
        x1g = plsc.load_gather(tgt_v, [gl])
        y1g = plsc.load_gather(tgt_v, [gl + 1])
        x2g = plsc.load_gather(tgt_v, [gl + 2])
        y2g = plsc.load_gather(tgt_v, [gl + 3])

        w = jnp.maximum(mw, 0.0001)
        h = jnp.maximum(mh, 0.0001)
        x1 = mcx - w / 2
        y1 = mcy - h / 2
        x2 = mcx + w / 2
        y2 = mcy + h / 2
        eps = 1e-07
        intsct = (jnp.maximum(jnp.minimum(x2, x2g) - jnp.maximum(x1, x1g), 0.0)
                  * jnp.maximum(jnp.minimum(y2, y2g) - jnp.maximum(y1, y1g), 0.0))
        union = (x2 - x1) * (y2 - y1) + (x2g - x1g) * (y2g - y1g) - intsct + eps
        iou = intsct / union
        dgx = jnp.maximum(x2, x2g) - jnp.minimum(x1, x1g)
        dgy = jnp.maximum(y2, y2g) - jnp.minimum(y1, y1g)
        diag = dgx * dgx + dgy * dgy + eps
        dcx = ((x1g + x2g) - (x1 + x2)) / 2
        dcy = ((y1g + y2g) - (y1 + y2)) / 2
        dist = dcx * dcx + dcy * dcy
        diou = 1.0 - iou + dist / diag
        datan = (_atan((x2g - x1g) / (y2g - y1g))
                 - _atan((x2 - x1) / (y2 - y1)))
        v = jnp.float32(4.0 / (jnp.pi ** 2)) * datan * datan
        alpha = v / (1.0 - iou + v + eps)
        ciou = diou + alpha * v

        nf = jnp.broadcast_to(ni, (LANES,)).astype(jnp.float32)
        box_pre = jnp.where(lane_lt4, ciou * maskf, 0.0)
        box_part = jnp.where(nf > 0.0,
                             box_pre / (jnp.maximum(nf, 1.0) * jnp.float32(B)),
                             0.0)

        l0m, l1m = _focal01(mconf)
        corr_part = maskf * (l1m - l0m) * jnp.float32(1.0 / (N * B))

        w0 = jg * CONF_SLICE

        def conf_body(c, acc):
            x = pred_v[pl.ds(4 * N + w0 + c * LANES, LANES)]
            l0, _ = _focal01(x)
            in_rng = (c * LANES + iota) < CONF_SLICE
            return acc + jnp.where(in_rng, l0, 0.0)

        facc = plsc.parallel_loop(
            0, CONF_CHUNKS, 1, unroll=2,
            carry=jnp.zeros((LANES,), jnp.float32))(conf_body)
        focal_part = facc * jnp.float32(1.0 / (N * B))

        part_v[...] = focal_part + corr_part + box_part
        pltpu.sync_copy(part_v, part_out.at[wid])

    return _sc_loss


def kernel(preds, targets):
    preds_t = jnp.transpose(preds, (2, 0, 1))
    parts = _get_sc_loss()(preds_t.reshape(5 * B * N), targets.reshape(B, M * 4))
    return jnp.sum(parts)

# --- scband reference (transcript-rebuilt; emitter-appended) ---
"""Pipeline reference for scband-detection-loss-45071386804524 (READ-ONLY COPY).

The authoritative reference and input builder live on the scoring server;
editing this copy changes nothing except your own understanding.
"""

import jax, jax.numpy as jnp
import numpy as np


def box_cxcywh_to_xyxy(boxes):
    x_c = boxes[:, 0]
    y_c = boxes[:, 1]
    w = jnp.maximum(boxes[:, 2], 0.0001)
    h = jnp.maximum(boxes[:, 3], 0.0001)
    x1 = x_c - w / 2
    y1 = y_c - h / 2
    x2 = x_c + w / 2
    y2 = y_c + h / 2
    return jnp.stack([x1, y1, x2, y2], axis=1)


def box_iou(boxes1, boxes2):
    area1 = (boxes1[:, 2] - boxes1[:, 0]) * (boxes1[:, 3] - boxes1[:, 1])
    area2 = (boxes2[:, 2] - boxes2[:, 0]) * (boxes2[:, 3] - boxes2[:, 1])
    lt = jnp.maximum(boxes1[:, None, :2], boxes2[None, :, :2])
    rb = jnp.minimum(boxes1[:, None, 2:], boxes2[None, :, 2:])
    wh = jnp.maximum(rb - lt, 0.0)
    inter = wh[..., 0] * wh[..., 1]
    union = area1[:, None] + area2[None, :] - inter
    return inter / union


def bce_with_logits(x, t):
    return jnp.maximum(x, 0.0) - x * t + jnp.log1p(jnp.exp(-jnp.abs(x)))


def focal_loss(logits, targets, alpha=0.25, gamma=2.0):
    prob = jax.nn.sigmoid(logits)
    ce = bce_with_logits(logits, targets)
    p_t = prob * targets + (1 - prob) * (1 - targets)
    alpha_t = alpha * targets + (1 - alpha) * (1 - targets)
    p_t = jnp.clip(p_t, 1e-06, 1 - 1e-06)
    return jnp.mean(alpha_t * (1 - p_t) ** gamma * ce)


def complete_box_iou_loss(boxes1, boxes2, eps=1e-07):
    x1, y1, x2, y2 = boxes1[:, 0], boxes1[:, 1], boxes1[:, 2], boxes1[:, 3]
    x1g, y1g, x2g, y2g = boxes2[:, 0], boxes2[:, 1], boxes2[:, 2], boxes2[:, 3]
    xkis1 = jnp.maximum(x1, x1g)
    ykis1 = jnp.maximum(y1, y1g)
    xkis2 = jnp.minimum(x2, x2g)
    ykis2 = jnp.minimum(y2, y2g)
    intsct = jnp.maximum(xkis2 - xkis1, 0.0) * jnp.maximum(ykis2 - ykis1, 0.0)
    union = (x2 - x1) * (y2 - y1) + (x2g - x1g) * (y2g - y1g) - intsct + eps
    iou = intsct / union
    xc1 = jnp.minimum(x1, x1g)
    yc1 = jnp.minimum(y1, y1g)
    xc2 = jnp.maximum(x2, x2g)
    yc2 = jnp.maximum(y2, y2g)
    diag = (xc2 - xc1) ** 2 + (yc2 - yc1) ** 2 + eps
    cx = (x1 + x2) / 2
    cy = (y1 + y2) / 2
    cxg = (x1g + x2g) / 2
    cyg = (y1g + y2g) / 2
    dist = (cxg - cx) ** 2 + (cyg - cy) ** 2
    diou_loss = 1.0 - iou + dist / diag
    w = x2 - x1
    h = y2 - y1
    wg = x2g - x1g
    hg = y2g - y1g
    v = (4.0 / (jnp.pi ** 2)) * (jnp.arctan(wg / hg) - jnp.arctan(w / h)) ** 2
    alpha = jax.lax.stop_gradient(v / (1.0 - iou + v + eps))
    return diou_loss + alpha * v


def _forward(preds, targets, lambda_box=1.0, lambda_obj=1.0, iou_threshold=0.2):
    B = preds.shape[0]
    total_loss = jnp.asarray(0.0, dtype=jnp.float32)
    for b in range(B):
        pred = preds[b]
        target = targets[b]
        pred_boxes = box_cxcywh_to_xyxy(pred[:, :4])
        pred_conf = pred[:, 4]
        conf_target = jnp.zeros_like(pred_conf)
        match_idx = []
        match_mask = []
        M = target.shape[0]
        for j in range(M):
            gt_box = target[j, :4]
            ious = box_iou(pred_boxes, gt_box[None, :])[:, 0]
            best = jnp.argmax(ious)
            cond = (ious[best] > iou_threshold) & (conf_target[best] < 0.01)
            conf_target = conf_target.at[best].set(jnp.where(cond, 1.0, conf_target[best]))
            match_idx.append(best)
            match_mask.append(cond)
        conf_loss = focal_loss(pred_conf, conf_target)
        idx = jnp.stack(match_idx)
        mask = jnp.stack(match_mask).astype(jnp.float32)
        matched_pred = pred_boxes[idx]
        ciou = complete_box_iou_loss(matched_pred, target[:, :4])
        n_match = jnp.sum(mask)
        box_loss = jnp.sum(ciou * mask) / jnp.maximum(n_match, 1.0)
        has_match = n_match > 0
        total_loss = total_loss + lambda_obj * conf_loss + jnp.where(has_match, lambda_box * box_loss, 0.0)
    return total_loss / B


def setup_inputs(seed: int = 0) -> dict:
    key = jax.random.key(seed)
    k1, k2 = jax.random.split(key)
    preds = jax.random.normal(k1, (4, 20000, 5), dtype=jnp.float32)
    targets = jax.random.uniform(k2, (4, 32, 4), dtype=jnp.float32)
    return {"preds": preds, "targets": targets}


def reference(preds, targets):
    return _forward(preds, targets)

if __name__ == "__main__":
    import jax
    _d = setup_inputs()
    print(jax.jit(kernel)(*tuple(_d.values())))

</pallas_src>

<mosaic_0001>
#map = affine_map<(d0, d1) -> (0)>
#map1 = affine_map<(d0, d1) -> (0, 0)>
module attributes {stable_mosaic.version = 14 : i64} {
  func.func @_sc_loss(%arg0: i32, %arg1: i32, %arg2: memref<400000xf32, #tpu.memory_space<hbm>>, %arg3: memref<4x128xf32, #tpu.memory_space<hbm>>, %arg4: memref<32x16xf32, #tpu.memory_space<hbm>>, %arg5: memref<100000xf32, #tpu.memory_space<vmem>>, %arg6: memref<16xf32, #tpu.memory_space<vmem>>, %arg7: memref<16xf32, #tpu.memory_space<vmem>>, %arg8: memref<16xi32, #tpu.memory_space<vmem>>, %arg9: memref<128xf32, #tpu.memory_space<vmem>>, %arg10: memref<128xi32, #tpu.memory_space<vmem>>, %arg11: memref<16xf32, #tpu.memory_space<vmem>>, %arg12: memref<512xf32, #tpu.memory_space<vmem_shared>>, %arg13: memref<512xi32, #tpu.memory_space<vmem_shared>>) attributes {dimension_semantics = [#tpu.dimension_semantics<core_parallel>, #tpu.dimension_semantics<subcore_parallel>], iteration_bounds = array<i64: 2, 16>, scalar_prefetch = 0 : i64, scratch_operands = 9 : i64, tpu.core_type = #tpu.core_type<sc_vector_subcore>, window_params = [{transform_indices = #map}, {transform_indices = #map1}, {transform_indices = #map1}]} {
    %mul3A = arith.constant 16 : i32
    %mul3A_0 = arith.muli %arg0, %mul3A : i32
    %add3A = arith.addi %mul3A_0, %arg1 : i32
    %jit3A = arith.constant 8 : i32
    %div3A = arith.divsi %add3A, %jit3A : i32
    %sign3A = arith.constant 0 : i32
    %sign3A_1 = arith.cmpi sgt, %add3A, %sign3A : i32
    %sign3A_2 = arith.extui %sign3A_1 : i1 to i32
    %sign3A_3 = arith.constant 0 : i32
    %sign3A_4 = arith.cmpi slt, %add3A, %sign3A_3 : i32
    %sign3A_5 = arith.extui %sign3A_4 : i1 to i32
    %sign3A_6 = arith.subi %sign3A_2, %sign3A_5 : i32
    %sign3A_7 = arith.constant 0 : i32
    %sign3A_8 = arith.cmpi sgt, %jit3A, %sign3A_7 : i32
    %sign3A_9 = arith.extui %sign3A_8 : i1 to i32
    %sign3A_10 = arith.constant 0 : i32
    %sign3A_11 = arith.cmpi slt, %jit3A, %sign3A_10 : i32
    %sign3A_12 = arith.extui %sign3A_11 : i1 to i32
    %sign3A_13 = arith.subi %sign3A_9, %sign3A_12 : i32
    %ne3A = arith.cmpi ne, %sign3A_6, %sign3A_13 : i32
    %rem3A = arith.remsi %add3A, %jit3A : i32
    %ne3A_14 = arith.constant 0 : i32
    %ne3A_15 = arith.cmpi ne, %rem3A, %ne3A_14 : i32
    %and3A = arith.andi %ne3A, %ne3A_15 : i1
    %sub3A = arith.constant 1 : i32
    %sub3A_16 = arith.subi %div3A, %sub3A : i32
    %select_n3A = arith.select %and3A, %sub3A_16, %div3A : i32
    %jit3A_17 = arith.constant 8 : i32
    %eq3A = arith.constant 0 : i32
    %eq3A_18 = arith.cmpi eq, %jit3A_17, %eq3A : i32
    %jit3A_19 = arith.constant 1 : i32
    %select_n3A_20 = arith.select %eq3A_18, %jit3A_19, %jit3A_17 : i32
    %rem3A_21 = arith.remsi %add3A, %select_n3A_20 : i32
    %ne3A_22 = arith.constant 0 : i32
    %ne3A_23 = arith.cmpi ne, %rem3A_21, %ne3A_22 : i32
    %lt3A = arith.constant 0 : i32
    %lt3A_24 = arith.cmpi slt, %rem3A_21, %lt3A : i32
    %lt3A_25 = arith.constant 0 : i32
    %lt3A_26 = arith.cmpi slt, %select_n3A_20, %lt3A_25 : i32
    %ne3A_27 = arith.xori %lt3A_24, %lt3A_26 : i1
    %and3A_28 = arith.andi %ne3A_27, %ne3A_23 : i1
    %add3A_29 = arith.addi %rem3A_21, %select_n3A_20 : i32
    %select_n3A_30 = arith.select %and3A_28, %add3A_29, %rem3A_21 : i32
    %mul3A_31 = arith.constant 4 : i32
    %mul3A_32 = arith.muli %select_n3A_30, %mul3A_31 : i32
    %add3A_33 = arith.constant 0 : i32
    %add3A_34 = arith.addi %add3A_33, %select_n3A : i32
    %mul3A_35 = arith.constant 20000 : i32
    %mul3A_36 = arith.muli %add3A_34, %mul3A_35 : i32
    "tpu.region"() ({
      %run_scoped3A = tpu.sem_alloc : memref<!tpu.dma_semaphore, #tpu.memory_space<semaphore_mem>>
      %dma_start3A = arith.constant 0 : i32
      %dma_start3A_3562 = tpu.memref_slice %arg5[%dma_start3A] : memref<100000xf32, #tpu.memory_space<vmem>> -> memref<20000xf32, #tpu.memory_space<vmem>>
      %dma_start3A_3563 = tpu.memref_slice %arg2[%mul3A_36] : memref<400000xf32, #tpu.memory_space<hbm>> -> memref<20000xf32, #tpu.memory_space<hbm>>
      %dma_start3A_3564 = arith.constant 0 : i32
      %dma_start3A_3565 = tpu.memref_slice %arg5[%dma_start3A_3564] : memref<100000xf32, #tpu.memory_space<vmem>> -> memref<20000xf32, #tpu.memory_space<vmem>>
      %dma_start3A_3566 = tpu.memref_slice %arg2[%mul3A_36] : memref<400000xf32, #tpu.memory_space<hbm>> -> memref<20000xf32, #tpu.memory_space<hbm>>
      tpu.enqueue_dma source(%dma_start3A_3566 : memref<20000xf32, #tpu.memory_space<hbm>>) target(%dma_start3A_3565 : memref<20000xf32, #tpu.memory_space<vmem>>) target_semaphore(%run_scoped3A : memref<!tpu.dma_semaphore, #tpu.memory_space<semaphore_mem>>)
      %dma_wait3A = arith.constant 0 : i32
      %dma_wait3A_3567 = tpu.memref_slice %arg5[%dma_wait3A] : memref<100000xf32, #tpu.memory_space<vmem>> -> memref<20000xf32, #tpu.memory_space<vmem>>
      %dma_wait3A_3568 = tpu.memref_slice %arg2[%mul3A_36] : memref<400000xf32, #tpu.memory_space<hbm>> -> memref<20000xf32, #tpu.memory_space<hbm>>
      %dma_wait3A_3569 = arith.constant 0 : i32
      %dma_wait3A_3570 = tpu.memref_slice %arg5[%dma_wait3A_3569] : memref<100000xf32, #tpu.memory_space<vmem>> -> memref<20000xf32, #tpu.memory_space<vmem>>
      %dma_wait3A_3571 = tpu.memref_slice %arg2[%mul3A_36] : memref<400000xf32, #tpu.memory_space<hbm>> -> memref<20000xf32, #tpu.memory_space<hbm>>
      tpu.wait_dma2 semaphore(%run_scoped3A : memref<!tpu.dma_semaphore, #tpu.memory_space<semaphore_mem>>) src(%dma_wait3A_3571 : memref<20000xf32, #tpu.memory_space<hbm>>) dst(%dma_wait3A_3570 : memref<20000xf32, #tpu.memory_space<vmem>>)
      tpu.yield
    }) : () -> ()
    %add3A_37 = arith.constant 4 : i32
    %add3A_38 = arith.addi %add3A_37, %select_n3A : i32
    %mul3A_39 = arith.constant 20000 : i32
    %mul3A_40 = arith.muli %add3A_38, %mul3A_39 : i32
    "tpu.region"() ({
      %run_scoped3A = tpu.sem_alloc : memref<!tpu.dma_semaphore, #tpu.memory_space<semaphore_mem>>
      %dma_start3A = arith.constant 20000 : i32
      %dma_start3A_3562 = tpu.memref_slice %arg5[%dma_start3A] : memref<100000xf32, #tpu.memory_space<vmem>> -> memref<20000xf32, #tpu.memory_space<vmem>>
      %dma_start3A_3563 = tpu.memref_slice %arg2[%mul3A_40] : memref<400000xf32, #tpu.memory_space<hbm>> -> memref<20000xf32, #tpu.memory_space<hbm>>
      %dma_start3A_3564 = arith.constant 20000 : i32
      %dma_start3A_3565 = tpu.memref_slice %arg5[%dma_start3A_3564] : memref<100000xf32, #tpu.memory_space<vmem>> -> memref<20000xf32, #tpu.memory_space<vmem>>
      %dma_start3A_3566 = tpu.memref_slice %arg2[%mul3A_40] : memref<400000xf32, #tpu.memory_space<hbm>> -> memref<20000xf32, #tpu.memory_space<hbm>>
      tpu.enqueue_dma source(%dma_start3A_3566 : memref<20000xf32, #tpu.memory_space<hbm>>) target(%dma_start3A_3565 : memref<20000xf32, #tpu.memory_space<vmem>>) target_semaphore(%run_scoped3A : memref<!tpu.dma_semaphore, #tpu.memory_space<semaphore_mem>>)
      %dma_wait3A = arith.constant 20000 : i32
      %dma_wait3A_3567 = tpu.memref_slice %arg5[%dma_wait3A] : memref<100000xf32, #tpu.memory_space<vmem>> -> memref<20000xf32, #tpu.memory_space<vmem>>
      %dma_wait3A_3568 = tpu.memref_slice %arg2[%mul3A_40] : memref<400000xf32, #tpu.memory_space<hbm>> -> memref<20000xf32, #tpu.memory_space<hbm>>
      %dma_wait3A_3569 = arith.constant 20000 : i32
      %dma_wait3A_3570 = tpu.memref_slice %arg5[%dma_wait3A_3569] : memref<100000xf32, #tpu.memory_space<vmem>> -> memref<20000xf32, #tpu.memory_space<vmem>>
      %dma_wait3A_3571 = tpu.memref_slice %arg2[%mul3A_40] : memref<400000xf32, #tpu.memory_space<hbm>> -> memref<20000xf32, #tpu.memory_space<hbm>>
      tpu.wait_dma2 semaphore(%run_scoped3A : memref<!tpu.dma_semaphore, #tpu.memory_space<semaphore_mem>>) src(%dma_wait3A_3571 : memref<20000xf32, #tpu.memory_space<hbm>>) dst(%dma_wait3A_3570 : memref<20000xf32, #tpu.memory_space<vmem>>)
      tpu.yield
    }) : () -> ()
    %add3A_41 = arith.constant 8 : i32
    %add3A_42 = arith.addi %add3A_41, %select_n3A : i32
    %mul3A_43 = arith.constant 20000 : i32
    %mul3A_44 = arith.muli %add3A_42, %mul3A_43 : i32
    "tpu.region"() ({
      %run_scoped3A = tpu.sem_alloc : memref<!tpu.dma_semaphore, #tpu.memory_space<semaphore_mem>>
      %dma_start3A = arith.constant 40000 : i32
      %dma_start3A_3562 = tpu.memref_slice %arg5[%dma_start3A] : memref<100000xf32, #tpu.memory_space<vmem>> -> memref<20000xf32, #tpu.memory_space<vmem>>
      %dma_start3A_3563 = tpu.memref_slice %arg2[%mul3A_44] : memref<400000xf32, #tpu.memory_space<hbm>> -> memref<20000xf32, #tpu.memory_space<hbm>>
      %dma_start3A_3564 = arith.constant 40000 : i32
      %dma_start3A_3565 = tpu.memref_slice %arg5[%dma_start3A_3564] : memref<100000xf32, #tpu.memory_space<vmem>> -> memref<20000xf32, #tpu.memory_space<vmem>>
      %dma_start3A_3566 = tpu.memref_slice %arg2[%mul3A_44] : memref<400000xf32, #tpu.memory_space<hbm>> -> memref<20000xf32, #tpu.memory_space<hbm>>
      tpu.enqueue_dma source(%dma_start3A_3566 : memref<20000xf32, #tpu.memory_space<hbm>>) target(%dma_start3A_3565 : memref<20000xf32, #tpu.memory_space<vmem>>) target_semaphore(%run_scoped3A : memref<!tpu.dma_semaphore, #tpu.memory_space<semaphore_mem>>)
      %dma_wait3A = arith.constant 40000 : i32
      %dma_wait3A_3567 = tpu.memref_slice %arg5[%dma_wait3A] : memref<100000xf32, #tpu.memory_space<vmem>> -> memref<20000xf32, #tpu.memory_space<vmem>>
      %dma_wait3A_3568 = tpu.memref_slice %arg2[%mul3A_44] : memref<400000xf32, #tpu.memory_space<hbm>> -> memref<20000xf32, #tpu.memory_space<hbm>>
      %dma_wait3A_3569 = arith.constant 40000 : i32
      %dma_wait3A_3570 = tpu.memref_slice %arg5[%dma_wait3A_3569] : memref<100000xf32, #tpu.memory_space<vmem>> -> memref<20000xf32, #tpu.memory_space<vmem>>
      %dma_wait3A_3571 = tpu.memref_slice %arg2[%mul3A_44] : memref<400000xf32, #tpu.memory_space<hbm>> -> memref<20000xf32, #tpu.memory_space<hbm>>
      tpu.wait_dma2 semaphore(%run_scoped3A : memref<!tpu.dma_semaphore, #tpu.memory_space<semaphore_mem>>) src(%dma_wait3A_3571 : memref<20000xf32, #tpu.memory_space<hbm>>) dst(%dma_wait3A_3570 : memref<20000xf32, #tpu.memory_space<vmem>>)
      tpu.yield
    }) : () -> ()
    %add3A_45 = arith.constant 12 : i32
    %add3A_46 = arith.addi %add3A_45, %select_n3A : i32
    %mul3A_47 = arith.constant 20000 : i32
    %mul3A_48 = arith.muli %add3A_46, %mul3A_47 : i32
    "tpu.region"() ({
      %run_scoped3A = tpu.sem_alloc : memref<!tpu.dma_semaphore, #tpu.memory_space<semaphore_mem>>
      %dma_start3A = arith.constant 60000 : i32
      %dma_start3A_3562 = tpu.memref_slice %arg5[%dma_start3A] : memref<100000xf32, #tpu.memory_space<vmem>> -> memref<20000xf32, #tpu.memory_space<vmem>>
      %dma_start3A_3563 = tpu.memref_slice %arg2[%mul3A_48] : memref<400000xf32, #tpu.memory_space<hbm>> -> memref<20000xf32, #tpu.memory_space<hbm>>
      %dma_start3A_3564 = arith.constant 60000 : i32
      %dma_start3A_3565 = tpu.memref_slice %arg5[%dma_start3A_3564] : memref<100000xf32, #tpu.memory_space<vmem>> -> memref<20000xf32, #tpu.memory_space<vmem>>
      %dma_start3A_3566 = tpu.memref_slice %arg2[%mul3A_48] : memref<400000xf32, #tpu.memory_space<hbm>> -> memref<20000xf32, #tpu.memory_space<hbm>>
      tpu.enqueue_dma source(%dma_start3A_3566 : memref<20000xf32, #tpu.memory_space<hbm>>) target(%dma_start3A_3565 : memref<20000xf32, #tpu.memory_space<vmem>>) target_semaphore(%run_scoped3A : memref<!tpu.dma_semaphore, #tpu.memory_space<semaphore_mem>>)
      %dma_wait3A = arith.constant 60000 : i32
      %dma_wait3A_3567 = tpu.memref_slice %arg5[%dma_wait3A] : memref<100000xf32, #tpu.memory_space<vmem>> -> memref<20000xf32, #tpu.memory_space<vmem>>
      %dma_wait3A_3568 = tpu.memref_slice %arg2[%mul3A_48] : memref<400000xf32, #tpu.memory_space<hbm>> -> memref<20000xf32, #tpu.memory_space<hbm>>
      %dma_wait3A_3569 = arith.constant 60000 : i32
      %dma_wait3A_3570 = tpu.memref_slice %arg5[%dma_wait3A_3569] : memref<100000xf32, #tpu.memory_space<vmem>> -> memref<20000xf32, #tpu.memory_space<vmem>>
      %dma_wait3A_3571 = tpu.memref_slice %arg2[%mul3A_48] : memref<400000xf32, #tpu.memory_space<hbm>> -> memref<20000xf32, #tpu.memory_space<hbm>>
      tpu.wait_dma2 semaphore(%run_scoped3A : memref<!tpu.dma_semaphore, #tpu.memory_space<semaphore_mem>>) src(%dma_wait3A_3571 : memref<20000xf32, #tpu.memory_space<hbm>>) dst(%dma_wait3A_3570 : memref<20000xf32, #tpu.memory_space<vmem>>)
      tpu.yield
    }) : () -> ()
    %add3A_49 = arith.constant 16 : i32
    %add3A_50 = arith.addi %add3A_49, %select_n3A : i32
    %mul3A_51 = arith.constant 20000 : i32
    %mul3A_52 = arith.muli %add3A_50, %mul3A_51 : i32
    "tpu.region"() ({
      %run_scoped3A = tpu.sem_alloc : memref<!tpu.dma_semaphore, #tpu.memory_space<semaphore_mem>>
      %dma_start3A = arith.constant 80000 : i32
      %dma_start3A_3562 = tpu.memref_slice %arg5[%dma_start3A] : memref<100000xf32, #tpu.memory_space<vmem>> -> memref<20000xf32, #tpu.memory_space<vmem>>
      %dma_start3A_3563 = tpu.memref_slice %arg2[%mul3A_52] : memref<400000xf32, #tpu.memory_space<hbm>> -> memref<20000xf32, #tpu.memory_space<hbm>>
      %dma_start3A_3564 = arith.constant 80000 : i32
      %dma_start3A_3565 = tpu.memref_slice %arg5[%dma_start3A_3564] : memref<100000xf32, #tpu.memory_space<vmem>> -> memref<20000xf32, #tpu.memory_space<vmem>>
      %dma_start3A_3566 = tpu.memref_slice %arg2[%mul3A_52] : memref<400000xf32, #tpu.memory_space<hbm>> -> memref<20000xf32, #tpu.memory_space<hbm>>
      tpu.enqueue_dma source(%dma_start3A_3566 : memref<20000xf32, #tpu.memory_space<hbm>>) target(%dma_start3A_3565 : memref<20000xf32, #tpu.memory_space<vmem>>) target_semaphore(%run_scoped3A : memref<!tpu.dma_semaphore, #tpu.memory_space<semaphore_mem>>)
      %dma_wait3A = arith.constant 80000 : i32
      %dma_wait3A_3567 = tpu.memref_slice %arg5[%dma_wait3A] : memref<100000xf32, #tpu.memory_space<vmem>> -> memref<20000xf32, #tpu.memory_space<vmem>>
      %dma_wait3A_3568 = tpu.memref_slice %arg2[%mul3A_52] : memref<400000xf32, #tpu.memory_space<hbm>> -> memref<20000xf32, #tpu.memory_space<hbm>>
      %dma_wait3A_3569 = arith.constant 80000 : i32
      %dma_wait3A_3570 = tpu.memref_slice %arg5[%dma_wait3A_3569] : memref<100000xf32, #tpu.memory_space<vmem>> -> memref<20000xf32, #tpu.memory_space<vmem>>
      %dma_wait3A_3571 = tpu.memref_slice %arg2[%mul3A_52] : memref<400000xf32, #tpu.memory_space<hbm>> -> memref<20000xf32, #tpu.memory_space<hbm>>
      tpu.wait_dma2 semaphore(%run_scoped3A : memref<!tpu.dma_semaphore, #tpu.memory_space<semaphore_mem>>) src(%dma_wait3A_3571 : memref<20000xf32, #tpu.memory_space<hbm>>) dst(%dma_wait3A_3570 : memref<20000xf32, #tpu.memory_space<vmem>>)
      tpu.yield
    }) : () -> ()
    %mul3A_53 = arith.constant 4 : i32
    %mul3A_54 = arith.muli %mul3A_32, %mul3A_53 : i32
    "tpu.region"() ({
      %run_scoped3A = tpu.sem_alloc : memref<!tpu.dma_semaphore, #tpu.memory_space<semaphore_mem>>
      %dma_start3A = tpu.memref_slice %arg3[%select_n3A, %mul3A_54] : memref<4x128xf32, #tpu.memory_space<hbm>> -> memref<1x16xf32, #tpu.memory_space<hbm>>
      %dma_start3A_3562 = tpu.memref_squeeze %dma_start3A : memref<1x16xf32, #tpu.memory_space<hbm>> -> memref<16xf32, #tpu.memory_space<hbm>>
      %dma_start3A_3563 = tpu.memref_slice %arg3[%select_n3A, %mul3A_54] : memref<4x128xf32, #tpu.memory_space<hbm>> -> memref<1x16xf32, #tpu.memory_space<hbm>>
      %dma_start3A_3564 = tpu.memref_squeeze %dma_start3A_3563 : memref<1x16xf32, #tpu.memory_space<hbm>> -> memref<16xf32, #tpu.memory_space<hbm>>
      tpu.enqueue_dma source(%dma_start3A_3564 : memref<16xf32, #tpu.memory_space<hbm>>) target(%arg6 : memref<16xf32, #tpu.memory_space<vmem>>) target_semaphore(%run_scoped3A : memref<!tpu.dma_semaphore, #tpu.memory_space<semaphore_mem>>)
      %dma_wait3A = tpu.memref_slice %arg3[%select_n3A, %mul3A_54] : memref<4x128xf32, #tpu.memory_space<hbm>> -> memref<1x16xf32, #tpu.memory_space<hbm>>
      %dma_wait3A_3565 = tpu.memref_squeeze %dma_wait3A : memref<1x16xf32, #tpu.memory_space<hbm>> -> memref<16xf32, #tpu.memory_space<hbm>>
      %dma_wait3A_3566 = tpu.memref_slice %arg3[%select_n3A, %mul3A_54] : memref<4x128xf32, #tpu.memory_space<hbm>> -> memref<1x16xf32, #tpu.memory_space<hbm>>
      %dma_wait3A_3567 = tpu.memref_squeeze %dma_wait3A_3566 : memref<1x16xf32, #tpu.memory_space<hbm>> -> memref<16xf32, #tpu.memory_space<hbm>>
      tpu.wait_dma2 semaphore(%run_scoped3A : memref<!tpu.dma_semaphore, #tpu.memory_space<semaphore_mem>>) src(%dma_wait3A_3567 : memref<16xf32, #tpu.memory_space<hbm>>) dst(%arg6 : memref<16xf32, #tpu.memory_space<vmem>>)
      tpu.yield
    }) : () -> ()
    %iota3A = tpu.iota {dimensions = array<i32: 0>} : vector<16xi32>
    %lt3A_55 = arith.constant 4 : i32
    %lt3A_56 = vector.broadcast %lt3A_55 : i32 to vector<16xi32>
    %lt3A_57 = arith.cmpi slt, %iota3A, %lt3A_56 : vector<16xi32>
    %get3A = arith.constant 0 : index
    %get3A_58 = tpu.vector_load %arg6[%get3A] {strides = array<i32>} : memref<16xf32, #tpu.memory_space<vmem>>, vector<16xf32>,
    %slice3A = vector.extract_strided_slice %get3A_58 {offsets = [0], sizes = [1], strides = [1]} : vector<16xf32> to vector<1xf32>
    %squeeze3A = vector.extract %slice3A[0] : f32 from vector<1xf32>
    %slice3A_59 = vector.extract_strided_slice %get3A_58 {offsets = [4], sizes = [1], strides = [1]} : vector<16xf32> to vector<1xf32>
    %squeeze3A_60 = vector.extract %slice3A_59[0] : f32 from vector<1xf32>
    %slice3A_61 = vector.extract_strided_slice %get3A_58 {offsets = [8], sizes = [1], strides = [1]} : vector<16xf32> to vector<1xf32>
    %squeeze3A_62 = vector.extract %slice3A_61[0] : f32 from vector<1xf32>
    %slice3A_63 = vector.extract_strided_slice %get3A_58 {offsets = [12], sizes = [1], strides = [1]} : vector<16xf32> to vector<1xf32>
    %squeeze3A_64 = vector.extract %slice3A_63[0] : f32 from vector<1xf32>
    %slice3A_65 = vector.extract_strided_slice %get3A_58 {offsets = [1], sizes = [1], strides = [1]} : vector<16xf32> to vector<1xf32>
    %squeeze3A_66 = vector.extract %slice3A_65[0] : f32 from vector<1xf32>
    %slice3A_67 = vector.extract_strided_slice %get3A_58 {offsets = [5], sizes = [1], strides = [1]} : vector<16xf32> to vector<1xf32>
    %squeeze3A_68 = vector.extract %slice3A_67[0] : f32 from vector<1xf32>
    %slice3A_69 = vector.extract_strided_slice %get3A_58 {offsets = [9], sizes = [1], strides = [1]} : vector<16xf32> to vector<1xf32>
    %squeeze3A_70 = vector.extract %slice3A_69[0] : f32 from vector<1xf32>
    %slice3A_71 = vector.extract_strided_slice %get3A_58 {offsets = [13], sizes = [1], strides = [1]} : vector<16xf32> to vector<1xf32>
    %squeeze3A_72 = vector.extract %slice3A_71[0] : f32 from vector<1xf32>
    %slice3A_73 = vector.extract_strided_slice %get3A_58 {offsets = [2], sizes = [1], strides = [1]} : vector<16xf32> to vector<1xf32>
    %squeeze3A_74 = vector.extract %slice3A_73[0] : f32 from vector<1xf32>
    %slice3A_75 = vector.extract_strided_slice %get3A_58 {offsets = [6], sizes = [1], strides = [1]} : vector<16xf32> to vector<1xf32>
    %squeeze3A_76 = vector.extract %slice3A_75[0] : f32 from vector<1xf32>
    %slice3A_77 = vector.extract_strided_slice %get3A_58 {offsets = [10], sizes = [1], strides = [1]} : vector<16xf32> to vector<1xf32>
    %squeeze3A_78 = vector.extract %slice3A_77[0] : f32 from vector<1xf32>
    %slice3A_79 = vector.extract_strided_slice %get3A_58 {offsets = [14], sizes = [1], strides = [1]} : vector<16xf32> to vector<1xf32>
    %squeeze3A_80 = vector.extract %slice3A_79[0] : f32 from vector<1xf32>
    %slice3A_81 = vector.extract_strided_slice %get3A_58 {offsets = [3], sizes = [1], strides = [1]} : vector<16xf32> to vector<1xf32>
    %squeeze3A_82 = vector.extract %slice3A_81[0] : f32 from vector<1xf32>
    %slice3A_83 = vector.extract_strided_slice %get3A_58 {offsets = [7], sizes = [1], strides = [1]} : vector<16xf32> to vector<1xf32>
    %squeeze3A_84 = vector.extract %slice3A_83[0] : f32 from vector<1xf32>
    %slice3A_85 = vector.extract_strided_slice %get3A_58 {offsets = [11], sizes = [1], strides = [1]} : vector<16xf32> to vector<1xf32>
    %squeeze3A_86 = vector.extract %slice3A_85[0] : f32 from vector<1xf32>
    %slice3A_87 = vector.extract_strided_slice %get3A_58 {offsets = [15], sizes = [1], strides = [1]} : vector<16xf32> to vector<1xf32>
    %squeeze3A_88 = vector.extract %slice3A_87[0] : f32 from vector<1xf32>
    %sub3A_89 = arith.subf %squeeze3A_74, %squeeze3A : f32
    %sub3A_90 = arith.subf %squeeze3A_82, %squeeze3A_66 : f32
    %mul3A_91 = arith.mulf %sub3A_89, %sub3A_90 : f32
    %sub3A_92 = arith.subf %squeeze3A_76, %squeeze3A_60 : f32
    %sub3A_93 = arith.subf %squeeze3A_84, %squeeze3A_68 : f32
    %mul3A_94 = arith.mulf %sub3A_92, %sub3A_93 : f32
    %sub3A_95 = arith.subf %squeeze3A_78, %squeeze3A_62 : f32
    %sub3A_96 = arith.subf %squeeze3A_86, %squeeze3A_70 : f32
    %mul3A_97 = arith.mulf %sub3A_95, %sub3A_96 : f32
    %sub3A_98 = arith.subf %squeeze3A_80, %squeeze3A_64 : f32
    %sub3A_99 = arith.subf %squeeze3A_88, %squeeze3A_72 : f32
    %mul3A_100 = arith.mulf %sub3A_98, %sub3A_99 : f32
    %broadcast_in_dim3A = arith.constant 0xFF800000 : f32
    %broadcast_in_dim3A_101 = vector.broadcast %broadcast_in_dim3A : f32 to vector<16xf32>
    %broadcast_in_dim3A_102 = arith.constant 0xFF800000 : f32
    %broadcast_in_dim3A_103 = vector.broadcast %broadcast_in_dim3A_102 : f32 to vector<16xf32>
    %broadcast_in_dim3A_104 = arith.constant 0xFF800000 : f32
    %broadcast_in_dim3A_105 = vector.broadcast %broadcast_in_dim3A_104 : f32 to vector<16xf32>
    %broadcast_in_dim3A_106 = arith.constant 0xFF800000 : f32
    %broadcast_in_dim3A_107 = vector.broadcast %broadcast_in_dim3A_106 : f32 to vector<16xf32>
    %broadcast_in_dim3A_108 = arith.constant 0 : i32
    %broadcast_in_dim3A_109 = vector.broadcast %broadcast_in_dim3A_108 : i32 to vector<16xi32>
    %broadcast_in_dim3A_110 = arith.constant 0 : i32
    %broadcast_in_dim3A_111 = vector.broadcast %broadcast_in_dim3A_110 : i32 to vector<16xi32>
    %broadcast_in_dim3A_112 = arith.constant 0 : i32
    %broadcast_in_dim3A_113 = vector.broadcast %broadcast_in_dim3A_112 : i32 to vector<16xi32>
    %broadcast_in_dim3A_114 = arith.constant 0 : i32
    %broadcast_in_dim3A_115 = vector.broadcast %broadcast_in_dim3A_114 : i32 to vector<16xi32>
    %parallel_loop3A = arith.constant 0 : i32
    %parallel_loop3A_116 = arith.constant 625 : i32
    %parallel_loop3A_117 = arith.constant 1 : i32
    %parallel_loop3A_118:8 = scf.for %parallel_loop3A_3562 = %parallel_loop3A to %parallel_loop3A_116 step %parallel_loop3A_117 iter_args(%parallel_loop3A_3563 = %broadcast_in_dim3A_101, %parallel_loop3A_3564 = %broadcast_in_dim3A_103, %parallel_loop3A_3565 = %broadcast_in_dim3A_105, %parallel_loop3A_3566 = %broadcast_in_dim3A_107, %parallel_loop3A_3567 = %broadcast_in_dim3A_109, %parallel_loop3A_3568 = %broadcast_in_dim3A_111, %parallel_loop3A_3569 = %broadcast_in_dim3A_113, %parallel_loop3A_3570 = %broadcast_in_dim3A_115) -> (vector<16xf32>, vector<16xf32>, vector<16xf32>, vector<16xf32>, vector<16xi32>, vector<16xi32>, vector<16xi32>, vector<16xi32>)  : i32 {
      %parallel_loop3A_3571 = arith.constant 32 : i32
      %parallel_loop3A_3572 = arith.muli %parallel_loop3A_3562, %parallel_loop3A_3571 : i32
      %parallel_loop3A_3573 = arith.constant 0 : i32
      %parallel_loop3A_3574 = arith.addi %parallel_loop3A_3572, %parallel_loop3A_3573 : i32
      %parallel_loop3A_3575 = vector.broadcast %parallel_loop3A_3574 : i32 to vector<16xi32>
      %parallel_loop3A_3576 = arith.addi %parallel_loop3A_3575, %iota3A : vector<16xi32>
      %parallel_loop3A_3577 = arith.index_cast %parallel_loop3A_3574 : i32 to index
      %parallel_loop3A_3578 = tpu.vector_load %arg5[%parallel_loop3A_3577] {strides = array<i32>} : memref<100000xf32, #tpu.memory_space<vmem>>, vector<16xf32>,
      %parallel_loop3A_3579 = arith.constant 20000 : i32
      %parallel_loop3A_3580 = arith.addi %parallel_loop3A_3579, %parallel_loop3A_3574 : i32
      %parallel_loop3A_3581 = arith.index_cast %parallel_loop3A_3580 : i32 to index
      %parallel_loop3A_3582 = tpu.vector_load %arg5[%parallel_loop3A_3581] {strides = array<i32>} : memref<100000xf32, #tpu.memory_space<vmem>>, vector<16xf32>,
      %parallel_loop3A_3583 = arith.constant 40000 : i32
      %parallel_loop3A_3584 = arith.addi %parallel_loop3A_3583, %parallel_loop3A_3574 : i32
      %parallel_loop3A_3585 = arith.index_cast %parallel_loop3A_3584 : i32 to index
      %parallel_loop3A_3586 = tpu.vector_load %arg5[%parallel_loop3A_3585] {strides = array<i32>} : memref<100000xf32, #tpu.memory_space<vmem>>, vector<16xf32>,
      %parallel_loop3A_3587 = arith.constant 9.99999974E-5 : f32
      %parallel_loop3A_3588 = vector.broadcast %parallel_loop3A_3587 : f32 to vector<16xf32>
      %parallel_loop3A_3589 = arith.maximumf %parallel_loop3A_3586, %parallel_loop3A_3588 : vector<16xf32>
      %parallel_loop3A_3590 = arith.constant 60000 : i32
      %parallel_loop3A_3591 = arith.addi %parallel_loop3A_3590, %parallel_loop3A_3574 : i32
      %parallel_loop3A_3592 = arith.index_cast %parallel_loop3A_3591 : i32 to index
      %parallel_loop3A_3593 = tpu.vector_load %arg5[%parallel_loop3A_3592] {strides = array<i32>} : memref<100000xf32, #tpu.memory_space<vmem>>, vector<16xf32>,
      %parallel_loop3A_3594 = arith.constant 9.99999974E-5 : f32
      %parallel_loop3A_3595 = vector.broadcast %parallel_loop3A_3594 : f32 to vector<16xf32>
      %parallel_loop3A_3596 = arith.maximumf %parallel_loop3A_3593, %parallel_loop3A_3595 : vector<16xf32>
      %parallel_loop3A_3597 = arith.constant 2.000000e+00 : f32
      %parallel_loop3A_3598 = vector.broadcast %parallel_loop3A_3597 : f32 to vector<16xf32>
      %parallel_loop3A_3599 = arith.divf %parallel_loop3A_3589, %parallel_loop3A_3598 : vector<16xf32>
      %parallel_loop3A_3600 = arith.subf %parallel_loop3A_3578, %parallel_loop3A_3599 : vector<16xf32>
      %parallel_loop3A_3601 = arith.constant 2.000000e+00 : f32
      %parallel_loop3A_3602 = vector.broadcast %parallel_loop3A_3601 : f32 to vector<16xf32>
      %parallel_loop3A_3603 = arith.divf %parallel_loop3A_3596, %parallel_loop3A_3602 : vector<16xf32>
      %parallel_loop3A_3604 = arith.subf %parallel_loop3A_3582, %parallel_loop3A_3603 : vector<16xf32>
      %parallel_loop3A_3605 = arith.constant 2.000000e+00 : f32
      %parallel_loop3A_3606 = vector.broadcast %parallel_loop3A_3605 : f32 to vector<16xf32>
      %parallel_loop3A_3607 = arith.divf %parallel_loop3A_3589, %parallel_loop3A_3606 : vector<16xf32>
      %parallel_loop3A_3608 = arith.addf %parallel_loop3A_3578, %parallel_loop3A_3607 : vector<16xf32>
      %parallel_loop3A_3609 = arith.constant 2.000000e+00 : f32
      %parallel_loop3A_3610 = vector.broadcast %parallel_loop3A_3609 : f32 to vector<16xf32>
      %parallel_loop3A_3611 = arith.divf %parallel_loop3A_3596, %parallel_loop3A_3610 : vector<16xf32>
      %parallel_loop3A_3612 = arith.addf %parallel_loop3A_3582, %parallel_loop3A_3611 : vector<16xf32>
      %parallel_loop3A_3613 = arith.subf %parallel_loop3A_3608, %parallel_loop3A_3600 : vector<16xf32>
      %parallel_loop3A_3614 = arith.subf %parallel_loop3A_3612, %parallel_loop3A_3604 : vector<16xf32>
      %parallel_loop3A_3615 = arith.mulf %parallel_loop3A_3613, %parallel_loop3A_3614 : vector<16xf32>
      %parallel_loop3A_3616 = vector.broadcast %squeeze3A_74 : f32 to vector<16xf32>
      %parallel_loop3A_3617 = arith.minimumf %parallel_loop3A_3608, %parallel_loop3A_3616 : vector<16xf32>
      %parallel_loop3A_3618 = vector.broadcast %squeeze3A : f32 to vector<16xf32>
      %parallel_loop3A_3619 = arith.maximumf %parallel_loop3A_3600, %parallel_loop3A_3618 : vector<16xf32>
      %parallel_loop3A_3620 = arith.subf %parallel_loop3A_3617, %parallel_loop3A_3619 : vector<16xf32>
      %parallel_loop3A_3621 = arith.constant 0.000000e+00 : f32
      %parallel_loop3A_3622 = vector.broadcast %parallel_loop3A_3621 : f32 to vector<16xf32>
      %parallel_loop3A_3623 = arith.maximumf %parallel_loop3A_3620, %parallel_loop3A_3622 : vector<16xf32>
      %parallel_loop3A_3624 = vector.broadcast %squeeze3A_82 : f32 to vector<16xf32>
      %parallel_loop3A_3625 = arith.minimumf %parallel_loop3A_3612, %parallel_loop3A_3624 : vector<16xf32>
      %parallel_loop3A_3626 = vector.broadcast %squeeze3A_66 : f32 to vector<16xf32>
      %parallel_loop3A_3627 = arith.maximumf %parallel_loop3A_3604, %parallel_loop3A_3626 : vector<16xf32>
      %parallel_loop3A_3628 = arith.subf %parallel_loop3A_3625, %parallel_loop3A_3627 : vector<16xf32>
      %parallel_loop3A_3629 = arith.constant 0.000000e+00 : f32
      %parallel_loop3A_3630 = vector.broadcast %parallel_loop3A_3629 : f32 to vector<16xf32>
      %parallel_loop3A_3631 = arith.maximumf %parallel_loop3A_3628, %parallel_loop3A_3630 : vector<16xf32>
      %parallel_loop3A_3632 = arith.mulf %parallel_loop3A_3623, %parallel_loop3A_3631 : vector<16xf32>
      %parallel_loop3A_3633 = vector.broadcast %mul3A_91 : f32 to vector<16xf32>
      %parallel_loop3A_3634 = arith.addf %parallel_loop3A_3615, %parallel_loop3A_3633 : vector<16xf32>
      %parallel_loop3A_3635 = arith.subf %parallel_loop3A_3634, %parallel_loop3A_3632 : vector<16xf32>
      %parallel_loop3A_3636 = arith.divf %parallel_loop3A_3632, %parallel_loop3A_3635 : vector<16xf32>
      %parallel_loop3A_3637 = arith.cmpf ogt, %parallel_loop3A_3636, %parallel_loop3A_3563 : vector<16xf32>
      %parallel_loop3A_3638 = arith.select %parallel_loop3A_3637, %parallel_loop3A_3636, %parallel_loop3A_3563 : vector<16xi1>, vector<16xf32>
      %parallel_loop3A_3639 = arith.select %parallel_loop3A_3637, %parallel_loop3A_3576, %parallel_loop3A_3567 : vector<16xi1>, vector<16xi32>
      %parallel_loop3A_3640 = vector.broadcast %squeeze3A_76 : f32 to vector<16xf32>
      %parallel_loop3A_3641 = arith.minimumf %parallel_loop3A_3608, %parallel_loop3A_3640 : vector<16xf32>
      %parallel_loop3A_3642 = vector.broadcast %squeeze3A_60 : f32 to vector<16xf32>
      %parallel_loop3A_3643 = arith.maximumf %parallel_loop3A_3600, %parallel_loop3A_3642 : vector<16xf32>
      %parallel_loop3A_3644 = arith.subf %parallel_loop3A_3641, %parallel_loop3A_3643 : vector<16xf32>
      %parallel_loop3A_3645 = arith.constant 0.000000e+00 : f32
      %parallel_loop3A_3646 = vector.broadcast %parallel_loop3A_3645 : f32 to vector<16xf32>
      %parallel_loop3A_3647 = arith.maximumf %parallel_loop3A_3644, %parallel_loop3A_3646 : vector<16xf32>
      %parallel_loop3A_3648 = vector.broadcast %squeeze3A_84 : f32 to vector<16xf32>
      %parallel_loop3A_3649 = arith.minimumf %parallel_loop3A_3612, %parallel_loop3A_3648 : vector<16xf32>
      %parallel_loop3A_3650 = vector.broadcast %squeeze3A_68 : f32 to vector<16xf32>
      %parallel_loop3A_3651 = arith.maximumf %parallel_loop3A_3604, %parallel_loop3A_3650 : vector<16xf32>
      %parallel_loop3A_3652 = arith.subf %parallel_loop3A_3649, %parallel_loop3A_3651 : vector<16xf32>
      %parallel_loop3A_3653 = arith.constant 0.000000e+00 : f32
      %parallel_loop3A_3654 = vector.broadcast %parallel_loop3A_3653 : f32 to vector<16xf32>
      %parallel_loop3A_3655 = arith.maximumf %parallel_loop3A_3652, %parallel_loop3A_3654 : vector<16xf32>
      %parallel_loop3A_3656 = arith.mulf %parallel_loop3A_3647, %parallel_loop3A_3655 : vector<16xf32>
      %parallel_loop3A_3657 = vector.broadcast %mul3A_94 : f32 to vector<16xf32>
      %parallel_loop3A_3658 = arith.addf %parallel_loop3A_3615, %parallel_loop3A_3657 : vector<16xf32>
      %parallel_loop3A_3659 = arith.subf %parallel_loop3A_3658, %parallel_loop3A_3656 : vector<16xf32>
      %parallel_loop3A_3660 = arith.divf %parallel_loop3A_3656, %parallel_loop3A_3659 : vector<16xf32>
      %parallel_loop3A_3661 = arith.cmpf ogt, %parallel_loop3A_3660, %parallel_loop3A_3564 : vector<16xf32>
      %parallel_loop3A_3662 = arith.select %parallel_loop3A_3661, %parallel_loop3A_3660, %parallel_loop3A_3564 : vector<16xi1>, vector<16xf32>
      %parallel_loop3A_3663 = arith.select %parallel_loop3A_3661, %parallel_loop3A_3576, %parallel_loop3A_3568 : vector<16xi1>, vector<16xi32>
      %parallel_loop3A_3664 = vector.broadcast %squeeze3A_78 : f32 to vector<16xf32>
      %parallel_loop3A_3665 = arith.minimumf %parallel_loop3A_3608, %parallel_loop3A_3664 : vector<16xf32>
      %parallel_loop3A_3666 = vector.broadcast %squeeze3A_62 : f32 to vector<16xf32>
      %parallel_loop3A_3667 = arith.maximumf %parallel_loop3A_3600, %parallel_loop3A_3666 : vector<16xf32>
      %parallel_loop3A_3668 = arith.subf %parallel_loop3A_3665, %parallel_loop3A_3667 : vector<16xf32>
      %parallel_loop3A_3669 = arith.constant 0.000000e+00 : f32
      %parallel_loop3A_3670 = vector.broadcast %parallel_loop3A_3669 : f32 to vector<16xf32>
      %parallel_loop3A_3671 = arith.maximumf %parallel_loop3A_3668, %parallel_loop3A_3670 : vector<16xf32>
      %parallel_loop3A_3672 = vector.broadcast %squeeze3A_86 : f32 to vector<16xf32>
      %parallel_loop3A_3673 = arith.minimumf %parallel_loop3A_3612, %parallel_loop3A_3672 : vector<16xf32>
      %parallel_loop3A_3674 = vector.broadcast %squeeze3A_70 : f32 to vector<16xf32>
      %parallel_loop3A_3675 = arith.maximumf %parallel_loop3A_3604, %parallel_loop3A_3674 : vector<16xf32>
      %parallel_loop3A_3676 = arith.subf %parallel_loop3A_3673, %parallel_loop3A_3675 : vector<16xf32>
      %parallel_loop3A_3677 = arith.constant 0.000000e+00 : f32
      %parallel_loop3A_3678 = vector.broadcast %parallel_loop3A_3677 : f32 to vector<16xf32>
      %parallel_loop3A_3679 = arith.maximumf %parallel_loop3A_3676, %parallel_loop3A_3678 : vector<16xf32>
      %parallel_loop3A_3680 = arith.mulf %parallel_loop3A_3671, %parallel_loop3A_3679 : vector<16xf32>
      %parallel_loop3A_3681 = vector.broadcast %mul3A_97 : f32 to vector<16xf32>
      %parallel_loop3A_3682 = arith.addf %parallel_loop3A_3615, %parallel_loop3A_3681 : vector<16xf32>
      %parallel_loop3A_3683 = arith.subf %parallel_loop3A_3682, %parallel_loop3A_3680 : vector<16xf32>
      %parallel_loop3A_3684 = arith.divf %parallel_loop3A_3680, %parallel_loop3A_3683 : vector<16xf32>
      %parallel_loop3A_3685 = arith.cmpf ogt, %parallel_loop3A_3684, %parallel_loop3A_3565 : vector<16xf32>
      %parallel_loop3A_3686 = arith.select %parallel_loop3A_3685, %parallel_loop3A_3684, %parallel_loop3A_3565 : vector<16xi1>, vector<16xf32>
      %parallel_loop3A_3687 = arith.select %parallel_loop3A_3685, %parallel_loop3A_3576, %parallel_loop3A_3569 : vector<16xi1>, vector<16xi32>
      %parallel_loop3A_3688 = vector.broadcast %squeeze3A_80 : f32 to vector<16xf32>
      %parallel_loop3A_3689 = arith.minimumf %parallel_loop3A_3608, %parallel_loop3A_3688 : vector<16xf32>
      %parallel_loop3A_3690 = vector.broadcast %squeeze3A_64 : f32 to vector<16xf32>
      %parallel_loop3A_3691 = arith.maximumf %parallel_loop3A_3600, %parallel_loop3A_3690 : vector<16xf32>
      %parallel_loop3A_3692 = arith.subf %parallel_loop3A_3689, %parallel_loop3A_3691 : vector<16xf32>
      %parallel_loop3A_3693 = arith.constant 0.000000e+00 : f32
      %parallel_loop3A_3694 = vector.broadcast %parallel_loop3A_3693 : f32 to vector<16xf32>
      %parallel_loop3A_3695 = arith.maximumf %parallel_loop3A_3692, %parallel_loop3A_3694 : vector<16xf32>
      %parallel_loop3A_3696 = vector.broadcast %squeeze3A_88 : f32 to vector<16xf32>
      %parallel_loop3A_3697 = arith.minimumf %parallel_loop3A_3612, %parallel_loop3A_3696 : vector<16xf32>
      %parallel_loop3A_3698 = vector.broadcast %squeeze3A_72 : f32 to vector<16xf32>
      %parallel_loop3A_3699 = arith.maximumf %parallel_loop3A_3604, %parallel_loop3A_3698 : vector<16xf32>
      %parallel_loop3A_3700 = arith.subf %parallel_loop3A_3697, %parallel_loop3A_3699 : vector<16xf32>
      %parallel_loop3A_3701 = arith.constant 0.000000e+00 : f32
      %parallel_loop3A_3702 = vector.broadcast %parallel_loop3A_3701 : f32 to vector<16xf32>
      %parallel_loop3A_3703 = arith.maximumf %parallel_loop3A_3700, %parallel_loop3A_3702 : vector<16xf32>
      %parallel_loop3A_3704 = arith.mulf %parallel_loop3A_3695, %parallel_loop3A_3703 : vector<16xf32>
      %parallel_loop3A_3705 = vector.broadcast %mul3A_100 : f32 to vector<16xf32>
      %parallel_loop3A_3706 = arith.addf %parallel_loop3A_3615, %parallel_loop3A_3705 : vector<16xf32>
      %parallel_loop3A_3707 = arith.subf %parallel_loop3A_3706, %parallel_loop3A_3704 : vector<16xf32>
      %parallel_loop3A_3708 = arith.divf %parallel_loop3A_3704, %parallel_loop3A_3707 : vector<16xf32>
      %parallel_loop3A_3709 = arith.cmpf ogt, %parallel_loop3A_3708, %parallel_loop3A_3566 : vector<16xf32>
      %parallel_loop3A_3710 = arith.select %parallel_loop3A_3709, %parallel_loop3A_3708, %parallel_loop3A_3566 : vector<16xi1>, vector<16xf32>
      %parallel_loop3A_3711 = arith.select %parallel_loop3A_3709, %parallel_loop3A_3576, %parallel_loop3A_3570 : vector<16xi1>, vector<16xi32>
      %parallel_loop3A_3712 = arith.constant 32 : i32
      %parallel_loop3A_3713 = arith.muli %parallel_loop3A_3562, %parallel_loop3A_3712 : i32
      %parallel_loop3A_3714 = arith.constant 16 : i32
      %parallel_loop3A_3715 = arith.addi %parallel_loop3A_3713, %parallel_loop3A_3714 : i32
      %parallel_loop3A_3716 = vector.broadcast %parallel_loop3A_3715 : i32 to vector<16xi32>
      %parallel_loop3A_3717 = arith.addi %parallel_loop3A_3716, %iota3A : vector<16xi32>
      %parallel_loop3A_3718 = arith.index_cast %parallel_loop3A_3715 : i32 to index
      %parallel_loop3A_3719 = tpu.vector_load %arg5[%parallel_loop3A_3718] {strides = array<i32>} : memref<100000xf32, #tpu.memory_space<vmem>>, vector<16xf32>,
      %parallel_loop3A_3720 = arith.constant 20000 : i32
      %parallel_loop3A_3721 = arith.addi %parallel_loop3A_3720, %parallel_loop3A_3715 : i32
      %parallel_loop3A_3722 = arith.index_cast %parallel_loop3A_3721 : i32 to index
      %parallel_loop3A_3723 = tpu.vector_load %arg5[%parallel_loop3A_3722] {strides = array<i32>} : memref<100000xf32, #tpu.memory_space<vmem>>, vector<16xf32>,
      %parallel_loop3A_3724 = arith.constant 40000 : i32
      %parallel_loop3A_3725 = arith.addi %parallel_loop3A_3724, %parallel_loop3A_3715 : i32
      %parallel_loop3A_3726 = arith.index_cast %parallel_loop3A_3725 : i32 to index
      %parallel_loop3A_3727 = tpu.vector_load %arg5[%parallel_loop3A_3726] {strides = array<i32>} : memref<100000xf32, #tpu.memory_space<vmem>>, vector<16xf32>,
      %parallel_loop3A_3728 = arith.constant 9.99999974E-5 : f32
      %parallel_loop3A_3729 = vector.broadcast %parallel_loop3A_3728 : f32 to vector<16xf32>
      %parallel_loop3A_3730 = arith.maximumf %parallel_loop3A_3727, %parallel_loop3A_3729 : vector<16xf32>
      %parallel_loop3A_3731 = arith.constant 60000 : i32
      %parallel_loop3A_3732 = arith.addi %parallel_loop3A_3731, %parallel_loop3A_3715 : i32
      %parallel_loop3A_3733 = arith.index_cast %parallel_loop3A_3732 : i32 to index
      %parallel_loop3A_3734 = tpu.vector_load %arg5[%parallel_loop3A_3733] {strides = array<i32>} : memref<100000xf32, #tpu.memory_space<vmem>>, vector<16xf32>,
      %parallel_loop3A_3735 = arith.constant 9.99999974E-5 : f32
      %parallel_loop3A_3736 = vector.broadcast %parallel_loop3A_3735 : f32 to vector<16xf32>
      %parallel_loop3A_3737 = arith.maximumf %parallel_loop3A_3734, %parallel_loop3A_3736 : vector<16xf32>
      %parallel_loop3A_3738 = arith.constant 2.000000e+00 : f32
      %parallel_loop3A_3739 = vector.broadcast %parallel_loop3A_3738 : f32 to vector<16xf32>
      %parallel_loop3A_3740 = arith.divf %parallel_loop3A_3730, %parallel_loop3A_3739 : vector<16xf32>
      %parallel_loop3A_3741 = arith.subf %parallel_loop3A_3719, %parallel_loop3A_3740 : vector<16xf32>
      %parallel_loop3A_3742 = arith.constant 2.000000e+00 : f32
      %parallel_loop3A_3743 = vector.broadcast %parallel_loop3A_3742 : f32 to vector<16xf32>
      %parallel_loop3A_3744 = arith.divf %parallel_loop3A_3737, %parallel_loop3A_3743 : vector<16xf32>
      %parallel_loop3A_3745 = arith.subf %parallel_loop3A_3723, %parallel_loop3A_3744 : vector<16xf32>
      %parallel_loop3A_3746 = arith.constant 2.000000e+00 : f32
      %parallel_loop3A_3747 = vector.broadcast %parallel_loop3A_3746 : f32 to vector<16xf32>
      %parallel_loop3A_3748 = arith.divf %parallel_loop3A_3730, %parallel_loop3A_3747 : vector<16xf32>
      %parallel_loop3A_3749 = arith.addf %parallel_loop3A_3719, %parallel_loop3A_3748 : vector<16xf32>
      %parallel_loop3A_3750 = arith.constant 2.000000e+00 : f32
      %parallel_loop3A_3751 = vector.broadcast %parallel_loop3A_3750 : f32 to vector<16xf32>
      %parallel_loop3A_3752 = arith.divf %parallel_loop3A_3737, %parallel_loop3A_3751 : vector<16xf32>
      %parallel_loop3A_3753 = arith.addf %parallel_loop3A_3723, %parallel_loop3A_3752 : vector<16xf32>
      %parallel_loop3A_3754 = arith.subf %parallel_loop3A_3749, %parallel_loop3A_3741 : vector<16xf32>
      %parallel_loop3A_3755 = arith.subf %parallel_loop3A_3753, %parallel_loop3A_3745 : vector<16xf32>
      %parallel_loop3A_3756 = arith.mulf %parallel_loop3A_3754, %parallel_loop3A_3755 : vector<16xf32>
      %parallel_loop3A_3757 = vector.broadcast %squeeze3A_74 : f32 to vector<16xf32>
      %parallel_loop3A_3758 = arith.minimumf %parallel_loop3A_3749, %parallel_loop3A_3757 : vector<16xf32>
      %parallel_loop3A_3759 = vector.broadcast %squeeze3A : f32 to vector<16xf32>
      %parallel_loop3A_3760 = arith.maximumf %parallel_loop3A_3741, %parallel_loop3A_3759 : vector<16xf32>
      %parallel_loop3A_3761 = arith.subf %parallel_loop3A_3758, %parallel_loop3A_3760 : vector<16xf32>
      %parallel_loop3A_3762 = arith.constant 0.000000e+00 : f32
      %parallel_loop3A_3763 = vector.broadcast %parallel_loop3A_3762 : f32 to vector<16xf32>
      %parallel_loop3A_3764 = arith.maximumf %parallel_loop3A_3761, %parallel_loop3A_3763 : vector<16xf32>
      %parallel_loop3A_3765 = vector.broadcast %squeeze3A_82 : f32 to vector<16xf32>
      %parallel_loop3A_3766 = arith.minimumf %parallel_loop3A_3753, %parallel_loop3A_3765 : vector<16xf32>
      %parallel_loop3A_3767 = vector.broadcast %squeeze3A_66 : f32 to vector<16xf32>
      %parallel_loop3A_3768 = arith.maximumf %parallel_loop3A_3745, %parallel_loop3A_3767 : vector<16xf32>
      %parallel_loop3A_3769 = arith.subf %parallel_loop3A_3766, %parallel_loop3A_3768 : vector<16xf32>
      %parallel_loop3A_3770 = arith.constant 0.000000e+00 : f32
      %parallel_loop3A_3771 = vector.broadcast %parallel_loop3A_3770 : f32 to vector<16xf32>
      %parallel_loop3A_3772 = arith.maximumf %parallel_loop3A_3769, %parallel_loop3A_3771 : vector<16xf32>
      %parallel_loop3A_3773 = arith.mulf %parallel_loop3A_3764, %parallel_loop3A_3772 : vector<16xf32>
      %parallel_loop3A_3774 = vector.broadcast %mul3A_91 : f32 to vector<16xf32>
      %parallel_loop3A_3775 = arith.addf %parallel_loop3A_3756, %parallel_loop3A_3774 : vector<16xf32>
      %parallel_loop3A_3776 = arith.subf %parallel_loop3A_3775, %parallel_loop3A_3773 : vector<16xf32>
      %parallel_loop3A_3777 = arith.divf %parallel_loop3A_3773, %parallel_loop3A_3776 : vector<16xf32>
      %parallel_loop3A_3778 = arith.cmpf ogt, %parallel_loop3A_3777, %parallel_loop3A_3638 : vector<16xf32>
      %parallel_loop3A_3779 = arith.select %parallel_loop3A_3778, %parallel_loop3A_3777, %parallel_loop3A_3638 : vector<16xi1>, vector<16xf32>
      %parallel_loop3A_3780 = arith.select %parallel_loop3A_3778, %parallel_loop3A_3717, %parallel_loop3A_3639 : vector<16xi1>, vector<16xi32>
      %parallel_loop3A_3781 = vector.broadcast %squeeze3A_76 : f32 to vector<16xf32>
      %parallel_loop3A_3782 = arith.minimumf %parallel_loop3A_3749, %parallel_loop3A_3781 : vector<16xf32>
      %parallel_loop3A_3783 = vector.broadcast %squeeze3A_60 : f32 to vector<16xf32>
      %parallel_loop3A_3784 = arith.maximumf %parallel_loop3A_3741, %parallel_loop3A_3783 : vector<16xf32>
      %parallel_loop3A_3785 = arith.subf %parallel_loop3A_3782, %parallel_loop3A_3784 : vector<16xf32>
      %parallel_loop3A_3786 = arith.constant 0.000000e+00 : f32
      %parallel_loop3A_3787 = vector.broadcast %parallel_loop3A_3786 : f32 to vector<16xf32>
      %parallel_loop3A_3788 = arith.maximumf %parallel_loop3A_3785, %parallel_loop3A_3787 : vector<16xf32>
      %parallel_loop3A_3789 = vector.broadcast %squeeze3A_84 : f32 to vector<16xf32>
      %parallel_loop3A_3790 = arith.minimumf %parallel_loop3A_3753, %parallel_loop3A_3789 : vector<16xf32>
      %parallel_loop3A_3791 = vector.broadcast %squeeze3A_68 : f32 to vector<16xf32>
      %parallel_loop3A_3792 = arith.maximumf %parallel_loop3A_3745, %parallel_loop3A_3791 : vector<16xf32>
      %parallel_loop3A_3793 = arith.subf %parallel_loop3A_3790, %parallel_loop3A_3792 : vector<16xf32>
      %parallel_loop3A_3794 = arith.constant 0.000000e+00 : f32
      %parallel_loop3A_3795 = vector.broadcast %parallel_loop3A_3794 : f32 to vector<16xf32>
      %parallel_loop3A_3796 = arith.maximumf %parallel_loop3A_3793, %parallel_loop3A_3795 : vector<16xf32>
      %parallel_loop3A_3797 = arith.mulf %parallel_loop3A_3788, %parallel_loop3A_3796 : vector<16xf32>
      %parallel_loop3A_3798 = vector.broadcast %mul3A_94 : f32 to vector<16xf32>
      %parallel_loop3A_3799 = arith.addf %parallel_loop3A_3756, %parallel_loop3A_3798 : vector<16xf32>
      %parallel_loop3A_3800 = arith.subf %parallel_loop3A_3799, %parallel_loop3A_3797 : vector<16xf32>
      %parallel_loop3A_3801 = arith.divf %parallel_loop3A_3797, %parallel_loop3A_3800 : vector<16xf32>
      %parallel_loop3A_3802 = arith.cmpf ogt, %parallel_loop3A_3801, %parallel_loop3A_3662 : vector<16xf32>
      %parallel_loop3A_3803 = arith.select %parallel_loop3A_3802, %parallel_loop3A_3801, %parallel_loop3A_3662 : vector<16xi1>, vector<16xf32>
      %parallel_loop3A_3804 = arith.select %parallel_loop3A_3802, %parallel_loop3A_3717, %parallel_loop3A_3663 : vector<16xi1>, vector<16xi32>
      %parallel_loop3A_3805 = vector.broadcast %squeeze3A_78 : f32 to vector<16xf32>
      %parallel_loop3A_3806 = arith.minimumf %parallel_loop3A_3749, %parallel_loop3A_3805 : vector<16xf32>
      %parallel_loop3A_3807 = vector.broadcast %squeeze3A_62 : f32 to vector<16xf32>
      %parallel_loop3A_3808 = arith.maximumf %parallel_loop3A_3741, %parallel_loop3A_3807 : vector<16xf32>
      %parallel_loop3A_3809 = arith.subf %parallel_loop3A_3806, %parallel_loop3A_3808 : vector<16xf32>
      %parallel_loop3A_3810 = arith.constant 0.000000e+00 : f32
      %parallel_loop3A_3811 = vector.broadcast %parallel_loop3A_3810 : f32 to vector<16xf32>
      %parallel_loop3A_3812 = arith.maximumf %parallel_loop3A_3809, %parallel_loop3A_3811 : vector<16xf32>
      %parallel_loop3A_3813 = vector.broadcast %squeeze3A_86 : f32 to vector<16xf32>
      %parallel_loop3A_3814 = arith.minimumf %parallel_loop3A_3753, %parallel_loop3A_3813 : vector<16xf32>
      %parallel_loop3A_3815 = vector.broadcast %squeeze3A_70 : f32 to vector<16xf32>
      %parallel_loop3A_3816 = arith.maximumf %parallel_loop3A_3745, %parallel_loop3A_3815 : vector<16xf32>
      %parallel_loop3A_3817 = arith.subf %parallel_loop3A_3814, %parallel_loop3A_3816 : vector<16xf32>
      %parallel_loop3A_3818 = arith.constant 0.000000e+00 : f32
      %parallel_loop3A_3819 = vector.broadcast %parallel_loop3A_3818 : f32 to vector<16xf32>
      %parallel_loop3A_3820 = arith.maximumf %parallel_loop3A_3817, %parallel_loop3A_3819 : vector<16xf32>
      %parallel_loop3A_3821 = arith.mulf %parallel_loop3A_3812, %parallel_loop3A_3820 : vector<16xf32>
      %parallel_loop3A_3822 = vector.broadcast %mul3A_97 : f32 to vector<16xf32>
      %parallel_loop3A_3823 = arith.addf %parallel_loop3A_3756, %parallel_loop3A_3822 : vector<16xf32>
      %parallel_loop3A_3824 = arith.subf %parallel_loop3A_3823, %parallel_loop3A_3821 : vector<16xf32>
      %parallel_loop3A_3825 = arith.divf %parallel_loop3A_3821, %parallel_loop3A_3824 : vector<16xf32>
      %parallel_loop3A_3826 = arith.cmpf ogt, %parallel_loop3A_3825, %parallel_loop3A_3686 : vector<16xf32>
      %parallel_loop3A_3827 = arith.select %parallel_loop3A_3826, %parallel_loop3A_3825, %parallel_loop3A_3686 : vector<16xi1>, vector<16xf32>
      %parallel_loop3A_3828 = arith.select %parallel_loop3A_3826, %parallel_loop3A_3717, %parallel_loop3A_3687 : vector<16xi1>, vector<16xi32>
      %parallel_loop3A_3829 = vector.broadcast %squeeze3A_80 : f32 to vector<16xf32>
      %parallel_loop3A_3830 = arith.minimumf %parallel_loop3A_3749, %parallel_loop3A_3829 : vector<16xf32>
      %parallel_loop3A_3831 = vector.broadcast %squeeze3A_64 : f32 to vector<16xf32>
      %parallel_loop3A_3832 = arith.maximumf %parallel_loop3A_3741, %parallel_loop3A_3831 : vector<16xf32>
      %parallel_loop3A_3833 = arith.subf %parallel_loop3A_3830, %parallel_loop3A_3832 : vector<16xf32>
      %parallel_loop3A_3834 = arith.constant 0.000000e+00 : f32
      %parallel_loop3A_3835 = vector.broadcast %parallel_loop3A_3834 : f32 to vector<16xf32>
      %parallel_loop3A_3836 = arith.maximumf %parallel_loop3A_3833, %parallel_loop3A_3835 : vector<16xf32>
      %parallel_loop3A_3837 = vector.broadcast %squeeze3A_88 : f32 to vector<16xf32>
      %parallel_loop3A_3838 = arith.minimumf %parallel_loop3A_3753, %parallel_loop3A_3837 : vector<16xf32>
      %parallel_loop3A_3839 = vector.broadcast %squeeze3A_72 : f32 to vector<16xf32>
      %parallel_loop3A_3840 = arith.maximumf %parallel_loop3A_3745, %parallel_loop3A_3839 : vector<16xf32>
      %parallel_loop3A_3841 = arith.subf %parallel_loop3A_3838, %parallel_loop3A_3840 : vector<16xf32>
      %parallel_loop3A_3842 = arith.constant 0.000000e+00 : f32
      %parallel_loop3A_3843 = vector.broadcast %parallel_loop3A_3842 : f32 to vector<16xf32>
      %parallel_loop3A_3844 = arith.maximumf %parallel_loop3A_3841, %parallel_loop3A_3843 : vector<16xf32>
      %parallel_loop3A_3845 = arith.mulf %parallel_loop3A_3836, %parallel_loop3A_3844 : vector<16xf32>
      %parallel_loop3A_3846 = vector.broadcast %mul3A_100 : f32 to vector<16xf32>
      %parallel_loop3A_3847 = arith.addf %parallel_loop3A_3756, %parallel_loop3A_3846 : vector<16xf32>
      %parallel_loop3A_3848 = arith.subf %parallel_loop3A_3847, %parallel_loop3A_3845 : vector<16xf32>
      %parallel_loop3A_3849 = arith.divf %parallel_loop3A_3845, %parallel_loop3A_3848 : vector<16xf32>
      %parallel_loop3A_3850 = arith.cmpf ogt, %parallel_loop3A_3849, %parallel_loop3A_3710 : vector<16xf32>
      %parallel_loop3A_3851 = arith.select %parallel_loop3A_3850, %parallel_loop3A_3849, %parallel_loop3A_3710 : vector<16xi1>, vector<16xf32>
      %parallel_loop3A_3852 = arith.select %parallel_loop3A_3850, %parallel_loop3A_3717, %parallel_loop3A_3711 : vector<16xi1>, vector<16xi32>
      scf.yield %parallel_loop3A_3779, %parallel_loop3A_3803, %parallel_loop3A_3827, %parallel_loop3A_3851, %parallel_loop3A_3780, %parallel_loop3A_3804, %parallel_loop3A_3828, %parallel_loop3A_3852 : vector<16xf32>, vector<16xf32>, vector<16xf32>, vector<16xf32>, vector<16xi32>, vector<16xi32>, vector<16xi32>, vector<16xi32>
    } {sc.loop_unroll_factor = 1 : i64, sc.parallel_access}
    %broadcast_in_dim3A_119 = arith.constant 0.000000e+00 : f32
    %broadcast_in_dim3A_120 = vector.broadcast %broadcast_in_dim3A_119 : f32 to vector<16xf32>
    %broadcast_in_dim3A_121 = arith.constant 0 : i32
    %broadcast_in_dim3A_122 = vector.broadcast %broadcast_in_dim3A_121 : i32 to vector<16xi32>
    %reduce_max3A = arith.constant true
    %reduce_max3A_123 = vector.broadcast %reduce_max3A : i1 to vector<16xi1>
    %reduce_max3A_124 = tpu.scan <max>, %parallel_loop3A_118#0 masked %reduce_max3A_123 : vector<16xf32>, vector<16xi1> -> vector<16xf32>
    %reduce_max3A_125 = vector.extract %reduce_max3A_124[15] : f32 from vector<16xf32>
    %eq3A_126 = vector.broadcast %reduce_max3A_125 : f32 to vector<16xf32>
    %eq3A_127 = arith.cmpf oeq, %parallel_loop3A_118#0, %eq3A_126 : vector<16xf32>
    %jit3A_128 = arith.constant 1073741824 : i32
    %broadcast_in_dim3A_129 = vector.broadcast %jit3A_128 : i32 to vector<16xi32>
    %select_n3A_130 = arith.select %eq3A_127, %parallel_loop3A_118#4, %broadcast_in_dim3A_129 : vector<16xi1>, vector<16xi32>
    %reduce_min3A = arith.constant true
    %reduce_min3A_131 = vector.broadcast %reduce_min3A : i1 to vector<16xi1>
    %reduce_min3A_132 = arith.constant -2147483648 : i32
    %reduce_min3A_133 = vector.broadcast %reduce_min3A_132 : i32 to vector<16xi32>
    %reduce_min3A_134 = arith.xori %select_n3A_130, %reduce_min3A_133 : vector<16xi32>
    %reduce_min3A_135 = tpu.scan <min>, %reduce_min3A_134 masked %reduce_min3A_131 : vector<16xi32>, vector<16xi1> -> vector<16xi32>
    %reduce_min3A_136 = arith.xori %reduce_min3A_135, %reduce_min3A_133 : vector<16xi32>
    %reduce_min3A_137 = vector.extract %reduce_min3A_136[15] : i32 from vector<16xi32>
    %eq3A_138 = arith.constant 0 : i32
    %eq3A_139 = vector.broadcast %eq3A_138 : i32 to vector<16xi32>
    %eq3A_140 = arith.cmpi eq, %iota3A, %eq3A_139 : vector<16xi32>
    %broadcast_in_dim3A_141 = vector.broadcast %reduce_max3A_125 : f32 to vector<16xf32>
    %select_n3A_142 = arith.select %eq3A_140, %broadcast_in_dim3A_141, %broadcast_in_dim3A_120 : vector<16xi1>, vector<16xf32>
    %eq3A_143 = arith.constant 0 : i32
    %eq3A_144 = vector.broadcast %eq3A_143 : i32 to vector<16xi32>
    %eq3A_145 = arith.cmpi eq, %iota3A, %eq3A_144 : vector<16xi32>
    %broadcast_in_dim3A_146 = vector.broadcast %reduce_min3A_137 : i32 to vector<16xi32>
    %select_n3A_147 = arith.select %eq3A_145, %broadcast_in_dim3A_146, %broadcast_in_dim3A_122 : vector<16xi1>, vector<16xi32>
    %reduce_max3A_148 = arith.constant true
    %reduce_max3A_149 = vector.broadcast %reduce_max3A_148 : i1 to vector<16xi1>
    %reduce_max3A_150 = tpu.scan <max>, %parallel_loop3A_118#1 masked %reduce_max3A_149 : vector<16xf32>, vector<16xi1> -> vector<16xf32>
    %reduce_max3A_151 = vector.extract %reduce_max3A_150[15] : f32 from vector<16xf32>
    %eq3A_152 = vector.broadcast %reduce_max3A_151 : f32 to vector<16xf32>
    %eq3A_153 = arith.cmpf oeq, %parallel_loop3A_118#1, %eq3A_152 : vector<16xf32>
    %jit3A_154 = arith.constant 1073741824 : i32
    %broadcast_in_dim3A_155 = vector.broadcast %jit3A_154 : i32 to vector<16xi32>
    %select_n3A_156 = arith.select %eq3A_153, %parallel_loop3A_118#5, %broadcast_in_dim3A_155 : vector<16xi1>, vector<16xi32>
    %reduce_min3A_157 = arith.constant true
    %reduce_min3A_158 = vector.broadcast %reduce_min3A_157 : i1 to vector<16xi1>
    %reduce_min3A_159 = arith.constant -2147483648 : i32
    %reduce_min3A_160 = vector.broadcast %reduce_min3A_159 : i32 to vector<16xi32>
    %reduce_min3A_161 = arith.xori %select_n3A_156, %reduce_min3A_160 : vector<16xi32>
    %reduce_min3A_162 = tpu.scan <min>, %reduce_min3A_161 masked %reduce_min3A_158 : vector<16xi32>, vector<16xi1> -> vector<16xi32>
    %reduce_min3A_163 = arith.xori %reduce_min3A_162, %reduce_min3A_160 : vector<16xi32>
    %reduce_min3A_164 = vector.extract %reduce_min3A_163[15] : i32 from vector<16xi32>
    %eq3A_165 = arith.constant 1 : i32
    %eq3A_166 = vector.broadcast %eq3A_165 : i32 to vector<16xi32>
    %eq3A_167 = arith.cmpi eq, %iota3A, %eq3A_166 : vector<16xi32>
    %broadcast_in_dim3A_168 = vector.broadcast %reduce_max3A_151 : f32 to vector<16xf32>
    %select_n3A_169 = arith.select %eq3A_167, %broadcast_in_dim3A_168, %select_n3A_142 : vector<16xi1>, vector<16xf32>
    %eq3A_170 = arith.constant 1 : i32
    %eq3A_171 = vector.broadcast %eq3A_170 : i32 to vector<16xi32>
    %eq3A_172 = arith.cmpi eq, %iota3A, %eq3A_171 : vector<16xi32>
    %broadcast_in_dim3A_173 = vector.broadcast %reduce_min3A_164 : i32 to vector<16xi32>
    %select_n3A_174 = arith.select %eq3A_172, %broadcast_in_dim3A_173, %select_n3A_147 : vector<16xi1>, vector<16xi32>
    %reduce_max3A_175 = arith.constant true
    %reduce_max3A_176 = vector.broadcast %reduce_max3A_175 : i1 to vector<16xi1>
    %reduce_max3A_177 = tpu.scan <max>, %parallel_loop3A_118#2 masked %reduce_max3A_176 : vector<16xf32>, vector<16xi1> -> vector<16xf32>
    %reduce_max3A_178 = vector.extract %reduce_max3A_177[15] : f32 from vector<16xf32>
    %eq3A_179 = vector.broadcast %reduce_max3A_178 : f32 to vector<16xf32>
    %eq3A_180 = arith.cmpf oeq, %parallel_loop3A_118#2, %eq3A_179 : vector<16xf32>
    %jit3A_181 = arith.constant 1073741824 : i32
    %broadcast_in_dim3A_182 = vector.broadcast %jit3A_181 : i32 to vector<16xi32>
    %select_n3A_183 = arith.select %eq3A_180, %parallel_loop3A_118#6, %broadcast_in_dim3A_182 : vector<16xi1>, vector<16xi32>
    %reduce_min3A_184 = arith.constant true
    %reduce_min3A_185 = vector.broadcast %reduce_min3A_184 : i1 to vector<16xi1>
    %reduce_min3A_186 = arith.constant -2147483648 : i32
    %reduce_min3A_187 = vector.broadcast %reduce_min3A_186 : i32 to vector<16xi32>
    %reduce_min3A_188 = arith.xori %select_n3A_183, %reduce_min3A_187 : vector<16xi32>
    %reduce_min3A_189 = tpu.scan <min>, %reduce_min3A_188 masked %reduce_min3A_185 : vector<16xi32>, vector<16xi1> -> vector<16xi32>
    %reduce_min3A_190 = arith.xori %reduce_min3A_189, %reduce_min3A_187 : vector<16xi32>
    %reduce_min3A_191 = vector.extract %reduce_min3A_190[15] : i32 from vector<16xi32>
    %eq3A_192 = arith.constant 2 : i32
    %eq3A_193 = vector.broadcast %eq3A_192 : i32 to vector<16xi32>
    %eq3A_194 = arith.cmpi eq, %iota3A, %eq3A_193 : vector<16xi32>
    %broadcast_in_dim3A_195 = vector.broadcast %reduce_max3A_178 : f32 to vector<16xf32>
    %select_n3A_196 = arith.select %eq3A_194, %broadcast_in_dim3A_195, %select_n3A_169 : vector<16xi1>, vector<16xf32>
    %eq3A_197 = arith.constant 2 : i32
    %eq3A_198 = vector.broadcast %eq3A_197 : i32 to vector<16xi32>
    %eq3A_199 = arith.cmpi eq, %iota3A, %eq3A_198 : vector<16xi32>
    %broadcast_in_dim3A_200 = vector.broadcast %reduce_min3A_191 : i32 to vector<16xi32>
    %select_n3A_201 = arith.select %eq3A_199, %broadcast_in_dim3A_200, %select_n3A_174 : vector<16xi1>, vector<16xi32>
    %reduce_max3A_202 = arith.constant true
    %reduce_max3A_203 = vector.broadcast %reduce_max3A_202 : i1 to vector<16xi1>
    %reduce_max3A_204 = tpu.scan <max>, %parallel_loop3A_118#3 masked %reduce_max3A_203 : vector<16xf32>, vector<16xi1> -> vector<16xf32>
    %reduce_max3A_205 = vector.extract %reduce_max3A_204[15] : f32 from vector<16xf32>
    %eq3A_206 = vector.broadcast %reduce_max3A_205 : f32 to vector<16xf32>
    %eq3A_207 = arith.cmpf oeq, %parallel_loop3A_118#3, %eq3A_206 : vector<16xf32>
    %jit3A_208 = arith.constant 1073741824 : i32
    %broadcast_in_dim3A_209 = vector.broadcast %jit3A_208 : i32 to vector<16xi32>
    %select_n3A_210 = arith.select %eq3A_207, %parallel_loop3A_118#7, %broadcast_in_dim3A_209 : vector<16xi1>, vector<16xi32>
    %reduce_min3A_211 = arith.constant true
    %reduce_min3A_212 = vector.broadcast %reduce_min3A_211 : i1 to vector<16xi1>
    %reduce_min3A_213 = arith.constant -2147483648 : i32
    %reduce_min3A_214 = vector.broadcast %reduce_min3A_213 : i32 to vector<16xi32>
    %reduce_min3A_215 = arith.xori %select_n3A_210, %reduce_min3A_214 : vector<16xi32>
    %reduce_min3A_216 = tpu.scan <min>, %reduce_min3A_215 masked %reduce_min3A_212 : vector<16xi32>, vector<16xi1> -> vector<16xi32>
    %reduce_min3A_217 = arith.xori %reduce_min3A_216, %reduce_min3A_214 : vector<16xi32>
    %reduce_min3A_218 = vector.extract %reduce_min3A_217[15] : i32 from vector<16xi32>
    %eq3A_219 = arith.constant 3 : i32
    %eq3A_220 = vector.broadcast %eq3A_219 : i32 to vector<16xi32>
    %eq3A_221 = arith.cmpi eq, %iota3A, %eq3A_220 : vector<16xi32>
    %broadcast_in_dim3A_222 = vector.broadcast %reduce_max3A_205 : f32 to vector<16xf32>
    %select_n3A_223 = arith.select %eq3A_221, %broadcast_in_dim3A_222, %select_n3A_196 : vector<16xi1>, vector<16xf32>
    %eq3A_224 = arith.constant 3 : i32
    %eq3A_225 = vector.broadcast %eq3A_224 : i32 to vector<16xi32>
    %eq3A_226 = arith.cmpi eq, %iota3A, %eq3A_225 : vector<16xi32>
    %broadcast_in_dim3A_227 = vector.broadcast %reduce_min3A_218 : i32 to vector<16xi32>
    %select_n3A_228 = arith.select %eq3A_226, %broadcast_in_dim3A_227, %select_n3A_201 : vector<16xi1>, vector<16xi32>
    %swap3A = arith.constant 0 : index
    %swap3A_229 = tpu.vector_load %arg7[%swap3A] {strides = array<i32>} : memref<16xf32, #tpu.memory_space<vmem>>, vector<16xf32>,
    tpu.vector_store %arg7[%swap3A], %select_n3A_223 {strides = array<i32>} : memref<16xf32, #tpu.memory_space<vmem>>, vector<16xf32>,
    %swap3A_230 = arith.constant 0 : index
    %swap3A_231 = tpu.vector_load %arg8[%swap3A_230] {strides = array<i32>} : memref<16xi32, #tpu.memory_space<vmem>>, vector<16xi32>,
    tpu.vector_store %arg8[%swap3A_230], %select_n3A_228 {strides = array<i32>} : memref<16xi32, #tpu.memory_space<vmem>>, vector<16xi32>,
    %mul3A_232 = arith.constant 16 : i32
    %mul3A_233 = arith.muli %add3A, %mul3A_232 : i32
    "tpu.region"() ({
      %run_scoped3A = tpu.sem_alloc : memref<!tpu.dma_semaphore, #tpu.memory_space<semaphore_mem>>
      %dma_start3A = tpu.memref_slice %arg12[%mul3A_233] : memref<512xf32, #tpu.memory_space<vmem_shared>> -> memref<16xf32, #tpu.memory_space<vmem_shared>>
      %dma_start3A_3562 = tpu.memref_slice %arg12[%mul3A_233] : memref<512xf32, #tpu.memory_space<vmem_shared>> -> memref<16xf32, #tpu.memory_space<vmem_shared>>
      tpu.enqueue_dma source(%arg7 : memref<16xf32, #tpu.memory_space<vmem>>) target(%dma_start3A_3562 : memref<16xf32, #tpu.memory_space<vmem_shared>>) target_semaphore(%run_scoped3A : memref<!tpu.dma_semaphore, #tpu.memory_space<semaphore_mem>>)
      %dma_wait3A = tpu.memref_slice %arg12[%mul3A_233] : memref<512xf32, #tpu.memory_space<vmem_shared>> -> memref<16xf32, #tpu.memory_space<vmem_shared>>
      %dma_wait3A_3563 = tpu.memref_slice %arg12[%mul3A_233] : memref<512xf32, #tpu.memory_space<vmem_shared>> -> memref<16xf32, #tpu.memory_space<vmem_shared>>
      tpu.wait_dma2 semaphore(%run_scoped3A : memref<!tpu.dma_semaphore, #tpu.memory_space<semaphore_mem>>) src(%arg7 : memref<16xf32, #tpu.memory_space<vmem>>) dst(%dma_wait3A_3563 : memref<16xf32, #tpu.memory_space<vmem_shared>>)
      tpu.yield
    }) : () -> ()
    %mul3A_234 = arith.constant 16 : i32
    %mul3A_235 = arith.muli %add3A, %mul3A_234 : i32
    "tpu.region"() ({
      %run_scoped3A = tpu.sem_alloc : memref<!tpu.dma_semaphore, #tpu.memory_space<semaphore_mem>>
      %dma_start3A = tpu.memref_slice %arg13[%mul3A_235] : memref<512xi32, #tpu.memory_space<vmem_shared>> -> memref<16xi32, #tpu.memory_space<vmem_shared>>
      %dma_start3A_3562 = tpu.memref_slice %arg13[%mul3A_235] : memref<512xi32, #tpu.memory_space<vmem_shared>> -> memref<16xi32, #tpu.memory_space<vmem_shared>>
      tpu.enqueue_dma source(%arg8 : memref<16xi32, #tpu.memory_space<vmem>>) target(%dma_start3A_3562 : memref<16xi32, #tpu.memory_space<vmem_shared>>) target_semaphore(%run_scoped3A : memref<!tpu.dma_semaphore, #tpu.memory_space<semaphore_mem>>)
      %dma_wait3A = tpu.memref_slice %arg13[%mul3A_235] : memref<512xi32, #tpu.memory_space<vmem_shared>> -> memref<16xi32, #tpu.memory_space<vmem_shared>>
      %dma_wait3A_3563 = tpu.memref_slice %arg13[%mul3A_235] : memref<512xi32, #tpu.memory_space<vmem_shared>> -> memref<16xi32, #tpu.memory_space<vmem_shared>>
      tpu.wait_dma2 semaphore(%run_scoped3A : memref<!tpu.dma_semaphore, #tpu.memory_space<semaphore_mem>>) src(%arg8 : memref<16xi32, #tpu.memory_space<vmem>>) dst(%dma_wait3A_3563 : memref<16xi32, #tpu.memory_space<vmem_shared>>)
      tpu.yield
    }) : () -> ()
    %barrier3A = arith.constant 0 : index
    tpu.barrier barrier_id(%barrier3A)
    %mul3A_236 = arith.constant 128 : i32
    %mul3A_237 = arith.muli %select_n3A, %mul3A_236 : i32
    "tpu.region"() ({
      %run_scoped3A = tpu.sem_alloc : memref<!tpu.dma_semaphore, #tpu.memory_space<semaphore_mem>>
      %dma_start3A = tpu.memref_slice %arg12[%mul3A_237] : memref<512xf32, #tpu.memory_space<vmem_shared>> -> memref<128xf32, #tpu.memory_space<vmem_shared>>
      %dma_start3A_3562 = tpu.memref_slice %arg12[%mul3A_237] : memref<512xf32, #tpu.memory_space<vmem_shared>> -> memref<128xf32, #tpu.memory_space<vmem_shared>>
      tpu.enqueue_dma source(%dma_start3A_3562 : memref<128xf32, #tpu.memory_space<vmem_shared>>) target(%arg9 : memref<128xf32, #tpu.memory_space<vmem>>) target_semaphore(%run_scoped3A : memref<!tpu.dma_semaphore, #tpu.memory_space<semaphore_mem>>)
      %dma_wait3A = tpu.memref_slice %arg12[%mul3A_237] : memref<512xf32, #tpu.memory_space<vmem_shared>> -> memref<128xf32, #tpu.memory_space<vmem_shared>>
      %dma_wait3A_3563 = tpu.memref_slice %arg12[%mul3A_237] : memref<512xf32, #tpu.memory_space<vmem_shared>> -> memref<128xf32, #tpu.memory_space<vmem_shared>>
      tpu.wait_dma2 semaphore(%run_scoped3A : memref<!tpu.dma_semaphore, #tpu.memory_space<semaphore_mem>>) src(%dma_wait3A_3563 : memref<128xf32, #tpu.memory_space<vmem_shared>>) dst(%arg9 : memref<128xf32, #tpu.memory_space<vmem>>)
      tpu.yield
    }) : () -> ()
    %mul3A_238 = arith.constant 128 : i32
    %mul3A_239 = arith.muli %select_n3A, %mul3A_238 : i32
    "tpu.region"() ({
      %run_scoped3A = tpu.sem_alloc : memref<!tpu.dma_semaphore, #tpu.memory_space<semaphore_mem>>
      %dma_start3A = tpu.memref_slice %arg13[%mul3A_239] : memref<512xi32, #tpu.memory_space<vmem_shared>> -> memref<128xi32, #tpu.memory_space<vmem_shared>>
      %dma_start3A_3562 = tpu.memref_slice %arg13[%mul3A_239] : memref<512xi32, #tpu.memory_space<vmem_shared>> -> memref<128xi32, #tpu.memory_space<vmem_shared>>
      tpu.enqueue_dma source(%dma_start3A_3562 : memref<128xi32, #tpu.memory_space<vmem_shared>>) target(%arg10 : memref<128xi32, #tpu.memory_space<vmem>>) target_semaphore(%run_scoped3A : memref<!tpu.dma_semaphore, #tpu.memory_space<semaphore_mem>>)
      %dma_wait3A = tpu.memref_slice %arg13[%mul3A_239] : memref<512xi32, #tpu.memory_space<vmem_shared>> -> memref<128xi32, #tpu.memory_space<vmem_shared>>
      %dma_wait3A_3563 = tpu.memref_slice %arg13[%mul3A_239] : memref<512xi32, #tpu.memory_space<vmem_shared>> -> memref<128xi32, #tpu.memory_space<vmem_shared>>
      tpu.wait_dma2 semaphore(%run_scoped3A : memref<!tpu.dma_semaphore, #tpu.memory_space<semaphore_mem>>) src(%dma_wait3A_3563 : memref<128xi32, #tpu.memory_space<vmem_shared>>) dst(%arg10 : memref<128xi32, #tpu.memory_space<vmem>>)
      tpu.yield
    }) : () -> ()
    %get3A_240 = arith.constant 0 : index
    %get3A_241 = tpu.vector_load %arg9[%get3A_240] {strides = array<i32>} : memref<128xf32, #tpu.memory_space<vmem>>, vector<16xf32>,
    %get3A_242 = arith.constant 16 : index
    %get3A_243 = tpu.vector_load %arg9[%get3A_242] {strides = array<i32>} : memref<128xf32, #tpu.memory_space<vmem>>, vector<16xf32>,
    %get3A_244 = arith.constant 32 : index
    %get3A_245 = tpu.vector_load %arg9[%get3A_244] {strides = array<i32>} : memref<128xf32, #tpu.memory_space<vmem>>, vector<16xf32>,
    %get3A_246 = arith.constant 48 : index
    %get3A_247 = tpu.vector_load %arg9[%get3A_246] {strides = array<i32>} : memref<128xf32, #tpu.memory_space<vmem>>, vector<16xf32>,
    %get3A_248 = arith.constant 64 : index
    %get3A_249 = tpu.vector_load %arg9[%get3A_248] {strides = array<i32>} : memref<128xf32, #tpu.memory_space<vmem>>, vector<16xf32>,
    %get3A_250 = arith.constant 80 : index
    %get3A_251 = tpu.vector_load %arg9[%get3A_250] {strides = array<i32>} : memref<128xf32, #tpu.memory_space<vmem>>, vector<16xf32>,
    %get3A_252 = arith.constant 96 : index
    %get3A_253 = tpu.vector_load %arg9[%get3A_252] {strides = array<i32>} : memref<128xf32, #tpu.memory_space<vmem>>, vector<16xf32>,
    %get3A_254 = arith.constant 112 : index
    %get3A_255 = tpu.vector_load %arg9[%get3A_254] {strides = array<i32>} : memref<128xf32, #tpu.memory_space<vmem>>, vector<16xf32>,
    %get3A_256 = arith.constant 0 : index
    %get3A_257 = tpu.vector_load %arg10[%get3A_256] {strides = array<i32>} : memref<128xi32, #tpu.memory_space<vmem>>, vector<16xi32>,
    %get3A_258 = arith.constant 16 : index
    %get3A_259 = tpu.vector_load %arg10[%get3A_258] {strides = array<i32>} : memref<128xi32, #tpu.memory_space<vmem>>, vector<16xi32>,
    %get3A_260 = arith.constant 32 : index
    %get3A_261 = tpu.vector_load %arg10[%get3A_260] {strides = array<i32>} : memref<128xi32, #tpu.memory_space<vmem>>, vector<16xi32>,
    %get3A_262 = arith.constant 48 : index
    %get3A_263 = tpu.vector_load %arg10[%get3A_262] {strides = array<i32>} : memref<128xi32, #tpu.memory_space<vmem>>, vector<16xi32>,
    %get3A_264 = arith.constant 64 : index
    %get3A_265 = tpu.vector_load %arg10[%get3A_264] {strides = array<i32>} : memref<128xi32, #tpu.memory_space<vmem>>, vector<16xi32>,
    %get3A_266 = arith.constant 80 : index
    %get3A_267 = tpu.vector_load %arg10[%get3A_266] {strides = array<i32>} : memref<128xi32, #tpu.memory_space<vmem>>, vector<16xi32>,
    %get3A_268 = arith.constant 96 : index
    %get3A_269 = tpu.vector_load %arg10[%get3A_268] {strides = array<i32>} : memref<128xi32, #tpu.memory_space<vmem>>, vector<16xi32>,
    %get3A_270 = arith.constant 112 : index
    %get3A_271 = tpu.vector_load %arg10[%get3A_270] {strides = array<i32>} : memref<128xi32, #tpu.memory_space<vmem>>, vector<16xi32>,
    %gt3A = arith.constant 2.000000e-01 : f32
    %gt3A_272 = vector.broadcast %gt3A : f32 to vector<16xf32>
    %gt3A_273 = arith.cmpf ogt, %get3A_241, %gt3A_272 : vector<16xf32>
    %gt3A_274 = arith.constant 2.000000e-01 : f32
    %gt3A_275 = vector.broadcast %gt3A_274 : f32 to vector<16xf32>
    %gt3A_276 = arith.cmpf ogt, %get3A_243, %gt3A_275 : vector<16xf32>
    %gt3A_277 = arith.constant 2.000000e-01 : f32
    %gt3A_278 = vector.broadcast %gt3A_277 : f32 to vector<16xf32>
    %gt3A_279 = arith.cmpf ogt, %get3A_245, %gt3A_278 : vector<16xf32>
    %gt3A_280 = arith.constant 2.000000e-01 : f32
    %gt3A_281 = vector.broadcast %gt3A_280 : f32 to vector<16xf32>
    %gt3A_282 = arith.cmpf ogt, %get3A_247, %gt3A_281 : vector<16xf32>
    %gt3A_283 = arith.constant 2.000000e-01 : f32
    %gt3A_284 = vector.broadcast %gt3A_283 : f32 to vector<16xf32>
    %gt3A_285 = arith.cmpf ogt, %get3A_249, %gt3A_284 : vector<16xf32>
    %gt3A_286 = arith.constant 2.000000e-01 : f32
    %gt3A_287 = vector.broadcast %gt3A_286 : f32 to vector<16xf32>
    %gt3A_288 = arith.cmpf ogt, %get3A_251, %gt3A_287 : vector<16xf32>
    %gt3A_289 = arith.constant 2.000000e-01 : f32
    %gt3A_290 = vector.broadcast %gt3A_289 : f32 to vector<16xf32>
    %gt3A_291 = arith.cmpf ogt, %get3A_253, %gt3A_290 : vector<16xf32>
    %gt3A_292 = arith.constant 2.000000e-01 : f32
    %gt3A_293 = vector.broadcast %gt3A_292 : f32 to vector<16xf32>
    %gt3A_294 = arith.cmpf ogt, %get3A_255, %gt3A_293 : vector<16xf32>
    %broadcast_in_dim3A_295 = arith.constant 0 : i32
    %broadcast_in_dim3A_296 = vector.broadcast %broadcast_in_dim3A_295 : i32 to vector<16xi32>
    %slice3A_297 = vector.extract_strided_slice %get3A_257 {offsets = [0], sizes = [1], strides = [1]} : vector<16xi32> to vector<1xi32>
    %squeeze3A_298 = vector.extract %slice3A_297[0] : i32 from vector<1xi32>
    %eq3A_299 = arith.constant 0 : i32
    %eq3A_300 = vector.broadcast %eq3A_299 : i32 to vector<16xi32>
    %eq3A_301 = arith.cmpi eq, %iota3A, %eq3A_300 : vector<16xi32>
    %and3A_302 = arith.andi %eq3A_301, %gt3A_273 : vector<16xi1>
    %jit3A_303 = arith.constant 1 : i32
    %jit3A_304 = arith.constant 0 : i32
    %broadcast_in_dim3A_305 = vector.broadcast %jit3A_303 : i32 to vector<16xi32>
    %broadcast_in_dim3A_306 = vector.broadcast %jit3A_304 : i32 to vector<16xi32>
    %select_n3A_307 = arith.select %and3A_302, %broadcast_in_dim3A_305, %broadcast_in_dim3A_306 : vector<16xi1>, vector<16xi32>
    %reduce_max3A_308 = arith.constant true
    %reduce_max3A_309 = vector.broadcast %reduce_max3A_308 : i1 to vector<16xi1>
    %reduce_max3A_310 = arith.constant -2147483648 : i32
    %reduce_max3A_311 = vector.broadcast %reduce_max3A_310 : i32 to vector<16xi32>
    %reduce_max3A_312 = arith.xori %select_n3A_307, %reduce_max3A_311 : vector<16xi32>
    %reduce_max3A_313 = tpu.scan <max>, %reduce_max3A_312 masked %reduce_max3A_309 : vector<16xi32>, vector<16xi1> -> vector<16xi32>
    %reduce_max3A_314 = arith.xori %reduce_max3A_313, %reduce_max3A_311 : vector<16xi32>
    %reduce_max3A_315 = vector.extract %reduce_max3A_314[15] : i32 from vector<16xi32>
    %broadcast_in_dim3A_316 = arith.constant 0 : i32
    %broadcast_in_dim3A_317 = vector.broadcast %broadcast_in_dim3A_316 : i32 to vector<16xi32>
    %lt3A_318 = arith.constant 0 : i32
    %lt3A_319 = vector.broadcast %lt3A_318 : i32 to vector<16xi32>
    %lt3A_320 = arith.cmpi slt, %iota3A, %lt3A_319 : vector<16xi32>
    %eq3A_321 = vector.broadcast %squeeze3A_298 : i32 to vector<16xi32>
    %eq3A_322 = arith.cmpi eq, %get3A_257, %eq3A_321 : vector<16xi32>
    %and3A_323 = arith.andi %eq3A_322, %gt3A_273 : vector<16xi1>
    %and3A_324 = arith.andi %and3A_323, %lt3A_320 : vector<16xi1>
    %jit3A_325 = arith.constant 1 : i32
    %jit3A_326 = arith.constant 0 : i32
    %broadcast_in_dim3A_327 = vector.broadcast %jit3A_325 : i32 to vector<16xi32>
    %broadcast_in_dim3A_328 = vector.broadcast %jit3A_326 : i32 to vector<16xi32>
    %select_n3A_329 = arith.select %and3A_324, %broadcast_in_dim3A_327, %broadcast_in_dim3A_328 : vector<16xi1>, vector<16xi32>
    %max3A = arith.maxsi %broadcast_in_dim3A_317, %select_n3A_329 : vector<16xi32>
    %reduce_max3A_330 = arith.constant true
    %reduce_max3A_331 = vector.broadcast %reduce_max3A_330 : i1 to vector<16xi1>
    %reduce_max3A_332 = arith.constant -2147483648 : i32
    %reduce_max3A_333 = vector.broadcast %reduce_max3A_332 : i32 to vector<16xi32>
    %reduce_max3A_334 = arith.xori %max3A, %reduce_max3A_333 : vector<16xi32>
    %reduce_max3A_335 = tpu.scan <max>, %reduce_max3A_334 masked %reduce_max3A_331 : vector<16xi32>, vector<16xi1> -> vector<16xi32>
    %reduce_max3A_336 = arith.xori %reduce_max3A_335, %reduce_max3A_333 : vector<16xi32>
    %reduce_max3A_337 = vector.extract %reduce_max3A_336[15] : i32 from vector<16xi32>
    %sub3A_338 = arith.constant 1 : i32
    %sub3A_339 = arith.subi %sub3A_338, %reduce_max3A_337 : i32
    %mul3A_340 = arith.muli %reduce_max3A_315, %sub3A_339 : i32
    %add3A_341 = arith.constant 0 : i32
    %add3A_342 = arith.addi %add3A_341, %mul3A_340 : i32
    %eq3A_343 = arith.constant 0 : i32
    %eq3A_344 = arith.cmpi eq, %select_n3A_30, %eq3A_343 : i32
    %eq3A_345 = arith.constant 0 : i32
    %eq3A_346 = vector.broadcast %eq3A_345 : i32 to vector<16xi32>
    %eq3A_347 = arith.cmpi eq, %iota3A, %eq3A_346 : vector<16xi32>
    %and3A_348 = vector.broadcast %eq3A_344 : i1 to vector<16xi1>
    %and3A_349 = arith.andi %eq3A_347, %and3A_348 : vector<16xi1>
    %broadcast_in_dim3A_350 = vector.broadcast %mul3A_340 : i32 to vector<16xi32>
    %select_n3A_351 = arith.select %and3A_349, %broadcast_in_dim3A_350, %broadcast_in_dim3A_296 : vector<16xi1>, vector<16xi32>
    %slice3A_352 = vector.extract_strided_slice %get3A_257 {offsets = [1], sizes = [1], strides = [1]} : vector<16xi32> to vector<1xi32>
    %squeeze3A_353 = vector.extract %slice3A_352[0] : i32 from vector<1xi32>
    %eq3A_354 = arith.constant 1 : i32
    %eq3A_355 = vector.broadcast %eq3A_354 : i32 to vector<16xi32>
    %eq3A_356 = arith.cmpi eq, %iota3A, %eq3A_355 : vector<16xi32>
    %and3A_357 = arith.andi %eq3A_356, %gt3A_273 : vector<16xi1>
    %jit3A_358 = arith.constant 1 : i32
    %jit3A_359 = arith.constant 0 : i32
    %broadcast_in_dim3A_360 = vector.broadcast %jit3A_358 : i32 to vector<16xi32>
    %broadcast_in_dim3A_361 = vector.broadcast %jit3A_359 : i32 to vector<16xi32>
    %select_n3A_362 = arith.select %and3A_357, %broadcast_in_dim3A_360, %broadcast_in_dim3A_361 : vector<16xi1>, vector<16xi32>
    %reduce_max3A_363 = arith.constant true
    %reduce_max3A_364 = vector.broadcast %reduce_max3A_363 : i1 to vector<16xi1>
    %reduce_max3A_365 = arith.constant -2147483648 : i32
    %reduce_max3A_366 = vector.broadcast %reduce_max3A_365 : i32 to vector<16xi32>
    %reduce_max3A_367 = arith.xori %select_n3A_362, %reduce_max3A_366 : vector<16xi32>
    %reduce_max3A_368 = tpu.scan <max>, %reduce_max3A_367 masked %reduce_max3A_364 : vector<16xi32>, vector<16xi1> -> vector<16xi32>
    %reduce_max3A_369 = arith.xori %reduce_max3A_368, %reduce_max3A_366 : vector<16xi32>
    %reduce_max3A_370 = vector.extract %reduce_max3A_369[15] : i32 from vector<16xi32>
    %broadcast_in_dim3A_371 = arith.constant 0 : i32
    %broadcast_in_dim3A_372 = vector.broadcast %broadcast_in_dim3A_371 : i32 to vector<16xi32>
    %lt3A_373 = arith.constant 1 : i32
    %lt3A_374 = vector.broadcast %lt3A_373 : i32 to vector<16xi32>
    %lt3A_375 = arith.cmpi slt, %iota3A, %lt3A_374 : vector<16xi32>
    %eq3A_376 = vector.broadcast %squeeze3A_353 : i32 to vector<16xi32>
    %eq3A_377 = arith.cmpi eq, %get3A_257, %eq3A_376 : vector<16xi32>
    %and3A_378 = arith.andi %eq3A_377, %gt3A_273 : vector<16xi1>
    %and3A_379 = arith.andi %and3A_378, %lt3A_375 : vector<16xi1>
    %jit3A_380 = arith.constant 1 : i32
    %jit3A_381 = arith.constant 0 : i32
    %broadcast_in_dim3A_382 = vector.broadcast %jit3A_380 : i32 to vector<16xi32>
    %broadcast_in_dim3A_383 = vector.broadcast %jit3A_381 : i32 to vector<16xi32>
    %select_n3A_384 = arith.select %and3A_379, %broadcast_in_dim3A_382, %broadcast_in_dim3A_383 : vector<16xi1>, vector<16xi32>
    %max3A_385 = arith.maxsi %broadcast_in_dim3A_372, %select_n3A_384 : vector<16xi32>
    %reduce_max3A_386 = arith.constant true
    %reduce_max3A_387 = vector.broadcast %reduce_max3A_386 : i1 to vector<16xi1>
    %reduce_max3A_388 = arith.constant -2147483648 : i32
    %reduce_max3A_389 = vector.broadcast %reduce_max3A_388 : i32 to vector<16xi32>
    %reduce_max3A_390 = arith.xori %max3A_385, %reduce_max3A_389 : vector<16xi32>
    %reduce_max3A_391 = tpu.scan <max>, %reduce_max3A_390 masked %reduce_max3A_387 : vector<16xi32>, vector<16xi1> -> vector<16xi32>
    %reduce_max3A_392 = arith.xori %reduce_max3A_391, %reduce_max3A_389 : vector<16xi32>
    %reduce_max3A_393 = vector.extract %reduce_max3A_392[15] : i32 from vector<16xi32>
    %sub3A_394 = arith.constant 1 : i32
    %sub3A_395 = arith.subi %sub3A_394, %reduce_max3A_393 : i32
    %mul3A_396 = arith.muli %reduce_max3A_370, %sub3A_395 : i32
    %add3A_397 = arith.addi %add3A_342, %mul3A_396 : i32
    %eq3A_398 = arith.constant 0 : i32
    %eq3A_399 = arith.cmpi eq, %select_n3A_30, %eq3A_398 : i32
    %eq3A_400 = arith.constant 1 : i32
    %eq3A_401 = vector.broadcast %eq3A_400 : i32 to vector<16xi32>
    %eq3A_402 = arith.cmpi eq, %iota3A, %eq3A_401 : vector<16xi32>
    %and3A_403 = vector.broadcast %eq3A_399 : i1 to vector<16xi1>
    %and3A_404 = arith.andi %eq3A_402, %and3A_403 : vector<16xi1>
    %broadcast_in_dim3A_405 = vector.broadcast %mul3A_396 : i32 to vector<16xi32>
    %select_n3A_406 = arith.select %and3A_404, %broadcast_in_dim3A_405, %select_n3A_351 : vector<16xi1>, vector<16xi32>
    %slice3A_407 = vector.extract_strided_slice %get3A_257 {offsets = [2], sizes = [1], strides = [1]} : vector<16xi32> to vector<1xi32>
    %squeeze3A_408 = vector.extract %slice3A_407[0] : i32 from vector<1xi32>
    %eq3A_409 = arith.constant 2 : i32
    %eq3A_410 = vector.broadcast %eq3A_409 : i32 to vector<16xi32>
    %eq3A_411 = arith.cmpi eq, %iota3A, %eq3A_410 : vector<16xi32>
    %and3A_412 = arith.andi %eq3A_411, %gt3A_273 : vector<16xi1>
    %jit3A_413 = arith.constant 1 : i32
    %jit3A_414 = arith.constant 0 : i32
    %broadcast_in_dim3A_415 = vector.broadcast %jit3A_413 : i32 to vector<16xi32>
    %broadcast_in_dim3A_416 = vector.broadcast %jit3A_414 : i32 to vector<16xi32>
    %select_n3A_417 = arith.select %and3A_412, %broadcast_in_dim3A_415, %broadcast_in_dim3A_416 : vector<16xi1>, vector<16xi32>
    %reduce_max3A_418 = arith.constant true
    %reduce_max3A_419 = vector.broadcast %reduce_max3A_418 : i1 to vector<16xi1>
    %reduce_max3A_420 = arith.constant -2147483648 : i32
    %reduce_max3A_421 = vector.broadcast %reduce_max3A_420 : i32 to vector<16xi32>
    %reduce_max3A_422 = arith.xori %select_n3A_417, %reduce_max3A_421 : vector<16xi32>
    %reduce_max3A_423 = tpu.scan <max>, %reduce_max3A_422 masked %reduce_max3A_419 : vector<16xi32>, vector<16xi1> -> vector<16xi32>
    %reduce_max3A_424 = arith.xori %reduce_max3A_423, %reduce_max3A_421 : vector<16xi32>
    %reduce_max3A_425 = vector.extract %reduce_max3A_424[15] : i32 from vector<16xi32>
    %broadcast_in_dim3A_426 = arith.constant 0 : i32
    %broadcast_in_dim3A_427 = vector.broadcast %broadcast_in_dim3A_426 : i32 to vector<16xi32>
    %lt3A_428 = arith.constant 2 : i32
    %lt3A_429 = vector.broadcast %lt3A_428 : i32 to vector<16xi32>
    %lt3A_430 = arith.cmpi slt, %iota3A, %lt3A_429 : vector<16xi32>
    %eq3A_431 = vector.broadcast %squeeze3A_408 : i32 to vector<16xi32>
    %eq3A_432 = arith.cmpi eq, %get3A_257, %eq3A_431 : vector<16xi32>
    %and3A_433 = arith.andi %eq3A_432, %gt3A_273 : vector<16xi1>
    %and3A_434 = arith.andi %and3A_433, %lt3A_430 : vector<16xi1>
    %jit3A_435 = arith.constant 1 : i32
    %jit3A_436 = arith.constant 0 : i32
    %broadcast_in_dim3A_437 = vector.broadcast %jit3A_435 : i32 to vector<16xi32>
    %broadcast_in_dim3A_438 = vector.broadcast %jit3A_436 : i32 to vector<16xi32>
    %select_n3A_439 = arith.select %and3A_434, %broadcast_in_dim3A_437, %broadcast_in_dim3A_438 : vector<16xi1>, vector<16xi32>
    %max3A_440 = arith.maxsi %broadcast_in_dim3A_427, %select_n3A_439 : vector<16xi32>
    %reduce_max3A_441 = arith.constant true
    %reduce_max3A_442 = vector.broadcast %reduce_max3A_441 : i1 to vector<16xi1>
    %reduce_max3A_443 = arith.constant -2147483648 : i32
    %reduce_max3A_444 = vector.broadcast %reduce_max3A_443 : i32 to vector<16xi32>
    %reduce_max3A_445 = arith.xori %max3A_440, %reduce_max3A_444 : vector<16xi32>
    %reduce_max3A_446 = tpu.scan <max>, %reduce_max3A_445 masked %reduce_max3A_442 : vector<16xi32>, vector<16xi1> -> vector<16xi32>
    %reduce_max3A_447 = arith.xori %reduce_max3A_446, %reduce_max3A_444 : vector<16xi32>
    %reduce_max3A_448 = vector.extract %reduce_max3A_447[15] : i32 from vector<16xi32>
    %sub3A_449 = arith.constant 1 : i32
    %sub3A_450 = arith.subi %sub3A_449, %reduce_max3A_448 : i32
    %mul3A_451 = arith.muli %reduce_max3A_425, %sub3A_450 : i32
    %add3A_452 = arith.addi %add3A_397, %mul3A_451 : i32
    %eq3A_453 = arith.constant 0 : i32
    %eq3A_454 = arith.cmpi eq, %select_n3A_30, %eq3A_453 : i32
    %eq3A_455 = arith.constant 2 : i32
    %eq3A_456 = vector.broadcast %eq3A_455 : i32 to vector<16xi32>
    %eq3A_457 = arith.cmpi eq, %iota3A, %eq3A_456 : vector<16xi32>
    %and3A_458 = vector.broadcast %eq3A_454 : i1 to vector<16xi1>
    %and3A_459 = arith.andi %eq3A_457, %and3A_458 : vector<16xi1>
    %broadcast_in_dim3A_460 = vector.broadcast %mul3A_451 : i32 to vector<16xi32>
    %select_n3A_461 = arith.select %and3A_459, %broadcast_in_dim3A_460, %select_n3A_406 : vector<16xi1>, vector<16xi32>
    %slice3A_462 = vector.extract_strided_slice %get3A_257 {offsets = [3], sizes = [1], strides = [1]} : vector<16xi32> to vector<1xi32>
    %squeeze3A_463 = vector.extract %slice3A_462[0] : i32 from vector<1xi32>
    %eq3A_464 = arith.constant 3 : i32
    %eq3A_465 = vector.broadcast %eq3A_464 : i32 to vector<16xi32>
    %eq3A_466 = arith.cmpi eq, %iota3A, %eq3A_465 : vector<16xi32>
    %and3A_467 = arith.andi %eq3A_466, %gt3A_273 : vector<16xi1>
    %jit3A_468 = arith.constant 1 : i32
    %jit3A_469 = arith.constant 0 : i32
    %broadcast_in_dim3A_470 = vector.broadcast %jit3A_468 : i32 to vector<16xi32>
    %broadcast_in_dim3A_471 = vector.broadcast %jit3A_469 : i32 to vector<16xi32>
    %select_n3A_472 = arith.select %and3A_467, %broadcast_in_dim3A_470, %broadcast_in_dim3A_471 : vector<16xi1>, vector<16xi32>
    %reduce_max3A_473 = arith.constant true
    %reduce_max3A_474 = vector.broadcast %reduce_max3A_473 : i1 to vector<16xi1>
    %reduce_max3A_475 = arith.constant -2147483648 : i32
    %reduce_max3A_476 = vector.broadcast %reduce_max3A_475 : i32 to vector<16xi32>
    %reduce_max3A_477 = arith.xori %select_n3A_472, %reduce_max3A_476 : vector<16xi32>
    %reduce_max3A_478 = tpu.scan <max>, %reduce_max3A_477 masked %reduce_max3A_474 : vector<16xi32>, vector<16xi1> -> vector<16xi32>
    %reduce_max3A_479 = arith.xori %reduce_max3A_478, %reduce_max3A_476 : vector<16xi32>
    %reduce_max3A_480 = vector.extract %reduce_max3A_479[15] : i32 from vector<16xi32>
    %broadcast_in_dim3A_481 = arith.constant 0 : i32
    %broadcast_in_dim3A_482 = vector.broadcast %broadcast_in_dim3A_481 : i32 to vector<16xi32>
    %lt3A_483 = arith.constant 3 : i32
    %lt3A_484 = vector.broadcast %lt3A_483 : i32 to vector<16xi32>
    %lt3A_485 = arith.cmpi slt, %iota3A, %lt3A_484 : vector<16xi32>
    %eq3A_486 = vector.broadcast %squeeze3A_463 : i32 to vector<16xi32>
    %eq3A_487 = arith.cmpi eq, %get3A_257, %eq3A_486 : vector<16xi32>
    %and3A_488 = arith.andi %eq3A_487, %gt3A_273 : vector<16xi1>
    %and3A_489 = arith.andi %and3A_488, %lt3A_485 : vector<16xi1>
    %jit3A_490 = arith.constant 1 : i32
    %jit3A_491 = arith.constant 0 : i32
    %broadcast_in_dim3A_492 = vector.broadcast %jit3A_490 : i32 to vector<16xi32>
    %broadcast_in_dim3A_493 = vector.broadcast %jit3A_491 : i32 to vector<16xi32>
    %select_n3A_494 = arith.select %and3A_489, %broadcast_in_dim3A_492, %broadcast_in_dim3A_493 : vector<16xi1>, vector<16xi32>
    %max3A_495 = arith.maxsi %broadcast_in_dim3A_482, %select_n3A_494 : vector<16xi32>
    %reduce_max3A_496 = arith.constant true
    %reduce_max3A_497 = vector.broadcast %reduce_max3A_496 : i1 to vector<16xi1>
    %reduce_max3A_498 = arith.constant -2147483648 : i32
    %reduce_max3A_499 = vector.broadcast %reduce_max3A_498 : i32 to vector<16xi32>
    %reduce_max3A_500 = arith.xori %max3A_495, %reduce_max3A_499 : vector<16xi32>
    %reduce_max3A_501 = tpu.scan <max>, %reduce_max3A_500 masked %reduce_max3A_497 : vector<16xi32>, vector<16xi1> -> vector<16xi32>
    %reduce_max3A_502 = arith.xori %reduce_max3A_501, %reduce_max3A_499 : vector<16xi32>
    %reduce_max3A_503 = vector.extract %reduce_max3A_502[15] : i32 from vector<16xi32>
    %sub3A_504 = arith.constant 1 : i32
    %sub3A_505 = arith.subi %sub3A_504, %reduce_max3A_503 : i32
    %mul3A_506 = arith.muli %reduce_max3A_480, %sub3A_505 : i32
    %add3A_507 = arith.addi %add3A_452, %mul3A_506 : i32
    %eq3A_508 = arith.constant 0 : i32
    %eq3A_509 = arith.cmpi eq, %select_n3A_30, %eq3A_508 : i32
    %eq3A_510 = arith.constant 3 : i32
    %eq3A_511 = vector.broadcast %eq3A_510 : i32 to vector<16xi32>
    %eq3A_512 = arith.cmpi eq, %iota3A, %eq3A_511 : vector<16xi32>
    %and3A_513 = vector.broadcast %eq3A_509 : i1 to vector<16xi1>
    %and3A_514 = arith.andi %eq3A_512, %and3A_513 : vector<16xi1>
    %broadcast_in_dim3A_515 = vector.broadcast %mul3A_506 : i32 to vector<16xi32>
    %select_n3A_516 = arith.select %and3A_514, %broadcast_in_dim3A_515, %select_n3A_461 : vector<16xi1>, vector<16xi32>
    %slice3A_517 = vector.extract_strided_slice %get3A_259 {offsets = [0], sizes = [1], strides = [1]} : vector<16xi32> to vector<1xi32>
    %squeeze3A_518 = vector.extract %slice3A_517[0] : i32 from vector<1xi32>
    %eq3A_519 = arith.constant 0 : i32
    %eq3A_520 = vector.broadcast %eq3A_519 : i32 to vector<16xi32>
    %eq3A_521 = arith.cmpi eq, %iota3A, %eq3A_520 : vector<16xi32>
    %and3A_522 = arith.andi %eq3A_521, %gt3A_276 : vector<16xi1>
    %jit3A_523 = arith.constant 1 : i32
    %jit3A_524 = arith.constant 0 : i32
    %broadcast_in_dim3A_525 = vector.broadcast %jit3A_523 : i32 to vector<16xi32>
    %broadcast_in_dim3A_526 = vector.broadcast %jit3A_524 : i32 to vector<16xi32>
    %select_n3A_527 = arith.select %and3A_522, %broadcast_in_dim3A_525, %broadcast_in_dim3A_526 : vector<16xi1>, vector<16xi32>
    %reduce_max3A_528 = arith.constant true
    %reduce_max3A_529 = vector.broadcast %reduce_max3A_528 : i1 to vector<16xi1>
    %reduce_max3A_530 = arith.constant -2147483648 : i32
    %reduce_max3A_531 = vector.broadcast %reduce_max3A_530 : i32 to vector<16xi32>
    %reduce_max3A_532 = arith.xori %select_n3A_527, %reduce_max3A_531 : vector<16xi32>
    %reduce_max3A_533 = tpu.scan <max>, %reduce_max3A_532 masked %reduce_max3A_529 : vector<16xi32>, vector<16xi1> -> vector<16xi32>
    %reduce_max3A_534 = arith.xori %reduce_max3A_533, %reduce_max3A_531 : vector<16xi32>
    %reduce_max3A_535 = vector.extract %reduce_max3A_534[15] : i32 from vector<16xi32>
    %broadcast_in_dim3A_536 = arith.constant 0 : i32
    %broadcast_in_dim3A_537 = vector.broadcast %broadcast_in_dim3A_536 : i32 to vector<16xi32>
    %eq3A_538 = vector.broadcast %squeeze3A_518 : i32 to vector<16xi32>
    %eq3A_539 = arith.cmpi eq, %get3A_257, %eq3A_538 : vector<16xi32>
    %and3A_540 = arith.andi %eq3A_539, %gt3A_273 : vector<16xi1>
    %and3A_541 = arith.andi %and3A_540, %lt3A_57 : vector<16xi1>
    %jit3A_542 = arith.constant 1 : i32
    %jit3A_543 = arith.constant 0 : i32
    %broadcast_in_dim3A_544 = vector.broadcast %jit3A_542 : i32 to vector<16xi32>
    %broadcast_in_dim3A_545 = vector.broadcast %jit3A_543 : i32 to vector<16xi32>
    %select_n3A_546 = arith.select %and3A_541, %broadcast_in_dim3A_544, %broadcast_in_dim3A_545 : vector<16xi1>, vector<16xi32>
    %max3A_547 = arith.maxsi %broadcast_in_dim3A_537, %select_n3A_546 : vector<16xi32>
    %lt3A_548 = arith.constant 0 : i32
    %lt3A_549 = vector.broadcast %lt3A_548 : i32 to vector<16xi32>
    %lt3A_550 = arith.cmpi slt, %iota3A, %lt3A_549 : vector<16xi32>
    %eq3A_551 = vector.broadcast %squeeze3A_518 : i32 to vector<16xi32>
    %eq3A_552 = arith.cmpi eq, %get3A_259, %eq3A_551 : vector<16xi32>
    %and3A_553 = arith.andi %eq3A_552, %gt3A_276 : vector<16xi1>
    %and3A_554 = arith.andi %and3A_553, %lt3A_550 : vector<16xi1>
    %jit3A_555 = arith.constant 1 : i32
    %jit3A_556 = arith.constant 0 : i32
    %broadcast_in_dim3A_557 = vector.broadcast %jit3A_555 : i32 to vector<16xi32>
    %broadcast_in_dim3A_558 = vector.broadcast %jit3A_556 : i32 to vector<16xi32>
    %select_n3A_559 = arith.select %and3A_554, %broadcast_in_dim3A_557, %broadcast_in_dim3A_558 : vector<16xi1>, vector<16xi32>
    %max3A_560 = arith.maxsi %max3A_547, %select_n3A_559 : vector<16xi32>
    %reduce_max3A_561 = arith.constant true
    %reduce_max3A_562 = vector.broadcast %reduce_max3A_561 : i1 to vector<16xi1>
    %reduce_max3A_563 = arith.constant -2147483648 : i32
    %reduce_max3A_564 = vector.broadcast %reduce_max3A_563 : i32 to vector<16xi32>
    %reduce_max3A_565 = arith.xori %max3A_560, %reduce_max3A_564 : vector<16xi32>
    %reduce_max3A_566 = tpu.scan <max>, %reduce_max3A_565 masked %reduce_max3A_562 : vector<16xi32>, vector<16xi1> -> vector<16xi32>
    %reduce_max3A_567 = arith.xori %reduce_max3A_566, %reduce_max3A_564 : vector<16xi32>
    %reduce_max3A_568 = vector.extract %reduce_max3A_567[15] : i32 from vector<16xi32>
    %sub3A_569 = arith.constant 1 : i32
    %sub3A_570 = arith.subi %sub3A_569, %reduce_max3A_568 : i32
    %mul3A_571 = arith.muli %reduce_max3A_535, %sub3A_570 : i32
    %add3A_572 = arith.addi %add3A_507, %mul3A_571 : i32
    %eq3A_573 = arith.constant 1 : i32
    %eq3A_574 = arith.cmpi eq, %select_n3A_30, %eq3A_573 : i32
    %eq3A_575 = arith.constant 0 : i32
    %eq3A_576 = vector.broadcast %eq3A_575 : i32 to vector<16xi32>
    %eq3A_577 = arith.cmpi eq, %iota3A, %eq3A_576 : vector<16xi32>
    %and3A_578 = vector.broadcast %eq3A_574 : i1 to vector<16xi1>
    %and3A_579 = arith.andi %eq3A_577, %and3A_578 : vector<16xi1>
    %broadcast_in_dim3A_580 = vector.broadcast %mul3A_571 : i32 to vector<16xi32>
    %select_n3A_581 = arith.select %and3A_579, %broadcast_in_dim3A_580, %select_n3A_516 : vector<16xi1>, vector<16xi32>
    %slice3A_582 = vector.extract_strided_slice %get3A_259 {offsets = [1], sizes = [1], strides = [1]} : vector<16xi32> to vector<1xi32>
    %squeeze3A_583 = vector.extract %slice3A_582[0] : i32 from vector<1xi32>
    %eq3A_584 = arith.constant 1 : i32
    %eq3A_585 = vector.broadcast %eq3A_584 : i32 to vector<16xi32>
    %eq3A_586 = arith.cmpi eq, %iota3A, %eq3A_585 : vector<16xi32>
    %and3A_587 = arith.andi %eq3A_586, %gt3A_276 : vector<16xi1>
    %jit3A_588 = arith.constant 1 : i32
    %jit3A_589 = arith.constant 0 : i32
    %broadcast_in_dim3A_590 = vector.broadcast %jit3A_588 : i32 to vector<16xi32>
    %broadcast_in_dim3A_591 = vector.broadcast %jit3A_589 : i32 to vector<16xi32>
    %select_n3A_592 = arith.select %and3A_587, %broadcast_in_dim3A_590, %broadcast_in_dim3A_591 : vector<16xi1>, vector<16xi32>
    %reduce_max3A_593 = arith.constant true
    %reduce_max3A_594 = vector.broadcast %reduce_max3A_593 : i1 to vector<16xi1>
    %reduce_max3A_595 = arith.constant -2147483648 : i32
    %reduce_max3A_596 = vector.broadcast %reduce_max3A_595 : i32 to vector<16xi32>
    %reduce_max3A_597 = arith.xori %select_n3A_592, %reduce_max3A_596 : vector<16xi32>
    %reduce_max3A_598 = tpu.scan <max>, %reduce_max3A_597 masked %reduce_max3A_594 : vector<16xi32>, vector<16xi1> -> vector<16xi32>
    %reduce_max3A_599 = arith.xori %reduce_max3A_598, %reduce_max3A_596 : vector<16xi32>
    %reduce_max3A_600 = vector.extract %reduce_max3A_599[15] : i32 from vector<16xi32>
    %broadcast_in_dim3A_601 = arith.constant 0 : i32
    %broadcast_in_dim3A_602 = vector.broadcast %broadcast_in_dim3A_601 : i32 to vector<16xi32>
    %eq3A_603 = vector.broadcast %squeeze3A_583 : i32 to vector<16xi32>
    %eq3A_604 = arith.cmpi eq, %get3A_257, %eq3A_603 : vector<16xi32>
    %and3A_605 = arith.andi %eq3A_604, %gt3A_273 : vector<16xi1>
    %and3A_606 = arith.andi %and3A_605, %lt3A_57 : vector<16xi1>
    %jit3A_607 = arith.constant 1 : i32
    %jit3A_608 = arith.constant 0 : i32
    %broadcast_in_dim3A_609 = vector.broadcast %jit3A_607 : i32 to vector<16xi32>
    %broadcast_in_dim3A_610 = vector.broadcast %jit3A_608 : i32 to vector<16xi32>
    %select_n3A_611 = arith.select %and3A_606, %broadcast_in_dim3A_609, %broadcast_in_dim3A_610 : vector<16xi1>, vector<16xi32>
    %max3A_612 = arith.maxsi %broadcast_in_dim3A_602, %select_n3A_611 : vector<16xi32>
    %lt3A_613 = arith.constant 1 : i32
    %lt3A_614 = vector.broadcast %lt3A_613 : i32 to vector<16xi32>
    %lt3A_615 = arith.cmpi slt, %iota3A, %lt3A_614 : vector<16xi32>
    %eq3A_616 = vector.broadcast %squeeze3A_583 : i32 to vector<16xi32>
    %eq3A_617 = arith.cmpi eq, %get3A_259, %eq3A_616 : vector<16xi32>
    %and3A_618 = arith.andi %eq3A_617, %gt3A_276 : vector<16xi1>
    %and3A_619 = arith.andi %and3A_618, %lt3A_615 : vector<16xi1>
    %jit3A_620 = arith.constant 1 : i32
    %jit3A_621 = arith.constant 0 : i32
    %broadcast_in_dim3A_622 = vector.broadcast %jit3A_620 : i32 to vector<16xi32>
    %broadcast_in_dim3A_623 = vector.broadcast %jit3A_621 : i32 to vector<16xi32>
    %select_n3A_624 = arith.select %and3A_619, %broadcast_in_dim3A_622, %broadcast_in_dim3A_623 : vector<16xi1>, vector<16xi32>
    %max3A_625 = arith.maxsi %max3A_612, %select_n3A_624 : vector<16xi32>
    %reduce_max3A_626 = arith.constant true
    %reduce_max3A_627 = vector.broadcast %reduce_max3A_626 : i1 to vector<16xi1>
    %reduce_max3A_628 = arith.constant -2147483648 : i32
    %reduce_max3A_629 = vector.broadcast %reduce_max3A_628 : i32 to vector<16xi32>
    %reduce_max3A_630 = arith.xori %max3A_625, %reduce_max3A_629 : vector<16xi32>
    %reduce_max3A_631 = tpu.scan <max>, %reduce_max3A_630 masked %reduce_max3A_627 : vector<16xi32>, vector<16xi1> -> vector<16xi32>
    %reduce_max3A_632 = arith.xori %reduce_max3A_631, %reduce_max3A_629 : vector<16xi32>
    %reduce_max3A_633 = vector.extract %reduce_max3A_632[15] : i32 from vector<16xi32>
    %sub3A_634 = arith.constant 1 : i32
    %sub3A_635 = arith.subi %sub3A_634, %reduce_max3A_633 : i32
    %mul3A_636 = arith.muli %reduce_max3A_600, %sub3A_635 : i32
    %add3A_637 = arith.addi %add3A_572, %mul3A_636 : i32
    %eq3A_638 = arith.constant 1 : i32
    %eq3A_639 = arith.cmpi eq, %select_n3A_30, %eq3A_638 : i32
    %eq3A_640 = arith.constant 1 : i32
    %eq3A_641 = vector.broadcast %eq3A_640 : i32 to vector<16xi32>
    %eq3A_642 = arith.cmpi eq, %iota3A, %eq3A_641 : vector<16xi32>
    %and3A_643 = vector.broadcast %eq3A_639 : i1 to vector<16xi1>
    %and3A_644 = arith.andi %eq3A_642, %and3A_643 : vector<16xi1>
    %broadcast_in_dim3A_645 = vector.broadcast %mul3A_636 : i32 to vector<16xi32>
    %select_n3A_646 = arith.select %and3A_644, %broadcast_in_dim3A_645, %select_n3A_581 : vector<16xi1>, vector<16xi32>
    %slice3A_647 = vector.extract_strided_slice %get3A_259 {offsets = [2], sizes = [1], strides = [1]} : vector<16xi32> to vector<1xi32>
    %squeeze3A_648 = vector.extract %slice3A_647[0] : i32 from vector<1xi32>
    %eq3A_649 = arith.constant 2 : i32
    %eq3A_650 = vector.broadcast %eq3A_649 : i32 to vector<16xi32>
    %eq3A_651 = arith.cmpi eq, %iota3A, %eq3A_650 : vector<16xi32>
    %and3A_652 = arith.andi %eq3A_651, %gt3A_276 : vector<16xi1>
    %jit3A_653 = arith.constant 1 : i32
    %jit3A_654 = arith.constant 0 : i32
    %broadcast_in_dim3A_655 = vector.broadcast %jit3A_653 : i32 to vector<16xi32>
    %broadcast_in_dim3A_656 = vector.broadcast %jit3A_654 : i32 to vector<16xi32>
    %select_n3A_657 = arith.select %and3A_652, %broadcast_in_dim3A_655, %broadcast_in_dim3A_656 : vector<16xi1>, vector<16xi32>
    %reduce_max3A_658 = arith.constant true
    %reduce_max3A_659 = vector.broadcast %reduce_max3A_658 : i1 to vector<16xi1>
    %reduce_max3A_660 = arith.constant -2147483648 : i32
    %reduce_max3A_661 = vector.broadcast %reduce_max3A_660 : i32 to vector<16xi32>
    %reduce_max3A_662 = arith.xori %select_n3A_657, %reduce_max3A_661 : vector<16xi32>
    %reduce_max3A_663 = tpu.scan <max>, %reduce_max3A_662 masked %reduce_max3A_659 : vector<16xi32>, vector<16xi1> -> vector<16xi32>
    %reduce_max3A_664 = arith.xori %reduce_max3A_663, %reduce_max3A_661 : vector<16xi32>
    %reduce_max3A_665 = vector.extract %reduce_max3A_664[15] : i32 from vector<16xi32>
    %broadcast_in_dim3A_666 = arith.constant 0 : i32
    %broadcast_in_dim3A_667 = vector.broadcast %broadcast_in_dim3A_666 : i32 to vector<16xi32>
    %eq3A_668 = vector.broadcast %squeeze3A_648 : i32 to vector<16xi32>
    %eq3A_669 = arith.cmpi eq, %get3A_257, %eq3A_668 : vector<16xi32>
    %and3A_670 = arith.andi %eq3A_669, %gt3A_273 : vector<16xi1>
    %and3A_671 = arith.andi %and3A_670, %lt3A_57 : vector<16xi1>
    %jit3A_672 = arith.constant 1 : i32
    %jit3A_673 = arith.constant 0 : i32
    %broadcast_in_dim3A_674 = vector.broadcast %jit3A_672 : i32 to vector<16xi32>
    %broadcast_in_dim3A_675 = vector.broadcast %jit3A_673 : i32 to vector<16xi32>
    %select_n3A_676 = arith.select %and3A_671, %broadcast_in_dim3A_674, %broadcast_in_dim3A_675 : vector<16xi1>, vector<16xi32>
    %max3A_677 = arith.maxsi %broadcast_in_dim3A_667, %select_n3A_676 : vector<16xi32>
    %lt3A_678 = arith.constant 2 : i32
    %lt3A_679 = vector.broadcast %lt3A_678 : i32 to vector<16xi32>
    %lt3A_680 = arith.cmpi slt, %iota3A, %lt3A_679 : vector<16xi32>
    %eq3A_681 = vector.broadcast %squeeze3A_648 : i32 to vector<16xi32>
    %eq3A_682 = arith.cmpi eq, %get3A_259, %eq3A_681 : vector<16xi32>
    %and3A_683 = arith.andi %eq3A_682, %gt3A_276 : vector<16xi1>
    %and3A_684 = arith.andi %and3A_683, %lt3A_680 : vector<16xi1>
    %jit3A_685 = arith.constant 1 : i32
    %jit3A_686 = arith.constant 0 : i32
    %broadcast_in_dim3A_687 = vector.broadcast %jit3A_685 : i32 to vector<16xi32>
    %broadcast_in_dim3A_688 = vector.broadcast %jit3A_686 : i32 to vector<16xi32>
    %select_n3A_689 = arith.select %and3A_684, %broadcast_in_dim3A_687, %broadcast_in_dim3A_688 : vector<16xi1>, vector<16xi32>
    %max3A_690 = arith.maxsi %max3A_677, %select_n3A_689 : vector<16xi32>
    %reduce_max3A_691 = arith.constant true
    %reduce_max3A_692 = vector.broadcast %reduce_max3A_691 : i1 to vector<16xi1>
    %reduce_max3A_693 = arith.constant -2147483648 : i32
    %reduce_max3A_694 = vector.broadcast %reduce_max3A_693 : i32 to vector<16xi32>
    %reduce_max3A_695 = arith.xori %max3A_690, %reduce_max3A_694 : vector<16xi32>
    %reduce_max3A_696 = tpu.scan <max>, %reduce_max3A_695 masked %reduce_max3A_692 : vector<16xi32>, vector<16xi1> -> vector<16xi32>
    %reduce_max3A_697 = arith.xori %reduce_max3A_696, %reduce_max3A_694 : vector<16xi32>
    %reduce_max3A_698 = vector.extract %reduce_max3A_697[15] : i32 from vector<16xi32>
    %sub3A_699 = arith.constant 1 : i32
    %sub3A_700 = arith.subi %sub3A_699, %reduce_max3A_698 : i32
    %mul3A_701 = arith.muli %reduce_max3A_665, %sub3A_700 : i32
    %add3A_702 = arith.addi %add3A_637, %mul3A_701 : i32
    %eq3A_703 = arith.constant 1 : i32
    %eq3A_704 = arith.cmpi eq, %select_n3A_30, %eq3A_703 : i32
    %eq3A_705 = arith.constant 2 : i32
    %eq3A_706 = vector.broadcast %eq3A_705 : i32 to vector<16xi32>
    %eq3A_707 = arith.cmpi eq, %iota3A, %eq3A_706 : vector<16xi32>
    %and3A_708 = vector.broadcast %eq3A_704 : i1 to vector<16xi1>
    %and3A_709 = arith.andi %eq3A_707, %and3A_708 : vector<16xi1>
    %broadcast_in_dim3A_710 = vector.broadcast %mul3A_701 : i32 to vector<16xi32>
    %select_n3A_711 = arith.select %and3A_709, %broadcast_in_dim3A_710, %select_n3A_646 : vector<16xi1>, vector<16xi32>
    %slice3A_712 = vector.extract_strided_slice %get3A_259 {offsets = [3], sizes = [1], strides = [1]} : vector<16xi32> to vector<1xi32>
    %squeeze3A_713 = vector.extract %slice3A_712[0] : i32 from vector<1xi32>
    %eq3A_714 = arith.constant 3 : i32
    %eq3A_715 = vector.broadcast %eq3A_714 : i32 to vector<16xi32>
    %eq3A_716 = arith.cmpi eq, %iota3A, %eq3A_715 : vector<16xi32>
    %and3A_717 = arith.andi %eq3A_716, %gt3A_276 : vector<16xi1>
    %jit3A_718 = arith.constant 1 : i32
    %jit3A_719 = arith.constant 0 : i32
    %broadcast_in_dim3A_720 = vector.broadcast %jit3A_718 : i32 to vector<16xi32>
    %broadcast_in_dim3A_721 = vector.broadcast %jit3A_719 : i32 to vector<16xi32>
    %select_n3A_722 = arith.select %and3A_717, %broadcast_in_dim3A_720, %broadcast_in_dim3A_721 : vector<16xi1>, vector<16xi32>
    %reduce_max3A_723 = arith.constant true
    %reduce_max3A_724 = vector.broadcast %reduce_max3A_723 : i1 to vector<16xi1>
    %reduce_max3A_725 = arith.constant -2147483648 : i32
    %reduce_max3A_726 = vector.broadcast %reduce_max3A_725 : i32 to vector<16xi32>
    %reduce_max3A_727 = arith.xori %select_n3A_722, %reduce_max3A_726 : vector<16xi32>
    %reduce_max3A_728 = tpu.scan <max>, %reduce_max3A_727 masked %reduce_max3A_724 : vector<16xi32>, vector<16xi1> -> vector<16xi32>
    %reduce_max3A_729 = arith.xori %reduce_max3A_728, %reduce_max3A_726 : vector<16xi32>
    %reduce_max3A_730 = vector.extract %reduce_max3A_729[15] : i32 from vector<16xi32>
    %broadcast_in_dim3A_731 = arith.constant 0 : i32
    %broadcast_in_dim3A_732 = vector.broadcast %broadcast_in_dim3A_731 : i32 to vector<16xi32>
    %eq3A_733 = vector.broadcast %squeeze3A_713 : i32 to vector<16xi32>
    %eq3A_734 = arith.cmpi eq, %get3A_257, %eq3A_733 : vector<16xi32>
    %and3A_735 = arith.andi %eq3A_734, %gt3A_273 : vector<16xi1>
    %and3A_736 = arith.andi %and3A_735, %lt3A_57 : vector<16xi1>
    %jit3A_737 = arith.constant 1 : i32
    %jit3A_738 = arith.constant 0 : i32
    %broadcast_in_dim3A_739 = vector.broadcast %jit3A_737 : i32 to vector<16xi32>
    %broadcast_in_dim3A_740 = vector.broadcast %jit3A_738 : i32 to vector<16xi32>
    %select_n3A_741 = arith.select %and3A_736, %broadcast_in_dim3A_739, %broadcast_in_dim3A_740 : vector<16xi1>, vector<16xi32>
    %max3A_742 = arith.maxsi %broadcast_in_dim3A_732, %select_n3A_741 : vector<16xi32>
    %lt3A_743 = arith.constant 3 : i32
    %lt3A_744 = vector.broadcast %lt3A_743 : i32 to vector<16xi32>
    %lt3A_745 = arith.cmpi slt, %iota3A, %lt3A_744 : vector<16xi32>
    %eq3A_746 = vector.broadcast %squeeze3A_713 : i32 to vector<16xi32>
    %eq3A_747 = arith.cmpi eq, %get3A_259, %eq3A_746 : vector<16xi32>
    %and3A_748 = arith.andi %eq3A_747, %gt3A_276 : vector<16xi1>
    %and3A_749 = arith.andi %and3A_748, %lt3A_745 : vector<16xi1>
    %jit3A_750 = arith.constant 1 : i32
    %jit3A_751 = arith.constant 0 : i32
    %broadcast_in_dim3A_752 = vector.broadcast %jit3A_750 : i32 to vector<16xi32>
    %broadcast_in_dim3A_753 = vector.broadcast %jit3A_751 : i32 to vector<16xi32>
    %select_n3A_754 = arith.select %and3A_749, %broadcast_in_dim3A_752, %broadcast_in_dim3A_753 : vector<16xi1>, vector<16xi32>
    %max3A_755 = arith.maxsi %max3A_742, %select_n3A_754 : vector<16xi32>
    %reduce_max3A_756 = arith.constant true
    %reduce_max3A_757 = vector.broadcast %reduce_max3A_756 : i1 to vector<16xi1>
    %reduce_max3A_758 = arith.constant -2147483648 : i32
    %reduce_max3A_759 = vector.broadcast %reduce_max3A_758 : i32 to vector<16xi32>
    %reduce_max3A_760 = arith.xori %max3A_755, %reduce_max3A_759 : vector<16xi32>
    %reduce_max3A_761 = tpu.scan <max>, %reduce_max3A_760 masked %reduce_max3A_757 : vector<16xi32>, vector<16xi1> -> vector<16xi32>
    %reduce_max3A_762 = arith.xori %reduce_max3A_761, %reduce_max3A_759 : vector<16xi32>
    %reduce_max3A_763 = vector.extract %reduce_max3A_762[15] : i32 from vector<16xi32>
    %sub3A_764 = arith.constant 1 : i32
    %sub3A_765 = arith.subi %sub3A_764, %reduce_max3A_763 : i32
    %mul3A_766 = arith.muli %reduce_max3A_730, %sub3A_765 : i32
    %add3A_767 = arith.addi %add3A_702, %mul3A_766 : i32
    %eq3A_768 = arith.constant 1 : i32
    %eq3A_769 = arith.cmpi eq, %select_n3A_30, %eq3A_768 : i32
    %eq3A_770 = arith.constant 3 : i32
    %eq3A_771 = vector.broadcast %eq3A_770 : i32 to vector<16xi32>
    %eq3A_772 = arith.cmpi eq, %iota3A, %eq3A_771 : vector<16xi32>
    %and3A_773 = vector.broadcast %eq3A_769 : i1 to vector<16xi1>
    %and3A_774 = arith.andi %eq3A_772, %and3A_773 : vector<16xi1>
    %broadcast_in_dim3A_775 = vector.broadcast %mul3A_766 : i32 to vector<16xi32>
    %select_n3A_776 = arith.select %and3A_774, %broadcast_in_dim3A_775, %select_n3A_711 : vector<16xi1>, vector<16xi32>
    %slice3A_777 = vector.extract_strided_slice %get3A_261 {offsets = [0], sizes = [1], strides = [1]} : vector<16xi32> to vector<1xi32>
    %squeeze3A_778 = vector.extract %slice3A_777[0] : i32 from vector<1xi32>
    %eq3A_779 = arith.constant 0 : i32
    %eq3A_780 = vector.broadcast %eq3A_779 : i32 to vector<16xi32>
    %eq3A_781 = arith.cmpi eq, %iota3A, %eq3A_780 : vector<16xi32>
    %and3A_782 = arith.andi %eq3A_781, %gt3A_279 : vector<16xi1>
    %jit3A_783 = arith.constant 1 : i32
    %jit3A_784 = arith.constant 0 : i32
    %broadcast_in_dim3A_785 = vector.broadcast %jit3A_783 : i32 to vector<16xi32>
    %broadcast_in_dim3A_786 = vector.broadcast %jit3A_784 : i32 to vector<16xi32>
    %select_n3A_787 = arith.select %and3A_782, %broadcast_in_dim3A_785, %broadcast_in_dim3A_786 : vector<16xi1>, vector<16xi32>
    %reduce_max3A_788 = arith.constant true
    %reduce_max3A_789 = vector.broadcast %reduce_max3A_788 : i1 to vector<16xi1>
    %reduce_max3A_790 = arith.constant -2147483648 : i32
    %reduce_max3A_791 = vector.broadcast %reduce_max3A_790 : i32 to vector<16xi32>
    %reduce_max3A_792 = arith.xori %select_n3A_787, %reduce_max3A_791 : vector<16xi32>
    %reduce_max3A_793 = tpu.scan <max>, %reduce_max3A_792 masked %reduce_max3A_789 : vector<16xi32>, vector<16xi1> -> vector<16xi32>
    %reduce_max3A_794 = arith.xori %reduce_max3A_793, %reduce_max3A_791 : vector<16xi32>
    %reduce_max3A_795 = vector.extract %reduce_max3A_794[15] : i32 from vector<16xi32>
    %broadcast_in_dim3A_796 = arith.constant 0 : i32
    %broadcast_in_dim3A_797 = vector.broadcast %broadcast_in_dim3A_796 : i32 to vector<16xi32>
    %eq3A_798 = vector.broadcast %squeeze3A_778 : i32 to vector<16xi32>
    %eq3A_799 = arith.cmpi eq, %get3A_257, %eq3A_798 : vector<16xi32>
    %and3A_800 = arith.andi %eq3A_799, %gt3A_273 : vector<16xi1>
    %and3A_801 = arith.andi %and3A_800, %lt3A_57 : vector<16xi1>
    %jit3A_802 = arith.constant 1 : i32
    %jit3A_803 = arith.constant 0 : i32
    %broadcast_in_dim3A_804 = vector.broadcast %jit3A_802 : i32 to vector<16xi32>
    %broadcast_in_dim3A_805 = vector.broadcast %jit3A_803 : i32 to vector<16xi32>
    %select_n3A_806 = arith.select %and3A_801, %broadcast_in_dim3A_804, %broadcast_in_dim3A_805 : vector<16xi1>, vector<16xi32>
    %max3A_807 = arith.maxsi %broadcast_in_dim3A_797, %select_n3A_806 : vector<16xi32>
    %eq3A_808 = vector.broadcast %squeeze3A_778 : i32 to vector<16xi32>
    %eq3A_809 = arith.cmpi eq, %get3A_259, %eq3A_808 : vector<16xi32>
    %and3A_810 = arith.andi %eq3A_809, %gt3A_276 : vector<16xi1>
    %and3A_811 = arith.andi %and3A_810, %lt3A_57 : vector<16xi1>
    %jit3A_812 = arith.constant 1 : i32
    %jit3A_813 = arith.constant 0 : i32
    %broadcast_in_dim3A_814 = vector.broadcast %jit3A_812 : i32 to vector<16xi32>
    %broadcast_in_dim3A_815 = vector.broadcast %jit3A_813 : i32 to vector<16xi32>
    %select_n3A_816 = arith.select %and3A_811, %broadcast_in_dim3A_814, %broadcast_in_dim3A_815 : vector<16xi1>, vector<16xi32>
    %max3A_817 = arith.maxsi %max3A_807, %select_n3A_816 : vector<16xi32>
    %lt3A_818 = arith.constant 0 : i32
    %lt3A_819 = vector.broadcast %lt3A_818 : i32 to vector<16xi32>
    %lt3A_820 = arith.cmpi slt, %iota3A, %lt3A_819 : vector<16xi32>
    %eq3A_821 = vector.broadcast %squeeze3A_778 : i32 to vector<16xi32>
    %eq3A_822 = arith.cmpi eq, %get3A_261, %eq3A_821 : vector<16xi32>
    %and3A_823 = arith.andi %eq3A_822, %gt3A_279 : vector<16xi1>
    %and3A_824 = arith.andi %and3A_823, %lt3A_820 : vector<16xi1>
    %jit3A_825 = arith.constant 1 : i32
    %jit3A_826 = arith.constant 0 : i32
    %broadcast_in_dim3A_827 = vector.broadcast %jit3A_825 : i32 to vector<16xi32>
    %broadcast_in_dim3A_828 = vector.broadcast %jit3A_826 : i32 to vector<16xi32>
    %select_n3A_829 = arith.select %and3A_824, %broadcast_in_dim3A_827, %broadcast_in_dim3A_828 : vector<16xi1>, vector<16xi32>
    %max3A_830 = arith.maxsi %max3A_817, %select_n3A_829 : vector<16xi32>
    %reduce_max3A_831 = arith.constant true
    %reduce_max3A_832 = vector.broadcast %reduce_max3A_831 : i1 to vector<16xi1>
    %reduce_max3A_833 = arith.constant -2147483648 : i32
    %reduce_max3A_834 = vector.broadcast %reduce_max3A_833 : i32 to vector<16xi32>
    %reduce_max3A_835 = arith.xori %max3A_830, %reduce_max3A_834 : vector<16xi32>
    %reduce_max3A_836 = tpu.scan <max>, %reduce_max3A_835 masked %reduce_max3A_832 : vector<16xi32>, vector<16xi1> -> vector<16xi32>
    %reduce_max3A_837 = arith.xori %reduce_max3A_836, %reduce_max3A_834 : vector<16xi32>
    %reduce_max3A_838 = vector.extract %reduce_max3A_837[15] : i32 from vector<16xi32>
    %sub3A_839 = arith.constant 1 : i32
    %sub3A_840 = arith.subi %sub3A_839, %reduce_max3A_838 : i32
    %mul3A_841 = arith.muli %reduce_max3A_795, %sub3A_840 : i32
    %add3A_842 = arith.addi %add3A_767, %mul3A_841 : i32
    %eq3A_843 = arith.constant 2 : i32
    %eq3A_844 = arith.cmpi eq, %select_n3A_30, %eq3A_843 : i32
    %eq3A_845 = arith.constant 0 : i32
    %eq3A_846 = vector.broadcast %eq3A_845 : i32 to vector<16xi32>
    %eq3A_847 = arith.cmpi eq, %iota3A, %eq3A_846 : vector<16xi32>
    %and3A_848 = vector.broadcast %eq3A_844 : i1 to vector<16xi1>
    %and3A_849 = arith.andi %eq3A_847, %and3A_848 : vector<16xi1>
    %broadcast_in_dim3A_850 = vector.broadcast %mul3A_841 : i32 to vector<16xi32>
    %select_n3A_851 = arith.select %and3A_849, %broadcast_in_dim3A_850, %select_n3A_776 : vector<16xi1>, vector<16xi32>
    %slice3A_852 = vector.extract_strided_slice %get3A_261 {offsets = [1], sizes = [1], strides = [1]} : vector<16xi32> to vector<1xi32>
    %squeeze3A_853 = vector.extract %slice3A_852[0] : i32 from vector<1xi32>
    %eq3A_854 = arith.constant 1 : i32
    %eq3A_855 = vector.broadcast %eq3A_854 : i32 to vector<16xi32>
    %eq3A_856 = arith.cmpi eq, %iota3A, %eq3A_855 : vector<16xi32>
    %and3A_857 = arith.andi %eq3A_856, %gt3A_279 : vector<16xi1>
    %jit3A_858 = arith.constant 1 : i32
    %jit3A_859 = arith.constant 0 : i32
    %broadcast_in_dim3A_860 = vector.broadcast %jit3A_858 : i32 to vector<16xi32>
    %broadcast_in_dim3A_861 = vector.broadcast %jit3A_859 : i32 to vector<16xi32>
    %select_n3A_862 = arith.select %and3A_857, %broadcast_in_dim3A_860, %broadcast_in_dim3A_861 : vector<16xi1>, vector<16xi32>
    %reduce_max3A_863 = arith.constant true
    %reduce_max3A_864 = vector.broadcast %reduce_max3A_863 : i1 to vector<16xi1>
    %reduce_max3A_865 = arith.constant -2147483648 : i32
    %reduce_max3A_866 = vector.broadcast %reduce_max3A_865 : i32 to vector<16xi32>
    %reduce_max3A_867 = arith.xori %select_n3A_862, %reduce_max3A_866 : vector<16xi32>
    %reduce_max3A_868 = tpu.scan <max>, %reduce_max3A_867 masked %reduce_max3A_864 : vector<16xi32>, vector<16xi1> -> vector<16xi32>
    %reduce_max3A_869 = arith.xori %reduce_max3A_868, %reduce_max3A_866 : vector<16xi32>
    %reduce_max3A_870 = vector.extract %reduce_max3A_869[15] : i32 from vector<16xi32>
    %broadcast_in_dim3A_871 = arith.constant 0 : i32
    %broadcast_in_dim3A_872 = vector.broadcast %broadcast_in_dim3A_871 : i32 to vector<16xi32>
    %eq3A_873 = vector.broadcast %squeeze3A_853 : i32 to vector<16xi32>
    %eq3A_874 = arith.cmpi eq, %get3A_257, %eq3A_873 : vector<16xi32>
    %and3A_875 = arith.andi %eq3A_874, %gt3A_273 : vector<16xi1>
    %and3A_876 = arith.andi %and3A_875, %lt3A_57 : vector<16xi1>
    %jit3A_877 = arith.constant 1 : i32
    %jit3A_878 = arith.constant 0 : i32
    %broadcast_in_dim3A_879 = vector.broadcast %jit3A_877 : i32 to vector<16xi32>
    %broadcast_in_dim3A_880 = vector.broadcast %jit3A_878 : i32 to vector<16xi32>
    %select_n3A_881 = arith.select %and3A_876, %broadcast_in_dim3A_879, %broadcast_in_dim3A_880 : vector<16xi1>, vector<16xi32>
    %max3A_882 = arith.maxsi %broadcast_in_dim3A_872, %select_n3A_881 : vector<16xi32>
    %eq3A_883 = vector.broadcast %squeeze3A_853 : i32 to vector<16xi32>
    %eq3A_884 = arith.cmpi eq, %get3A_259, %eq3A_883 : vector<16xi32>
    %and3A_885 = arith.andi %eq3A_884, %gt3A_276 : vector<16xi1>
    %and3A_886 = arith.andi %and3A_885, %lt3A_57 : vector<16xi1>
    %jit3A_887 = arith.constant 1 : i32
    %jit3A_888 = arith.constant 0 : i32
    %broadcast_in_dim3A_889 = vector.broadcast %jit3A_887 : i32 to vector<16xi32>
    %broadcast_in_dim3A_890 = vector.broadcast %jit3A_888 : i32 to vector<16xi32>
    %select_n3A_891 = arith.select %and3A_886, %broadcast_in_dim3A_889, %broadcast_in_dim3A_890 : vector<16xi1>, vector<16xi32>
    %max3A_892 = arith.maxsi %max3A_882, %select_n3A_891 : vector<16xi32>
    %lt3A_893 = arith.constant 1 : i32
    %lt3A_894 = vector.broadcast %lt3A_893 : i32 to vector<16xi32>
    %lt3A_895 = arith.cmpi slt, %iota3A, %lt3A_894 : vector<16xi32>
    %eq3A_896 = vector.broadcast %squeeze3A_853 : i32 to vector<16xi32>
    %eq3A_897 = arith.cmpi eq, %get3A_261, %eq3A_896 : vector<16xi32>
    %and3A_898 = arith.andi %eq3A_897, %gt3A_279 : vector<16xi1>
    %and3A_899 = arith.andi %and3A_898, %lt3A_895 : vector<16xi1>
    %jit3A_900 = arith.constant 1 : i32
    %jit3A_901 = arith.constant 0 : i32
    %broadcast_in_dim3A_902 = vector.broadcast %jit3A_900 : i32 to vector<16xi32>
    %broadcast_in_dim3A_903 = vector.broadcast %jit3A_901 : i32 to vector<16xi32>
    %select_n3A_904 = arith.select %and3A_899, %broadcast_in_dim3A_902, %broadcast_in_dim3A_903 : vector<16xi1>, vector<16xi32>
    %max3A_905 = arith.maxsi %max3A_892, %select_n3A_904 : vector<16xi32>
    %reduce_max3A_906 = arith.constant true
    %reduce_max3A_907 = vector.broadcast %reduce_max3A_906 : i1 to vector<16xi1>
    %reduce_max3A_908 = arith.constant -2147483648 : i32
    %reduce_max3A_909 = vector.broadcast %reduce_max3A_908 : i32 to vector<16xi32>
    %reduce_max3A_910 = arith.xori %max3A_905, %reduce_max3A_909 : vector<16xi32>
    %reduce_max3A_911 = tpu.scan <max>, %reduce_max3A_910 masked %reduce_max3A_907 : vector<16xi32>, vector<16xi1> -> vector<16xi32>
    %reduce_max3A_912 = arith.xori %reduce_max3A_911, %reduce_max3A_909 : vector<16xi32>
    %reduce_max3A_913 = vector.extract %reduce_max3A_912[15] : i32 from vector<16xi32>
    %sub3A_914 = arith.constant 1 : i32
    %sub3A_915 = arith.subi %sub3A_914, %reduce_max3A_913 : i32
    %mul3A_916 = arith.muli %reduce_max3A_870, %sub3A_915 : i32
    %add3A_917 = arith.addi %add3A_842, %mul3A_916 : i32
    %eq3A_918 = arith.constant 2 : i32
    %eq3A_919 = arith.cmpi eq, %select_n3A_30, %eq3A_918 : i32
    %eq3A_920 = arith.constant 1 : i32
    %eq3A_921 = vector.broadcast %eq3A_920 : i32 to vector<16xi32>
    %eq3A_922 = arith.cmpi eq, %iota3A, %eq3A_921 : vector<16xi32>
    %and3A_923 = vector.broadcast %eq3A_919 : i1 to vector<16xi1>
    %and3A_924 = arith.andi %eq3A_922, %and3A_923 : vector<16xi1>
    %broadcast_in_dim3A_925 = vector.broadcast %mul3A_916 : i32 to vector<16xi32>
    %select_n3A_926 = arith.select %and3A_924, %broadcast_in_dim3A_925, %select_n3A_851 : vector<16xi1>, vector<16xi32>
    %slice3A_927 = vector.extract_strided_slice %get3A_261 {offsets = [2], sizes = [1], strides = [1]} : vector<16xi32> to vector<1xi32>
    %squeeze3A_928 = vector.extract %slice3A_927[0] : i32 from vector<1xi32>
    %eq3A_929 = arith.constant 2 : i32
    %eq3A_930 = vector.broadcast %eq3A_929 : i32 to vector<16xi32>
    %eq3A_931 = arith.cmpi eq, %iota3A, %eq3A_930 : vector<16xi32>
    %and3A_932 = arith.andi %eq3A_931, %gt3A_279 : vector<16xi1>
    %jit3A_933 = arith.constant 1 : i32
    %jit3A_934 = arith.constant 0 : i32
    %broadcast_in_dim3A_935 = vector.broadcast %jit3A_933 : i32 to vector<16xi32>
    %broadcast_in_dim3A_936 = vector.broadcast %jit3A_934 : i32 to vector<16xi32>
    %select_n3A_937 = arith.select %and3A_932, %broadcast_in_dim3A_935, %broadcast_in_dim3A_936 : vector<16xi1>, vector<16xi32>
    %reduce_max3A_938 = arith.constant true
    %reduce_max3A_939 = vector.broadcast %reduce_max3A_938 : i1 to vector<16xi1>
    %reduce_max3A_940 = arith.constant -2147483648 : i32
    %reduce_max3A_941 = vector.broadcast %reduce_max3A_940 : i32 to vector<16xi32>
    %reduce_max3A_942 = arith.xori %select_n3A_937, %reduce_max3A_941 : vector<16xi32>
    %reduce_max3A_943 = tpu.scan <max>, %reduce_max3A_942 masked %reduce_max3A_939 : vector<16xi32>, vector<16xi1> -> vector<16xi32>
    %reduce_max3A_944 = arith.xori %reduce_max3A_943, %reduce_max3A_941 : vector<16xi32>
    %reduce_max3A_945 = vector.extract %reduce_max3A_944[15] : i32 from vector<16xi32>
    %broadcast_in_dim3A_946 = arith.constant 0 : i32
    %broadcast_in_dim3A_947 = vector.broadcast %broadcast_in_dim3A_946 : i32 to vector<16xi32>
    %eq3A_948 = vector.broadcast %squeeze3A_928 : i32 to vector<16xi32>
    %eq3A_949 = arith.cmpi eq, %get3A_257, %eq3A_948 : vector<16xi32>
    %and3A_950 = arith.andi %eq3A_949, %gt3A_273 : vector<16xi1>
    %and3A_951 = arith.andi %and3A_950, %lt3A_57 : vector<16xi1>
    %jit3A_952 = arith.constant 1 : i32
    %jit3A_953 = arith.constant 0 : i32
    %broadcast_in_dim3A_954 = vector.broadcast %jit3A_952 : i32 to vector<16xi32>
    %broadcast_in_dim3A_955 = vector.broadcast %jit3A_953 : i32 to vector<16xi32>
    %select_n3A_956 = arith.select %and3A_951, %broadcast_in_dim3A_954, %broadcast_in_dim3A_955 : vector<16xi1>, vector<16xi32>
    %max3A_957 = arith.maxsi %broadcast_in_dim3A_947, %select_n3A_956 : vector<16xi32>
    %eq3A_958 = vector.broadcast %squeeze3A_928 : i32 to vector<16xi32>
    %eq3A_959 = arith.cmpi eq, %get3A_259, %eq3A_958 : vector<16xi32>
    %and3A_960 = arith.andi %eq3A_959, %gt3A_276 : vector<16xi1>
    %and3A_961 = arith.andi %and3A_960, %lt3A_57 : vector<16xi1>
    %jit3A_962 = arith.constant 1 : i32
    %jit3A_963 = arith.constant 0 : i32
    %broadcast_in_dim3A_964 = vector.broadcast %jit3A_962 : i32 to vector<16xi32>
    %broadcast_in_dim3A_965 = vector.broadcast %jit3A_963 : i32 to vector<16xi32>
    %select_n3A_966 = arith.select %and3A_961, %broadcast_in_dim3A_964, %broadcast_in_dim3A_965 : vector<16xi1>, vector<16xi32>
    %max3A_967 = arith.maxsi %max3A_957, %select_n3A_966 : vector<16xi32>
    %lt3A_968 = arith.constant 2 : i32
    %lt3A_969 = vector.broadcast %lt3A_968 : i32 to vector<16xi32>
    %lt3A_970 = arith.cmpi slt, %iota3A, %lt3A_969 : vector<16xi32>
    %eq3A_971 = vector.broadcast %squeeze3A_928 : i32 to vector<16xi32>
    %eq3A_972 = arith.cmpi eq, %get3A_261, %eq3A_971 : vector<16xi32>
    %and3A_973 = arith.andi %eq3A_972, %gt3A_279 : vector<16xi1>
    %and3A_974 = arith.andi %and3A_973, %lt3A_970 : vector<16xi1>
    %jit3A_975 = arith.constant 1 : i32
    %jit3A_976 = arith.constant 0 : i32
    %broadcast_in_dim3A_977 = vector.broadcast %jit3A_975 : i32 to vector<16xi32>
    %broadcast_in_dim3A_978 = vector.broadcast %jit3A_976 : i32 to vector<16xi32>
    %select_n3A_979 = arith.select %and3A_974, %broadcast_in_dim3A_977, %broadcast_in_dim3A_978 : vector<16xi1>, vector<16xi32>
    %max3A_980 = arith.maxsi %max3A_967, %select_n3A_979 : vector<16xi32>
    %reduce_max3A_981 = arith.constant true
    %reduce_max3A_982 = vector.broadcast %reduce_max3A_981 : i1 to vector<16xi1>
    %reduce_max3A_983 = arith.constant -2147483648 : i32
    %reduce_max3A_984 = vector.broadcast %reduce_max3A_983 : i32 to vector<16xi32>
    %reduce_max3A_985 = arith.xori %max3A_980, %reduce_max3A_984 : vector<16xi32>
    %reduce_max3A_986 = tpu.scan <max>, %reduce_max3A_985 masked %reduce_max3A_982 : vector<16xi32>, vector<16xi1> -> vector<16xi32>
    %reduce_max3A_987 = arith.xori %reduce_max3A_986, %reduce_max3A_984 : vector<16xi32>
    %reduce_max3A_988 = vector.extract %reduce_max3A_987[15] : i32 from vector<16xi32>
    %sub3A_989 = arith.constant 1 : i32
    %sub3A_990 = arith.subi %sub3A_989, %reduce_max3A_988 : i32
    %mul3A_991 = arith.muli %reduce_max3A_945, %sub3A_990 : i32
    %add3A_992 = arith.addi %add3A_917, %mul3A_991 : i32
    %eq3A_993 = arith.constant 2 : i32
    %eq3A_994 = arith.cmpi eq, %select_n3A_30, %eq3A_993 : i32
    %eq3A_995 = arith.constant 2 : i32
    %eq3A_996 = vector.broadcast %eq3A_995 : i32 to vector<16xi32>
    %eq3A_997 = arith.cmpi eq, %iota3A, %eq3A_996 : vector<16xi32>
    %and3A_998 = vector.broadcast %eq3A_994 : i1 to vector<16xi1>
    %and3A_999 = arith.andi %eq3A_997, %and3A_998 : vector<16xi1>
    %broadcast_in_dim3A_1000 = vector.broadcast %mul3A_991 : i32 to vector<16xi32>
    %select_n3A_1001 = arith.select %and3A_999, %broadcast_in_dim3A_1000, %select_n3A_926 : vector<16xi1>, vector<16xi32>
    %slice3A_1002 = vector.extract_strided_slice %get3A_261 {offsets = [3], sizes = [1], strides = [1]} : vector<16xi32> to vector<1xi32>
    %squeeze3A_1003 = vector.extract %slice3A_1002[0] : i32 from vector<1xi32>
    %eq3A_1004 = arith.constant 3 : i32
    %eq3A_1005 = vector.broadcast %eq3A_1004 : i32 to vector<16xi32>
    %eq3A_1006 = arith.cmpi eq, %iota3A, %eq3A_1005 : vector<16xi32>
    %and3A_1007 = arith.andi %eq3A_1006, %gt3A_279 : vector<16xi1>
    %jit3A_1008 = arith.constant 1 : i32
    %jit3A_1009 = arith.constant 0 : i32
    %broadcast_in_dim3A_1010 = vector.broadcast %jit3A_1008 : i32 to vector<16xi32>
    %broadcast_in_dim3A_1011 = vector.broadcast %jit3A_1009 : i32 to vector<16xi32>
    %select_n3A_1012 = arith.select %and3A_1007, %broadcast_in_dim3A_1010, %broadcast_in_dim3A_1011 : vector<16xi1>, vector<16xi32>
    %reduce_max3A_1013 = arith.constant true
    %reduce_max3A_1014 = vector.broadcast %reduce_max3A_1013 : i1 to vector<16xi1>
    %reduce_max3A_1015 = arith.constant -2147483648 : i32
    %reduce_max3A_1016 = vector.broadcast %reduce_max3A_1015 : i32 to vector<16xi32>
    %reduce_max3A_1017 = arith.xori %select_n3A_1012, %reduce_max3A_1016 : vector<16xi32>
    %reduce_max3A_1018 = tpu.scan <max>, %reduce_max3A_1017 masked %reduce_max3A_1014 : vector<16xi32>, vector<16xi1> -> vector<16xi32>
    %reduce_max3A_1019 = arith.xori %reduce_max3A_1018, %reduce_max3A_1016 : vector<16xi32>
    %reduce_max3A_1020 = vector.extract %reduce_max3A_1019[15] : i32 from vector<16xi32>
    %broadcast_in_dim3A_1021 = arith.constant 0 : i32
    %broadcast_in_dim3A_1022 = vector.broadcast %broadcast_in_dim3A_1021 : i32 to vector<16xi32>
    %eq3A_1023 = vector.broadcast %squeeze3A_1003 : i32 to vector<16xi32>
    %eq3A_1024 = arith.cmpi eq, %get3A_257, %eq3A_1023 : vector<16xi32>
    %and3A_1025 = arith.andi %eq3A_1024, %gt3A_273 : vector<16xi1>
    %and3A_1026 = arith.andi %and3A_1025, %lt3A_57 : vector<16xi1>
    %jit3A_1027 = arith.constant 1 : i32
    %jit3A_1028 = arith.constant 0 : i32
    %broadcast_in_dim3A_1029 = vector.broadcast %jit3A_1027 : i32 to vector<16xi32>
    %broadcast_in_dim3A_1030 = vector.broadcast %jit3A_1028 : i32 to vector<16xi32>
    %select_n3A_1031 = arith.select %and3A_1026, %broadcast_in_dim3A_1029, %broadcast_in_dim3A_1030 : vector<16xi1>, vector<16xi32>
    %max3A_1032 = arith.maxsi %broadcast_in_dim3A_1022, %select_n3A_1031 : vector<16xi32>
    %eq3A_1033 = vector.broadcast %squeeze3A_1003 : i32 to vector<16xi32>
    %eq3A_1034 = arith.cmpi eq, %get3A_259, %eq3A_1033 : vector<16xi32>
    %and3A_1035 = arith.andi %eq3A_1034, %gt3A_276 : vector<16xi1>
    %and3A_1036 = arith.andi %and3A_1035, %lt3A_57 : vector<16xi1>
    %jit3A_1037 = arith.constant 1 : i32
    %jit3A_1038 = arith.constant 0 : i32
    %broadcast_in_dim3A_1039 = vector.broadcast %jit3A_1037 : i32 to vector<16xi32>
    %broadcast_in_dim3A_1040 = vector.broadcast %jit3A_1038 : i32 to vector<16xi32>
    %select_n3A_1041 = arith.select %and3A_1036, %broadcast_in_dim3A_1039, %broadcast_in_dim3A_1040 : vector<16xi1>, vector<16xi32>
    %max3A_1042 = arith.maxsi %max3A_1032, %select_n3A_1041 : vector<16xi32>
    %lt3A_1043 = arith.constant 3 : i32
    %lt3A_1044 = vector.broadcast %lt3A_1043 : i32 to vector<16xi32>
    %lt3A_1045 = arith.cmpi slt, %iota3A, %lt3A_1044 : vector<16xi32>
    %eq3A_1046 = vector.broadcast %squeeze3A_1003 : i32 to vector<16xi32>
    %eq3A_1047 = arith.cmpi eq, %get3A_261, %eq3A_1046 : vector<16xi32>
    %and3A_1048 = arith.andi %eq3A_1047, %gt3A_279 : vector<16xi1>
    %and3A_1049 = arith.andi %and3A_1048, %lt3A_1045 : vector<16xi1>
    %jit3A_1050 = arith.constant 1 : i32
    %jit3A_1051 = arith.constant 0 : i32
    %broadcast_in_dim3A_1052 = vector.broadcast %jit3A_1050 : i32 to vector<16xi32>
    %broadcast_in_dim3A_1053 = vector.broadcast %jit3A_1051 : i32 to vector<16xi32>
    %select_n3A_1054 = arith.select %and3A_1049, %broadcast_in_dim3A_1052, %broadcast_in_dim3A_1053 : vector<16xi1>, vector<16xi32>
    %max3A_1055 = arith.maxsi %max3A_1042, %select_n3A_1054 : vector<16xi32>
    %reduce_max3A_1056 = arith.constant true
    %reduce_max3A_1057 = vector.broadcast %reduce_max3A_1056 : i1 to vector<16xi1>
    %reduce_max3A_1058 = arith.constant -2147483648 : i32
    %reduce_max3A_1059 = vector.broadcast %reduce_max3A_1058 : i32 to vector<16xi32>
    %reduce_max3A_1060 = arith.xori %max3A_1055, %reduce_max3A_1059 : vector<16xi32>
    %reduce_max3A_1061 = tpu.scan <max>, %reduce_max3A_1060 masked %reduce_max3A_1057 : vector<16xi32>, vector<16xi1> -> vector<16xi32>
    %reduce_max3A_1062 = arith.xori %reduce_max3A_1061, %reduce_max3A_1059 : vector<16xi32>
    %reduce_max3A_1063 = vector.extract %reduce_max3A_1062[15] : i32 from vector<16xi32>
    %sub3A_1064 = arith.constant 1 : i32
    %sub3A_1065 = arith.subi %sub3A_1064, %reduce_max3A_1063 : i32
    %mul3A_1066 = arith.muli %reduce_max3A_1020, %sub3A_1065 : i32
    %add3A_1067 = arith.addi %add3A_992, %mul3A_1066 : i32
    %eq3A_1068 = arith.constant 2 : i32
    %eq3A_1069 = arith.cmpi eq, %select_n3A_30, %eq3A_1068 : i32
    %eq3A_1070 = arith.constant 3 : i32
    %eq3A_1071 = vector.broadcast %eq3A_1070 : i32 to vector<16xi32>
    %eq3A_1072 = arith.cmpi eq, %iota3A, %eq3A_1071 : vector<16xi32>
    %and3A_1073 = vector.broadcast %eq3A_1069 : i1 to vector<16xi1>
    %and3A_1074 = arith.andi %eq3A_1072, %and3A_1073 : vector<16xi1>
    %broadcast_in_dim3A_1075 = vector.broadcast %mul3A_1066 : i32 to vector<16xi32>
    %select_n3A_1076 = arith.select %and3A_1074, %broadcast_in_dim3A_1075, %select_n3A_1001 : vector<16xi1>, vector<16xi32>
    %slice3A_1077 = vector.extract_strided_slice %get3A_263 {offsets = [0], sizes = [1], strides = [1]} : vector<16xi32> to vector<1xi32>
    %squeeze3A_1078 = vector.extract %slice3A_1077[0] : i32 from vector<1xi32>
    %eq3A_1079 = arith.constant 0 : i32
    %eq3A_1080 = vector.broadcast %eq3A_1079 : i32 to vector<16xi32>
    %eq3A_1081 = arith.cmpi eq, %iota3A, %eq3A_1080 : vector<16xi32>
    %and3A_1082 = arith.andi %eq3A_1081, %gt3A_282 : vector<16xi1>
    %jit3A_1083 = arith.constant 1 : i32
    %jit3A_1084 = arith.constant 0 : i32
    %broadcast_in_dim3A_1085 = vector.broadcast %jit3A_1083 : i32 to vector<16xi32>
    %broadcast_in_dim3A_1086 = vector.broadcast %jit3A_1084 : i32 to vector<16xi32>
    %select_n3A_1087 = arith.select %and3A_1082, %broadcast_in_dim3A_1085, %broadcast_in_dim3A_1086 : vector<16xi1>, vector<16xi32>
    %reduce_max3A_1088 = arith.constant true
    %reduce_max3A_1089 = vector.broadcast %reduce_max3A_1088 : i1 to vector<16xi1>
    %reduce_max3A_1090 = arith.constant -2147483648 : i32
    %reduce_max3A_1091 = vector.broadcast %reduce_max3A_1090 : i32 to vector<16xi32>
    %reduce_max3A_1092 = arith.xori %select_n3A_1087, %reduce_max3A_1091 : vector<16xi32>
    %reduce_max3A_1093 = tpu.scan <max>, %reduce_max3A_1092 masked %reduce_max3A_1089 : vector<16xi32>, vector<16xi1> -> vector<16xi32>
    %reduce_max3A_1094 = arith.xori %reduce_max3A_1093, %reduce_max3A_1091 : vector<16xi32>
    %reduce_max3A_1095 = vector.extract %reduce_max3A_1094[15] : i32 from vector<16xi32>
    %broadcast_in_dim3A_1096 = arith.constant 0 : i32
    %broadcast_in_dim3A_1097 = vector.broadcast %broadcast_in_dim3A_1096 : i32 to vector<16xi32>
    %eq3A_1098 = vector.broadcast %squeeze3A_1078 : i32 to vector<16xi32>
    %eq3A_1099 = arith.cmpi eq, %get3A_257, %eq3A_1098 : vector<16xi32>
    %and3A_1100 = arith.andi %eq3A_1099, %gt3A_273 : vector<16xi1>
    %and3A_1101 = arith.andi %and3A_1100, %lt3A_57 : vector<16xi1>
    %jit3A_1102 = arith.constant 1 : i32
    %jit3A_1103 = arith.constant 0 : i32
    %broadcast_in_dim3A_1104 = vector.broadcast %jit3A_1102 : i32 to vector<16xi32>
    %broadcast_in_dim3A_1105 = vector.broadcast %jit3A_1103 : i32 to vector<16xi32>
    %select_n3A_1106 = arith.select %and3A_1101, %broadcast_in_dim3A_1104, %broadcast_in_dim3A_1105 : vector<16xi1>, vector<16xi32>
    %max3A_1107 = arith.maxsi %broadcast_in_dim3A_1097, %select_n3A_1106 : vector<16xi32>
    %eq3A_1108 = vector.broadcast %squeeze3A_1078 : i32 to vector<16xi32>
    %eq3A_1109 = arith.cmpi eq, %get3A_259, %eq3A_1108 : vector<16xi32>
    %and3A_1110 = arith.andi %eq3A_1109, %gt3A_276 : vector<16xi1>
    %and3A_1111 = arith.andi %and3A_1110, %lt3A_57 : vector<16xi1>
    %jit3A_1112 = arith.constant 1 : i32
    %jit3A_1113 = arith.constant 0 : i32
    %broadcast_in_dim3A_1114 = vector.broadcast %jit3A_1112 : i32 to vector<16xi32>
    %broadcast_in_dim3A_1115 = vector.broadcast %jit3A_1113 : i32 to vector<16xi32>
    %select_n3A_1116 = arith.select %and3A_1111, %broadcast_in_dim3A_1114, %broadcast_in_dim3A_1115 : vector<16xi1>, vector<16xi32>
    %max3A_1117 = arith.maxsi %max3A_1107, %select_n3A_1116 : vector<16xi32>
    %eq3A_1118 = vector.broadcast %squeeze3A_1078 : i32 to vector<16xi32>
    %eq3A_1119 = arith.cmpi eq, %get3A_261, %eq3A_1118 : vector<16xi32>
    %and3A_1120 = arith.andi %eq3A_1119, %gt3A_279 : vector<16xi1>
    %and3A_1121 = arith.andi %and3A_1120, %lt3A_57 : vector<16xi1>
    %jit3A_1122 = arith.constant 1 : i32
    %jit3A_1123 = arith.constant 0 : i32
    %broadcast_in_dim3A_1124 = vector.broadcast %jit3A_1122 : i32 to vector<16xi32>
    %broadcast_in_dim3A_1125 = vector.broadcast %jit3A_1123 : i32 to vector<16xi32>
    %select_n3A_1126 = arith.select %and3A_1121, %broadcast_in_dim3A_1124, %broadcast_in_dim3A_1125 : vector<16xi1>, vector<16xi32>
    %max3A_1127 = arith.maxsi %max3A_1117, %select_n3A_1126 : vector<16xi32>
    %lt3A_1128 = arith.constant 0 : i32
    %lt3A_1129 = vector.broadcast %lt3A_1128 : i32 to vector<16xi32>
    %lt3A_1130 = arith.cmpi slt, %iota3A, %lt3A_1129 : vector<16xi32>
    %eq3A_1131 = vector.broadcast %squeeze3A_1078 : i32 to vector<16xi32>
    %eq3A_1132 = arith.cmpi eq, %get3A_263, %eq3A_1131 : vector<16xi32>
    %and3A_1133 = arith.andi %eq3A_1132, %gt3A_282 : vector<16xi1>
    %and3A_1134 = arith.andi %and3A_1133, %lt3A_1130 : vector<16xi1>
    %jit3A_1135 = arith.constant 1 : i32
    %jit3A_1136 = arith.constant 0 : i32
    %broadcast_in_dim3A_1137 = vector.broadcast %jit3A_1135 : i32 to vector<16xi32>
    %broadcast_in_dim3A_1138 = vector.broadcast %jit3A_1136 : i32 to vector<16xi32>
    %select_n3A_1139 = arith.select %and3A_1134, %broadcast_in_dim3A_1137, %broadcast_in_dim3A_1138 : vector<16xi1>, vector<16xi32>
    %max3A_1140 = arith.maxsi %max3A_1127, %select_n3A_1139 : vector<16xi32>
    %reduce_max3A_1141 = arith.constant true
    %reduce_max3A_1142 = vector.broadcast %reduce_max3A_1141 : i1 to vector<16xi1>
    %reduce_max3A_1143 = arith.constant -2147483648 : i32
    %reduce_max3A_1144 = vector.broadcast %reduce_max3A_1143 : i32 to vector<16xi32>
    %reduce_max3A_1145 = arith.xori %max3A_1140, %reduce_max3A_1144 : vector<16xi32>
    %reduce_max3A_1146 = tpu.scan <max>, %reduce_max3A_1145 masked %reduce_max3A_1142 : vector<16xi32>, vector<16xi1> -> vector<16xi32>
    %reduce_max3A_1147 = arith.xori %reduce_max3A_1146, %reduce_max3A_1144 : vector<16xi32>
    %reduce_max3A_1148 = vector.extract %reduce_max3A_1147[15] : i32 from vector<16xi32>
    %sub3A_1149 = arith.constant 1 : i32
    %sub3A_1150 = arith.subi %sub3A_1149, %reduce_max3A_1148 : i32
    %mul3A_1151 = arith.muli %reduce_max3A_1095, %sub3A_1150 : i32
    %add3A_1152 = arith.addi %add3A_1067, %mul3A_1151 : i32
    %eq3A_1153 = arith.constant 3 : i32
    %eq3A_1154 = arith.cmpi eq, %select_n3A_30, %eq3A_1153 : i32
    %eq3A_1155 = arith.constant 0 : i32
    %eq3A_1156 = vector.broadcast %eq3A_1155 : i32 to vector<16xi32>
    %eq3A_1157 = arith.cmpi eq, %iota3A, %eq3A_1156 : vector<16xi32>
    %and3A_1158 = vector.broadcast %eq3A_1154 : i1 to vector<16xi1>
    %and3A_1159 = arith.andi %eq3A_1157, %and3A_1158 : vector<16xi1>
    %broadcast_in_dim3A_1160 = vector.broadcast %mul3A_1151 : i32 to vector<16xi32>
    %select_n3A_1161 = arith.select %and3A_1159, %broadcast_in_dim3A_1160, %select_n3A_1076 : vector<16xi1>, vector<16xi32>
    %slice3A_1162 = vector.extract_strided_slice %get3A_263 {offsets = [1], sizes = [1], strides = [1]} : vector<16xi32> to vector<1xi32>
    %squeeze3A_1163 = vector.extract %slice3A_1162[0] : i32 from vector<1xi32>
    %eq3A_1164 = arith.constant 1 : i32
    %eq3A_1165 = vector.broadcast %eq3A_1164 : i32 to vector<16xi32>
    %eq3A_1166 = arith.cmpi eq, %iota3A, %eq3A_1165 : vector<16xi32>
    %and3A_1167 = arith.andi %eq3A_1166, %gt3A_282 : vector<16xi1>
    %jit3A_1168 = arith.constant 1 : i32
    %jit3A_1169 = arith.constant 0 : i32
    %broadcast_in_dim3A_1170 = vector.broadcast %jit3A_1168 : i32 to vector<16xi32>
    %broadcast_in_dim3A_1171 = vector.broadcast %jit3A_1169 : i32 to vector<16xi32>
    %select_n3A_1172 = arith.select %and3A_1167, %broadcast_in_dim3A_1170, %broadcast_in_dim3A_1171 : vector<16xi1>, vector<16xi32>
    %reduce_max3A_1173 = arith.constant true
    %reduce_max3A_1174 = vector.broadcast %reduce_max3A_1173 : i1 to vector<16xi1>
    %reduce_max3A_1175 = arith.constant -2147483648 : i32
    %reduce_max3A_1176 = vector.broadcast %reduce_max3A_1175 : i32 to vector<16xi32>
    %reduce_max3A_1177 = arith.xori %select_n3A_1172, %reduce_max3A_1176 : vector<16xi32>
    %reduce_max3A_1178 = tpu.scan <max>, %reduce_max3A_1177 masked %reduce_max3A_1174 : vector<16xi32>, vector<16xi1> -> vector<16xi32>
    %reduce_max3A_1179 = arith.xori %reduce_max3A_1178, %reduce_max3A_1176 : vector<16xi32>
    %reduce_max3A_1180 = vector.extract %reduce_max3A_1179[15] : i32 from vector<16xi32>
    %broadcast_in_dim3A_1181 = arith.constant 0 : i32
    %broadcast_in_dim3A_1182 = vector.broadcast %broadcast_in_dim3A_1181 : i32 to vector<16xi32>
    %eq3A_1183 = vector.broadcast %squeeze3A_1163 : i32 to vector<16xi32>
    %eq3A_1184 = arith.cmpi eq, %get3A_257, %eq3A_1183 : vector<16xi32>
    %and3A_1185 = arith.andi %eq3A_1184, %gt3A_273 : vector<16xi1>
    %and3A_1186 = arith.andi %and3A_1185, %lt3A_57 : vector<16xi1>
    %jit3A_1187 = arith.constant 1 : i32
    %jit3A_1188 = arith.constant 0 : i32
    %broadcast_in_dim3A_1189 = vector.broadcast %jit3A_1187 : i32 to vector<16xi32>
    %broadcast_in_dim3A_1190 = vector.broadcast %jit3A_1188 : i32 to vector<16xi32>
    %select_n3A_1191 = arith.select %and3A_1186, %broadcast_in_dim3A_1189, %broadcast_in_dim3A_1190 : vector<16xi1>, vector<16xi32>
    %max3A_1192 = arith.maxsi %broadcast_in_dim3A_1182, %select_n3A_1191 : vector<16xi32>
    %eq3A_1193 = vector.broadcast %squeeze3A_1163 : i32 to vector<16xi32>
    %eq3A_1194 = arith.cmpi eq, %get3A_259, %eq3A_1193 : vector<16xi32>
    %and3A_1195 = arith.andi %eq3A_1194, %gt3A_276 : vector<16xi1>
    %and3A_1196 = arith.andi %and3A_1195, %lt3A_57 : vector<16xi1>
    %jit3A_1197 = arith.constant 1 : i32
    %jit3A_1198 = arith.constant 0 : i32
    %broadcast_in_dim3A_1199 = vector.broadcast %jit3A_1197 : i32 to vector<16xi32>
    %broadcast_in_dim3A_1200 = vector.broadcast %jit3A_1198 : i32 to vector<16xi32>
    %select_n3A_1201 = arith.select %and3A_1196, %broadcast_in_dim3A_1199, %broadcast_in_dim3A_1200 : vector<16xi1>, vector<16xi32>
    %max3A_1202 = arith.maxsi %max3A_1192, %select_n3A_1201 : vector<16xi32>
    %eq3A_1203 = vector.broadcast %squeeze3A_1163 : i32 to vector<16xi32>
    %eq3A_1204 = arith.cmpi eq, %get3A_261, %eq3A_1203 : vector<16xi32>
    %and3A_1205 = arith.andi %eq3A_1204, %gt3A_279 : vector<16xi1>
    %and3A_1206 = arith.andi %and3A_1205, %lt3A_57 : vector<16xi1>
    %jit3A_1207 = arith.constant 1 : i32
    %jit3A_1208 = arith.constant 0 : i32
    %broadcast_in_dim3A_1209 = vector.broadcast %jit3A_1207 : i32 to vector<16xi32>
    %broadcast_in_dim3A_1210 = vector.broadcast %jit3A_1208 : i32 to vector<16xi32>
    %select_n3A_1211 = arith.select %and3A_1206, %broadcast_in_dim3A_1209, %broadcast_in_dim3A_1210 : vector<16xi1>, vector<16xi32>
    %max3A_1212 = arith.maxsi %max3A_1202, %select_n3A_1211 : vector<16xi32>
    %lt3A_1213 = arith.constant 1 : i32
    %lt3A_1214 = vector.broadcast %lt3A_1213 : i32 to vector<16xi32>
    %lt3A_1215 = arith.cmpi slt, %iota3A, %lt3A_1214 : vector<16xi32>
    %eq3A_1216 = vector.broadcast %squeeze3A_1163 : i32 to vector<16xi32>
    %eq3A_1217 = arith.cmpi eq, %get3A_263, %eq3A_1216 : vector<16xi32>
    %and3A_1218 = arith.andi %eq3A_1217, %gt3A_282 : vector<16xi1>
    %and3A_1219 = arith.andi %and3A_1218, %lt3A_1215 : vector<16xi1>
    %jit3A_1220 = arith.constant 1 : i32
    %jit3A_1221 = arith.constant 0 : i32
    %broadcast_in_dim3A_1222 = vector.broadcast %jit3A_1220 : i32 to vector<16xi32>
    %broadcast_in_dim3A_1223 = vector.broadcast %jit3A_1221 : i32 to vector<16xi32>
    %select_n3A_1224 = arith.select %and3A_1219, %broadcast_in_dim3A_1222, %broadcast_in_dim3A_1223 : vector<16xi1>, vector<16xi32>
    %max3A_1225 = arith.maxsi %max3A_1212, %select_n3A_1224 : vector<16xi32>
    %reduce_max3A_1226 = arith.constant true
    %reduce_max3A_1227 = vector.broadcast %reduce_max3A_1226 : i1 to vector<16xi1>
    %reduce_max3A_1228 = arith.constant -2147483648 : i32
    %reduce_max3A_1229 = vector.broadcast %reduce_max3A_1228 : i32 to vector<16xi32>
    %reduce_max3A_1230 = arith.xori %max3A_1225, %reduce_max3A_1229 : vector<16xi32>
    %reduce_max3A_1231 = tpu.scan <max>, %reduce_max3A_1230 masked %reduce_max3A_1227 : vector<16xi32>, vector<16xi1> -> vector<16xi32>
    %reduce_max3A_1232 = arith.xori %reduce_max3A_1231, %reduce_max3A_1229 : vector<16xi32>
    %reduce_max3A_1233 = vector.extract %reduce_max3A_1232[15] : i32 from vector<16xi32>
    %sub3A_1234 = arith.constant 1 : i32
    %sub3A_1235 = arith.subi %sub3A_1234, %reduce_max3A_1233 : i32
    %mul3A_1236 = arith.muli %reduce_max3A_1180, %sub3A_1235 : i32
    %add3A_1237 = arith.addi %add3A_1152, %mul3A_1236 : i32
    %eq3A_1238 = arith.constant 3 : i32
    %eq3A_1239 = arith.cmpi eq, %select_n3A_30, %eq3A_1238 : i32
    %eq3A_1240 = arith.constant 1 : i32
    %eq3A_1241 = vector.broadcast %eq3A_1240 : i32 to vector<16xi32>
    %eq3A_1242 = arith.cmpi eq, %iota3A, %eq3A_1241 : vector<16xi32>
    %and3A_1243 = vector.broadcast %eq3A_1239 : i1 to vector<16xi1>
    %and3A_1244 = arith.andi %eq3A_1242, %and3A_1243 : vector<16xi1>
    %broadcast_in_dim3A_1245 = vector.broadcast %mul3A_1236 : i32 to vector<16xi32>
    %select_n3A_1246 = arith.select %and3A_1244, %broadcast_in_dim3A_1245, %select_n3A_1161 : vector<16xi1>, vector<16xi32>
    %slice3A_1247 = vector.extract_strided_slice %get3A_263 {offsets = [2], sizes = [1], strides = [1]} : vector<16xi32> to vector<1xi32>
    %squeeze3A_1248 = vector.extract %slice3A_1247[0] : i32 from vector<1xi32>
    %eq3A_1249 = arith.constant 2 : i32
    %eq3A_1250 = vector.broadcast %eq3A_1249 : i32 to vector<16xi32>
    %eq3A_1251 = arith.cmpi eq, %iota3A, %eq3A_1250 : vector<16xi32>
    %and3A_1252 = arith.andi %eq3A_1251, %gt3A_282 : vector<16xi1>
    %jit3A_1253 = arith.constant 1 : i32
    %jit3A_1254 = arith.constant 0 : i32
    %broadcast_in_dim3A_1255 = vector.broadcast %jit3A_1253 : i32 to vector<16xi32>
    %broadcast_in_dim3A_1256 = vector.broadcast %jit3A_1254 : i32 to vector<16xi32>
    %select_n3A_1257 = arith.select %and3A_1252, %broadcast_in_dim3A_1255, %broadcast_in_dim3A_1256 : vector<16xi1>, vector<16xi32>
    %reduce_max3A_1258 = arith.constant true
    %reduce_max3A_1259 = vector.broadcast %reduce_max3A_1258 : i1 to vector<16xi1>
    %reduce_max3A_1260 = arith.constant -2147483648 : i32
    %reduce_max3A_1261 = vector.broadcast %reduce_max3A_1260 : i32 to vector<16xi32>
    %reduce_max3A_1262 = arith.xori %select_n3A_1257, %reduce_max3A_1261 : vector<16xi32>
    %reduce_max3A_1263 = tpu.scan <max>, %reduce_max3A_1262 masked %reduce_max3A_1259 : vector<16xi32>, vector<16xi1> -> vector<16xi32>
    %reduce_max3A_1264 = arith.xori %reduce_max3A_1263, %reduce_max3A_1261 : vector<16xi32>
    %reduce_max3A_1265 = vector.extract %reduce_max3A_1264[15] : i32 from vector<16xi32>
    %broadcast_in_dim3A_1266 = arith.constant 0 : i32
    %broadcast_in_dim3A_1267 = vector.broadcast %broadcast_in_dim3A_1266 : i32 to vector<16xi32>
    %eq3A_1268 = vector.broadcast %squeeze3A_1248 : i32 to vector<16xi32>
    %eq3A_1269 = arith.cmpi eq, %get3A_257, %eq3A_1268 : vector<16xi32>
    %and3A_1270 = arith.andi %eq3A_1269, %gt3A_273 : vector<16xi1>
    %and3A_1271 = arith.andi %and3A_1270, %lt3A_57 : vector<16xi1>
    %jit3A_1272 = arith.constant 1 : i32
    %jit3A_1273 = arith.constant 0 : i32
    %broadcast_in_dim3A_1274 = vector.broadcast %jit3A_1272 : i32 to vector<16xi32>
    %broadcast_in_dim3A_1275 = vector.broadcast %jit3A_1273 : i32 to vector<16xi32>
    %select_n3A_1276 = arith.select %and3A_1271, %broadcast_in_dim3A_1274, %broadcast_in_dim3A_1275 : vector<16xi1>, vector<16xi32>
    %max3A_1277 = arith.maxsi %broadcast_in_dim3A_1267, %select_n3A_1276 : vector<16xi32>
    %eq3A_1278 = vector.broadcast %squeeze3A_1248 : i32 to vector<16xi32>
    %eq3A_1279 = arith.cmpi eq, %get3A_259, %eq3A_1278 : vector<16xi32>
    %and3A_1280 = arith.andi %eq3A_1279, %gt3A_276 : vector<16xi1>
    %and3A_1281 = arith.andi %and3A_1280, %lt3A_57 : vector<16xi1>
    %jit3A_1282 = arith.constant 1 : i32
    %jit3A_1283 = arith.constant 0 : i32
    %broadcast_in_dim3A_1284 = vector.broadcast %jit3A_1282 : i32 to vector<16xi32>
    %broadcast_in_dim3A_1285 = vector.broadcast %jit3A_1283 : i32 to vector<16xi32>
    %select_n3A_1286 = arith.select %and3A_1281, %broadcast_in_dim3A_1284, %broadcast_in_dim3A_1285 : vector<16xi1>, vector<16xi32>
    %max3A_1287 = arith.maxsi %max3A_1277, %select_n3A_1286 : vector<16xi32>
    %eq3A_1288 = vector.broadcast %squeeze3A_1248 : i32 to vector<16xi32>
    %eq3A_1289 = arith.cmpi eq, %get3A_261, %eq3A_1288 : vector<16xi32>
    %and3A_1290 = arith.andi %eq3A_1289, %gt3A_279 : vector<16xi1>
    %and3A_1291 = arith.andi %and3A_1290, %lt3A_57 : vector<16xi1>
    %jit3A_1292 = arith.constant 1 : i32
    %jit3A_1293 = arith.constant 0 : i32
    %broadcast_in_dim3A_1294 = vector.broadcast %jit3A_1292 : i32 to vector<16xi32>
    %broadcast_in_dim3A_1295 = vector.broadcast %jit3A_1293 : i32 to vector<16xi32>
    %select_n3A_1296 = arith.select %and3A_1291, %broadcast_in_dim3A_1294, %broadcast_in_dim3A_1295 : vector<16xi1>, vector<16xi32>
    %max3A_1297 = arith.maxsi %max3A_1287, %select_n3A_1296 : vector<16xi32>
    %lt3A_1298 = arith.constant 2 : i32
    %lt3A_1299 = vector.broadcast %lt3A_1298 : i32 to vector<16xi32>
    %lt3A_1300 = arith.cmpi slt, %iota3A, %lt3A_1299 : vector<16xi32>
    %eq3A_1301 = vector.broadcast %squeeze3A_1248 : i32 to vector<16xi32>
    %eq3A_1302 = arith.cmpi eq, %get3A_263, %eq3A_1301 : vector<16xi32>
    %and3A_1303 = arith.andi %eq3A_1302, %gt3A_282 : vector<16xi1>
    %and3A_1304 = arith.andi %and3A_1303, %lt3A_1300 : vector<16xi1>
    %jit3A_1305 = arith.constant 1 : i32
    %jit3A_1306 = arith.constant 0 : i32
    %broadcast_in_dim3A_1307 = vector.broadcast %jit3A_1305 : i32 to vector<16xi32>
    %broadcast_in_dim3A_1308 = vector.broadcast %jit3A_1306 : i32 to vector<16xi32>
    %select_n3A_1309 = arith.select %and3A_1304, %broadcast_in_dim3A_1307, %broadcast_in_dim3A_1308 : vector<16xi1>, vector<16xi32>
    %max3A_1310 = arith.maxsi %max3A_1297, %select_n3A_1309 : vector<16xi32>
    %reduce_max3A_1311 = arith.constant true
    %reduce_max3A_1312 = vector.broadcast %reduce_max3A_1311 : i1 to vector<16xi1>
    %reduce_max3A_1313 = arith.constant -2147483648 : i32
    %reduce_max3A_1314 = vector.broadcast %reduce_max3A_1313 : i32 to vector<16xi32>
    %reduce_max3A_1315 = arith.xori %max3A_1310, %reduce_max3A_1314 : vector<16xi32>
    %reduce_max3A_1316 = tpu.scan <max>, %reduce_max3A_1315 masked %reduce_max3A_1312 : vector<16xi32>, vector<16xi1> -> vector<16xi32>
    %reduce_max3A_1317 = arith.xori %reduce_max3A_1316, %reduce_max3A_1314 : vector<16xi32>
    %reduce_max3A_1318 = vector.extract %reduce_max3A_1317[15] : i32 from vector<16xi32>
    %sub3A_1319 = arith.constant 1 : i32
    %sub3A_1320 = arith.subi %sub3A_1319, %reduce_max3A_1318 : i32
    %mul3A_1321 = arith.muli %reduce_max3A_1265, %sub3A_1320 : i32
    %add3A_1322 = arith.addi %add3A_1237, %mul3A_1321 : i32
    %eq3A_1323 = arith.constant 3 : i32
    %eq3A_1324 = arith.cmpi eq, %select_n3A_30, %eq3A_1323 : i32
    %eq3A_1325 = arith.constant 2 : i32
    %eq3A_1326 = vector.broadcast %eq3A_1325 : i32 to vector<16xi32>
    %eq3A_1327 = arith.cmpi eq, %iota3A, %eq3A_1326 : vector<16xi32>
    %and3A_1328 = vector.broadcast %eq3A_1324 : i1 to vector<16xi1>
    %and3A_1329 = arith.andi %eq3A_1327, %and3A_1328 : vector<16xi1>
    %broadcast_in_dim3A_1330 = vector.broadcast %mul3A_1321 : i32 to vector<16xi32>
    %select_n3A_1331 = arith.select %and3A_1329, %broadcast_in_dim3A_1330, %select_n3A_1246 : vector<16xi1>, vector<16xi32>
    %slice3A_1332 = vector.extract_strided_slice %get3A_263 {offsets = [3], sizes = [1], strides = [1]} : vector<16xi32> to vector<1xi32>
    %squeeze3A_1333 = vector.extract %slice3A_1332[0] : i32 from vector<1xi32>
    %eq3A_1334 = arith.constant 3 : i32
    %eq3A_1335 = vector.broadcast %eq3A_1334 : i32 to vector<16xi32>
    %eq3A_1336 = arith.cmpi eq, %iota3A, %eq3A_1335 : vector<16xi32>
    %and3A_1337 = arith.andi %eq3A_1336, %gt3A_282 : vector<16xi1>
    %jit3A_1338 = arith.constant 1 : i32
    %jit3A_1339 = arith.constant 0 : i32
    %broadcast_in_dim3A_1340 = vector.broadcast %jit3A_1338 : i32 to vector<16xi32>
    %broadcast_in_dim3A_1341 = vector.broadcast %jit3A_1339 : i32 to vector<16xi32>
    %select_n3A_1342 = arith.select %and3A_1337, %broadcast_in_dim3A_1340, %broadcast_in_dim3A_1341 : vector<16xi1>, vector<16xi32>
    %reduce_max3A_1343 = arith.constant true
    %reduce_max3A_1344 = vector.broadcast %reduce_max3A_1343 : i1 to vector<16xi1>
    %reduce_max3A_1345 = arith.constant -2147483648 : i32
    %reduce_max3A_1346 = vector.broadcast %reduce_max3A_1345 : i32 to vector<16xi32>
    %reduce_max3A_1347 = arith.xori %select_n3A_1342, %reduce_max3A_1346 : vector<16xi32>
    %reduce_max3A_1348 = tpu.scan <max>, %reduce_max3A_1347 masked %reduce_max3A_1344 : vector<16xi32>, vector<16xi1> -> vector<16xi32>
    %reduce_max3A_1349 = arith.xori %reduce_max3A_1348, %reduce_max3A_1346 : vector<16xi32>
    %reduce_max3A_1350 = vector.extract %reduce_max3A_1349[15] : i32 from vector<16xi32>
    %broadcast_in_dim3A_1351 = arith.constant 0 : i32
    %broadcast_in_dim3A_1352 = vector.broadcast %broadcast_in_dim3A_1351 : i32 to vector<16xi32>
    %eq3A_1353 = vector.broadcast %squeeze3A_1333 : i32 to vector<16xi32>
    %eq3A_1354 = arith.cmpi eq, %get3A_257, %eq3A_1353 : vector<16xi32>
    %and3A_1355 = arith.andi %eq3A_1354, %gt3A_273 : vector<16xi1>
    %and3A_1356 = arith.andi %and3A_1355, %lt3A_57 : vector<16xi1>
    %jit3A_1357 = arith.constant 1 : i32
    %jit3A_1358 = arith.constant 0 : i32
    %broadcast_in_dim3A_1359 = vector.broadcast %jit3A_1357 : i32 to vector<16xi32>
    %broadcast_in_dim3A_1360 = vector.broadcast %jit3A_1358 : i32 to vector<16xi32>
    %select_n3A_1361 = arith.select %and3A_1356, %broadcast_in_dim3A_1359, %broadcast_in_dim3A_1360 : vector<16xi1>, vector<16xi32>
    %max3A_1362 = arith.maxsi %broadcast_in_dim3A_1352, %select_n3A_1361 : vector<16xi32>
    %eq3A_1363 = vector.broadcast %squeeze3A_1333 : i32 to vector<16xi32>
    %eq3A_1364 = arith.cmpi eq, %get3A_259, %eq3A_1363 : vector<16xi32>
    %and3A_1365 = arith.andi %eq3A_1364, %gt3A_276 : vector<16xi1>
    %and3A_1366 = arith.andi %and3A_1365, %lt3A_57 : vector<16xi1>
    %jit3A_1367 = arith.constant 1 : i32
    %jit3A_1368 = arith.constant 0 : i32
    %broadcast_in_dim3A_1369 = vector.broadcast %jit3A_1367 : i32 to vector<16xi32>
    %broadcast_in_dim3A_1370 = vector.broadcast %jit3A_1368 : i32 to vector<16xi32>
    %select_n3A_1371 = arith.select %and3A_1366, %broadcast_in_dim3A_1369, %broadcast_in_dim3A_1370 : vector<16xi1>, vector<16xi32>
    %max3A_1372 = arith.maxsi %max3A_1362, %select_n3A_1371 : vector<16xi32>
    %eq3A_1373 = vector.broadcast %squeeze3A_1333 : i32 to vector<16xi32>
    %eq3A_1374 = arith.cmpi eq, %get3A_261, %eq3A_1373 : vector<16xi32>
    %and3A_1375 = arith.andi %eq3A_1374, %gt3A_279 : vector<16xi1>
    %and3A_1376 = arith.andi %and3A_1375, %lt3A_57 : vector<16xi1>
    %jit3A_1377 = arith.constant 1 : i32
    %jit3A_1378 = arith.constant 0 : i32
    %broadcast_in_dim3A_1379 = vector.broadcast %jit3A_1377 : i32 to vector<16xi32>
    %broadcast_in_dim3A_1380 = vector.broadcast %jit3A_1378 : i32 to vector<16xi32>
    %select_n3A_1381 = arith.select %and3A_1376, %broadcast_in_dim3A_1379, %broadcast_in_dim3A_1380 : vector<16xi1>, vector<16xi32>
    %max3A_1382 = arith.maxsi %max3A_1372, %select_n3A_1381 : vector<16xi32>
    %lt3A_1383 = arith.constant 3 : i32
    %lt3A_1384 = vector.broadcast %lt3A_1383 : i32 to vector<16xi32>
    %lt3A_1385 = arith.cmpi slt, %iota3A, %lt3A_1384 : vector<16xi32>
    %eq3A_1386 = vector.broadcast %squeeze3A_1333 : i32 to vector<16xi32>
    %eq3A_1387 = arith.cmpi eq, %get3A_263, %eq3A_1386 : vector<16xi32>
    %and3A_1388 = arith.andi %eq3A_1387, %gt3A_282 : vector<16xi1>
    %and3A_1389 = arith.andi %and3A_1388, %lt3A_1385 : vector<16xi1>
    %jit3A_1390 = arith.constant 1 : i32
    %jit3A_1391 = arith.constant 0 : i32
    %broadcast_in_dim3A_1392 = vector.broadcast %jit3A_1390 : i32 to vector<16xi32>
    %broadcast_in_dim3A_1393 = vector.broadcast %jit3A_1391 : i32 to vector<16xi32>
    %select_n3A_1394 = arith.select %and3A_1389, %broadcast_in_dim3A_1392, %broadcast_in_dim3A_1393 : vector<16xi1>, vector<16xi32>
    %max3A_1395 = arith.maxsi %max3A_1382, %select_n3A_1394 : vector<16xi32>
    %reduce_max3A_1396 = arith.constant true
    %reduce_max3A_1397 = vector.broadcast %reduce_max3A_1396 : i1 to vector<16xi1>
    %reduce_max3A_1398 = arith.constant -2147483648 : i32
    %reduce_max3A_1399 = vector.broadcast %reduce_max3A_1398 : i32 to vector<16xi32>
    %reduce_max3A_1400 = arith.xori %max3A_1395, %reduce_max3A_1399 : vector<16xi32>
    %reduce_max3A_1401 = tpu.scan <max>, %reduce_max3A_1400 masked %reduce_max3A_1397 : vector<16xi32>, vector<16xi1> -> vector<16xi32>
    %reduce_max3A_1402 = arith.xori %reduce_max3A_1401, %reduce_max3A_1399 : vector<16xi32>
    %reduce_max3A_1403 = vector.extract %reduce_max3A_1402[15] : i32 from vector<16xi32>
    %sub3A_1404 = arith.constant 1 : i32
    %sub3A_1405 = arith.subi %sub3A_1404, %reduce_max3A_1403 : i32
    %mul3A_1406 = arith.muli %reduce_max3A_1350, %sub3A_1405 : i32
    %add3A_1407 = arith.addi %add3A_1322, %mul3A_1406 : i32
    %eq3A_1408 = arith.constant 3 : i32
    %eq3A_1409 = arith.cmpi eq, %select_n3A_30, %eq3A_1408 : i32
    %eq3A_1410 = arith.constant 3 : i32
    %eq3A_1411 = vector.broadcast %eq3A_1410 : i32 to vector<16xi32>
    %eq3A_1412 = arith.cmpi eq, %iota3A, %eq3A_1411 : vector<16xi32>
    %and3A_1413 = vector.broadcast %eq3A_1409 : i1 to vector<16xi1>
    %and3A_1414 = arith.andi %eq3A_1412, %and3A_1413 : vector<16xi1>
    %broadcast_in_dim3A_1415 = vector.broadcast %mul3A_1406 : i32 to vector<16xi32>
    %select_n3A_1416 = arith.select %and3A_1414, %broadcast_in_dim3A_1415, %select_n3A_1331 : vector<16xi1>, vector<16xi32>
    %slice3A_1417 = vector.extract_strided_slice %get3A_265 {offsets = [0], sizes = [1], strides = [1]} : vector<16xi32> to vector<1xi32>
    %squeeze3A_1418 = vector.extract %slice3A_1417[0] : i32 from vector<1xi32>
    %eq3A_1419 = arith.constant 0 : i32
    %eq3A_1420 = vector.broadcast %eq3A_1419 : i32 to vector<16xi32>
    %eq3A_1421 = arith.cmpi eq, %iota3A, %eq3A_1420 : vector<16xi32>
    %and3A_1422 = arith.andi %eq3A_1421, %gt3A_285 : vector<16xi1>
    %jit3A_1423 = arith.constant 1 : i32
    %jit3A_1424 = arith.constant 0 : i32
    %broadcast_in_dim3A_1425 = vector.broadcast %jit3A_1423 : i32 to vector<16xi32>
    %broadcast_in_dim3A_1426 = vector.broadcast %jit3A_1424 : i32 to vector<16xi32>
    %select_n3A_1427 = arith.select %and3A_1422, %broadcast_in_dim3A_1425, %broadcast_in_dim3A_1426 : vector<16xi1>, vector<16xi32>
    %reduce_max3A_1428 = arith.constant true
    %reduce_max3A_1429 = vector.broadcast %reduce_max3A_1428 : i1 to vector<16xi1>
    %reduce_max3A_1430 = arith.constant -2147483648 : i32
    %reduce_max3A_1431 = vector.broadcast %reduce_max3A_1430 : i32 to vector<16xi32>
    %reduce_max3A_1432 = arith.xori %select_n3A_1427, %reduce_max3A_1431 : vector<16xi32>
    %reduce_max3A_1433 = tpu.scan <max>, %reduce_max3A_1432 masked %reduce_max3A_1429 : vector<16xi32>, vector<16xi1> -> vector<16xi32>
    %reduce_max3A_1434 = arith.xori %reduce_max3A_1433, %reduce_max3A_1431 : vector<16xi32>
    %reduce_max3A_1435 = vector.extract %reduce_max3A_1434[15] : i32 from vector<16xi32>
    %broadcast_in_dim3A_1436 = arith.constant 0 : i32
    %broadcast_in_dim3A_1437 = vector.broadcast %broadcast_in_dim3A_1436 : i32 to vector<16xi32>
    %eq3A_1438 = vector.broadcast %squeeze3A_1418 : i32 to vector<16xi32>
    %eq3A_1439 = arith.cmpi eq, %get3A_257, %eq3A_1438 : vector<16xi32>
    %and3A_1440 = arith.andi %eq3A_1439, %gt3A_273 : vector<16xi1>
    %and3A_1441 = arith.andi %and3A_1440, %lt3A_57 : vector<16xi1>
    %jit3A_1442 = arith.constant 1 : i32
    %jit3A_1443 = arith.constant 0 : i32
    %broadcast_in_dim3A_1444 = vector.broadcast %jit3A_1442 : i32 to vector<16xi32>
    %broadcast_in_dim3A_1445 = vector.broadcast %jit3A_1443 : i32 to vector<16xi32>
    %select_n3A_1446 = arith.select %and3A_1441, %broadcast_in_dim3A_1444, %broadcast_in_dim3A_1445 : vector<16xi1>, vector<16xi32>
    %max3A_1447 = arith.maxsi %broadcast_in_dim3A_1437, %select_n3A_1446 : vector<16xi32>
    %eq3A_1448 = vector.broadcast %squeeze3A_1418 : i32 to vector<16xi32>
    %eq3A_1449 = arith.cmpi eq, %get3A_259, %eq3A_1448 : vector<16xi32>
    %and3A_1450 = arith.andi %eq3A_1449, %gt3A_276 : vector<16xi1>
    %and3A_1451 = arith.andi %and3A_1450, %lt3A_57 : vector<16xi1>
    %jit3A_1452 = arith.constant 1 : i32
    %jit3A_1453 = arith.constant 0 : i32
    %broadcast_in_dim3A_1454 = vector.broadcast %jit3A_1452 : i32 to vector<16xi32>
    %broadcast_in_dim3A_1455 = vector.broadcast %jit3A_1453 : i32 to vector<16xi32>
    %select_n3A_1456 = arith.select %and3A_1451, %broadcast_in_dim3A_1454, %broadcast_in_dim3A_1455 : vector<16xi1>, vector<16xi32>
    %max3A_1457 = arith.maxsi %max3A_1447, %select_n3A_1456 : vector<16xi32>
    %eq3A_1458 = vector.broadcast %squeeze3A_1418 : i32 to vector<16xi32>
    %eq3A_1459 = arith.cmpi eq, %get3A_261, %eq3A_1458 : vector<16xi32>
    %and3A_1460 = arith.andi %eq3A_1459, %gt3A_279 : vector<16xi1>
    %and3A_1461 = arith.andi %and3A_1460, %lt3A_57 : vector<16xi1>
    %jit3A_1462 = arith.constant 1 : i32
    %jit3A_1463 = arith.constant 0 : i32
    %broadcast_in_dim3A_1464 = vector.broadcast %jit3A_1462 : i32 to vector<16xi32>
    %broadcast_in_dim3A_1465 = vector.broadcast %jit3A_1463 : i32 to vector<16xi32>
    %select_n3A_1466 = arith.select %and3A_1461, %broadcast_in_dim3A_1464, %broadcast_in_dim3A_1465 : vector<16xi1>, vector<16xi32>
    %max3A_1467 = arith.maxsi %max3A_1457, %select_n3A_1466 : vector<16xi32>
    %eq3A_1468 = vector.broadcast %squeeze3A_1418 : i32 to vector<16xi32>
    %eq3A_1469 = arith.cmpi eq, %get3A_263, %eq3A_1468 : vector<16xi32>
    %and3A_1470 = arith.andi %eq3A_1469, %gt3A_282 : vector<16xi1>
    %and3A_1471 = arith.andi %and3A_1470, %lt3A_57 : vector<16xi1>
    %jit3A_1472 = arith.constant 1 : i32
    %jit3A_1473 = arith.constant 0 : i32
    %broadcast_in_dim3A_1474 = vector.broadcast %jit3A_1472 : i32 to vector<16xi32>
    %broadcast_in_dim3A_1475 = vector.broadcast %jit3A_1473 : i32 to vector<16xi32>
    %select_n3A_1476 = arith.select %and3A_1471, %broadcast_in_dim3A_1474, %broadcast_in_dim3A_1475 : vector<16xi1>, vector<16xi32>
    %max3A_1477 = arith.maxsi %max3A_1467, %select_n3A_1476 : vector<16xi32>
    %lt3A_1478 = arith.constant 0 : i32
    %lt3A_1479 = vector.broadcast %lt3A_1478 : i32 to vector<16xi32>
    %lt3A_1480 = arith.cmpi slt, %iota3A, %lt3A_1479 : vector<16xi32>
    %eq3A_1481 = vector.broadcast %squeeze3A_1418 : i32 to vector<16xi32>
    %eq3A_1482 = arith.cmpi eq, %get3A_265, %eq3A_1481 : vector<16xi32>
    %and3A_1483 = arith.andi %eq3A_1482, %gt3A_285 : vector<16xi1>
    %and3A_1484 = arith.andi %and3A_1483, %lt3A_1480 : vector<16xi1>
    %jit3A_1485 = arith.constant 1 : i32
    %jit3A_1486 = arith.constant 0 : i32
    %broadcast_in_dim3A_1487 = vector.broadcast %jit3A_1485 : i32 to vector<16xi32>
    %broadcast_in_dim3A_1488 = vector.broadcast %jit3A_1486 : i32 to vector<16xi32>
    %select_n3A_1489 = arith.select %and3A_1484, %broadcast_in_dim3A_1487, %broadcast_in_dim3A_1488 : vector<16xi1>, vector<16xi32>
    %max3A_1490 = arith.maxsi %max3A_1477, %select_n3A_1489 : vector<16xi32>
    %reduce_max3A_1491 = arith.constant true
    %reduce_max3A_1492 = vector.broadcast %reduce_max3A_1491 : i1 to vector<16xi1>
    %reduce_max3A_1493 = arith.constant -2147483648 : i32
    %reduce_max3A_1494 = vector.broadcast %reduce_max3A_1493 : i32 to vector<16xi32>
    %reduce_max3A_1495 = arith.xori %max3A_1490, %reduce_max3A_1494 : vector<16xi32>
    %reduce_max3A_1496 = tpu.scan <max>, %reduce_max3A_1495 masked %reduce_max3A_1492 : vector<16xi32>, vector<16xi1> -> vector<16xi32>
    %reduce_max3A_1497 = arith.xori %reduce_max3A_1496, %reduce_max3A_1494 : vector<16xi32>
    %reduce_max3A_1498 = vector.extract %reduce_max3A_1497[15] : i32 from vector<16xi32>
    %sub3A_1499 = arith.constant 1 : i32
    %sub3A_1500 = arith.subi %sub3A_1499, %reduce_max3A_1498 : i32
    %mul3A_1501 = arith.muli %reduce_max3A_1435, %sub3A_1500 : i32
    %add3A_1502 = arith.addi %add3A_1407, %mul3A_1501 : i32
    %eq3A_1503 = arith.constant 4 : i32
    %eq3A_1504 = arith.cmpi eq, %select_n3A_30, %eq3A_1503 : i32
    %eq3A_1505 = arith.constant 0 : i32
    %eq3A_1506 = vector.broadcast %eq3A_1505 : i32 to vector<16xi32>
    %eq3A_1507 = arith.cmpi eq, %iota3A, %eq3A_1506 : vector<16xi32>
    %and3A_1508 = vector.broadcast %eq3A_1504 : i1 to vector<16xi1>
    %and3A_1509 = arith.andi %eq3A_1507, %and3A_1508 : vector<16xi1>
    %broadcast_in_dim3A_1510 = vector.broadcast %mul3A_1501 : i32 to vector<16xi32>
    %select_n3A_1511 = arith.select %and3A_1509, %broadcast_in_dim3A_1510, %select_n3A_1416 : vector<16xi1>, vector<16xi32>
    %slice3A_1512 = vector.extract_strided_slice %get3A_265 {offsets = [1], sizes = [1], strides = [1]} : vector<16xi32> to vector<1xi32>
    %squeeze3A_1513 = vector.extract %slice3A_1512[0] : i32 from vector<1xi32>
    %eq3A_1514 = arith.constant 1 : i32
    %eq3A_1515 = vector.broadcast %eq3A_1514 : i32 to vector<16xi32>
    %eq3A_1516 = arith.cmpi eq, %iota3A, %eq3A_1515 : vector<16xi32>
    %and3A_1517 = arith.andi %eq3A_1516, %gt3A_285 : vector<16xi1>
    %jit3A_1518 = arith.constant 1 : i32
    %jit3A_1519 = arith.constant 0 : i32
    %broadcast_in_dim3A_1520 = vector.broadcast %jit3A_1518 : i32 to vector<16xi32>
    %broadcast_in_dim3A_1521 = vector.broadcast %jit3A_1519 : i32 to vector<16xi32>
    %select_n3A_1522 = arith.select %and3A_1517, %broadcast_in_dim3A_1520, %broadcast_in_dim3A_1521 : vector<16xi1>, vector<16xi32>
    %reduce_max3A_1523 = arith.constant true
    %reduce_max3A_1524 = vector.broadcast %reduce_max3A_1523 : i1 to vector<16xi1>
    %reduce_max3A_1525 = arith.constant -2147483648 : i32
    %reduce_max3A_1526 = vector.broadcast %reduce_max3A_1525 : i32 to vector<16xi32>
    %reduce_max3A_1527 = arith.xori %select_n3A_1522, %reduce_max3A_1526 : vector<16xi32>
    %reduce_max3A_1528 = tpu.scan <max>, %reduce_max3A_1527 masked %reduce_max3A_1524 : vector<16xi32>, vector<16xi1> -> vector<16xi32>
    %reduce_max3A_1529 = arith.xori %reduce_max3A_1528, %reduce_max3A_1526 : vector<16xi32>
    %reduce_max3A_1530 = vector.extract %reduce_max3A_1529[15] : i32 from vector<16xi32>
    %broadcast_in_dim3A_1531 = arith.constant 0 : i32
    %broadcast_in_dim3A_1532 = vector.broadcast %broadcast_in_dim3A_1531 : i32 to vector<16xi32>
    %eq3A_1533 = vector.broadcast %squeeze3A_1513 : i32 to vector<16xi32>
    %eq3A_1534 = arith.cmpi eq, %get3A_257, %eq3A_1533 : vector<16xi32>
    %and3A_1535 = arith.andi %eq3A_1534, %gt3A_273 : vector<16xi1>
    %and3A_1536 = arith.andi %and3A_1535, %lt3A_57 : vector<16xi1>
    %jit3A_1537 = arith.constant 1 : i32
    %jit3A_1538 = arith.constant 0 : i32
    %broadcast_in_dim3A_1539 = vector.broadcast %jit3A_1537 : i32 to vector<16xi32>
    %broadcast_in_dim3A_1540 = vector.broadcast %jit3A_1538 : i32 to vector<16xi32>
    %select_n3A_1541 = arith.select %and3A_1536, %broadcast_in_dim3A_1539, %broadcast_in_dim3A_1540 : vector<16xi1>, vector<16xi32>
    %max3A_1542 = arith.maxsi %broadcast_in_dim3A_1532, %select_n3A_1541 : vector<16xi32>
    %eq3A_1543 = vector.broadcast %squeeze3A_1513 : i32 to vector<16xi32>
    %eq3A_1544 = arith.cmpi eq, %get3A_259, %eq3A_1543 : vector<16xi32>
    %and3A_1545 = arith.andi %eq3A_1544, %gt3A_276 : vector<16xi1>
    %and3A_1546 = arith.andi %and3A_1545, %lt3A_57 : vector<16xi1>
    %jit3A_1547 = arith.constant 1 : i32
    %jit3A_1548 = arith.constant 0 : i32
    %broadcast_in_dim3A_1549 = vector.broadcast %jit3A_1547 : i32 to vector<16xi32>
    %broadcast_in_dim3A_1550 = vector.broadcast %jit3A_1548 : i32 to vector<16xi32>
    %select_n3A_1551 = arith.select %and3A_1546, %broadcast_in_dim3A_1549, %broadcast_in_dim3A_1550 : vector<16xi1>, vector<16xi32>
    %max3A_1552 = arith.maxsi %max3A_1542, %select_n3A_1551 : vector<16xi32>
    %eq3A_1553 = vector.broadcast %squeeze3A_1513 : i32 to vector<16xi32>
    %eq3A_1554 = arith.cmpi eq, %get3A_261, %eq3A_1553 : vector<16xi32>
    %and3A_1555 = arith.andi %eq3A_1554, %gt3A_279 : vector<16xi1>
    %and3A_1556 = arith.andi %and3A_1555, %lt3A_57 : vector<16xi1>
    %jit3A_1557 = arith.constant 1 : i32
    %jit3A_1558 = arith.constant 0 : i32
    %broadcast_in_dim3A_1559 = vector.broadcast %jit3A_1557 : i32 to vector<16xi32>
    %broadcast_in_dim3A_1560 = vector.broadcast %jit3A_1558 : i32 to vector<16xi32>
    %select_n3A_1561 = arith.select %and3A_1556, %broadcast_in_dim3A_1559, %broadcast_in_dim3A_1560 : vector<16xi1>, vector<16xi32>
    %max3A_1562 = arith.maxsi %max3A_1552, %select_n3A_1561 : vector<16xi32>
    %eq3A_1563 = vector.broadcast %squeeze3A_1513 : i32 to vector<16xi32>
    %eq3A_1564 = arith.cmpi eq, %get3A_263, %eq3A_1563 : vector<16xi32>
    %and3A_1565 = arith.andi %eq3A_1564, %gt3A_282 : vector<16xi1>
    %and3A_1566 = arith.andi %and3A_1565, %lt3A_57 : vector<16xi1>
    %jit3A_1567 = arith.constant 1 : i32
    %jit3A_1568 = arith.constant 0 : i32
    %broadcast_in_dim3A_1569 = vector.broadcast %jit3A_1567 : i32 to vector<16xi32>
    %broadcast_in_dim3A_1570 = vector.broadcast %jit3A_1568 : i32 to vector<16xi32>
    %select_n3A_1571 = arith.select %and3A_1566, %broadcast_in_dim3A_1569, %broadcast_in_dim3A_1570 : vector<16xi1>, vector<16xi32>
    %max3A_1572 = arith.maxsi %max3A_1562, %select_n3A_1571 : vector<16xi32>
    %lt3A_1573 = arith.constant 1 : i32
    %lt3A_1574 = vector.broadcast %lt3A_1573 : i32 to vector<16xi32>
    %lt3A_1575 = arith.cmpi slt, %iota3A, %lt3A_1574 : vector<16xi32>
    %eq3A_1576 = vector.broadcast %squeeze3A_1513 : i32 to vector<16xi32>
    %eq3A_1577 = arith.cmpi eq, %get3A_265, %eq3A_1576 : vector<16xi32>
    %and3A_1578 = arith.andi %eq3A_1577, %gt3A_285 : vector<16xi1>
    %and3A_1579 = arith.andi %and3A_1578, %lt3A_1575 : vector<16xi1>
    %jit3A_1580 = arith.constant 1 : i32
    %jit3A_1581 = arith.constant 0 : i32
    %broadcast_in_dim3A_1582 = vector.broadcast %jit3A_1580 : i32 to vector<16xi32>
    %broadcast_in_dim3A_1583 = vector.broadcast %jit3A_1581 : i32 to vector<16xi32>
    %select_n3A_1584 = arith.select %and3A_1579, %broadcast_in_dim3A_1582, %broadcast_in_dim3A_1583 : vector<16xi1>, vector<16xi32>
    %max3A_1585 = arith.maxsi %max3A_1572, %select_n3A_1584 : vector<16xi32>
    %reduce_max3A_1586 = arith.constant true
    %reduce_max3A_1587 = vector.broadcast %reduce_max3A_1586 : i1 to vector<16xi1>
    %reduce_max3A_1588 = arith.constant -2147483648 : i32
    %reduce_max3A_1589 = vector.broadcast %reduce_max3A_1588 : i32 to vector<16xi32>
    %reduce_max3A_1590 = arith.xori %max3A_1585, %reduce_max3A_1589 : vector<16xi32>
    %reduce_max3A_1591 = tpu.scan <max>, %reduce_max3A_1590 masked %reduce_max3A_1587 : vector<16xi32>, vector<16xi1> -> vector<16xi32>
    %reduce_max3A_1592 = arith.xori %reduce_max3A_1591, %reduce_max3A_1589 : vector<16xi32>
    %reduce_max3A_1593 = vector.extract %reduce_max3A_1592[15] : i32 from vector<16xi32>
    %sub3A_1594 = arith.constant 1 : i32
    %sub3A_1595 = arith.subi %sub3A_1594, %reduce_max3A_1593 : i32
    %mul3A_1596 = arith.muli %reduce_max3A_1530, %sub3A_1595 : i32
    %add3A_1597 = arith.addi %add3A_1502, %mul3A_1596 : i32
    %eq3A_1598 = arith.constant 4 : i32
    %eq3A_1599 = arith.cmpi eq, %select_n3A_30, %eq3A_1598 : i32
    %eq3A_1600 = arith.constant 1 : i32
    %eq3A_1601 = vector.broadcast %eq3A_1600 : i32 to vector<16xi32>
    %eq3A_1602 = arith.cmpi eq, %iota3A, %eq3A_1601 : vector<16xi32>
    %and3A_1603 = vector.broadcast %eq3A_1599 : i1 to vector<16xi1>
    %and3A_1604 = arith.andi %eq3A_1602, %and3A_1603 : vector<16xi1>
    %broadcast_in_dim3A_1605 = vector.broadcast %mul3A_1596 : i32 to vector<16xi32>
    %select_n3A_1606 = arith.select %and3A_1604, %broadcast_in_dim3A_1605, %select_n3A_1511 : vector<16xi1>, vector<16xi32>
    %slice3A_1607 = vector.extract_strided_slice %get3A_265 {offsets = [2], sizes = [1], strides = [1]} : vector<16xi32> to vector<1xi32>
    %squeeze3A_1608 = vector.extract %slice3A_1607[0] : i32 from vector<1xi32>
    %eq3A_1609 = arith.constant 2 : i32
    %eq3A_1610 = vector.broadcast %eq3A_1609 : i32 to vector<16xi32>
    %eq3A_1611 = arith.cmpi eq, %iota3A, %eq3A_1610 : vector<16xi32>
    %and3A_1612 = arith.andi %eq3A_1611, %gt3A_285 : vector<16xi1>
    %jit3A_1613 = arith.constant 1 : i32
    %jit3A_1614 = arith.constant 0 : i32
    %broadcast_in_dim3A_1615 = vector.broadcast %jit3A_1613 : i32 to vector<16xi32>
    %broadcast_in_dim3A_1616 = vector.broadcast %jit3A_1614 : i32 to vector<16xi32>
    %select_n3A_1617 = arith.select %and3A_1612, %broadcast_in_dim3A_1615, %broadcast_in_dim3A_1616 : vector<16xi1>, vector<16xi32>
    %reduce_max3A_1618 = arith.constant true
    %reduce_max3A_1619 = vector.broadcast %reduce_max3A_1618 : i1 to vector<16xi1>
    %reduce_max3A_1620 = arith.constant -2147483648 : i32
    %reduce_max3A_1621 = vector.broadcast %reduce_max3A_1620 : i32 to vector<16xi32>
    %reduce_max3A_1622 = arith.xori %select_n3A_1617, %reduce_max3A_1621 : vector<16xi32>
    %reduce_max3A_1623 = tpu.scan <max>, %reduce_max3A_1622 masked %reduce_max3A_1619 : vector<16xi32>, vector<16xi1> -> vector<16xi32>
    %reduce_max3A_1624 = arith.xori %reduce_max3A_1623, %reduce_max3A_1621 : vector<16xi32>
    %reduce_max3A_1625 = vector.extract %reduce_max3A_1624[15] : i32 from vector<16xi32>
    %broadcast_in_dim3A_1626 = arith.constant 0 : i32
    %broadcast_in_dim3A_1627 = vector.broadcast %broadcast_in_dim3A_1626 : i32 to vector<16xi32>
    %eq3A_1628 = vector.broadcast %squeeze3A_1608 : i32 to vector<16xi32>
    %eq3A_1629 = arith.cmpi eq, %get3A_257, %eq3A_1628 : vector<16xi32>
    %and3A_1630 = arith.andi %eq3A_1629, %gt3A_273 : vector<16xi1>
    %and3A_1631 = arith.andi %and3A_1630, %lt3A_57 : vector<16xi1>
    %jit3A_1632 = arith.constant 1 : i32
    %jit3A_1633 = arith.constant 0 : i32
    %broadcast_in_dim3A_1634 = vector.broadcast %jit3A_1632 : i32 to vector<16xi32>
    %broadcast_in_dim3A_1635 = vector.broadcast %jit3A_1633 : i32 to vector<16xi32>
    %select_n3A_1636 = arith.select %and3A_1631, %broadcast_in_dim3A_1634, %broadcast_in_dim3A_1635 : vector<16xi1>, vector<16xi32>
    %max3A_1637 = arith.maxsi %broadcast_in_dim3A_1627, %select_n3A_1636 : vector<16xi32>
    %eq3A_1638 = vector.broadcast %squeeze3A_1608 : i32 to vector<16xi32>
    %eq3A_1639 = arith.cmpi eq, %get3A_259, %eq3A_1638 : vector<16xi32>
    %and3A_1640 = arith.andi %eq3A_1639, %gt3A_276 : vector<16xi1>
    %and3A_1641 = arith.andi %and3A_1640, %lt3A_57 : vector<16xi1>
    %jit3A_1642 = arith.constant 1 : i32
    %jit3A_1643 = arith.constant 0 : i32
    %broadcast_in_dim3A_1644 = vector.broadcast %jit3A_1642 : i32 to vector<16xi32>
    %broadcast_in_dim3A_1645 = vector.broadcast %jit3A_1643 : i32 to vector<16xi32>
    %select_n3A_1646 = arith.select %and3A_1641, %broadcast_in_dim3A_1644, %broadcast_in_dim3A_1645 : vector<16xi1>, vector<16xi32>
    %max3A_1647 = arith.maxsi %max3A_1637, %select_n3A_1646 : vector<16xi32>
    %eq3A_1648 = vector.broadcast %squeeze3A_1608 : i32 to vector<16xi32>
    %eq3A_1649 = arith.cmpi eq, %get3A_261, %eq3A_1648 : vector<16xi32>
    %and3A_1650 = arith.andi %eq3A_1649, %gt3A_279 : vector<16xi1>
    %and3A_1651 = arith.andi %and3A_1650, %lt3A_57 : vector<16xi1>
    %jit3A_1652 = arith.constant 1 : i32
    %jit3A_1653 = arith.constant 0 : i32
    %broadcast_in_dim3A_1654 = vector.broadcast %jit3A_1652 : i32 to vector<16xi32>
    %broadcast_in_dim3A_1655 = vector.broadcast %jit3A_1653 : i32 to vector<16xi32>
    %select_n3A_1656 = arith.select %and3A_1651, %broadcast_in_dim3A_1654, %broadcast_in_dim3A_1655 : vector<16xi1>, vector<16xi32>
    %max3A_1657 = arith.maxsi %max3A_1647, %select_n3A_1656 : vector<16xi32>
    %eq3A_1658 = vector.broadcast %squeeze3A_1608 : i32 to vector<16xi32>
    %eq3A_1659 = arith.cmpi eq, %get3A_263, %eq3A_1658 : vector<16xi32>
    %and3A_1660 = arith.andi %eq3A_1659, %gt3A_282 : vector<16xi1>
    %and3A_1661 = arith.andi %and3A_1660, %lt3A_57 : vector<16xi1>
    %jit3A_1662 = arith.constant 1 : i32
    %jit3A_1663 = arith.constant 0 : i32
    %broadcast_in_dim3A_1664 = vector.broadcast %jit3A_1662 : i32 to vector<16xi32>
    %broadcast_in_dim3A_1665 = vector.broadcast %jit3A_1663 : i32 to vector<16xi32>
    %select_n3A_1666 = arith.select %and3A_1661, %broadcast_in_dim3A_1664, %broadcast_in_dim3A_1665 : vector<16xi1>, vector<16xi32>
    %max3A_1667 = arith.maxsi %max3A_1657, %select_n3A_1666 : vector<16xi32>
    %lt3A_1668 = arith.constant 2 : i32
    %lt3A_1669 = vector.broadcast %lt3A_1668 : i32 to vector<16xi32>
    %lt3A_1670 = arith.cmpi slt, %iota3A, %lt3A_1669 : vector<16xi32>
    %eq3A_1671 = vector.broadcast %squeeze3A_1608 : i32 to vector<16xi32>
    %eq3A_1672 = arith.cmpi eq, %get3A_265, %eq3A_1671 : vector<16xi32>
    %and3A_1673 = arith.andi %eq3A_1672, %gt3A_285 : vector<16xi1>
    %and3A_1674 = arith.andi %and3A_1673, %lt3A_1670 : vector<16xi1>
    %jit3A_1675 = arith.constant 1 : i32
    %jit3A_1676 = arith.constant 0 : i32
    %broadcast_in_dim3A_1677 = vector.broadcast %jit3A_1675 : i32 to vector<16xi32>
    %broadcast_in_dim3A_1678 = vector.broadcast %jit3A_1676 : i32 to vector<16xi32>
    %select_n3A_1679 = arith.select %and3A_1674, %broadcast_in_dim3A_1677, %broadcast_in_dim3A_1678 : vector<16xi1>, vector<16xi32>
    %max3A_1680 = arith.maxsi %max3A_1667, %select_n3A_1679 : vector<16xi32>
    %reduce_max3A_1681 = arith.constant true
    %reduce_max3A_1682 = vector.broadcast %reduce_max3A_1681 : i1 to vector<16xi1>
    %reduce_max3A_1683 = arith.constant -2147483648 : i32
    %reduce_max3A_1684 = vector.broadcast %reduce_max3A_1683 : i32 to vector<16xi32>
    %reduce_max3A_1685 = arith.xori %max3A_1680, %reduce_max3A_1684 : vector<16xi32>
    %reduce_max3A_1686 = tpu.scan <max>, %reduce_max3A_1685 masked %reduce_max3A_1682 : vector<16xi32>, vector<16xi1> -> vector<16xi32>
    %reduce_max3A_1687 = arith.xori %reduce_max3A_1686, %reduce_max3A_1684 : vector<16xi32>
    %reduce_max3A_1688 = vector.extract %reduce_max3A_1687[15] : i32 from vector<16xi32>
    %sub3A_1689 = arith.constant 1 : i32
    %sub3A_1690 = arith.subi %sub3A_1689, %reduce_max3A_1688 : i32
    %mul3A_1691 = arith.muli %reduce_max3A_1625, %sub3A_1690 : i32
    %add3A_1692 = arith.addi %add3A_1597, %mul3A_1691 : i32
    %eq3A_1693 = arith.constant 4 : i32
    %eq3A_1694 = arith.cmpi eq, %select_n3A_30, %eq3A_1693 : i32
    %eq3A_1695 = arith.constant 2 : i32
    %eq3A_1696 = vector.broadcast %eq3A_1695 : i32 to vector<16xi32>
    %eq3A_1697 = arith.cmpi eq, %iota3A, %eq3A_1696 : vector<16xi32>
    %and3A_1698 = vector.broadcast %eq3A_1694 : i1 to vector<16xi1>
    %and3A_1699 = arith.andi %eq3A_1697, %and3A_1698 : vector<16xi1>
    %broadcast_in_dim3A_1700 = vector.broadcast %mul3A_1691 : i32 to vector<16xi32>
    %select_n3A_1701 = arith.select %and3A_1699, %broadcast_in_dim3A_1700, %select_n3A_1606 : vector<16xi1>, vector<16xi32>
    %slice3A_1702 = vector.extract_strided_slice %get3A_265 {offsets = [3], sizes = [1], strides = [1]} : vector<16xi32> to vector<1xi32>
    %squeeze3A_1703 = vector.extract %slice3A_1702[0] : i32 from vector<1xi32>
    %eq3A_1704 = arith.constant 3 : i32
    %eq3A_1705 = vector.broadcast %eq3A_1704 : i32 to vector<16xi32>
    %eq3A_1706 = arith.cmpi eq, %iota3A, %eq3A_1705 : vector<16xi32>
    %and3A_1707 = arith.andi %eq3A_1706, %gt3A_285 : vector<16xi1>
    %jit3A_1708 = arith.constant 1 : i32
    %jit3A_1709 = arith.constant 0 : i32
    %broadcast_in_dim3A_1710 = vector.broadcast %jit3A_1708 : i32 to vector<16xi32>
    %broadcast_in_dim3A_1711 = vector.broadcast %jit3A_1709 : i32 to vector<16xi32>
    %select_n3A_1712 = arith.select %and3A_1707, %broadcast_in_dim3A_1710, %broadcast_in_dim3A_1711 : vector<16xi1>, vector<16xi32>
    %reduce_max3A_1713 = arith.constant true
    %reduce_max3A_1714 = vector.broadcast %reduce_max3A_1713 : i1 to vector<16xi1>
    %reduce_max3A_1715 = arith.constant -2147483648 : i32
    %reduce_max3A_1716 = vector.broadcast %reduce_max3A_1715 : i32 to vector<16xi32>
    %reduce_max3A_1717 = arith.xori %select_n3A_1712, %reduce_max3A_1716 : vector<16xi32>
    %reduce_max3A_1718 = tpu.scan <max>, %reduce_max3A_1717 masked %reduce_max3A_1714 : vector<16xi32>, vector<16xi1> -> vector<16xi32>
    %reduce_max3A_1719 = arith.xori %reduce_max3A_1718, %reduce_max3A_1716 : vector<16xi32>
    %reduce_max3A_1720 = vector.extract %reduce_max3A_1719[15] : i32 from vector<16xi32>
    %broadcast_in_dim3A_1721 = arith.constant 0 : i32
    %broadcast_in_dim3A_1722 = vector.broadcast %broadcast_in_dim3A_1721 : i32 to vector<16xi32>
    %eq3A_1723 = vector.broadcast %squeeze3A_1703 : i32 to vector<16xi32>
    %eq3A_1724 = arith.cmpi eq, %get3A_257, %eq3A_1723 : vector<16xi32>
    %and3A_1725 = arith.andi %eq3A_1724, %gt3A_273 : vector<16xi1>
    %and3A_1726 = arith.andi %and3A_1725, %lt3A_57 : vector<16xi1>
    %jit3A_1727 = arith.constant 1 : i32
    %jit3A_1728 = arith.constant 0 : i32
    %broadcast_in_dim3A_1729 = vector.broadcast %jit3A_1727 : i32 to vector<16xi32>
    %broadcast_in_dim3A_1730 = vector.broadcast %jit3A_1728 : i32 to vector<16xi32>
    %select_n3A_1731 = arith.select %and3A_1726, %broadcast_in_dim3A_1729, %broadcast_in_dim3A_1730 : vector<16xi1>, vector<16xi32>
    %max3A_1732 = arith.maxsi %broadcast_in_dim3A_1722, %select_n3A_1731 : vector<16xi32>
    %eq3A_1733 = vector.broadcast %squeeze3A_1703 : i32 to vector<16xi32>
    %eq3A_1734 = arith.cmpi eq, %get3A_259, %eq3A_1733 : vector<16xi32>
    %and3A_1735 = arith.andi %eq3A_1734, %gt3A_276 : vector<16xi1>
    %and3A_1736 = arith.andi %and3A_1735, %lt3A_57 : vector<16xi1>
    %jit3A_1737 = arith.constant 1 : i32
    %jit3A_1738 = arith.constant 0 : i32
    %broadcast_in_dim3A_1739 = vector.broadcast %jit3A_1737 : i32 to vector<16xi32>
    %broadcast_in_dim3A_1740 = vector.broadcast %jit3A_1738 : i32 to vector<16xi32>
    %select_n3A_1741 = arith.select %and3A_1736, %broadcast_in_dim3A_1739, %broadcast_in_dim3A_1740 : vector<16xi1>, vector<16xi32>
    %max3A_1742 = arith.maxsi %max3A_1732, %select_n3A_1741 : vector<16xi32>
    %eq3A_1743 = vector.broadcast %squeeze3A_1703 : i32 to vector<16xi32>
    %eq3A_1744 = arith.cmpi eq, %get3A_261, %eq3A_1743 : vector<16xi32>
    %and3A_1745 = arith.andi %eq3A_1744, %gt3A_279 : vector<16xi1>
    %and3A_1746 = arith.andi %and3A_1745, %lt3A_57 : vector<16xi1>
    %jit3A_1747 = arith.constant 1 : i32
    %jit3A_1748 = arith.constant 0 : i32
    %broadcast_in_dim3A_1749 = vector.broadcast %jit3A_1747 : i32 to vector<16xi32>
    %broadcast_in_dim3A_1750 = vector.broadcast %jit3A_1748 : i32 to vector<16xi32>
    %select_n3A_1751 = arith.select %and3A_1746, %broadcast_in_dim3A_1749, %broadcast_in_dim3A_1750 : vector<16xi1>, vector<16xi32>
    %max3A_1752 = arith.maxsi %max3A_1742, %select_n3A_1751 : vector<16xi32>
    %eq3A_1753 = vector.broadcast %squeeze3A_1703 : i32 to vector<16xi32>
    %eq3A_1754 = arith.cmpi eq, %get3A_263, %eq3A_1753 : vector<16xi32>
    %and3A_1755 = arith.andi %eq3A_1754, %gt3A_282 : vector<16xi1>
    %and3A_1756 = arith.andi %and3A_1755, %lt3A_57 : vector<16xi1>
    %jit3A_1757 = arith.constant 1 : i32
    %jit3A_1758 = arith.constant 0 : i32
    %broadcast_in_dim3A_1759 = vector.broadcast %jit3A_1757 : i32 to vector<16xi32>
    %broadcast_in_dim3A_1760 = vector.broadcast %jit3A_1758 : i32 to vector<16xi32>
    %select_n3A_1761 = arith.select %and3A_1756, %broadcast_in_dim3A_1759, %broadcast_in_dim3A_1760 : vector<16xi1>, vector<16xi32>
    %max3A_1762 = arith.maxsi %max3A_1752, %select_n3A_1761 : vector<16xi32>
    %lt3A_1763 = arith.constant 3 : i32
    %lt3A_1764 = vector.broadcast %lt3A_1763 : i32 to vector<16xi32>
    %lt3A_1765 = arith.cmpi slt, %iota3A, %lt3A_1764 : vector<16xi32>
    %eq3A_1766 = vector.broadcast %squeeze3A_1703 : i32 to vector<16xi32>
    %eq3A_1767 = arith.cmpi eq, %get3A_265, %eq3A_1766 : vector<16xi32>
    %and3A_1768 = arith.andi %eq3A_1767, %gt3A_285 : vector<16xi1>
    %and3A_1769 = arith.andi %and3A_1768, %lt3A_1765 : vector<16xi1>
    %jit3A_1770 = arith.constant 1 : i32
    %jit3A_1771 = arith.constant 0 : i32
    %broadcast_in_dim3A_1772 = vector.broadcast %jit3A_1770 : i32 to vector<16xi32>
    %broadcast_in_dim3A_1773 = vector.broadcast %jit3A_1771 : i32 to vector<16xi32>
    %select_n3A_1774 = arith.select %and3A_1769, %broadcast_in_dim3A_1772, %broadcast_in_dim3A_1773 : vector<16xi1>, vector<16xi32>
    %max3A_1775 = arith.maxsi %max3A_1762, %select_n3A_1774 : vector<16xi32>
    %reduce_max3A_1776 = arith.constant true
    %reduce_max3A_1777 = vector.broadcast %reduce_max3A_1776 : i1 to vector<16xi1>
    %reduce_max3A_1778 = arith.constant -2147483648 : i32
    %reduce_max3A_1779 = vector.broadcast %reduce_max3A_1778 : i32 to vector<16xi32>
    %reduce_max3A_1780 = arith.xori %max3A_1775, %reduce_max3A_1779 : vector<16xi32>
    %reduce_max3A_1781 = tpu.scan <max>, %reduce_max3A_1780 masked %reduce_max3A_1777 : vector<16xi32>, vector<16xi1> -> vector<16xi32>
    %reduce_max3A_1782 = arith.xori %reduce_max3A_1781, %reduce_max3A_1779 : vector<16xi32>
    %reduce_max3A_1783 = vector.extract %reduce_max3A_1782[15] : i32 from vector<16xi32>
    %sub3A_1784 = arith.constant 1 : i32
    %sub3A_1785 = arith.subi %sub3A_1784, %reduce_max3A_1783 : i32
    %mul3A_1786 = arith.muli %reduce_max3A_1720, %sub3A_1785 : i32
    %add3A_1787 = arith.addi %add3A_1692, %mul3A_1786 : i32
    %eq3A_1788 = arith.constant 4 : i32
    %eq3A_1789 = arith.cmpi eq, %select_n3A_30, %eq3A_1788 : i32
    %eq3A_1790 = arith.constant 3 : i32
    %eq3A_1791 = vector.broadcast %eq3A_1790 : i32 to vector<16xi32>
    %eq3A_1792 = arith.cmpi eq, %iota3A, %eq3A_1791 : vector<16xi32>
    %and3A_1793 = vector.broadcast %eq3A_1789 : i1 to vector<16xi1>
    %and3A_1794 = arith.andi %eq3A_1792, %and3A_1793 : vector<16xi1>
    %broadcast_in_dim3A_1795 = vector.broadcast %mul3A_1786 : i32 to vector<16xi32>
    %select_n3A_1796 = arith.select %and3A_1794, %broadcast_in_dim3A_1795, %select_n3A_1701 : vector<16xi1>, vector<16xi32>
    %slice3A_1797 = vector.extract_strided_slice %get3A_267 {offsets = [0], sizes = [1], strides = [1]} : vector<16xi32> to vector<1xi32>
    %squeeze3A_1798 = vector.extract %slice3A_1797[0] : i32 from vector<1xi32>
    %eq3A_1799 = arith.constant 0 : i32
    %eq3A_1800 = vector.broadcast %eq3A_1799 : i32 to vector<16xi32>
    %eq3A_1801 = arith.cmpi eq, %iota3A, %eq3A_1800 : vector<16xi32>
    %and3A_1802 = arith.andi %eq3A_1801, %gt3A_288 : vector<16xi1>
    %jit3A_1803 = arith.constant 1 : i32
    %jit3A_1804 = arith.constant 0 : i32
    %broadcast_in_dim3A_1805 = vector.broadcast %jit3A_1803 : i32 to vector<16xi32>
    %broadcast_in_dim3A_1806 = vector.broadcast %jit3A_1804 : i32 to vector<16xi32>
    %select_n3A_1807 = arith.select %and3A_1802, %broadcast_in_dim3A_1805, %broadcast_in_dim3A_1806 : vector<16xi1>, vector<16xi32>
    %reduce_max3A_1808 = arith.constant true
    %reduce_max3A_1809 = vector.broadcast %reduce_max3A_1808 : i1 to vector<16xi1>
    %reduce_max3A_1810 = arith.constant -2147483648 : i32
    %reduce_max3A_1811 = vector.broadcast %reduce_max3A_1810 : i32 to vector<16xi32>
    %reduce_max3A_1812 = arith.xori %select_n3A_1807, %reduce_max3A_1811 : vector<16xi32>
    %reduce_max3A_1813 = tpu.scan <max>, %reduce_max3A_1812 masked %reduce_max3A_1809 : vector<16xi32>, vector<16xi1> -> vector<16xi32>
    %reduce_max3A_1814 = arith.xori %reduce_max3A_1813, %reduce_max3A_1811 : vector<16xi32>
    %reduce_max3A_1815 = vector.extract %reduce_max3A_1814[15] : i32 from vector<16xi32>
    %broadcast_in_dim3A_1816 = arith.constant 0 : i32
    %broadcast_in_dim3A_1817 = vector.broadcast %broadcast_in_dim3A_1816 : i32 to vector<16xi32>
    %eq3A_1818 = vector.broadcast %squeeze3A_1798 : i32 to vector<16xi32>
    %eq3A_1819 = arith.cmpi eq, %get3A_257, %eq3A_1818 : vector<16xi32>
    %and3A_1820 = arith.andi %eq3A_1819, %gt3A_273 : vector<16xi1>
    %and3A_1821 = arith.andi %and3A_1820, %lt3A_57 : vector<16xi1>
    %jit3A_1822 = arith.constant 1 : i32
    %jit3A_1823 = arith.constant 0 : i32
    %broadcast_in_dim3A_1824 = vector.broadcast %jit3A_1822 : i32 to vector<16xi32>
    %broadcast_in_dim3A_1825 = vector.broadcast %jit3A_1823 : i32 to vector<16xi32>
    %select_n3A_1826 = arith.select %and3A_1821, %broadcast_in_dim3A_1824, %broadcast_in_dim3A_1825 : vector<16xi1>, vector<16xi32>
    %max3A_1827 = arith.maxsi %broadcast_in_dim3A_1817, %select_n3A_1826 : vector<16xi32>
    %eq3A_1828 = vector.broadcast %squeeze3A_1798 : i32 to vector<16xi32>
    %eq3A_1829 = arith.cmpi eq, %get3A_259, %eq3A_1828 : vector<16xi32>
    %and3A_1830 = arith.andi %eq3A_1829, %gt3A_276 : vector<16xi1>
    %and3A_1831 = arith.andi %and3A_1830, %lt3A_57 : vector<16xi1>
    %jit3A_1832 = arith.constant 1 : i32
    %jit3A_1833 = arith.constant 0 : i32
    %broadcast_in_dim3A_1834 = vector.broadcast %jit3A_1832 : i32 to vector<16xi32>
    %broadcast_in_dim3A_1835 = vector.broadcast %jit3A_1833 : i32 to vector<16xi32>
    %select_n3A_1836 = arith.select %and3A_1831, %broadcast_in_dim3A_1834, %broadcast_in_dim3A_1835 : vector<16xi1>, vector<16xi32>
    %max3A_1837 = arith.maxsi %max3A_1827, %select_n3A_1836 : vector<16xi32>
    %eq3A_1838 = vector.broadcast %squeeze3A_1798 : i32 to vector<16xi32>
    %eq3A_1839 = arith.cmpi eq, %get3A_261, %eq3A_1838 : vector<16xi32>
    %and3A_1840 = arith.andi %eq3A_1839, %gt3A_279 : vector<16xi1>
    %and3A_1841 = arith.andi %and3A_1840, %lt3A_57 : vector<16xi1>
    %jit3A_1842 = arith.constant 1 : i32
    %jit3A_1843 = arith.constant 0 : i32
    %broadcast_in_dim3A_1844 = vector.broadcast %jit3A_1842 : i32 to vector<16xi32>
    %broadcast_in_dim3A_1845 = vector.broadcast %jit3A_1843 : i32 to vector<16xi32>
    %select_n3A_1846 = arith.select %and3A_1841, %broadcast_in_dim3A_1844, %broadcast_in_dim3A_1845 : vector<16xi1>, vector<16xi32>
    %max3A_1847 = arith.maxsi %max3A_1837, %select_n3A_1846 : vector<16xi32>
    %eq3A_1848 = vector.broadcast %squeeze3A_1798 : i32 to vector<16xi32>
    %eq3A_1849 = arith.cmpi eq, %get3A_263, %eq3A_1848 : vector<16xi32>
    %and3A_1850 = arith.andi %eq3A_1849, %gt3A_282 : vector<16xi1>
    %and3A_1851 = arith.andi %and3A_1850, %lt3A_57 : vector<16xi1>
    %jit3A_1852 = arith.constant 1 : i32
    %jit3A_1853 = arith.constant 0 : i32
    %broadcast_in_dim3A_1854 = vector.broadcast %jit3A_1852 : i32 to vector<16xi32>
    %broadcast_in_dim3A_1855 = vector.broadcast %jit3A_1853 : i32 to vector<16xi32>
    %select_n3A_1856 = arith.select %and3A_1851, %broadcast_in_dim3A_1854, %broadcast_in_dim3A_1855 : vector<16xi1>, vector<16xi32>
    %max3A_1857 = arith.maxsi %max3A_1847, %select_n3A_1856 : vector<16xi32>
    %eq3A_1858 = vector.broadcast %squeeze3A_1798 : i32 to vector<16xi32>
    %eq3A_1859 = arith.cmpi eq, %get3A_265, %eq3A_1858 : vector<16xi32>
    %and3A_1860 = arith.andi %eq3A_1859, %gt3A_285 : vector<16xi1>
    %and3A_1861 = arith.andi %and3A_1860, %lt3A_57 : vector<16xi1>
    %jit3A_1862 = arith.constant 1 : i32
    %jit3A_1863 = arith.constant 0 : i32
    %broadcast_in_dim3A_1864 = vector.broadcast %jit3A_1862 : i32 to vector<16xi32>
    %broadcast_in_dim3A_1865 = vector.broadcast %jit3A_1863 : i32 to vector<16xi32>
    %select_n3A_1866 = arith.select %and3A_1861, %broadcast_in_dim3A_1864, %broadcast_in_dim3A_1865 : vector<16xi1>, vector<16xi32>
    %max3A_1867 = arith.maxsi %max3A_1857, %select_n3A_1866 : vector<16xi32>
    %lt3A_1868 = arith.constant 0 : i32
    %lt3A_1869 = vector.broadcast %lt3A_1868 : i32 to vector<16xi32>
    %lt3A_1870 = arith.cmpi slt, %iota3A, %lt3A_1869 : vector<16xi32>
    %eq3A_1871 = vector.broadcast %squeeze3A_1798 : i32 to vector<16xi32>
    %eq3A_1872 = arith.cmpi eq, %get3A_267, %eq3A_1871 : vector<16xi32>
    %and3A_1873 = arith.andi %eq3A_1872, %gt3A_288 : vector<16xi1>
    %and3A_1874 = arith.andi %and3A_1873, %lt3A_1870 : vector<16xi1>
    %jit3A_1875 = arith.constant 1 : i32
    %jit3A_1876 = arith.constant 0 : i32
    %broadcast_in_dim3A_1877 = vector.broadcast %jit3A_1875 : i32 to vector<16xi32>
    %broadcast_in_dim3A_1878 = vector.broadcast %jit3A_1876 : i32 to vector<16xi32>
    %select_n3A_1879 = arith.select %and3A_1874, %broadcast_in_dim3A_1877, %broadcast_in_dim3A_1878 : vector<16xi1>, vector<16xi32>
    %max3A_1880 = arith.maxsi %max3A_1867, %select_n3A_1879 : vector<16xi32>
    %reduce_max3A_1881 = arith.constant true
    %reduce_max3A_1882 = vector.broadcast %reduce_max3A_1881 : i1 to vector<16xi1>
    %reduce_max3A_1883 = arith.constant -2147483648 : i32
    %reduce_max3A_1884 = vector.broadcast %reduce_max3A_1883 : i32 to vector<16xi32>
    %reduce_max3A_1885 = arith.xori %max3A_1880, %reduce_max3A_1884 : vector<16xi32>
    %reduce_max3A_1886 = tpu.scan <max>, %reduce_max3A_1885 masked %reduce_max3A_1882 : vector<16xi32>, vector<16xi1> -> vector<16xi32>
    %reduce_max3A_1887 = arith.xori %reduce_max3A_1886, %reduce_max3A_1884 : vector<16xi32>
    %reduce_max3A_1888 = vector.extract %reduce_max3A_1887[15] : i32 from vector<16xi32>
    %sub3A_1889 = arith.constant 1 : i32
    %sub3A_1890 = arith.subi %sub3A_1889, %reduce_max3A_1888 : i32
    %mul3A_1891 = arith.muli %reduce_max3A_1815, %sub3A_1890 : i32
    %add3A_1892 = arith.addi %add3A_1787, %mul3A_1891 : i32
    %eq3A_1893 = arith.constant 5 : i32
    %eq3A_1894 = arith.cmpi eq, %select_n3A_30, %eq3A_1893 : i32
    %eq3A_1895 = arith.constant 0 : i32
    %eq3A_1896 = vector.broadcast %eq3A_1895 : i32 to vector<16xi32>
    %eq3A_1897 = arith.cmpi eq, %iota3A, %eq3A_1896 : vector<16xi32>
    %and3A_1898 = vector.broadcast %eq3A_1894 : i1 to vector<16xi1>
    %and3A_1899 = arith.andi %eq3A_1897, %and3A_1898 : vector<16xi1>
    %broadcast_in_dim3A_1900 = vector.broadcast %mul3A_1891 : i32 to vector<16xi32>
    %select_n3A_1901 = arith.select %and3A_1899, %broadcast_in_dim3A_1900, %select_n3A_1796 : vector<16xi1>, vector<16xi32>
    %slice3A_1902 = vector.extract_strided_slice %get3A_267 {offsets = [1], sizes = [1], strides = [1]} : vector<16xi32> to vector<1xi32>
    %squeeze3A_1903 = vector.extract %slice3A_1902[0] : i32 from vector<1xi32>
    %eq3A_1904 = arith.constant 1 : i32
    %eq3A_1905 = vector.broadcast %eq3A_1904 : i32 to vector<16xi32>
    %eq3A_1906 = arith.cmpi eq, %iota3A, %eq3A_1905 : vector<16xi32>
    %and3A_1907 = arith.andi %eq3A_1906, %gt3A_288 : vector<16xi1>
    %jit3A_1908 = arith.constant 1 : i32
    %jit3A_1909 = arith.constant 0 : i32
    %broadcast_in_dim3A_1910 = vector.broadcast %jit3A_1908 : i32 to vector<16xi32>
    %broadcast_in_dim3A_1911 = vector.broadcast %jit3A_1909 : i32 to vector<16xi32>
    %select_n3A_1912 = arith.select %and3A_1907, %broadcast_in_dim3A_1910, %broadcast_in_dim3A_1911 : vector<16xi1>, vector<16xi32>
    %reduce_max3A_1913 = arith.constant true
    %reduce_max3A_1914 = vector.broadcast %reduce_max3A_1913 : i1 to vector<16xi1>
    %reduce_max3A_1915 = arith.constant -2147483648 : i32
    %reduce_max3A_1916 = vector.broadcast %reduce_max3A_1915 : i32 to vector<16xi32>
    %reduce_max3A_1917 = arith.xori %select_n3A_1912, %reduce_max3A_1916 : vector<16xi32>
    %reduce_max3A_1918 = tpu.scan <max>, %reduce_max3A_1917 masked %reduce_max3A_1914 : vector<16xi32>, vector<16xi1> -> vector<16xi32>
    %reduce_max3A_1919 = arith.xori %reduce_max3A_1918, %reduce_max3A_1916 : vector<16xi32>
    %reduce_max3A_1920 = vector.extract %reduce_max3A_1919[15] : i32 from vector<16xi32>
    %broadcast_in_dim3A_1921 = arith.constant 0 : i32
    %broadcast_in_dim3A_1922 = vector.broadcast %broadcast_in_dim3A_1921 : i32 to vector<16xi32>
    %eq3A_1923 = vector.broadcast %squeeze3A_1903 : i32 to vector<16xi32>
    %eq3A_1924 = arith.cmpi eq, %get3A_257, %eq3A_1923 : vector<16xi32>
    %and3A_1925 = arith.andi %eq3A_1924, %gt3A_273 : vector<16xi1>
    %and3A_1926 = arith.andi %and3A_1925, %lt3A_57 : vector<16xi1>
    %jit3A_1927 = arith.constant 1 : i32
    %jit3A_1928 = arith.constant 0 : i32
    %broadcast_in_dim3A_1929 = vector.broadcast %jit3A_1927 : i32 to vector<16xi32>
    %broadcast_in_dim3A_1930 = vector.broadcast %jit3A_1928 : i32 to vector<16xi32>
    %select_n3A_1931 = arith.select %and3A_1926, %broadcast_in_dim3A_1929, %broadcast_in_dim3A_1930 : vector<16xi1>, vector<16xi32>
    %max3A_1932 = arith.maxsi %broadcast_in_dim3A_1922, %select_n3A_1931 : vector<16xi32>
    %eq3A_1933 = vector.broadcast %squeeze3A_1903 : i32 to vector<16xi32>
    %eq3A_1934 = arith.cmpi eq, %get3A_259, %eq3A_1933 : vector<16xi32>
    %and3A_1935 = arith.andi %eq3A_1934, %gt3A_276 : vector<16xi1>
    %and3A_1936 = arith.andi %and3A_1935, %lt3A_57 : vector<16xi1>
    %jit3A_1937 = arith.constant 1 : i32
    %jit3A_1938 = arith.constant 0 : i32
    %broadcast_in_dim3A_1939 = vector.broadcast %jit3A_1937 : i32 to vector<16xi32>
    %broadcast_in_dim3A_1940 = vector.broadcast %jit3A_1938 : i32 to vector<16xi32>
    %select_n3A_1941 = arith.select %and3A_1936, %broadcast_in_dim3A_1939, %broadcast_in_dim3A_1940 : vector<16xi1>, vector<16xi32>
    %max3A_1942 = arith.maxsi %max3A_1932, %select_n3A_1941 : vector<16xi32>
    %eq3A_1943 = vector.broadcast %squeeze3A_1903 : i32 to vector<16xi32>
    %eq3A_1944 = arith.cmpi eq, %get3A_261, %eq3A_1943 : vector<16xi32>
    %and3A_1945 = arith.andi %eq3A_1944, %gt3A_279 : vector<16xi1>
    %and3A_1946 = arith.andi %and3A_1945, %lt3A_57 : vector<16xi1>
    %jit3A_1947 = arith.constant 1 : i32
    %jit3A_1948 = arith.constant 0 : i32
    %broadcast_in_dim3A_1949 = vector.broadcast %jit3A_1947 : i32 to vector<16xi32>
    %broadcast_in_dim3A_1950 = vector.broadcast %jit3A_1948 : i32 to vector<16xi32>
    %select_n3A_1951 = arith.select %and3A_1946, %broadcast_in_dim3A_1949, %broadcast_in_dim3A_1950 : vector<16xi1>, vector<16xi32>
    %max3A_1952 = arith.maxsi %max3A_1942, %select_n3A_1951 : vector<16xi32>
    %eq3A_1953 = vector.broadcast %squeeze3A_1903 : i32 to vector<16xi32>
    %eq3A_1954 = arith.cmpi eq, %get3A_263, %eq3A_1953 : vector<16xi32>
    %and3A_1955 = arith.andi %eq3A_1954, %gt3A_282 : vector<16xi1>
    %and3A_1956 = arith.andi %and3A_1955, %lt3A_57 : vector<16xi1>
    %jit3A_1957 = arith.constant 1 : i32
    %jit3A_1958 = arith.constant 0 : i32
    %broadcast_in_dim3A_1959 = vector.broadcast %jit3A_1957 : i32 to vector<16xi32>
    %broadcast_in_dim3A_1960 = vector.broadcast %jit3A_1958 : i32 to vector<16xi32>
    %select_n3A_1961 = arith.select %and3A_1956, %broadcast_in_dim3A_1959, %broadcast_in_dim3A_1960 : vector<16xi1>, vector<16xi32>
    %max3A_1962 = arith.maxsi %max3A_1952, %select_n3A_1961 : vector<16xi32>
    %eq3A_1963 = vector.broadcast %squeeze3A_1903 : i32 to vector<16xi32>
    %eq3A_1964 = arith.cmpi eq, %get3A_265, %eq3A_1963 : vector<16xi32>
    %and3A_1965 = arith.andi %eq3A_1964, %gt3A_285 : vector<16xi1>
    %and3A_1966 = arith.andi %and3A_1965, %lt3A_57 : vector<16xi1>
    %jit3A_1967 = arith.constant 1 : i32
    %jit3A_1968 = arith.constant 0 : i32
    %broadcast_in_dim3A_1969 = vector.broadcast %jit3A_1967 : i32 to vector<16xi32>
    %broadcast_in_dim3A_1970 = vector.broadcast %jit3A_1968 : i32 to vector<16xi32>
    %select_n3A_1971 = arith.select %and3A_1966, %broadcast_in_dim3A_1969, %broadcast_in_dim3A_1970 : vector<16xi1>, vector<16xi32>
    %max3A_1972 = arith.maxsi %max3A_1962, %select_n3A_1971 : vector<16xi32>
    %lt3A_1973 = arith.constant 1 : i32
    %lt3A_1974 = vector.broadcast %lt3A_1973 : i32 to vector<16xi32>
    %lt3A_1975 = arith.cmpi slt, %iota3A, %lt3A_1974 : vector<16xi32>
    %eq3A_1976 = vector.broadcast %squeeze3A_1903 : i32 to vector<16xi32>
    %eq3A_1977 = arith.cmpi eq, %get3A_267, %eq3A_1976 : vector<16xi32>
    %and3A_1978 = arith.andi %eq3A_1977, %gt3A_288 : vector<16xi1>
    %and3A_1979 = arith.andi %and3A_1978, %lt3A_1975 : vector<16xi1>
    %jit3A_1980 = arith.constant 1 : i32
    %jit3A_1981 = arith.constant 0 : i32
    %broadcast_in_dim3A_1982 = vector.broadcast %jit3A_1980 : i32 to vector<16xi32>
    %broadcast_in_dim3A_1983 = vector.broadcast %jit3A_1981 : i32 to vector<16xi32>
    %select_n3A_1984 = arith.select %and3A_1979, %broadcast_in_dim3A_1982, %broadcast_in_dim3A_1983 : vector<16xi1>, vector<16xi32>
    %max3A_1985 = arith.maxsi %max3A_1972, %select_n3A_1984 : vector<16xi32>
    %reduce_max3A_1986 = arith.constant true
    %reduce_max3A_1987 = vector.broadcast %reduce_max3A_1986 : i1 to vector<16xi1>
    %reduce_max3A_1988 = arith.constant -2147483648 : i32
    %reduce_max3A_1989 = vector.broadcast %reduce_max3A_1988 : i32 to vector<16xi32>
    %reduce_max3A_1990 = arith.xori %max3A_1985, %reduce_max3A_1989 : vector<16xi32>
    %reduce_max3A_1991 = tpu.scan <max>, %reduce_max3A_1990 masked %reduce_max3A_1987 : vector<16xi32>, vector<16xi1> -> vector<16xi32>
    %reduce_max3A_1992 = arith.xori %reduce_max3A_1991, %reduce_max3A_1989 : vector<16xi32>
    %reduce_max3A_1993 = vector.extract %reduce_max3A_1992[15] : i32 from vector<16xi32>
    %sub3A_1994 = arith.constant 1 : i32
    %sub3A_1995 = arith.subi %sub3A_1994, %reduce_max3A_1993 : i32
    %mul3A_1996 = arith.muli %reduce_max3A_1920, %sub3A_1995 : i32
    %add3A_1997 = arith.addi %add3A_1892, %mul3A_1996 : i32
    %eq3A_1998 = arith.constant 5 : i32
    %eq3A_1999 = arith.cmpi eq, %select_n3A_30, %eq3A_1998 : i32
    %eq3A_2000 = arith.constant 1 : i32
    %eq3A_2001 = vector.broadcast %eq3A_2000 : i32 to vector<16xi32>
    %eq3A_2002 = arith.cmpi eq, %iota3A, %eq3A_2001 : vector<16xi32>
    %and3A_2003 = vector.broadcast %eq3A_1999 : i1 to vector<16xi1>
    %and3A_2004 = arith.andi %eq3A_2002, %and3A_2003 : vector<16xi1>
    %broadcast_in_dim3A_2005 = vector.broadcast %mul3A_1996 : i32 to vector<16xi32>
    %select_n3A_2006 = arith.select %and3A_2004, %broadcast_in_dim3A_2005, %select_n3A_1901 : vector<16xi1>, vector<16xi32>
    %slice3A_2007 = vector.extract_strided_slice %get3A_267 {offsets = [2], sizes = [1], strides = [1]} : vector<16xi32> to vector<1xi32>
    %squeeze3A_2008 = vector.extract %slice3A_2007[0] : i32 from vector<1xi32>
    %eq3A_2009 = arith.constant 2 : i32
    %eq3A_2010 = vector.broadcast %eq3A_2009 : i32 to vector<16xi32>
    %eq3A_2011 = arith.cmpi eq, %iota3A, %eq3A_2010 : vector<16xi32>
    %and3A_2012 = arith.andi %eq3A_2011, %gt3A_288 : vector<16xi1>
    %jit3A_2013 = arith.constant 1 : i32
    %jit3A_2014 = arith.constant 0 : i32
    %broadcast_in_dim3A_2015 = vector.broadcast %jit3A_2013 : i32 to vector<16xi32>
    %broadcast_in_dim3A_2016 = vector.broadcast %jit3A_2014 : i32 to vector<16xi32>
    %select_n3A_2017 = arith.select %and3A_2012, %broadcast_in_dim3A_2015, %broadcast_in_dim3A_2016 : vector<16xi1>, vector<16xi32>
    %reduce_max3A_2018 = arith.constant true
    %reduce_max3A_2019 = vector.broadcast %reduce_max3A_2018 : i1 to vector<16xi1>
    %reduce_max3A_2020 = arith.constant -2147483648 : i32
    %reduce_max3A_2021 = vector.broadcast %reduce_max3A_2020 : i32 to vector<16xi32>
    %reduce_max3A_2022 = arith.xori %select_n3A_2017, %reduce_max3A_2021 : vector<16xi32>
    %reduce_max3A_2023 = tpu.scan <max>, %reduce_max3A_2022 masked %reduce_max3A_2019 : vector<16xi32>, vector<16xi1> -> vector<16xi32>
    %reduce_max3A_2024 = arith.xori %reduce_max3A_2023, %reduce_max3A_2021 : vector<16xi32>
    %reduce_max3A_2025 = vector.extract %reduce_max3A_2024[15] : i32 from vector<16xi32>
    %broadcast_in_dim3A_2026 = arith.constant 0 : i32
    %broadcast_in_dim3A_2027 = vector.broadcast %broadcast_in_dim3A_2026 : i32 to vector<16xi32>
    %eq3A_2028 = vector.broadcast %squeeze3A_2008 : i32 to vector<16xi32>
    %eq3A_2029 = arith.cmpi eq, %get3A_257, %eq3A_2028 : vector<16xi32>
    %and3A_2030 = arith.andi %eq3A_2029, %gt3A_273 : vector<16xi1>
    %and3A_2031 = arith.andi %and3A_2030, %lt3A_57 : vector<16xi1>
    %jit3A_2032 = arith.constant 1 : i32
    %jit3A_2033 = arith.constant 0 : i32
    %broadcast_in_dim3A_2034 = vector.broadcast %jit3A_2032 : i32 to vector<16xi32>
    %broadcast_in_dim3A_2035 = vector.broadcast %jit3A_2033 : i32 to vector<16xi32>
    %select_n3A_2036 = arith.select %and3A_2031, %broadcast_in_dim3A_2034, %broadcast_in_dim3A_2035 : vector<16xi1>, vector<16xi32>
    %max3A_2037 = arith.maxsi %broadcast_in_dim3A_2027, %select_n3A_2036 : vector<16xi32>
    %eq3A_2038 = vector.broadcast %squeeze3A_2008 : i32 to vector<16xi32>
    %eq3A_2039 = arith.cmpi eq, %get3A_259, %eq3A_2038 : vector<16xi32>
    %and3A_2040 = arith.andi %eq3A_2039, %gt3A_276 : vector<16xi1>
    %and3A_2041 = arith.andi %and3A_2040, %lt3A_57 : vector<16xi1>
    %jit3A_2042 = arith.constant 1 : i32
    %jit3A_2043 = arith.constant 0 : i32
    %broadcast_in_dim3A_2044 = vector.broadcast %jit3A_2042 : i32 to vector<16xi32>
    %broadcast_in_dim3A_2045 = vector.broadcast %jit3A_2043 : i32 to vector<16xi32>
    %select_n3A_2046 = arith.select %and3A_2041, %broadcast_in_dim3A_2044, %broadcast_in_dim3A_2045 : vector<16xi1>, vector<16xi32>
    %max3A_2047 = arith.maxsi %max3A_2037, %select_n3A_2046 : vector<16xi32>
    %eq3A_2048 = vector.broadcast %squeeze3A_2008 : i32 to vector<16xi32>
    %eq3A_2049 = arith.cmpi eq, %get3A_261, %eq3A_2048 : vector<16xi32>
    %and3A_2050 = arith.andi %eq3A_2049, %gt3A_279 : vector<16xi1>
    %and3A_2051 = arith.andi %and3A_2050, %lt3A_57 : vector<16xi1>
    %jit3A_2052 = arith.constant 1 : i32
    %jit3A_2053 = arith.constant 0 : i32
    %broadcast_in_dim3A_2054 = vector.broadcast %jit3A_2052 : i32 to vector<16xi32>
    %broadcast_in_dim3A_2055 = vector.broadcast %jit3A_2053 : i32 to vector<16xi32>
    %select_n3A_2056 = arith.select %and3A_2051, %broadcast_in_dim3A_2054, %broadcast_in_dim3A_2055 : vector<16xi1>, vector<16xi32>
    %max3A_2057 = arith.maxsi %max3A_2047, %select_n3A_2056 : vector<16xi32>
    %eq3A_2058 = vector.broadcast %squeeze3A_2008 : i32 to vector<16xi32>
    %eq3A_2059 = arith.cmpi eq, %get3A_263, %eq3A_2058 : vector<16xi32>
    %and3A_2060 = arith.andi %eq3A_2059, %gt3A_282 : vector<16xi1>
    %and3A_2061 = arith.andi %and3A_2060, %lt3A_57 : vector<16xi1>
    %jit3A_2062 = arith.constant 1 : i32
    %jit3A_2063 = arith.constant 0 : i32
    %broadcast_in_dim3A_2064 = vector.broadcast %jit3A_2062 : i32 to vector<16xi32>
    %broadcast_in_dim3A_2065 = vector.broadcast %jit3A_2063 : i32 to vector<16xi32>
    %select_n3A_2066 = arith.select %and3A_2061, %broadcast_in_dim3A_2064, %broadcast_in_dim3A_2065 : vector<16xi1>, vector<16xi32>
    %max3A_2067 = arith.maxsi %max3A_2057, %select_n3A_2066 : vector<16xi32>
    %eq3A_2068 = vector.broadcast %squeeze3A_2008 : i32 to vector<16xi32>
    %eq3A_2069 = arith.cmpi eq, %get3A_265, %eq3A_2068 : vector<16xi32>
    %and3A_2070 = arith.andi %eq3A_2069, %gt3A_285 : vector<16xi1>
    %and3A_2071 = arith.andi %and3A_2070, %lt3A_57 : vector<16xi1>
    %jit3A_2072 = arith.constant 1 : i32
    %jit3A_2073 = arith.constant 0 : i32
    %broadcast_in_dim3A_2074 = vector.broadcast %jit3A_2072 : i32 to vector<16xi32>
    %broadcast_in_dim3A_2075 = vector.broadcast %jit3A_2073 : i32 to vector<16xi32>
    %select_n3A_2076 = arith.select %and3A_2071, %broadcast_in_dim3A_2074, %broadcast_in_dim3A_2075 : vector<16xi1>, vector<16xi32>
    %max3A_2077 = arith.maxsi %max3A_2067, %select_n3A_2076 : vector<16xi32>
    %lt3A_2078 = arith.constant 2 : i32
    %lt3A_2079 = vector.broadcast %lt3A_2078 : i32 to vector<16xi32>
    %lt3A_2080 = arith.cmpi slt, %iota3A, %lt3A_2079 : vector<16xi32>
    %eq3A_2081 = vector.broadcast %squeeze3A_2008 : i32 to vector<16xi32>
    %eq3A_2082 = arith.cmpi eq, %get3A_267, %eq3A_2081 : vector<16xi32>
    %and3A_2083 = arith.andi %eq3A_2082, %gt3A_288 : vector<16xi1>
    %and3A_2084 = arith.andi %and3A_2083, %lt3A_2080 : vector<16xi1>
    %jit3A_2085 = arith.constant 1 : i32
    %jit3A_2086 = arith.constant 0 : i32
    %broadcast_in_dim3A_2087 = vector.broadcast %jit3A_2085 : i32 to vector<16xi32>
    %broadcast_in_dim3A_2088 = vector.broadcast %jit3A_2086 : i32 to vector<16xi32>
    %select_n3A_2089 = arith.select %and3A_2084, %broadcast_in_dim3A_2087, %broadcast_in_dim3A_2088 : vector<16xi1>, vector<16xi32>
    %max3A_2090 = arith.maxsi %max3A_2077, %select_n3A_2089 : vector<16xi32>
    %reduce_max3A_2091 = arith.constant true
    %reduce_max3A_2092 = vector.broadcast %reduce_max3A_2091 : i1 to vector<16xi1>
    %reduce_max3A_2093 = arith.constant -2147483648 : i32
    %reduce_max3A_2094 = vector.broadcast %reduce_max3A_2093 : i32 to vector<16xi32>
    %reduce_max3A_2095 = arith.xori %max3A_2090, %reduce_max3A_2094 : vector<16xi32>
    %reduce_max3A_2096 = tpu.scan <max>, %reduce_max3A_2095 masked %reduce_max3A_2092 : vector<16xi32>, vector<16xi1> -> vector<16xi32>
    %reduce_max3A_2097 = arith.xori %reduce_max3A_2096, %reduce_max3A_2094 : vector<16xi32>
    %reduce_max3A_2098 = vector.extract %reduce_max3A_2097[15] : i32 from vector<16xi32>
    %sub3A_2099 = arith.constant 1 : i32
    %sub3A_2100 = arith.subi %sub3A_2099, %reduce_max3A_2098 : i32
    %mul3A_2101 = arith.muli %reduce_max3A_2025, %sub3A_2100 : i32
    %add3A_2102 = arith.addi %add3A_1997, %mul3A_2101 : i32
    %eq3A_2103 = arith.constant 5 : i32
    %eq3A_2104 = arith.cmpi eq, %select_n3A_30, %eq3A_2103 : i32
    %eq3A_2105 = arith.constant 2 : i32
    %eq3A_2106 = vector.broadcast %eq3A_2105 : i32 to vector<16xi32>
    %eq3A_2107 = arith.cmpi eq, %iota3A, %eq3A_2106 : vector<16xi32>
    %and3A_2108 = vector.broadcast %eq3A_2104 : i1 to vector<16xi1>
    %and3A_2109 = arith.andi %eq3A_2107, %and3A_2108 : vector<16xi1>
    %broadcast_in_dim3A_2110 = vector.broadcast %mul3A_2101 : i32 to vector<16xi32>
    %select_n3A_2111 = arith.select %and3A_2109, %broadcast_in_dim3A_2110, %select_n3A_2006 : vector<16xi1>, vector<16xi32>
    %slice3A_2112 = vector.extract_strided_slice %get3A_267 {offsets = [3], sizes = [1], strides = [1]} : vector<16xi32> to vector<1xi32>
    %squeeze3A_2113 = vector.extract %slice3A_2112[0] : i32 from vector<1xi32>
    %eq3A_2114 = arith.constant 3 : i32
    %eq3A_2115 = vector.broadcast %eq3A_2114 : i32 to vector<16xi32>
    %eq3A_2116 = arith.cmpi eq, %iota3A, %eq3A_2115 : vector<16xi32>
    %and3A_2117 = arith.andi %eq3A_2116, %gt3A_288 : vector<16xi1>
    %jit3A_2118 = arith.constant 1 : i32
    %jit3A_2119 = arith.constant 0 : i32
    %broadcast_in_dim3A_2120 = vector.broadcast %jit3A_2118 : i32 to vector<16xi32>
    %broadcast_in_dim3A_2121 = vector.broadcast %jit3A_2119 : i32 to vector<16xi32>
    %select_n3A_2122 = arith.select %and3A_2117, %broadcast_in_dim3A_2120, %broadcast_in_dim3A_2121 : vector<16xi1>, vector<16xi32>
    %reduce_max3A_2123 = arith.constant true
    %reduce_max3A_2124 = vector.broadcast %reduce_max3A_2123 : i1 to vector<16xi1>
    %reduce_max3A_2125 = arith.constant -2147483648 : i32
    %reduce_max3A_2126 = vector.broadcast %reduce_max3A_2125 : i32 to vector<16xi32>
    %reduce_max3A_2127 = arith.xori %select_n3A_2122, %reduce_max3A_2126 : vector<16xi32>
    %reduce_max3A_2128 = tpu.scan <max>, %reduce_max3A_2127 masked %reduce_max3A_2124 : vector<16xi32>, vector<16xi1> -> vector<16xi32>
    %reduce_max3A_2129 = arith.xori %reduce_max3A_2128, %reduce_max3A_2126 : vector<16xi32>
    %reduce_max3A_2130 = vector.extract %reduce_max3A_2129[15] : i32 from vector<16xi32>
    %broadcast_in_dim3A_2131 = arith.constant 0 : i32
    %broadcast_in_dim3A_2132 = vector.broadcast %broadcast_in_dim3A_2131 : i32 to vector<16xi32>
    %eq3A_2133 = vector.broadcast %squeeze3A_2113 : i32 to vector<16xi32>
    %eq3A_2134 = arith.cmpi eq, %get3A_257, %eq3A_2133 : vector<16xi32>
    %and3A_2135 = arith.andi %eq3A_2134, %gt3A_273 : vector<16xi1>
    %and3A_2136 = arith.andi %and3A_2135, %lt3A_57 : vector<16xi1>
    %jit3A_2137 = arith.constant 1 : i32
    %jit3A_2138 = arith.constant 0 : i32
    %broadcast_in_dim3A_2139 = vector.broadcast %jit3A_2137 : i32 to vector<16xi32>
    %broadcast_in_dim3A_2140 = vector.broadcast %jit3A_2138 : i32 to vector<16xi32>
    %select_n3A_2141 = arith.select %and3A_2136, %broadcast_in_dim3A_2139, %broadcast_in_dim3A_2140 : vector<16xi1>, vector<16xi32>
    %max3A_2142 = arith.maxsi %broadcast_in_dim3A_2132, %select_n3A_2141 : vector<16xi32>
    %eq3A_2143 = vector.broadcast %squeeze3A_2113 : i32 to vector<16xi32>
    %eq3A_2144 = arith.cmpi eq, %get3A_259, %eq3A_2143 : vector<16xi32>
    %and3A_2145 = arith.andi %eq3A_2144, %gt3A_276 : vector<16xi1>
    %and3A_2146 = arith.andi %and3A_2145, %lt3A_57 : vector<16xi1>
    %jit3A_2147 = arith.constant 1 : i32
    %jit3A_2148 = arith.constant 0 : i32
    %broadcast_in_dim3A_2149 = vector.broadcast %jit3A_2147 : i32 to vector<16xi32>
    %broadcast_in_dim3A_2150 = vector.broadcast %jit3A_2148 : i32 to vector<16xi32>
    %select_n3A_2151 = arith.select %and3A_2146, %broadcast_in_dim3A_2149, %broadcast_in_dim3A_2150 : vector<16xi1>, vector<16xi32>
    %max3A_2152 = arith.maxsi %max3A_2142, %select_n3A_2151 : vector<16xi32>
    %eq3A_2153 = vector.broadcast %squeeze3A_2113 : i32 to vector<16xi32>
    %eq3A_2154 = arith.cmpi eq, %get3A_261, %eq3A_2153 : vector<16xi32>
    %and3A_2155 = arith.andi %eq3A_2154, %gt3A_279 : vector<16xi1>
    %and3A_2156 = arith.andi %and3A_2155, %lt3A_57 : vector<16xi1>
    %jit3A_2157 = arith.constant 1 : i32
    %jit3A_2158 = arith.constant 0 : i32
    %broadcast_in_dim3A_2159 = vector.broadcast %jit3A_2157 : i32 to vector<16xi32>
    %broadcast_in_dim3A_2160 = vector.broadcast %jit3A_2158 : i32 to vector<16xi32>
    %select_n3A_2161 = arith.select %and3A_2156, %broadcast_in_dim3A_2159, %broadcast_in_dim3A_2160 : vector<16xi1>, vector<16xi32>
    %max3A_2162 = arith.maxsi %max3A_2152, %select_n3A_2161 : vector<16xi32>
    %eq3A_2163 = vector.broadcast %squeeze3A_2113 : i32 to vector<16xi32>
    %eq3A_2164 = arith.cmpi eq, %get3A_263, %eq3A_2163 : vector<16xi32>
    %and3A_2165 = arith.andi %eq3A_2164, %gt3A_282 : vector<16xi1>
    %and3A_2166 = arith.andi %and3A_2165, %lt3A_57 : vector<16xi1>
    %jit3A_2167 = arith.constant 1 : i32
    %jit3A_2168 = arith.constant 0 : i32
    %broadcast_in_dim3A_2169 = vector.broadcast %jit3A_2167 : i32 to vector<16xi32>
    %broadcast_in_dim3A_2170 = vector.broadcast %jit3A_2168 : i32 to vector<16xi32>
    %select_n3A_2171 = arith.select %and3A_2166, %broadcast_in_dim3A_2169, %broadcast_in_dim3A_2170 : vector<16xi1>, vector<16xi32>
    %max3A_2172 = arith.maxsi %max3A_2162, %select_n3A_2171 : vector<16xi32>
    %eq3A_2173 = vector.broadcast %squeeze3A_2113 : i32 to vector<16xi32>
    %eq3A_2174 = arith.cmpi eq, %get3A_265, %eq3A_2173 : vector<16xi32>
    %and3A_2175 = arith.andi %eq3A_2174, %gt3A_285 : vector<16xi1>
    %and3A_2176 = arith.andi %and3A_2175, %lt3A_57 : vector<16xi1>
    %jit3A_2177 = arith.constant 1 : i32
    %jit3A_2178 = arith.constant 0 : i32
    %broadcast_in_dim3A_2179 = vector.broadcast %jit3A_2177 : i32 to vector<16xi32>
    %broadcast_in_dim3A_2180 = vector.broadcast %jit3A_2178 : i32 to vector<16xi32>
    %select_n3A_2181 = arith.select %and3A_2176, %broadcast_in_dim3A_2179, %broadcast_in_dim3A_2180 : vector<16xi1>, vector<16xi32>
    %max3A_2182 = arith.maxsi %max3A_2172, %select_n3A_2181 : vector<16xi32>
    %lt3A_2183 = arith.constant 3 : i32
    %lt3A_2184 = vector.broadcast %lt3A_2183 : i32 to vector<16xi32>
    %lt3A_2185 = arith.cmpi slt, %iota3A, %lt3A_2184 : vector<16xi32>
    %eq3A_2186 = vector.broadcast %squeeze3A_2113 : i32 to vector<16xi32>
    %eq3A_2187 = arith.cmpi eq, %get3A_267, %eq3A_2186 : vector<16xi32>
    %and3A_2188 = arith.andi %eq3A_2187, %gt3A_288 : vector<16xi1>
    %and3A_2189 = arith.andi %and3A_2188, %lt3A_2185 : vector<16xi1>
    %jit3A_2190 = arith.constant 1 : i32
    %jit3A_2191 = arith.constant 0 : i32
    %broadcast_in_dim3A_2192 = vector.broadcast %jit3A_2190 : i32 to vector<16xi32>
    %broadcast_in_dim3A_2193 = vector.broadcast %jit3A_2191 : i32 to vector<16xi32>
    %select_n3A_2194 = arith.select %and3A_2189, %broadcast_in_dim3A_2192, %broadcast_in_dim3A_2193 : vector<16xi1>, vector<16xi32>
    %max3A_2195 = arith.maxsi %max3A_2182, %select_n3A_2194 : vector<16xi32>
    %reduce_max3A_2196 = arith.constant true
    %reduce_max3A_2197 = vector.broadcast %reduce_max3A_2196 : i1 to vector<16xi1>
    %reduce_max3A_2198 = arith.constant -2147483648 : i32
    %reduce_max3A_2199 = vector.broadcast %reduce_max3A_2198 : i32 to vector<16xi32>
    %reduce_max3A_2200 = arith.xori %max3A_2195, %reduce_max3A_2199 : vector<16xi32>
    %reduce_max3A_2201 = tpu.scan <max>, %reduce_max3A_2200 masked %reduce_max3A_2197 : vector<16xi32>, vector<16xi1> -> vector<16xi32>
    %reduce_max3A_2202 = arith.xori %reduce_max3A_2201, %reduce_max3A_2199 : vector<16xi32>
    %reduce_max3A_2203 = vector.extract %reduce_max3A_2202[15] : i32 from vector<16xi32>
    %sub3A_2204 = arith.constant 1 : i32
    %sub3A_2205 = arith.subi %sub3A_2204, %reduce_max3A_2203 : i32
    %mul3A_2206 = arith.muli %reduce_max3A_2130, %sub3A_2205 : i32
    %add3A_2207 = arith.addi %add3A_2102, %mul3A_2206 : i32
    %eq3A_2208 = arith.constant 5 : i32
    %eq3A_2209 = arith.cmpi eq, %select_n3A_30, %eq3A_2208 : i32
    %eq3A_2210 = arith.constant 3 : i32
    %eq3A_2211 = vector.broadcast %eq3A_2210 : i32 to vector<16xi32>
    %eq3A_2212 = arith.cmpi eq, %iota3A, %eq3A_2211 : vector<16xi32>
    %and3A_2213 = vector.broadcast %eq3A_2209 : i1 to vector<16xi1>
    %and3A_2214 = arith.andi %eq3A_2212, %and3A_2213 : vector<16xi1>
    %broadcast_in_dim3A_2215 = vector.broadcast %mul3A_2206 : i32 to vector<16xi32>
    %select_n3A_2216 = arith.select %and3A_2214, %broadcast_in_dim3A_2215, %select_n3A_2111 : vector<16xi1>, vector<16xi32>
    %slice3A_2217 = vector.extract_strided_slice %get3A_269 {offsets = [0], sizes = [1], strides = [1]} : vector<16xi32> to vector<1xi32>
    %squeeze3A_2218 = vector.extract %slice3A_2217[0] : i32 from vector<1xi32>
    %eq3A_2219 = arith.constant 0 : i32
    %eq3A_2220 = vector.broadcast %eq3A_2219 : i32 to vector<16xi32>
    %eq3A_2221 = arith.cmpi eq, %iota3A, %eq3A_2220 : vector<16xi32>
    %and3A_2222 = arith.andi %eq3A_2221, %gt3A_291 : vector<16xi1>
    %jit3A_2223 = arith.constant 1 : i32
    %jit3A_2224 = arith.constant 0 : i32
    %broadcast_in_dim3A_2225 = vector.broadcast %jit3A_2223 : i32 to vector<16xi32>
    %broadcast_in_dim3A_2226 = vector.broadcast %jit3A_2224 : i32 to vector<16xi32>
    %select_n3A_2227 = arith.select %and3A_2222, %broadcast_in_dim3A_2225, %broadcast_in_dim3A_2226 : vector<16xi1>, vector<16xi32>
    %reduce_max3A_2228 = arith.constant true
    %reduce_max3A_2229 = vector.broadcast %reduce_max3A_2228 : i1 to vector<16xi1>
    %reduce_max3A_2230 = arith.constant -2147483648 : i32
    %reduce_max3A_2231 = vector.broadcast %reduce_max3A_2230 : i32 to vector<16xi32>
    %reduce_max3A_2232 = arith.xori %select_n3A_2227, %reduce_max3A_2231 : vector<16xi32>
    %reduce_max3A_2233 = tpu.scan <max>, %reduce_max3A_2232 masked %reduce_max3A_2229 : vector<16xi32>, vector<16xi1> -> vector<16xi32>
    %reduce_max3A_2234 = arith.xori %reduce_max3A_2233, %reduce_max3A_2231 : vector<16xi32>
    %reduce_max3A_2235 = vector.extract %reduce_max3A_2234[15] : i32 from vector<16xi32>
    %broadcast_in_dim3A_2236 = arith.constant 0 : i32
    %broadcast_in_dim3A_2237 = vector.broadcast %broadcast_in_dim3A_2236 : i32 to vector<16xi32>
    %eq3A_2238 = vector.broadcast %squeeze3A_2218 : i32 to vector<16xi32>
    %eq3A_2239 = arith.cmpi eq, %get3A_257, %eq3A_2238 : vector<16xi32>
    %and3A_2240 = arith.andi %eq3A_2239, %gt3A_273 : vector<16xi1>
    %and3A_2241 = arith.andi %and3A_2240, %lt3A_57 : vector<16xi1>
    %jit3A_2242 = arith.constant 1 : i32
    %jit3A_2243 = arith.constant 0 : i32
    %broadcast_in_dim3A_2244 = vector.broadcast %jit3A_2242 : i32 to vector<16xi32>
    %broadcast_in_dim3A_2245 = vector.broadcast %jit3A_2243 : i32 to vector<16xi32>
    %select_n3A_2246 = arith.select %and3A_2241, %broadcast_in_dim3A_2244, %broadcast_in_dim3A_2245 : vector<16xi1>, vector<16xi32>
    %max3A_2247 = arith.maxsi %broadcast_in_dim3A_2237, %select_n3A_2246 : vector<16xi32>
    %eq3A_2248 = vector.broadcast %squeeze3A_2218 : i32 to vector<16xi32>
    %eq3A_2249 = arith.cmpi eq, %get3A_259, %eq3A_2248 : vector<16xi32>
    %and3A_2250 = arith.andi %eq3A_2249, %gt3A_276 : vector<16xi1>
    %and3A_2251 = arith.andi %and3A_2250, %lt3A_57 : vector<16xi1>
    %jit3A_2252 = arith.constant 1 : i32
    %jit3A_2253 = arith.constant 0 : i32
    %broadcast_in_dim3A_2254 = vector.broadcast %jit3A_2252 : i32 to vector<16xi32>
    %broadcast_in_dim3A_2255 = vector.broadcast %jit3A_2253 : i32 to vector<16xi32>
    %select_n3A_2256 = arith.select %and3A_2251, %broadcast_in_dim3A_2254, %broadcast_in_dim3A_2255 : vector<16xi1>, vector<16xi32>
    %max3A_2257 = arith.maxsi %max3A_2247, %select_n3A_2256 : vector<16xi32>
    %eq3A_2258 = vector.broadcast %squeeze3A_2218 : i32 to vector<16xi32>
    %eq3A_2259 = arith.cmpi eq, %get3A_261, %eq3A_2258 : vector<16xi32>
    %and3A_2260 = arith.andi %eq3A_2259, %gt3A_279 : vector<16xi1>
    %and3A_2261 = arith.andi %and3A_2260, %lt3A_57 : vector<16xi1>
    %jit3A_2262 = arith.constant 1 : i32
    %jit3A_2263 = arith.constant 0 : i32
    %broadcast_in_dim3A_2264 = vector.broadcast %jit3A_2262 : i32 to vector<16xi32>
    %broadcast_in_dim3A_2265 = vector.broadcast %jit3A_2263 : i32 to vector<16xi32>
    %select_n3A_2266 = arith.select %and3A_2261, %broadcast_in_dim3A_2264, %broadcast_in_dim3A_2265 : vector<16xi1>, vector<16xi32>
    %max3A_2267 = arith.maxsi %max3A_2257, %select_n3A_2266 : vector<16xi32>
    %eq3A_2268 = vector.broadcast %squeeze3A_2218 : i32 to vector<16xi32>
    %eq3A_2269 = arith.cmpi eq, %get3A_263, %eq3A_2268 : vector<16xi32>
    %and3A_2270 = arith.andi %eq3A_2269, %gt3A_282 : vector<16xi1>
    %and3A_2271 = arith.andi %and3A_2270, %lt3A_57 : vector<16xi1>
    %jit3A_2272 = arith.constant 1 : i32
    %jit3A_2273 = arith.constant 0 : i32
    %broadcast_in_dim3A_2274 = vector.broadcast %jit3A_2272 : i32 to vector<16xi32>
    %broadcast_in_dim3A_2275 = vector.broadcast %jit3A_2273 : i32 to vector<16xi32>
    %select_n3A_2276 = arith.select %and3A_2271, %broadcast_in_dim3A_2274, %broadcast_in_dim3A_2275 : vector<16xi1>, vector<16xi32>
    %max3A_2277 = arith.maxsi %max3A_2267, %select_n3A_2276 : vector<16xi32>
    %eq3A_2278 = vector.broadcast %squeeze3A_2218 : i32 to vector<16xi32>
    %eq3A_2279 = arith.cmpi eq, %get3A_265, %eq3A_2278 : vector<16xi32>
    %and3A_2280 = arith.andi %eq3A_2279, %gt3A_285 : vector<16xi1>
    %and3A_2281 = arith.andi %and3A_2280, %lt3A_57 : vector<16xi1>
    %jit3A_2282 = arith.constant 1 : i32
    %jit3A_2283 = arith.constant 0 : i32
    %broadcast_in_dim3A_2284 = vector.broadcast %jit3A_2282 : i32 to vector<16xi32>
    %broadcast_in_dim3A_2285 = vector.broadcast %jit3A_2283 : i32 to vector<16xi32>
    %select_n3A_2286 = arith.select %and3A_2281, %broadcast_in_dim3A_2284, %broadcast_in_dim3A_2285 : vector<16xi1>, vector<16xi32>
    %max3A_2287 = arith.maxsi %max3A_2277, %select_n3A_2286 : vector<16xi32>
    %eq3A_2288 = vector.broadcast %squeeze3A_2218 : i32 to vector<16xi32>
    %eq3A_2289 = arith.cmpi eq, %get3A_267, %eq3A_2288 : vector<16xi32>
    %and3A_2290 = arith.andi %eq3A_2289, %gt3A_288 : vector<16xi1>
    %and3A_2291 = arith.andi %and3A_2290, %lt3A_57 : vector<16xi1>
    %jit3A_2292 = arith.constant 1 : i32
    %jit3A_2293 = arith.constant 0 : i32
    %broadcast_in_dim3A_2294 = vector.broadcast %jit3A_2292 : i32 to vector<16xi32>
    %broadcast_in_dim3A_2295 = vector.broadcast %jit3A_2293 : i32 to vector<16xi32>
    %select_n3A_2296 = arith.select %and3A_2291, %broadcast_in_dim3A_2294, %broadcast_in_dim3A_2295 : vector<16xi1>, vector<16xi32>
    %max3A_2297 = arith.maxsi %max3A_2287, %select_n3A_2296 : vector<16xi32>
    %lt3A_2298 = arith.constant 0 : i32
    %lt3A_2299 = vector.broadcast %lt3A_2298 : i32 to vector<16xi32>
    %lt3A_2300 = arith.cmpi slt, %iota3A, %lt3A_2299 : vector<16xi32>
    %eq3A_2301 = vector.broadcast %squeeze3A_2218 : i32 to vector<16xi32>
    %eq3A_2302 = arith.cmpi eq, %get3A_269, %eq3A_2301 : vector<16xi32>
    %and3A_2303 = arith.andi %eq3A_2302, %gt3A_291 : vector<16xi1>
    %and3A_2304 = arith.andi %and3A_2303, %lt3A_2300 : vector<16xi1>
    %jit3A_2305 = arith.constant 1 : i32
    %jit3A_2306 = arith.constant 0 : i32
    %broadcast_in_dim3A_2307 = vector.broadcast %jit3A_2305 : i32 to vector<16xi32>
    %broadcast_in_dim3A_2308 = vector.broadcast %jit3A_2306 : i32 to vector<16xi32>
    %select_n3A_2309 = arith.select %and3A_2304, %broadcast_in_dim3A_2307, %broadcast_in_dim3A_2308 : vector<16xi1>, vector<16xi32>
    %max3A_2310 = arith.maxsi %max3A_2297, %select_n3A_2309 : vector<16xi32>
    %reduce_max3A_2311 = arith.constant true
    %reduce_max3A_2312 = vector.broadcast %reduce_max3A_2311 : i1 to vector<16xi1>
    %reduce_max3A_2313 = arith.constant -2147483648 : i32
    %reduce_max3A_2314 = vector.broadcast %reduce_max3A_2313 : i32 to vector<16xi32>
    %reduce_max3A_2315 = arith.xori %max3A_2310, %reduce_max3A_2314 : vector<16xi32>
    %reduce_max3A_2316 = tpu.scan <max>, %reduce_max3A_2315 masked %reduce_max3A_2312 : vector<16xi32>, vector<16xi1> -> vector<16xi32>
    %reduce_max3A_2317 = arith.xori %reduce_max3A_2316, %reduce_max3A_2314 : vector<16xi32>
    %reduce_max3A_2318 = vector.extract %reduce_max3A_2317[15] : i32 from vector<16xi32>
    %sub3A_2319 = arith.constant 1 : i32
    %sub3A_2320 = arith.subi %sub3A_2319, %reduce_max3A_2318 : i32
    %mul3A_2321 = arith.muli %reduce_max3A_2235, %sub3A_2320 : i32
    %add3A_2322 = arith.addi %add3A_2207, %mul3A_2321 : i32
    %eq3A_2323 = arith.constant 6 : i32
    %eq3A_2324 = arith.cmpi eq, %select_n3A_30, %eq3A_2323 : i32
    %eq3A_2325 = arith.constant 0 : i32
    %eq3A_2326 = vector.broadcast %eq3A_2325 : i32 to vector<16xi32>
    %eq3A_2327 = arith.cmpi eq, %iota3A, %eq3A_2326 : vector<16xi32>
    %and3A_2328 = vector.broadcast %eq3A_2324 : i1 to vector<16xi1>
    %and3A_2329 = arith.andi %eq3A_2327, %and3A_2328 : vector<16xi1>
    %broadcast_in_dim3A_2330 = vector.broadcast %mul3A_2321 : i32 to vector<16xi32>
    %select_n3A_2331 = arith.select %and3A_2329, %broadcast_in_dim3A_2330, %select_n3A_2216 : vector<16xi1>, vector<16xi32>
    %slice3A_2332 = vector.extract_strided_slice %get3A_269 {offsets = [1], sizes = [1], strides = [1]} : vector<16xi32> to vector<1xi32>
    %squeeze3A_2333 = vector.extract %slice3A_2332[0] : i32 from vector<1xi32>
    %eq3A_2334 = arith.constant 1 : i32
    %eq3A_2335 = vector.broadcast %eq3A_2334 : i32 to vector<16xi32>
    %eq3A_2336 = arith.cmpi eq, %iota3A, %eq3A_2335 : vector<16xi32>
    %and3A_2337 = arith.andi %eq3A_2336, %gt3A_291 : vector<16xi1>
    %jit3A_2338 = arith.constant 1 : i32
    %jit3A_2339 = arith.constant 0 : i32
    %broadcast_in_dim3A_2340 = vector.broadcast %jit3A_2338 : i32 to vector<16xi32>
    %broadcast_in_dim3A_2341 = vector.broadcast %jit3A_2339 : i32 to vector<16xi32>
    %select_n3A_2342 = arith.select %and3A_2337, %broadcast_in_dim3A_2340, %broadcast_in_dim3A_2341 : vector<16xi1>, vector<16xi32>
    %reduce_max3A_2343 = arith.constant true
    %reduce_max3A_2344 = vector.broadcast %reduce_max3A_2343 : i1 to vector<16xi1>
    %reduce_max3A_2345 = arith.constant -2147483648 : i32
    %reduce_max3A_2346 = vector.broadcast %reduce_max3A_2345 : i32 to vector<16xi32>
    %reduce_max3A_2347 = arith.xori %select_n3A_2342, %reduce_max3A_2346 : vector<16xi32>
    %reduce_max3A_2348 = tpu.scan <max>, %reduce_max3A_2347 masked %reduce_max3A_2344 : vector<16xi32>, vector<16xi1> -> vector<16xi32>
    %reduce_max3A_2349 = arith.xori %reduce_max3A_2348, %reduce_max3A_2346 : vector<16xi32>
    %reduce_max3A_2350 = vector.extract %reduce_max3A_2349[15] : i32 from vector<16xi32>
    %broadcast_in_dim3A_2351 = arith.constant 0 : i32
    %broadcast_in_dim3A_2352 = vector.broadcast %broadcast_in_dim3A_2351 : i32 to vector<16xi32>
    %eq3A_2353 = vector.broadcast %squeeze3A_2333 : i32 to vector<16xi32>
    %eq3A_2354 = arith.cmpi eq, %get3A_257, %eq3A_2353 : vector<16xi32>
    %and3A_2355 = arith.andi %eq3A_2354, %gt3A_273 : vector<16xi1>
    %and3A_2356 = arith.andi %and3A_2355, %lt3A_57 : vector<16xi1>
    %jit3A_2357 = arith.constant 1 : i32
    %jit3A_2358 = arith.constant 0 : i32
    %broadcast_in_dim3A_2359 = vector.broadcast %jit3A_2357 : i32 to vector<16xi32>
    %broadcast_in_dim3A_2360 = vector.broadcast %jit3A_2358 : i32 to vector<16xi32>
    %select_n3A_2361 = arith.select %and3A_2356, %broadcast_in_dim3A_2359, %broadcast_in_dim3A_2360 : vector<16xi1>, vector<16xi32>
    %max3A_2362 = arith.maxsi %broadcast_in_dim3A_2352, %select_n3A_2361 : vector<16xi32>
    %eq3A_2363 = vector.broadcast %squeeze3A_2333 : i32 to vector<16xi32>
    %eq3A_2364 = arith.cmpi eq, %get3A_259, %eq3A_2363 : vector<16xi32>
    %and3A_2365 = arith.andi %eq3A_2364, %gt3A_276 : vector<16xi1>
    %and3A_2366 = arith.andi %and3A_2365, %lt3A_57 : vector<16xi1>
    %jit3A_2367 = arith.constant 1 : i32
    %jit3A_2368 = arith.constant 0 : i32
    %broadcast_in_dim3A_2369 = vector.broadcast %jit3A_2367 : i32 to vector<16xi32>
    %broadcast_in_dim3A_2370 = vector.broadcast %jit3A_2368 : i32 to vector<16xi32>
    %select_n3A_2371 = arith.select %and3A_2366, %broadcast_in_dim3A_2369, %broadcast_in_dim3A_2370 : vector<16xi1>, vector<16xi32>
    %max3A_2372 = arith.maxsi %max3A_2362, %select_n3A_2371 : vector<16xi32>
    %eq3A_2373 = vector.broadcast %squeeze3A_2333 : i32 to vector<16xi32>
    %eq3A_2374 = arith.cmpi eq, %get3A_261, %eq3A_2373 : vector<16xi32>
    %and3A_2375 = arith.andi %eq3A_2374, %gt3A_279 : vector<16xi1>
    %and3A_2376 = arith.andi %and3A_2375, %lt3A_57 : vector<16xi1>
    %jit3A_2377 = arith.constant 1 : i32
    %jit3A_2378 = arith.constant 0 : i32
    %broadcast_in_dim3A_2379 = vector.broadcast %jit3A_2377 : i32 to vector<16xi32>
    %broadcast_in_dim3A_2380 = vector.broadcast %jit3A_2378 : i32 to vector<16xi32>
    %select_n3A_2381 = arith.select %and3A_2376, %broadcast_in_dim3A_2379, %broadcast_in_dim3A_2380 : vector<16xi1>, vector<16xi32>
    %max3A_2382 = arith.maxsi %max3A_2372, %select_n3A_2381 : vector<16xi32>
    %eq3A_2383 = vector.broadcast %squeeze3A_2333 : i32 to vector<16xi32>
    %eq3A_2384 = arith.cmpi eq, %get3A_263, %eq3A_2383 : vector<16xi32>
    %and3A_2385 = arith.andi %eq3A_2384, %gt3A_282 : vector<16xi1>
    %and3A_2386 = arith.andi %and3A_2385, %lt3A_57 : vector<16xi1>
    %jit3A_2387 = arith.constant 1 : i32
    %jit3A_2388 = arith.constant 0 : i32
    %broadcast_in_dim3A_2389 = vector.broadcast %jit3A_2387 : i32 to vector<16xi32>
    %broadcast_in_dim3A_2390 = vector.broadcast %jit3A_2388 : i32 to vector<16xi32>
    %select_n3A_2391 = arith.select %and3A_2386, %broadcast_in_dim3A_2389, %broadcast_in_dim3A_2390 : vector<16xi1>, vector<16xi32>
    %max3A_2392 = arith.maxsi %max3A_2382, %select_n3A_2391 : vector<16xi32>
    %eq3A_2393 = vector.broadcast %squeeze3A_2333 : i32 to vector<16xi32>
    %eq3A_2394 = arith.cmpi eq, %get3A_265, %eq3A_2393 : vector<16xi32>
    %and3A_2395 = arith.andi %eq3A_2394, %gt3A_285 : vector<16xi1>
    %and3A_2396 = arith.andi %and3A_2395, %lt3A_57 : vector<16xi1>
    %jit3A_2397 = arith.constant 1 : i32
    %jit3A_2398 = arith.constant 0 : i32
    %broadcast_in_dim3A_2399 = vector.broadcast %jit3A_2397 : i32 to vector<16xi32>
    %broadcast_in_dim3A_2400 = vector.broadcast %jit3A_2398 : i32 to vector<16xi32>
    %select_n3A_2401 = arith.select %and3A_2396, %broadcast_in_dim3A_2399, %broadcast_in_dim3A_2400 : vector<16xi1>, vector<16xi32>
    %max3A_2402 = arith.maxsi %max3A_2392, %select_n3A_2401 : vector<16xi32>
    %eq3A_2403 = vector.broadcast %squeeze3A_2333 : i32 to vector<16xi32>
    %eq3A_2404 = arith.cmpi eq, %get3A_267, %eq3A_2403 : vector<16xi32>
    %and3A_2405 = arith.andi %eq3A_2404, %gt3A_288 : vector<16xi1>
    %and3A_2406 = arith.andi %and3A_2405, %lt3A_57 : vector<16xi1>
    %jit3A_2407 = arith.constant 1 : i32
    %jit3A_2408 = arith.constant 0 : i32
    %broadcast_in_dim3A_2409 = vector.broadcast %jit3A_2407 : i32 to vector<16xi32>
    %broadcast_in_dim3A_2410 = vector.broadcast %jit3A_2408 : i32 to vector<16xi32>
    %select_n3A_2411 = arith.select %and3A_2406, %broadcast_in_dim3A_2409, %broadcast_in_dim3A_2410 : vector<16xi1>, vector<16xi32>
    %max3A_2412 = arith.maxsi %max3A_2402, %select_n3A_2411 : vector<16xi32>
    %lt3A_2413 = arith.constant 1 : i32
    %lt3A_2414 = vector.broadcast %lt3A_2413 : i32 to vector<16xi32>
    %lt3A_2415 = arith.cmpi slt, %iota3A, %lt3A_2414 : vector<16xi32>
    %eq3A_2416 = vector.broadcast %squeeze3A_2333 : i32 to vector<16xi32>
    %eq3A_2417 = arith.cmpi eq, %get3A_269, %eq3A_2416 : vector<16xi32>
    %and3A_2418 = arith.andi %eq3A_2417, %gt3A_291 : vector<16xi1>
    %and3A_2419 = arith.andi %and3A_2418, %lt3A_2415 : vector<16xi1>
    %jit3A_2420 = arith.constant 1 : i32
    %jit3A_2421 = arith.constant 0 : i32
    %broadcast_in_dim3A_2422 = vector.broadcast %jit3A_2420 : i32 to vector<16xi32>
    %broadcast_in_dim3A_2423 = vector.broadcast %jit3A_2421 : i32 to vector<16xi32>
    %select_n3A_2424 = arith.select %and3A_2419, %broadcast_in_dim3A_2422, %broadcast_in_dim3A_2423 : vector<16xi1>, vector<16xi32>
    %max3A_2425 = arith.maxsi %max3A_2412, %select_n3A_2424 : vector<16xi32>
    %reduce_max3A_2426 = arith.constant true
    %reduce_max3A_2427 = vector.broadcast %reduce_max3A_2426 : i1 to vector<16xi1>
    %reduce_max3A_2428 = arith.constant -2147483648 : i32
    %reduce_max3A_2429 = vector.broadcast %reduce_max3A_2428 : i32 to vector<16xi32>
    %reduce_max3A_2430 = arith.xori %max3A_2425, %reduce_max3A_2429 : vector<16xi32>
    %reduce_max3A_2431 = tpu.scan <max>, %reduce_max3A_2430 masked %reduce_max3A_2427 : vector<16xi32>, vector<16xi1> -> vector<16xi32>
    %reduce_max3A_2432 = arith.xori %reduce_max3A_2431, %reduce_max3A_2429 : vector<16xi32>
    %reduce_max3A_2433 = vector.extract %reduce_max3A_2432[15] : i32 from vector<16xi32>
    %sub3A_2434 = arith.constant 1 : i32
    %sub3A_2435 = arith.subi %sub3A_2434, %reduce_max3A_2433 : i32
    %mul3A_2436 = arith.muli %reduce_max3A_2350, %sub3A_2435 : i32
    %add3A_2437 = arith.addi %add3A_2322, %mul3A_2436 : i32
    %eq3A_2438 = arith.constant 6 : i32
    %eq3A_2439 = arith.cmpi eq, %select_n3A_30, %eq3A_2438 : i32
    %eq3A_2440 = arith.constant 1 : i32
    %eq3A_2441 = vector.broadcast %eq3A_2440 : i32 to vector<16xi32>
    %eq3A_2442 = arith.cmpi eq, %iota3A, %eq3A_2441 : vector<16xi32>
    %and3A_2443 = vector.broadcast %eq3A_2439 : i1 to vector<16xi1>
    %and3A_2444 = arith.andi %eq3A_2442, %and3A_2443 : vector<16xi1>
    %broadcast_in_dim3A_2445 = vector.broadcast %mul3A_2436 : i32 to vector<16xi32>
    %select_n3A_2446 = arith.select %and3A_2444, %broadcast_in_dim3A_2445, %select_n3A_2331 : vector<16xi1>, vector<16xi32>
    %slice3A_2447 = vector.extract_strided_slice %get3A_269 {offsets = [2], sizes = [1], strides = [1]} : vector<16xi32> to vector<1xi32>
    %squeeze3A_2448 = vector.extract %slice3A_2447[0] : i32 from vector<1xi32>
    %eq3A_2449 = arith.constant 2 : i32
    %eq3A_2450 = vector.broadcast %eq3A_2449 : i32 to vector<16xi32>
    %eq3A_2451 = arith.cmpi eq, %iota3A, %eq3A_2450 : vector<16xi32>
    %and3A_2452 = arith.andi %eq3A_2451, %gt3A_291 : vector<16xi1>
    %jit3A_2453 = arith.constant 1 : i32
    %jit3A_2454 = arith.constant 0 : i32
    %broadcast_in_dim3A_2455 = vector.broadcast %jit3A_2453 : i32 to vector<16xi32>
    %broadcast_in_dim3A_2456 = vector.broadcast %jit3A_2454 : i32 to vector<16xi32>
    %select_n3A_2457 = arith.select %and3A_2452, %broadcast_in_dim3A_2455, %broadcast_in_dim3A_2456 : vector<16xi1>, vector<16xi32>
    %reduce_max3A_2458 = arith.constant true
    %reduce_max3A_2459 = vector.broadcast %reduce_max3A_2458 : i1 to vector<16xi1>
    %reduce_max3A_2460 = arith.constant -2147483648 : i32
    %reduce_max3A_2461 = vector.broadcast %reduce_max3A_2460 : i32 to vector<16xi32>
    %reduce_max3A_2462 = arith.xori %select_n3A_2457, %reduce_max3A_2461 : vector<16xi32>
    %reduce_max3A_2463 = tpu.scan <max>, %reduce_max3A_2462 masked %reduce_max3A_2459 : vector<16xi32>, vector<16xi1> -> vector<16xi32>
    %reduce_max3A_2464 = arith.xori %reduce_max3A_2463, %reduce_max3A_2461 : vector<16xi32>
    %reduce_max3A_2465 = vector.extract %reduce_max3A_2464[15] : i32 from vector<16xi32>
    %broadcast_in_dim3A_2466 = arith.constant 0 : i32
    %broadcast_in_dim3A_2467 = vector.broadcast %broadcast_in_dim3A_2466 : i32 to vector<16xi32>
    %eq3A_2468 = vector.broadcast %squeeze3A_2448 : i32 to vector<16xi32>
    %eq3A_2469 = arith.cmpi eq, %get3A_257, %eq3A_2468 : vector<16xi32>
    %and3A_2470 = arith.andi %eq3A_2469, %gt3A_273 : vector<16xi1>
    %and3A_2471 = arith.andi %and3A_2470, %lt3A_57 : vector<16xi1>
    %jit3A_2472 = arith.constant 1 : i32
    %jit3A_2473 = arith.constant 0 : i32
    %broadcast_in_dim3A_2474 = vector.broadcast %jit3A_2472 : i32 to vector<16xi32>
    %broadcast_in_dim3A_2475 = vector.broadcast %jit3A_2473 : i32 to vector<16xi32>
    %select_n3A_2476 = arith.select %and3A_2471, %broadcast_in_dim3A_2474, %broadcast_in_dim3A_2475 : vector<16xi1>, vector<16xi32>
    %max3A_2477 = arith.maxsi %broadcast_in_dim3A_2467, %select_n3A_2476 : vector<16xi32>
    %eq3A_2478 = vector.broadcast %squeeze3A_2448 : i32 to vector<16xi32>
    %eq3A_2479 = arith.cmpi eq, %get3A_259, %eq3A_2478 : vector<16xi32>
    %and3A_2480 = arith.andi %eq3A_2479, %gt3A_276 : vector<16xi1>
    %and3A_2481 = arith.andi %and3A_2480, %lt3A_57 : vector<16xi1>
    %jit3A_2482 = arith.constant 1 : i32
    %jit3A_2483 = arith.constant 0 : i32
    %broadcast_in_dim3A_2484 = vector.broadcast %jit3A_2482 : i32 to vector<16xi32>
    %broadcast_in_dim3A_2485 = vector.broadcast %jit3A_2483 : i32 to vector<16xi32>
    %select_n3A_2486 = arith.select %and3A_2481, %broadcast_in_dim3A_2484, %broadcast_in_dim3A_2485 : vector<16xi1>, vector<16xi32>
    %max3A_2487 = arith.maxsi %max3A_2477, %select_n3A_2486 : vector<16xi32>
    %eq3A_2488 = vector.broadcast %squeeze3A_2448 : i32 to vector<16xi32>
    %eq3A_2489 = arith.cmpi eq, %get3A_261, %eq3A_2488 : vector<16xi32>
    %and3A_2490 = arith.andi %eq3A_2489, %gt3A_279 : vector<16xi1>
    %and3A_2491 = arith.andi %and3A_2490, %lt3A_57 : vector<16xi1>
    %jit3A_2492 = arith.constant 1 : i32
    %jit3A_2493 = arith.constant 0 : i32
    %broadcast_in_dim3A_2494 = vector.broadcast %jit3A_2492 : i32 to vector<16xi32>
    %broadcast_in_dim3A_2495 = vector.broadcast %jit3A_2493 : i32 to vector<16xi32>
    %select_n3A_2496 = arith.select %and3A_2491, %broadcast_in_dim3A_2494, %broadcast_in_dim3A_2495 : vector<16xi1>, vector<16xi32>
    %max3A_2497 = arith.maxsi %max3A_2487, %select_n3A_2496 : vector<16xi32>
    %eq3A_2498 = vector.broadcast %squeeze3A_2448 : i32 to vector<16xi32>
    %eq3A_2499 = arith.cmpi eq, %get3A_263, %eq3A_2498 : vector<16xi32>
    %and3A_2500 = arith.andi %eq3A_2499, %gt3A_282 : vector<16xi1>
    %and3A_2501 = arith.andi %and3A_2500, %lt3A_57 : vector<16xi1>
    %jit3A_2502 = arith.constant 1 : i32
    %jit3A_2503 = arith.constant 0 : i32
    %broadcast_in_dim3A_2504 = vector.broadcast %jit3A_2502 : i32 to vector<16xi32>
    %broadcast_in_dim3A_2505 = vector.broadcast %jit3A_2503 : i32 to vector<16xi32>
    %select_n3A_2506 = arith.select %and3A_2501, %broadcast_in_dim3A_2504, %broadcast_in_dim3A_2505 : vector<16xi1>, vector<16xi32>
    %max3A_2507 = arith.maxsi %max3A_2497, %select_n3A_2506 : vector<16xi32>
    %eq3A_2508 = vector.broadcast %squeeze3A_2448 : i32 to vector<16xi32>
    %eq3A_2509 = arith.cmpi eq, %get3A_265, %eq3A_2508 : vector<16xi32>
    %and3A_2510 = arith.andi %eq3A_2509, %gt3A_285 : vector<16xi1>
    %and3A_2511 = arith.andi %and3A_2510, %lt3A_57 : vector<16xi1>
    %jit3A_2512 = arith.constant 1 : i32
    %jit3A_2513 = arith.constant 0 : i32
    %broadcast_in_dim3A_2514 = vector.broadcast %jit3A_2512 : i32 to vector<16xi32>
    %broadcast_in_dim3A_2515 = vector.broadcast %jit3A_2513 : i32 to vector<16xi32>
    %select_n3A_2516 = arith.select %and3A_2511, %broadcast_in_dim3A_2514, %broadcast_in_dim3A_2515 : vector<16xi1>, vector<16xi32>
    %max3A_2517 = arith.maxsi %max3A_2507, %select_n3A_2516 : vector<16xi32>
    %eq3A_2518 = vector.broadcast %squeeze3A_2448 : i32 to vector<16xi32>
    %eq3A_2519 = arith.cmpi eq, %get3A_267, %eq3A_2518 : vector<16xi32>
    %and3A_2520 = arith.andi %eq3A_2519, %gt3A_288 : vector<16xi1>
    %and3A_2521 = arith.andi %and3A_2520, %lt3A_57 : vector<16xi1>
    %jit3A_2522 = arith.constant 1 : i32
    %jit3A_2523 = arith.constant 0 : i32
    %broadcast_in_dim3A_2524 = vector.broadcast %jit3A_2522 : i32 to vector<16xi32>
    %broadcast_in_dim3A_2525 = vector.broadcast %jit3A_2523 : i32 to vector<16xi32>
    %select_n3A_2526 = arith.select %and3A_2521, %broadcast_in_dim3A_2524, %broadcast_in_dim3A_2525 : vector<16xi1>, vector<16xi32>
    %max3A_2527 = arith.maxsi %max3A_2517, %select_n3A_2526 : vector<16xi32>
    %lt3A_2528 = arith.constant 2 : i32
    %lt3A_2529 = vector.broadcast %lt3A_2528 : i32 to vector<16xi32>
    %lt3A_2530 = arith.cmpi slt, %iota3A, %lt3A_2529 : vector<16xi32>
    %eq3A_2531 = vector.broadcast %squeeze3A_2448 : i32 to vector<16xi32>
    %eq3A_2532 = arith.cmpi eq, %get3A_269, %eq3A_2531 : vector<16xi32>
    %and3A_2533 = arith.andi %eq3A_2532, %gt3A_291 : vector<16xi1>
    %and3A_2534 = arith.andi %and3A_2533, %lt3A_2530 : vector<16xi1>
    %jit3A_2535 = arith.constant 1 : i32
    %jit3A_2536 = arith.constant 0 : i32
    %broadcast_in_dim3A_2537 = vector.broadcast %jit3A_2535 : i32 to vector<16xi32>
    %broadcast_in_dim3A_2538 = vector.broadcast %jit3A_2536 : i32 to vector<16xi32>
    %select_n3A_2539 = arith.select %and3A_2534, %broadcast_in_dim3A_2537, %broadcast_in_dim3A_2538 : vector<16xi1>, vector<16xi32>
    %max3A_2540 = arith.maxsi %max3A_2527, %select_n3A_2539 : vector<16xi32>
    %reduce_max3A_2541 = arith.constant true
    %reduce_max3A_2542 = vector.broadcast %reduce_max3A_2541 : i1 to vector<16xi1>
    %reduce_max3A_2543 = arith.constant -2147483648 : i32
    %reduce_max3A_2544 = vector.broadcast %reduce_max3A_2543 : i32 to vector<16xi32>
    %reduce_max3A_2545 = arith.xori %max3A_2540, %reduce_max3A_2544 : vector<16xi32>
    %reduce_max3A_2546 = tpu.scan <max>, %reduce_max3A_2545 masked %reduce_max3A_2542 : vector<16xi32>, vector<16xi1> -> vector<16xi32>
    %reduce_max3A_2547 = arith.xori %reduce_max3A_2546, %reduce_max3A_2544 : vector<16xi32>
    %reduce_max3A_2548 = vector.extract %reduce_max3A_2547[15] : i32 from vector<16xi32>
    %sub3A_2549 = arith.constant 1 : i32
    %sub3A_2550 = arith.subi %sub3A_2549, %reduce_max3A_2548 : i32
    %mul3A_2551 = arith.muli %reduce_max3A_2465, %sub3A_2550 : i32
    %add3A_2552 = arith.addi %add3A_2437, %mul3A_2551 : i32
    %eq3A_2553 = arith.constant 6 : i32
    %eq3A_2554 = arith.cmpi eq, %select_n3A_30, %eq3A_2553 : i32
    %eq3A_2555 = arith.constant 2 : i32
    %eq3A_2556 = vector.broadcast %eq3A_2555 : i32 to vector<16xi32>
    %eq3A_2557 = arith.cmpi eq, %iota3A, %eq3A_2556 : vector<16xi32>
    %and3A_2558 = vector.broadcast %eq3A_2554 : i1 to vector<16xi1>
    %and3A_2559 = arith.andi %eq3A_2557, %and3A_2558 : vector<16xi1>
    %broadcast_in_dim3A_2560 = vector.broadcast %mul3A_2551 : i32 to vector<16xi32>
    %select_n3A_2561 = arith.select %and3A_2559, %broadcast_in_dim3A_2560, %select_n3A_2446 : vector<16xi1>, vector<16xi32>
    %slice3A_2562 = vector.extract_strided_slice %get3A_269 {offsets = [3], sizes = [1], strides = [1]} : vector<16xi32> to vector<1xi32>
    %squeeze3A_2563 = vector.extract %slice3A_2562[0] : i32 from vector<1xi32>
    %eq3A_2564 = arith.constant 3 : i32
    %eq3A_2565 = vector.broadcast %eq3A_2564 : i32 to vector<16xi32>
    %eq3A_2566 = arith.cmpi eq, %iota3A, %eq3A_2565 : vector<16xi32>
    %and3A_2567 = arith.andi %eq3A_2566, %gt3A_291 : vector<16xi1>
    %jit3A_2568 = arith.constant 1 : i32
    %jit3A_2569 = arith.constant 0 : i32
    %broadcast_in_dim3A_2570 = vector.broadcast %jit3A_2568 : i32 to vector<16xi32>
    %broadcast_in_dim3A_2571 = vector.broadcast %jit3A_2569 : i32 to vector<16xi32>
    %select_n3A_2572 = arith.select %and3A_2567, %broadcast_in_dim3A_2570, %broadcast_in_dim3A_2571 : vector<16xi1>, vector<16xi32>
    %reduce_max3A_2573 = arith.constant true
    %reduce_max3A_2574 = vector.broadcast %reduce_max3A_2573 : i1 to vector<16xi1>
    %reduce_max3A_2575 = arith.constant -2147483648 : i32
    %reduce_max3A_2576 = vector.broadcast %reduce_max3A_2575 : i32 to vector<16xi32>
    %reduce_max3A_2577 = arith.xori %select_n3A_2572, %reduce_max3A_2576 : vector<16xi32>
    %reduce_max3A_2578 = tpu.scan <max>, %reduce_max3A_2577 masked %reduce_max3A_2574 : vector<16xi32>, vector<16xi1> -> vector<16xi32>
    %reduce_max3A_2579 = arith.xori %reduce_max3A_2578, %reduce_max3A_2576 : vector<16xi32>
    %reduce_max3A_2580 = vector.extract %reduce_max3A_2579[15] : i32 from vector<16xi32>
    %broadcast_in_dim3A_2581 = arith.constant 0 : i32
    %broadcast_in_dim3A_2582 = vector.broadcast %broadcast_in_dim3A_2581 : i32 to vector<16xi32>
    %eq3A_2583 = vector.broadcast %squeeze3A_2563 : i32 to vector<16xi32>
    %eq3A_2584 = arith.cmpi eq, %get3A_257, %eq3A_2583 : vector<16xi32>
    %and3A_2585 = arith.andi %eq3A_2584, %gt3A_273 : vector<16xi1>
    %and3A_2586 = arith.andi %and3A_2585, %lt3A_57 : vector<16xi1>
    %jit3A_2587 = arith.constant 1 : i32
    %jit3A_2588 = arith.constant 0 : i32
    %broadcast_in_dim3A_2589 = vector.broadcast %jit3A_2587 : i32 to vector<16xi32>
    %broadcast_in_dim3A_2590 = vector.broadcast %jit3A_2588 : i32 to vector<16xi32>
    %select_n3A_2591 = arith.select %and3A_2586, %broadcast_in_dim3A_2589, %broadcast_in_dim3A_2590 : vector<16xi1>, vector<16xi32>
    %max3A_2592 = arith.maxsi %broadcast_in_dim3A_2582, %select_n3A_2591 : vector<16xi32>
    %eq3A_2593 = vector.broadcast %squeeze3A_2563 : i32 to vector<16xi32>
    %eq3A_2594 = arith.cmpi eq, %get3A_259, %eq3A_2593 : vector<16xi32>
    %and3A_2595 = arith.andi %eq3A_2594, %gt3A_276 : vector<16xi1>
    %and3A_2596 = arith.andi %and3A_2595, %lt3A_57 : vector<16xi1>
    %jit3A_2597 = arith.constant 1 : i32
    %jit3A_2598 = arith.constant 0 : i32
    %broadcast_in_dim3A_2599 = vector.broadcast %jit3A_2597 : i32 to vector<16xi32>
    %broadcast_in_dim3A_2600 = vector.broadcast %jit3A_2598 : i32 to vector<16xi32>
    %select_n3A_2601 = arith.select %and3A_2596, %broadcast_in_dim3A_2599, %broadcast_in_dim3A_2600 : vector<16xi1>, vector<16xi32>
    %max3A_2602 = arith.maxsi %max3A_2592, %select_n3A_2601 : vector<16xi32>
    %eq3A_2603 = vector.broadcast %squeeze3A_2563 : i32 to vector<16xi32>
    %eq3A_2604 = arith.cmpi eq, %get3A_261, %eq3A_2603 : vector<16xi32>
    %and3A_2605 = arith.andi %eq3A_2604, %gt3A_279 : vector<16xi1>
    %and3A_2606 = arith.andi %and3A_2605, %lt3A_57 : vector<16xi1>
    %jit3A_2607 = arith.constant 1 : i32
    %jit3A_2608 = arith.constant 0 : i32
    %broadcast_in_dim3A_2609 = vector.broadcast %jit3A_2607 : i32 to vector<16xi32>
    %broadcast_in_dim3A_2610 = vector.broadcast %jit3A_2608 : i32 to vector<16xi32>
    %select_n3A_2611 = arith.select %and3A_2606, %broadcast_in_dim3A_2609, %broadcast_in_dim3A_2610 : vector<16xi1>, vector<16xi32>
    %max3A_2612 = arith.maxsi %max3A_2602, %select_n3A_2611 : vector<16xi32>
    %eq3A_2613 = vector.broadcast %squeeze3A_2563 : i32 to vector<16xi32>
    %eq3A_2614 = arith.cmpi eq, %get3A_263, %eq3A_2613 : vector<16xi32>
    %and3A_2615 = arith.andi %eq3A_2614, %gt3A_282 : vector<16xi1>
    %and3A_2616 = arith.andi %and3A_2615, %lt3A_57 : vector<16xi1>
    %jit3A_2617 = arith.constant 1 : i32
    %jit3A_2618 = arith.constant 0 : i32
    %broadcast_in_dim3A_2619 = vector.broadcast %jit3A_2617 : i32 to vector<16xi32>
    %broadcast_in_dim3A_2620 = vector.broadcast %jit3A_2618 : i32 to vector<16xi32>
    %select_n3A_2621 = arith.select %and3A_2616, %broadcast_in_dim3A_2619, %broadcast_in_dim3A_2620 : vector<16xi1>, vector<16xi32>
    %max3A_2622 = arith.maxsi %max3A_2612, %select_n3A_2621 : vector<16xi32>
    %eq3A_2623 = vector.broadcast %squeeze3A_2563 : i32 to vector<16xi32>
    %eq3A_2624 = arith.cmpi eq, %get3A_265, %eq3A_2623 : vector<16xi32>
    %and3A_2625 = arith.andi %eq3A_2624, %gt3A_285 : vector<16xi1>
    %and3A_2626 = arith.andi %and3A_2625, %lt3A_57 : vector<16xi1>
    %jit3A_2627 = arith.constant 1 : i32
    %jit3A_2628 = arith.constant 0 : i32
    %broadcast_in_dim3A_2629 = vector.broadcast %jit3A_2627 : i32 to vector<16xi32>
    %broadcast_in_dim3A_2630 = vector.broadcast %jit3A_2628 : i32 to vector<16xi32>
    %select_n3A_2631 = arith.select %and3A_2626, %broadcast_in_dim3A_2629, %broadcast_in_dim3A_2630 : vector<16xi1>, vector<16xi32>
    %max3A_2632 = arith.maxsi %max3A_2622, %select_n3A_2631 : vector<16xi32>
    %eq3A_2633 = vector.broadcast %squeeze3A_2563 : i32 to vector<16xi32>
    %eq3A_2634 = arith.cmpi eq, %get3A_267, %eq3A_2633 : vector<16xi32>
    %and3A_2635 = arith.andi %eq3A_2634, %gt3A_288 : vector<16xi1>
    %and3A_2636 = arith.andi %and3A_2635, %lt3A_57 : vector<16xi1>
    %jit3A_2637 = arith.constant 1 : i32
    %jit3A_2638 = arith.constant 0 : i32
    %broadcast_in_dim3A_2639 = vector.broadcast %jit3A_2637 : i32 to vector<16xi32>
    %broadcast_in_dim3A_2640 = vector.broadcast %jit3A_2638 : i32 to vector<16xi32>
    %select_n3A_2641 = arith.select %and3A_2636, %broadcast_in_dim3A_2639, %broadcast_in_dim3A_2640 : vector<16xi1>, vector<16xi32>
    %max3A_2642 = arith.maxsi %max3A_2632, %select_n3A_2641 : vector<16xi32>
    %lt3A_2643 = arith.constant 3 : i32
    %lt3A_2644 = vector.broadcast %lt3A_2643 : i32 to vector<16xi32>
    %lt3A_2645 = arith.cmpi slt, %iota3A, %lt3A_2644 : vector<16xi32>
    %eq3A_2646 = vector.broadcast %squeeze3A_2563 : i32 to vector<16xi32>
    %eq3A_2647 = arith.cmpi eq, %get3A_269, %eq3A_2646 : vector<16xi32>
    %and3A_2648 = arith.andi %eq3A_2647, %gt3A_291 : vector<16xi1>
    %and3A_2649 = arith.andi %and3A_2648, %lt3A_2645 : vector<16xi1>
    %jit3A_2650 = arith.constant 1 : i32
    %jit3A_2651 = arith.constant 0 : i32
    %broadcast_in_dim3A_2652 = vector.broadcast %jit3A_2650 : i32 to vector<16xi32>
    %broadcast_in_dim3A_2653 = vector.broadcast %jit3A_2651 : i32 to vector<16xi32>
    %select_n3A_2654 = arith.select %and3A_2649, %broadcast_in_dim3A_2652, %broadcast_in_dim3A_2653 : vector<16xi1>, vector<16xi32>
    %max3A_2655 = arith.maxsi %max3A_2642, %select_n3A_2654 : vector<16xi32>
    %reduce_max3A_2656 = arith.constant true
    %reduce_max3A_2657 = vector.broadcast %reduce_max3A_2656 : i1 to vector<16xi1>
    %reduce_max3A_2658 = arith.constant -2147483648 : i32
    %reduce_max3A_2659 = vector.broadcast %reduce_max3A_2658 : i32 to vector<16xi32>
    %reduce_max3A_2660 = arith.xori %max3A_2655, %reduce_max3A_2659 : vector<16xi32>
    %reduce_max3A_2661 = tpu.scan <max>, %reduce_max3A_2660 masked %reduce_max3A_2657 : vector<16xi32>, vector<16xi1> -> vector<16xi32>
    %reduce_max3A_2662 = arith.xori %reduce_max3A_2661, %reduce_max3A_2659 : vector<16xi32>
    %reduce_max3A_2663 = vector.extract %reduce_max3A_2662[15] : i32 from vector<16xi32>
    %sub3A_2664 = arith.constant 1 : i32
    %sub3A_2665 = arith.subi %sub3A_2664, %reduce_max3A_2663 : i32
    %mul3A_2666 = arith.muli %reduce_max3A_2580, %sub3A_2665 : i32
    %add3A_2667 = arith.addi %add3A_2552, %mul3A_2666 : i32
    %eq3A_2668 = arith.constant 6 : i32
    %eq3A_2669 = arith.cmpi eq, %select_n3A_30, %eq3A_2668 : i32
    %eq3A_2670 = arith.constant 3 : i32
    %eq3A_2671 = vector.broadcast %eq3A_2670 : i32 to vector<16xi32>
    %eq3A_2672 = arith.cmpi eq, %iota3A, %eq3A_2671 : vector<16xi32>
    %and3A_2673 = vector.broadcast %eq3A_2669 : i1 to vector<16xi1>
    %and3A_2674 = arith.andi %eq3A_2672, %and3A_2673 : vector<16xi1>
    %broadcast_in_dim3A_2675 = vector.broadcast %mul3A_2666 : i32 to vector<16xi32>
    %select_n3A_2676 = arith.select %and3A_2674, %broadcast_in_dim3A_2675, %select_n3A_2561 : vector<16xi1>, vector<16xi32>
    %slice3A_2677 = vector.extract_strided_slice %get3A_271 {offsets = [0], sizes = [1], strides = [1]} : vector<16xi32> to vector<1xi32>
    %squeeze3A_2678 = vector.extract %slice3A_2677[0] : i32 from vector<1xi32>
    %eq3A_2679 = arith.constant 0 : i32
    %eq3A_2680 = vector.broadcast %eq3A_2679 : i32 to vector<16xi32>
    %eq3A_2681 = arith.cmpi eq, %iota3A, %eq3A_2680 : vector<16xi32>
    %and3A_2682 = arith.andi %eq3A_2681, %gt3A_294 : vector<16xi1>
    %jit3A_2683 = arith.constant 1 : i32
    %jit3A_2684 = arith.constant 0 : i32
    %broadcast_in_dim3A_2685 = vector.broadcast %jit3A_2683 : i32 to vector<16xi32>
    %broadcast_in_dim3A_2686 = vector.broadcast %jit3A_2684 : i32 to vector<16xi32>
    %select_n3A_2687 = arith.select %and3A_2682, %broadcast_in_dim3A_2685, %broadcast_in_dim3A_2686 : vector<16xi1>, vector<16xi32>
    %reduce_max3A_2688 = arith.constant true
    %reduce_max3A_2689 = vector.broadcast %reduce_max3A_2688 : i1 to vector<16xi1>
    %reduce_max3A_2690 = arith.constant -2147483648 : i32
    %reduce_max3A_2691 = vector.broadcast %reduce_max3A_2690 : i32 to vector<16xi32>
    %reduce_max3A_2692 = arith.xori %select_n3A_2687, %reduce_max3A_2691 : vector<16xi32>
    %reduce_max3A_2693 = tpu.scan <max>, %reduce_max3A_2692 masked %reduce_max3A_2689 : vector<16xi32>, vector<16xi1> -> vector<16xi32>
    %reduce_max3A_2694 = arith.xori %reduce_max3A_2693, %reduce_max3A_2691 : vector<16xi32>
    %reduce_max3A_2695 = vector.extract %reduce_max3A_2694[15] : i32 from vector<16xi32>
    %broadcast_in_dim3A_2696 = arith.constant 0 : i32
    %broadcast_in_dim3A_2697 = vector.broadcast %broadcast_in_dim3A_2696 : i32 to vector<16xi32>
    %eq3A_2698 = vector.broadcast %squeeze3A_2678 : i32 to vector<16xi32>
    %eq3A_2699 = arith.cmpi eq, %get3A_257, %eq3A_2698 : vector<16xi32>
    %and3A_2700 = arith.andi %eq3A_2699, %gt3A_273 : vector<16xi1>
    %and3A_2701 = arith.andi %and3A_2700, %lt3A_57 : vector<16xi1>
    %jit3A_2702 = arith.constant 1 : i32
    %jit3A_2703 = arith.constant 0 : i32
    %broadcast_in_dim3A_2704 = vector.broadcast %jit3A_2702 : i32 to vector<16xi32>
    %broadcast_in_dim3A_2705 = vector.broadcast %jit3A_2703 : i32 to vector<16xi32>
    %select_n3A_2706 = arith.select %and3A_2701, %broadcast_in_dim3A_2704, %broadcast_in_dim3A_2705 : vector<16xi1>, vector<16xi32>
    %max3A_2707 = arith.maxsi %broadcast_in_dim3A_2697, %select_n3A_2706 : vector<16xi32>
    %eq3A_2708 = vector.broadcast %squeeze3A_2678 : i32 to vector<16xi32>
    %eq3A_2709 = arith.cmpi eq, %get3A_259, %eq3A_2708 : vector<16xi32>
    %and3A_2710 = arith.andi %eq3A_2709, %gt3A_276 : vector<16xi1>
    %and3A_2711 = arith.andi %and3A_2710, %lt3A_57 : vector<16xi1>
    %jit3A_2712 = arith.constant 1 : i32
    %jit3A_2713 = arith.constant 0 : i32
    %broadcast_in_dim3A_2714 = vector.broadcast %jit3A_2712 : i32 to vector<16xi32>
    %broadcast_in_dim3A_2715 = vector.broadcast %jit3A_2713 : i32 to vector<16xi32>
    %select_n3A_2716 = arith.select %and3A_2711, %broadcast_in_dim3A_2714, %broadcast_in_dim3A_2715 : vector<16xi1>, vector<16xi32>
    %max3A_2717 = arith.maxsi %max3A_2707, %select_n3A_2716 : vector<16xi32>
    %eq3A_2718 = vector.broadcast %squeeze3A_2678 : i32 to vector<16xi32>
    %eq3A_2719 = arith.cmpi eq, %get3A_261, %eq3A_2718 : vector<16xi32>
    %and3A_2720 = arith.andi %eq3A_2719, %gt3A_279 : vector<16xi1>
    %and3A_2721 = arith.andi %and3A_2720, %lt3A_57 : vector<16xi1>
    %jit3A_2722 = arith.constant 1 : i32
    %jit3A_2723 = arith.constant 0 : i32
    %broadcast_in_dim3A_2724 = vector.broadcast %jit3A_2722 : i32 to vector<16xi32>
    %broadcast_in_dim3A_2725 = vector.broadcast %jit3A_2723 : i32 to vector<16xi32>
    %select_n3A_2726 = arith.select %and3A_2721, %broadcast_in_dim3A_2724, %broadcast_in_dim3A_2725 : vector<16xi1>, vector<16xi32>
    %max3A_2727 = arith.maxsi %max3A_2717, %select_n3A_2726 : vector<16xi32>
    %eq3A_2728 = vector.broadcast %squeeze3A_2678 : i32 to vector<16xi32>
    %eq3A_2729 = arith.cmpi eq, %get3A_263, %eq3A_2728 : vector<16xi32>
    %and3A_2730 = arith.andi %eq3A_2729, %gt3A_282 : vector<16xi1>
    %and3A_2731 = arith.andi %and3A_2730, %lt3A_57 : vector<16xi1>
    %jit3A_2732 = arith.constant 1 : i32
    %jit3A_2733 = arith.constant 0 : i32
    %broadcast_in_dim3A_2734 = vector.broadcast %jit3A_2732 : i32 to vector<16xi32>
    %broadcast_in_dim3A_2735 = vector.broadcast %jit3A_2733 : i32 to vector<16xi32>
    %select_n3A_2736 = arith.select %and3A_2731, %broadcast_in_dim3A_2734, %broadcast_in_dim3A_2735 : vector<16xi1>, vector<16xi32>
    %max3A_2737 = arith.maxsi %max3A_2727, %select_n3A_2736 : vector<16xi32>
    %eq3A_2738 = vector.broadcast %squeeze3A_2678 : i32 to vector<16xi32>
    %eq3A_2739 = arith.cmpi eq, %get3A_265, %eq3A_2738 : vector<16xi32>
    %and3A_2740 = arith.andi %eq3A_2739, %gt3A_285 : vector<16xi1>
    %and3A_2741 = arith.andi %and3A_2740, %lt3A_57 : vector<16xi1>
    %jit3A_2742 = arith.constant 1 : i32
    %jit3A_2743 = arith.constant 0 : i32
    %broadcast_in_dim3A_2744 = vector.broadcast %jit3A_2742 : i32 to vector<16xi32>
    %broadcast_in_dim3A_2745 = vector.broadcast %jit3A_2743 : i32 to vector<16xi32>
    %select_n3A_2746 = arith.select %and3A_2741, %broadcast_in_dim3A_2744, %broadcast_in_dim3A_2745 : vector<16xi1>, vector<16xi32>
    %max3A_2747 = arith.maxsi %max3A_2737, %select_n3A_2746 : vector<16xi32>
    %eq3A_2748 = vector.broadcast %squeeze3A_2678 : i32 to vector<16xi32>
    %eq3A_2749 = arith.cmpi eq, %get3A_267, %eq3A_2748 : vector<16xi32>
    %and3A_2750 = arith.andi %eq3A_2749, %gt3A_288 : vector<16xi1>
    %and3A_2751 = arith.andi %and3A_2750, %lt3A_57 : vector<16xi1>
    %jit3A_2752 = arith.constant 1 : i32
    %jit3A_2753 = arith.constant 0 : i32
    %broadcast_in_dim3A_2754 = vector.broadcast %jit3A_2752 : i32 to vector<16xi32>
    %broadcast_in_dim3A_2755 = vector.broadcast %jit3A_2753 : i32 to vector<16xi32>
    %select_n3A_2756 = arith.select %and3A_2751, %broadcast_in_dim3A_2754, %broadcast_in_dim3A_2755 : vector<16xi1>, vector<16xi32>
    %max3A_2757 = arith.maxsi %max3A_2747, %select_n3A_2756 : vector<16xi32>
    %eq3A_2758 = vector.broadcast %squeeze3A_2678 : i32 to vector<16xi32>
    %eq3A_2759 = arith.cmpi eq, %get3A_269, %eq3A_2758 : vector<16xi32>
    %and3A_2760 = arith.andi %eq3A_2759, %gt3A_291 : vector<16xi1>
    %and3A_2761 = arith.andi %and3A_2760, %lt3A_57 : vector<16xi1>
    %jit3A_2762 = arith.constant 1 : i32
    %jit3A_2763 = arith.constant 0 : i32
    %broadcast_in_dim3A_2764 = vector.broadcast %jit3A_2762 : i32 to vector<16xi32>
    %broadcast_in_dim3A_2765 = vector.broadcast %jit3A_2763 : i32 to vector<16xi32>
    %select_n3A_2766 = arith.select %and3A_2761, %broadcast_in_dim3A_2764, %broadcast_in_dim3A_2765 : vector<16xi1>, vector<16xi32>
    %max3A_2767 = arith.maxsi %max3A_2757, %select_n3A_2766 : vector<16xi32>
    %lt3A_2768 = arith.constant 0 : i32
    %lt3A_2769 = vector.broadcast %lt3A_2768 : i32 to vector<16xi32>
    %lt3A_2770 = arith.cmpi slt, %iota3A, %lt3A_2769 : vector<16xi32>
    %eq3A_2771 = vector.broadcast %squeeze3A_2678 : i32 to vector<16xi32>
    %eq3A_2772 = arith.cmpi eq, %get3A_271, %eq3A_2771 : vector<16xi32>
    %and3A_2773 = arith.andi %eq3A_2772, %gt3A_294 : vector<16xi1>
    %and3A_2774 = arith.andi %and3A_2773, %lt3A_2770 : vector<16xi1>
    %jit3A_2775 = arith.constant 1 : i32
    %jit3A_2776 = arith.constant 0 : i32
    %broadcast_in_dim3A_2777 = vector.broadcast %jit3A_2775 : i32 to vector<16xi32>
    %broadcast_in_dim3A_2778 = vector.broadcast %jit3A_2776 : i32 to vector<16xi32>
    %select_n3A_2779 = arith.select %and3A_2774, %broadcast_in_dim3A_2777, %broadcast_in_dim3A_2778 : vector<16xi1>, vector<16xi32>
    %max3A_2780 = arith.maxsi %max3A_2767, %select_n3A_2779 : vector<16xi32>
    %reduce_max3A_2781 = arith.constant true
    %reduce_max3A_2782 = vector.broadcast %reduce_max3A_2781 : i1 to vector<16xi1>
    %reduce_max3A_2783 = arith.constant -2147483648 : i32
    %reduce_max3A_2784 = vector.broadcast %reduce_max3A_2783 : i32 to vector<16xi32>
    %reduce_max3A_2785 = arith.xori %max3A_2780, %reduce_max3A_2784 : vector<16xi32>
    %reduce_max3A_2786 = tpu.scan <max>, %reduce_max3A_2785 masked %reduce_max3A_2782 : vector<16xi32>, vector<16xi1> -> vector<16xi32>
    %reduce_max3A_2787 = arith.xori %reduce_max3A_2786, %reduce_max3A_2784 : vector<16xi32>
    %reduce_max3A_2788 = vector.extract %reduce_max3A_2787[15] : i32 from vector<16xi32>
    %sub3A_2789 = arith.constant 1 : i32
    %sub3A_2790 = arith.subi %sub3A_2789, %reduce_max3A_2788 : i32
    %mul3A_2791 = arith.muli %reduce_max3A_2695, %sub3A_2790 : i32
    %add3A_2792 = arith.addi %add3A_2667, %mul3A_2791 : i32
    %eq3A_2793 = arith.constant 7 : i32
    %eq3A_2794 = arith.cmpi eq, %select_n3A_30, %eq3A_2793 : i32
    %eq3A_2795 = arith.constant 0 : i32
    %eq3A_2796 = vector.broadcast %eq3A_2795 : i32 to vector<16xi32>
    %eq3A_2797 = arith.cmpi eq, %iota3A, %eq3A_2796 : vector<16xi32>
    %and3A_2798 = vector.broadcast %eq3A_2794 : i1 to vector<16xi1>
    %and3A_2799 = arith.andi %eq3A_2797, %and3A_2798 : vector<16xi1>
    %broadcast_in_dim3A_2800 = vector.broadcast %mul3A_2791 : i32 to vector<16xi32>
    %select_n3A_2801 = arith.select %and3A_2799, %broadcast_in_dim3A_2800, %select_n3A_2676 : vector<16xi1>, vector<16xi32>
    %slice3A_2802 = vector.extract_strided_slice %get3A_271 {offsets = [1], sizes = [1], strides = [1]} : vector<16xi32> to vector<1xi32>
    %squeeze3A_2803 = vector.extract %slice3A_2802[0] : i32 from vector<1xi32>
    %eq3A_2804 = arith.constant 1 : i32
    %eq3A_2805 = vector.broadcast %eq3A_2804 : i32 to vector<16xi32>
    %eq3A_2806 = arith.cmpi eq, %iota3A, %eq3A_2805 : vector<16xi32>
    %and3A_2807 = arith.andi %eq3A_2806, %gt3A_294 : vector<16xi1>
    %jit3A_2808 = arith.constant 1 : i32
    %jit3A_2809 = arith.constant 0 : i32
    %broadcast_in_dim3A_2810 = vector.broadcast %jit3A_2808 : i32 to vector<16xi32>
    %broadcast_in_dim3A_2811 = vector.broadcast %jit3A_2809 : i32 to vector<16xi32>
    %select_n3A_2812 = arith.select %and3A_2807, %broadcast_in_dim3A_2810, %broadcast_in_dim3A_2811 : vector<16xi1>, vector<16xi32>
    %reduce_max3A_2813 = arith.constant true
    %reduce_max3A_2814 = vector.broadcast %reduce_max3A_2813 : i1 to vector<16xi1>
    %reduce_max3A_2815 = arith.constant -2147483648 : i32
    %reduce_max3A_2816 = vector.broadcast %reduce_max3A_2815 : i32 to vector<16xi32>
    %reduce_max3A_2817 = arith.xori %select_n3A_2812, %reduce_max3A_2816 : vector<16xi32>
    %reduce_max3A_2818 = tpu.scan <max>, %reduce_max3A_2817 masked %reduce_max3A_2814 : vector<16xi32>, vector<16xi1> -> vector<16xi32>
    %reduce_max3A_2819 = arith.xori %reduce_max3A_2818, %reduce_max3A_2816 : vector<16xi32>
    %reduce_max3A_2820 = vector.extract %reduce_max3A_2819[15] : i32 from vector<16xi32>
    %broadcast_in_dim3A_2821 = arith.constant 0 : i32
    %broadcast_in_dim3A_2822 = vector.broadcast %broadcast_in_dim3A_2821 : i32 to vector<16xi32>
    %eq3A_2823 = vector.broadcast %squeeze3A_2803 : i32 to vector<16xi32>
    %eq3A_2824 = arith.cmpi eq, %get3A_257, %eq3A_2823 : vector<16xi32>
    %and3A_2825 = arith.andi %eq3A_2824, %gt3A_273 : vector<16xi1>
    %and3A_2826 = arith.andi %and3A_2825, %lt3A_57 : vector<16xi1>
    %jit3A_2827 = arith.constant 1 : i32
    %jit3A_2828 = arith.constant 0 : i32
    %broadcast_in_dim3A_2829 = vector.broadcast %jit3A_2827 : i32 to vector<16xi32>
    %broadcast_in_dim3A_2830 = vector.broadcast %jit3A_2828 : i32 to vector<16xi32>
    %select_n3A_2831 = arith.select %and3A_2826, %broadcast_in_dim3A_2829, %broadcast_in_dim3A_2830 : vector<16xi1>, vector<16xi32>
    %max3A_2832 = arith.maxsi %broadcast_in_dim3A_2822, %select_n3A_2831 : vector<16xi32>
    %eq3A_2833 = vector.broadcast %squeeze3A_2803 : i32 to vector<16xi32>
    %eq3A_2834 = arith.cmpi eq, %get3A_259, %eq3A_2833 : vector<16xi32>
    %and3A_2835 = arith.andi %eq3A_2834, %gt3A_276 : vector<16xi1>
    %and3A_2836 = arith.andi %and3A_2835, %lt3A_57 : vector<16xi1>
    %jit3A_2837 = arith.constant 1 : i32
    %jit3A_2838 = arith.constant 0 : i32
    %broadcast_in_dim3A_2839 = vector.broadcast %jit3A_2837 : i32 to vector<16xi32>
    %broadcast_in_dim3A_2840 = vector.broadcast %jit3A_2838 : i32 to vector<16xi32>
    %select_n3A_2841 = arith.select %and3A_2836, %broadcast_in_dim3A_2839, %broadcast_in_dim3A_2840 : vector<16xi1>, vector<16xi32>
    %max3A_2842 = arith.maxsi %max3A_2832, %select_n3A_2841 : vector<16xi32>
    %eq3A_2843 = vector.broadcast %squeeze3A_2803 : i32 to vector<16xi32>
    %eq3A_2844 = arith.cmpi eq, %get3A_261, %eq3A_2843 : vector<16xi32>
    %and3A_2845 = arith.andi %eq3A_2844, %gt3A_279 : vector<16xi1>
    %and3A_2846 = arith.andi %and3A_2845, %lt3A_57 : vector<16xi1>
    %jit3A_2847 = arith.constant 1 : i32
    %jit3A_2848 = arith.constant 0 : i32
    %broadcast_in_dim3A_2849 = vector.broadcast %jit3A_2847 : i32 to vector<16xi32>
    %broadcast_in_dim3A_2850 = vector.broadcast %jit3A_2848 : i32 to vector<16xi32>
    %select_n3A_2851 = arith.select %and3A_2846, %broadcast_in_dim3A_2849, %broadcast_in_dim3A_2850 : vector<16xi1>, vector<16xi32>
    %max3A_2852 = arith.maxsi %max3A_2842, %select_n3A_2851 : vector<16xi32>
    %eq3A_2853 = vector.broadcast %squeeze3A_2803 : i32 to vector<16xi32>
    %eq3A_2854 = arith.cmpi eq, %get3A_263, %eq3A_2853 : vector<16xi32>
    %and3A_2855 = arith.andi %eq3A_2854, %gt3A_282 : vector<16xi1>
    %and3A_2856 = arith.andi %and3A_2855, %lt3A_57 : vector<16xi1>
    %jit3A_2857 = arith.constant 1 : i32
    %jit3A_2858 = arith.constant 0 : i32
    %broadcast_in_dim3A_2859 = vector.broadcast %jit3A_2857 : i32 to vector<16xi32>
    %broadcast_in_dim3A_2860 = vector.broadcast %jit3A_2858 : i32 to vector<16xi32>
    %select_n3A_2861 = arith.select %and3A_2856, %broadcast_in_dim3A_2859, %broadcast_in_dim3A_2860 : vector<16xi1>, vector<16xi32>
    %max3A_2862 = arith.maxsi %max3A_2852, %select_n3A_2861 : vector<16xi32>
    %eq3A_2863 = vector.broadcast %squeeze3A_2803 : i32 to vector<16xi32>
    %eq3A_2864 = arith.cmpi eq, %get3A_265, %eq3A_2863 : vector<16xi32>
    %and3A_2865 = arith.andi %eq3A_2864, %gt3A_285 : vector<16xi1>
    %and3A_2866 = arith.andi %and3A_2865, %lt3A_57 : vector<16xi1>
    %jit3A_2867 = arith.constant 1 : i32
    %jit3A_2868 = arith.constant 0 : i32
    %broadcast_in_dim3A_2869 = vector.broadcast %jit3A_2867 : i32 to vector<16xi32>
    %broadcast_in_dim3A_2870 = vector.broadcast %jit3A_2868 : i32 to vector<16xi32>
    %select_n3A_2871 = arith.select %and3A_2866, %broadcast_in_dim3A_2869, %broadcast_in_dim3A_2870 : vector<16xi1>, vector<16xi32>
    %max3A_2872 = arith.maxsi %max3A_2862, %select_n3A_2871 : vector<16xi32>
    %eq3A_2873 = vector.broadcast %squeeze3A_2803 : i32 to vector<16xi32>
    %eq3A_2874 = arith.cmpi eq, %get3A_267, %eq3A_2873 : vector<16xi32>
    %and3A_2875 = arith.andi %eq3A_2874, %gt3A_288 : vector<16xi1>
    %and3A_2876 = arith.andi %and3A_2875, %lt3A_57 : vector<16xi1>
    %jit3A_2877 = arith.constant 1 : i32
    %jit3A_2878 = arith.constant 0 : i32
    %broadcast_in_dim3A_2879 = vector.broadcast %jit3A_2877 : i32 to vector<16xi32>
    %broadcast_in_dim3A_2880 = vector.broadcast %jit3A_2878 : i32 to vector<16xi32>
    %select_n3A_2881 = arith.select %and3A_2876, %broadcast_in_dim3A_2879, %broadcast_in_dim3A_2880 : vector<16xi1>, vector<16xi32>
    %max3A_2882 = arith.maxsi %max3A_2872, %select_n3A_2881 : vector<16xi32>
    %eq3A_2883 = vector.broadcast %squeeze3A_2803 : i32 to vector<16xi32>
    %eq3A_2884 = arith.cmpi eq, %get3A_269, %eq3A_2883 : vector<16xi32>
    %and3A_2885 = arith.andi %eq3A_2884, %gt3A_291 : vector<16xi1>
    %and3A_2886 = arith.andi %and3A_2885, %lt3A_57 : vector<16xi1>
    %jit3A_2887 = arith.constant 1 : i32
    %jit3A_2888 = arith.constant 0 : i32
    %broadcast_in_dim3A_2889 = vector.broadcast %jit3A_2887 : i32 to vector<16xi32>
    %broadcast_in_dim3A_2890 = vector.broadcast %jit3A_2888 : i32 to vector<16xi32>
    %select_n3A_2891 = arith.select %and3A_2886, %broadcast_in_dim3A_2889, %broadcast_in_dim3A_2890 : vector<16xi1>, vector<16xi32>
    %max3A_2892 = arith.maxsi %max3A_2882, %select_n3A_2891 : vector<16xi32>
    %lt3A_2893 = arith.constant 1 : i32
    %lt3A_2894 = vector.broadcast %lt3A_2893 : i32 to vector<16xi32>
    %lt3A_2895 = arith.cmpi slt, %iota3A, %lt3A_2894 : vector<16xi32>
    %eq3A_2896 = vector.broadcast %squeeze3A_2803 : i32 to vector<16xi32>
    %eq3A_2897 = arith.cmpi eq, %get3A_271, %eq3A_2896 : vector<16xi32>
    %and3A_2898 = arith.andi %eq3A_2897, %gt3A_294 : vector<16xi1>
    %and3A_2899 = arith.andi %and3A_2898, %lt3A_2895 : vector<16xi1>
    %jit3A_2900 = arith.constant 1 : i32
    %jit3A_2901 = arith.constant 0 : i32
    %broadcast_in_dim3A_2902 = vector.broadcast %jit3A_2900 : i32 to vector<16xi32>
    %broadcast_in_dim3A_2903 = vector.broadcast %jit3A_2901 : i32 to vector<16xi32>
    %select_n3A_2904 = arith.select %and3A_2899, %broadcast_in_dim3A_2902, %broadcast_in_dim3A_2903 : vector<16xi1>, vector<16xi32>
    %max3A_2905 = arith.maxsi %max3A_2892, %select_n3A_2904 : vector<16xi32>
    %reduce_max3A_2906 = arith.constant true
    %reduce_max3A_2907 = vector.broadcast %reduce_max3A_2906 : i1 to vector<16xi1>
    %reduce_max3A_2908 = arith.constant -2147483648 : i32
    %reduce_max3A_2909 = vector.broadcast %reduce_max3A_2908 : i32 to vector<16xi32>
    %reduce_max3A_2910 = arith.xori %max3A_2905, %reduce_max3A_2909 : vector<16xi32>
    %reduce_max3A_2911 = tpu.scan <max>, %reduce_max3A_2910 masked %reduce_max3A_2907 : vector<16xi32>, vector<16xi1> -> vector<16xi32>
    %reduce_max3A_2912 = arith.xori %reduce_max3A_2911, %reduce_max3A_2909 : vector<16xi32>
    %reduce_max3A_2913 = vector.extract %reduce_max3A_2912[15] : i32 from vector<16xi32>
    %sub3A_2914 = arith.constant 1 : i32
    %sub3A_2915 = arith.subi %sub3A_2914, %reduce_max3A_2913 : i32
    %mul3A_2916 = arith.muli %reduce_max3A_2820, %sub3A_2915 : i32
    %add3A_2917 = arith.addi %add3A_2792, %mul3A_2916 : i32
    %eq3A_2918 = arith.constant 7 : i32
    %eq3A_2919 = arith.cmpi eq, %select_n3A_30, %eq3A_2918 : i32
    %eq3A_2920 = arith.constant 1 : i32
    %eq3A_2921 = vector.broadcast %eq3A_2920 : i32 to vector<16xi32>
    %eq3A_2922 = arith.cmpi eq, %iota3A, %eq3A_2921 : vector<16xi32>
    %and3A_2923 = vector.broadcast %eq3A_2919 : i1 to vector<16xi1>
    %and3A_2924 = arith.andi %eq3A_2922, %and3A_2923 : vector<16xi1>
    %broadcast_in_dim3A_2925 = vector.broadcast %mul3A_2916 : i32 to vector<16xi32>
    %select_n3A_2926 = arith.select %and3A_2924, %broadcast_in_dim3A_2925, %select_n3A_2801 : vector<16xi1>, vector<16xi32>
    %slice3A_2927 = vector.extract_strided_slice %get3A_271 {offsets = [2], sizes = [1], strides = [1]} : vector<16xi32> to vector<1xi32>
    %squeeze3A_2928 = vector.extract %slice3A_2927[0] : i32 from vector<1xi32>
    %eq3A_2929 = arith.constant 2 : i32
    %eq3A_2930 = vector.broadcast %eq3A_2929 : i32 to vector<16xi32>
    %eq3A_2931 = arith.cmpi eq, %iota3A, %eq3A_2930 : vector<16xi32>
    %and3A_2932 = arith.andi %eq3A_2931, %gt3A_294 : vector<16xi1>
    %jit3A_2933 = arith.constant 1 : i32
    %jit3A_2934 = arith.constant 0 : i32
    %broadcast_in_dim3A_2935 = vector.broadcast %jit3A_2933 : i32 to vector<16xi32>
    %broadcast_in_dim3A_2936 = vector.broadcast %jit3A_2934 : i32 to vector<16xi32>
    %select_n3A_2937 = arith.select %and3A_2932, %broadcast_in_dim3A_2935, %broadcast_in_dim3A_2936 : vector<16xi1>, vector<16xi32>
    %reduce_max3A_2938 = arith.constant true
    %reduce_max3A_2939 = vector.broadcast %reduce_max3A_2938 : i1 to vector<16xi1>
    %reduce_max3A_2940 = arith.constant -2147483648 : i32
    %reduce_max3A_2941 = vector.broadcast %reduce_max3A_2940 : i32 to vector<16xi32>
    %reduce_max3A_2942 = arith.xori %select_n3A_2937, %reduce_max3A_2941 : vector<16xi32>
    %reduce_max3A_2943 = tpu.scan <max>, %reduce_max3A_2942 masked %reduce_max3A_2939 : vector<16xi32>, vector<16xi1> -> vector<16xi32>
    %reduce_max3A_2944 = arith.xori %reduce_max3A_2943, %reduce_max3A_2941 : vector<16xi32>
    %reduce_max3A_2945 = vector.extract %reduce_max3A_2944[15] : i32 from vector<16xi32>
    %broadcast_in_dim3A_2946 = arith.constant 0 : i32
    %broadcast_in_dim3A_2947 = vector.broadcast %broadcast_in_dim3A_2946 : i32 to vector<16xi32>
    %eq3A_2948 = vector.broadcast %squeeze3A_2928 : i32 to vector<16xi32>
    %eq3A_2949 = arith.cmpi eq, %get3A_257, %eq3A_2948 : vector<16xi32>
    %and3A_2950 = arith.andi %eq3A_2949, %gt3A_273 : vector<16xi1>
    %and3A_2951 = arith.andi %and3A_2950, %lt3A_57 : vector<16xi1>
    %jit3A_2952 = arith.constant 1 : i32
    %jit3A_2953 = arith.constant 0 : i32
    %broadcast_in_dim3A_2954 = vector.broadcast %jit3A_2952 : i32 to vector<16xi32>
    %broadcast_in_dim3A_2955 = vector.broadcast %jit3A_2953 : i32 to vector<16xi32>
    %select_n3A_2956 = arith.select %and3A_2951, %broadcast_in_dim3A_2954, %broadcast_in_dim3A_2955 : vector<16xi1>, vector<16xi32>
    %max3A_2957 = arith.maxsi %broadcast_in_dim3A_2947, %select_n3A_2956 : vector<16xi32>
    %eq3A_2958 = vector.broadcast %squeeze3A_2928 : i32 to vector<16xi32>
    %eq3A_2959 = arith.cmpi eq, %get3A_259, %eq3A_2958 : vector<16xi32>
    %and3A_2960 = arith.andi %eq3A_2959, %gt3A_276 : vector<16xi1>
    %and3A_2961 = arith.andi %and3A_2960, %lt3A_57 : vector<16xi1>
    %jit3A_2962 = arith.constant 1 : i32
    %jit3A_2963 = arith.constant 0 : i32
    %broadcast_in_dim3A_2964 = vector.broadcast %jit3A_2962 : i32 to vector<16xi32>
    %broadcast_in_dim3A_2965 = vector.broadcast %jit3A_2963 : i32 to vector<16xi32>
    %select_n3A_2966 = arith.select %and3A_2961, %broadcast_in_dim3A_2964, %broadcast_in_dim3A_2965 : vector<16xi1>, vector<16xi32>
    %max3A_2967 = arith.maxsi %max3A_2957, %select_n3A_2966 : vector<16xi32>
    %eq3A_2968 = vector.broadcast %squeeze3A_2928 : i32 to vector<16xi32>
    %eq3A_2969 = arith.cmpi eq, %get3A_261, %eq3A_2968 : vector<16xi32>
    %and3A_2970 = arith.andi %eq3A_2969, %gt3A_279 : vector<16xi1>
    %and3A_2971 = arith.andi %and3A_2970, %lt3A_57 : vector<16xi1>
    %jit3A_2972 = arith.constant 1 : i32
    %jit3A_2973 = arith.constant 0 : i32
    %broadcast_in_dim3A_2974 = vector.broadcast %jit3A_2972 : i32 to vector<16xi32>
    %broadcast_in_dim3A_2975 = vector.broadcast %jit3A_2973 : i32 to vector<16xi32>
    %select_n3A_2976 = arith.select %and3A_2971, %broadcast_in_dim3A_2974, %broadcast_in_dim3A_2975 : vector<16xi1>, vector<16xi32>
    %max3A_2977 = arith.maxsi %max3A_2967, %select_n3A_2976 : vector<16xi32>
    %eq3A_2978 = vector.broadcast %squeeze3A_2928 : i32 to vector<16xi32>
    %eq3A_2979 = arith.cmpi eq, %get3A_263, %eq3A_2978 : vector<16xi32>
    %and3A_2980 = arith.andi %eq3A_2979, %gt3A_282 : vector<16xi1>
    %and3A_2981 = arith.andi %and3A_2980, %lt3A_57 : vector<16xi1>
    %jit3A_2982 = arith.constant 1 : i32
    %jit3A_2983 = arith.constant 0 : i32
    %broadcast_in_dim3A_2984 = vector.broadcast %jit3A_2982 : i32 to vector<16xi32>
    %broadcast_in_dim3A_2985 = vector.broadcast %jit3A_2983 : i32 to vector<16xi32>
    %select_n3A_2986 = arith.select %and3A_2981, %broadcast_in_dim3A_2984, %broadcast_in_dim3A_2985 : vector<16xi1>, vector<16xi32>
    %max3A_2987 = arith.maxsi %max3A_2977, %select_n3A_2986 : vector<16xi32>
    %eq3A_2988 = vector.broadcast %squeeze3A_2928 : i32 to vector<16xi32>
    %eq3A_2989 = arith.cmpi eq, %get3A_265, %eq3A_2988 : vector<16xi32>
    %and3A_2990 = arith.andi %eq3A_2989, %gt3A_285 : vector<16xi1>
    %and3A_2991 = arith.andi %and3A_2990, %lt3A_57 : vector<16xi1>
    %jit3A_2992 = arith.constant 1 : i32
    %jit3A_2993 = arith.constant 0 : i32
    %broadcast_in_dim3A_2994 = vector.broadcast %jit3A_2992 : i32 to vector<16xi32>
    %broadcast_in_dim3A_2995 = vector.broadcast %jit3A_2993 : i32 to vector<16xi32>
    %select_n3A_2996 = arith.select %and3A_2991, %broadcast_in_dim3A_2994, %broadcast_in_dim3A_2995 : vector<16xi1>, vector<16xi32>
    %max3A_2997 = arith.maxsi %max3A_2987, %select_n3A_2996 : vector<16xi32>
    %eq3A_2998 = vector.broadcast %squeeze3A_2928 : i32 to vector<16xi32>
    %eq3A_2999 = arith.cmpi eq, %get3A_267, %eq3A_2998 : vector<16xi32>
    %and3A_3000 = arith.andi %eq3A_2999, %gt3A_288 : vector<16xi1>
    %and3A_3001 = arith.andi %and3A_3000, %lt3A_57 : vector<16xi1>
    %jit3A_3002 = arith.constant 1 : i32
    %jit3A_3003 = arith.constant 0 : i32
    %broadcast_in_dim3A_3004 = vector.broadcast %jit3A_3002 : i32 to vector<16xi32>
    %broadcast_in_dim3A_3005 = vector.broadcast %jit3A_3003 : i32 to vector<16xi32>
    %select_n3A_3006 = arith.select %and3A_3001, %broadcast_in_dim3A_3004, %broadcast_in_dim3A_3005 : vector<16xi1>, vector<16xi32>
    %max3A_3007 = arith.maxsi %max3A_2997, %select_n3A_3006 : vector<16xi32>
    %eq3A_3008 = vector.broadcast %squeeze3A_2928 : i32 to vector<16xi32>
    %eq3A_3009 = arith.cmpi eq, %get3A_269, %eq3A_3008 : vector<16xi32>
    %and3A_3010 = arith.andi %eq3A_3009, %gt3A_291 : vector<16xi1>
    %and3A_3011 = arith.andi %and3A_3010, %lt3A_57 : vector<16xi1>
    %jit3A_3012 = arith.constant 1 : i32
    %jit3A_3013 = arith.constant 0 : i32
    %broadcast_in_dim3A_3014 = vector.broadcast %jit3A_3012 : i32 to vector<16xi32>
    %broadcast_in_dim3A_3015 = vector.broadcast %jit3A_3013 : i32 to vector<16xi32>
    %select_n3A_3016 = arith.select %and3A_3011, %broadcast_in_dim3A_3014, %broadcast_in_dim3A_3015 : vector<16xi1>, vector<16xi32>
    %max3A_3017 = arith.maxsi %max3A_3007, %select_n3A_3016 : vector<16xi32>
    %lt3A_3018 = arith.constant 2 : i32
    %lt3A_3019 = vector.broadcast %lt3A_3018 : i32 to vector<16xi32>
    %lt3A_3020 = arith.cmpi slt, %iota3A, %lt3A_3019 : vector<16xi32>
    %eq3A_3021 = vector.broadcast %squeeze3A_2928 : i32 to vector<16xi32>
    %eq3A_3022 = arith.cmpi eq, %get3A_271, %eq3A_3021 : vector<16xi32>
    %and3A_3023 = arith.andi %eq3A_3022, %gt3A_294 : vector<16xi1>
    %and3A_3024 = arith.andi %and3A_3023, %lt3A_3020 : vector<16xi1>
    %jit3A_3025 = arith.constant 1 : i32
    %jit3A_3026 = arith.constant 0 : i32
    %broadcast_in_dim3A_3027 = vector.broadcast %jit3A_3025 : i32 to vector<16xi32>
    %broadcast_in_dim3A_3028 = vector.broadcast %jit3A_3026 : i32 to vector<16xi32>
    %select_n3A_3029 = arith.select %and3A_3024, %broadcast_in_dim3A_3027, %broadcast_in_dim3A_3028 : vector<16xi1>, vector<16xi32>
    %max3A_3030 = arith.maxsi %max3A_3017, %select_n3A_3029 : vector<16xi32>
    %reduce_max3A_3031 = arith.constant true
    %reduce_max3A_3032 = vector.broadcast %reduce_max3A_3031 : i1 to vector<16xi1>
    %reduce_max3A_3033 = arith.constant -2147483648 : i32
    %reduce_max3A_3034 = vector.broadcast %reduce_max3A_3033 : i32 to vector<16xi32>
    %reduce_max3A_3035 = arith.xori %max3A_3030, %reduce_max3A_3034 : vector<16xi32>
    %reduce_max3A_3036 = tpu.scan <max>, %reduce_max3A_3035 masked %reduce_max3A_3032 : vector<16xi32>, vector<16xi1> -> vector<16xi32>
    %reduce_max3A_3037 = arith.xori %reduce_max3A_3036, %reduce_max3A_3034 : vector<16xi32>
    %reduce_max3A_3038 = vector.extract %reduce_max3A_3037[15] : i32 from vector<16xi32>
    %sub3A_3039 = arith.constant 1 : i32
    %sub3A_3040 = arith.subi %sub3A_3039, %reduce_max3A_3038 : i32
    %mul3A_3041 = arith.muli %reduce_max3A_2945, %sub3A_3040 : i32
    %add3A_3042 = arith.addi %add3A_2917, %mul3A_3041 : i32
    %eq3A_3043 = arith.constant 7 : i32
    %eq3A_3044 = arith.cmpi eq, %select_n3A_30, %eq3A_3043 : i32
    %eq3A_3045 = arith.constant 2 : i32
    %eq3A_3046 = vector.broadcast %eq3A_3045 : i32 to vector<16xi32>
    %eq3A_3047 = arith.cmpi eq, %iota3A, %eq3A_3046 : vector<16xi32>
    %and3A_3048 = vector.broadcast %eq3A_3044 : i1 to vector<16xi1>
    %and3A_3049 = arith.andi %eq3A_3047, %and3A_3048 : vector<16xi1>
    %broadcast_in_dim3A_3050 = vector.broadcast %mul3A_3041 : i32 to vector<16xi32>
    %select_n3A_3051 = arith.select %and3A_3049, %broadcast_in_dim3A_3050, %select_n3A_2926 : vector<16xi1>, vector<16xi32>
    %slice3A_3052 = vector.extract_strided_slice %get3A_271 {offsets = [3], sizes = [1], strides = [1]} : vector<16xi32> to vector<1xi32>
    %squeeze3A_3053 = vector.extract %slice3A_3052[0] : i32 from vector<1xi32>
    %eq3A_3054 = arith.constant 3 : i32
    %eq3A_3055 = vector.broadcast %eq3A_3054 : i32 to vector<16xi32>
    %eq3A_3056 = arith.cmpi eq, %iota3A, %eq3A_3055 : vector<16xi32>
    %and3A_3057 = arith.andi %eq3A_3056, %gt3A_294 : vector<16xi1>
    %jit3A_3058 = arith.constant 1 : i32
    %jit3A_3059 = arith.constant 0 : i32
    %broadcast_in_dim3A_3060 = vector.broadcast %jit3A_3058 : i32 to vector<16xi32>
    %broadcast_in_dim3A_3061 = vector.broadcast %jit3A_3059 : i32 to vector<16xi32>
    %select_n3A_3062 = arith.select %and3A_3057, %broadcast_in_dim3A_3060, %broadcast_in_dim3A_3061 : vector<16xi1>, vector<16xi32>
    %reduce_max3A_3063 = arith.constant true
    %reduce_max3A_3064 = vector.broadcast %reduce_max3A_3063 : i1 to vector<16xi1>
    %reduce_max3A_3065 = arith.constant -2147483648 : i32
    %reduce_max3A_3066 = vector.broadcast %reduce_max3A_3065 : i32 to vector<16xi32>
    %reduce_max3A_3067 = arith.xori %select_n3A_3062, %reduce_max3A_3066 : vector<16xi32>
    %reduce_max3A_3068 = tpu.scan <max>, %reduce_max3A_3067 masked %reduce_max3A_3064 : vector<16xi32>, vector<16xi1> -> vector<16xi32>
    %reduce_max3A_3069 = arith.xori %reduce_max3A_3068, %reduce_max3A_3066 : vector<16xi32>
    %reduce_max3A_3070 = vector.extract %reduce_max3A_3069[15] : i32 from vector<16xi32>
    %broadcast_in_dim3A_3071 = arith.constant 0 : i32
    %broadcast_in_dim3A_3072 = vector.broadcast %broadcast_in_dim3A_3071 : i32 to vector<16xi32>
    %eq3A_3073 = vector.broadcast %squeeze3A_3053 : i32 to vector<16xi32>
    %eq3A_3074 = arith.cmpi eq, %get3A_257, %eq3A_3073 : vector<16xi32>
    %and3A_3075 = arith.andi %eq3A_3074, %gt3A_273 : vector<16xi1>
    %and3A_3076 = arith.andi %and3A_3075, %lt3A_57 : vector<16xi1>
    %jit3A_3077 = arith.constant 1 : i32
    %jit3A_3078 = arith.constant 0 : i32
    %broadcast_in_dim3A_3079 = vector.broadcast %jit3A_3077 : i32 to vector<16xi32>
    %broadcast_in_dim3A_3080 = vector.broadcast %jit3A_3078 : i32 to vector<16xi32>
    %select_n3A_3081 = arith.select %and3A_3076, %broadcast_in_dim3A_3079, %broadcast_in_dim3A_3080 : vector<16xi1>, vector<16xi32>
    %max3A_3082 = arith.maxsi %broadcast_in_dim3A_3072, %select_n3A_3081 : vector<16xi32>
    %eq3A_3083 = vector.broadcast %squeeze3A_3053 : i32 to vector<16xi32>
    %eq3A_3084 = arith.cmpi eq, %get3A_259, %eq3A_3083 : vector<16xi32>
    %and3A_3085 = arith.andi %eq3A_3084, %gt3A_276 : vector<16xi1>
    %and3A_3086 = arith.andi %and3A_3085, %lt3A_57 : vector<16xi1>
    %jit3A_3087 = arith.constant 1 : i32
    %jit3A_3088 = arith.constant 0 : i32
    %broadcast_in_dim3A_3089 = vector.broadcast %jit3A_3087 : i32 to vector<16xi32>
    %broadcast_in_dim3A_3090 = vector.broadcast %jit3A_3088 : i32 to vector<16xi32>
    %select_n3A_3091 = arith.select %and3A_3086, %broadcast_in_dim3A_3089, %broadcast_in_dim3A_3090 : vector<16xi1>, vector<16xi32>
    %max3A_3092 = arith.maxsi %max3A_3082, %select_n3A_3091 : vector<16xi32>
    %eq3A_3093 = vector.broadcast %squeeze3A_3053 : i32 to vector<16xi32>
    %eq3A_3094 = arith.cmpi eq, %get3A_261, %eq3A_3093 : vector<16xi32>
    %and3A_3095 = arith.andi %eq3A_3094, %gt3A_279 : vector<16xi1>
    %and3A_3096 = arith.andi %and3A_3095, %lt3A_57 : vector<16xi1>
    %jit3A_3097 = arith.constant 1 : i32
    %jit3A_3098 = arith.constant 0 : i32
    %broadcast_in_dim3A_3099 = vector.broadcast %jit3A_3097 : i32 to vector<16xi32>
    %broadcast_in_dim3A_3100 = vector.broadcast %jit3A_3098 : i32 to vector<16xi32>
    %select_n3A_3101 = arith.select %and3A_3096, %broadcast_in_dim3A_3099, %broadcast_in_dim3A_3100 : vector<16xi1>, vector<16xi32>
    %max3A_3102 = arith.maxsi %max3A_3092, %select_n3A_3101 : vector<16xi32>
    %eq3A_3103 = vector.broadcast %squeeze3A_3053 : i32 to vector<16xi32>
    %eq3A_3104 = arith.cmpi eq, %get3A_263, %eq3A_3103 : vector<16xi32>
    %and3A_3105 = arith.andi %eq3A_3104, %gt3A_282 : vector<16xi1>
    %and3A_3106 = arith.andi %and3A_3105, %lt3A_57 : vector<16xi1>
    %jit3A_3107 = arith.constant 1 : i32
    %jit3A_3108 = arith.constant 0 : i32
    %broadcast_in_dim3A_3109 = vector.broadcast %jit3A_3107 : i32 to vector<16xi32>
    %broadcast_in_dim3A_3110 = vector.broadcast %jit3A_3108 : i32 to vector<16xi32>
    %select_n3A_3111 = arith.select %and3A_3106, %broadcast_in_dim3A_3109, %broadcast_in_dim3A_3110 : vector<16xi1>, vector<16xi32>
    %max3A_3112 = arith.maxsi %max3A_3102, %select_n3A_3111 : vector<16xi32>
    %eq3A_3113 = vector.broadcast %squeeze3A_3053 : i32 to vector<16xi32>
    %eq3A_3114 = arith.cmpi eq, %get3A_265, %eq3A_3113 : vector<16xi32>
    %and3A_3115 = arith.andi %eq3A_3114, %gt3A_285 : vector<16xi1>
    %and3A_3116 = arith.andi %and3A_3115, %lt3A_57 : vector<16xi1>
    %jit3A_3117 = arith.constant 1 : i32
    %jit3A_3118 = arith.constant 0 : i32
    %broadcast_in_dim3A_3119 = vector.broadcast %jit3A_3117 : i32 to vector<16xi32>
    %broadcast_in_dim3A_3120 = vector.broadcast %jit3A_3118 : i32 to vector<16xi32>
    %select_n3A_3121 = arith.select %and3A_3116, %broadcast_in_dim3A_3119, %broadcast_in_dim3A_3120 : vector<16xi1>, vector<16xi32>
    %max3A_3122 = arith.maxsi %max3A_3112, %select_n3A_3121 : vector<16xi32>
    %eq3A_3123 = vector.broadcast %squeeze3A_3053 : i32 to vector<16xi32>
    %eq3A_3124 = arith.cmpi eq, %get3A_267, %eq3A_3123 : vector<16xi32>
    %and3A_3125 = arith.andi %eq3A_3124, %gt3A_288 : vector<16xi1>
    %and3A_3126 = arith.andi %and3A_3125, %lt3A_57 : vector<16xi1>
    %jit3A_3127 = arith.constant 1 : i32
    %jit3A_3128 = arith.constant 0 : i32
    %broadcast_in_dim3A_3129 = vector.broadcast %jit3A_3127 : i32 to vector<16xi32>
    %broadcast_in_dim3A_3130 = vector.broadcast %jit3A_3128 : i32 to vector<16xi32>
    %select_n3A_3131 = arith.select %and3A_3126, %broadcast_in_dim3A_3129, %broadcast_in_dim3A_3130 : vector<16xi1>, vector<16xi32>
    %max3A_3132 = arith.maxsi %max3A_3122, %select_n3A_3131 : vector<16xi32>
    %eq3A_3133 = vector.broadcast %squeeze3A_3053 : i32 to vector<16xi32>
    %eq3A_3134 = arith.cmpi eq, %get3A_269, %eq3A_3133 : vector<16xi32>
    %and3A_3135 = arith.andi %eq3A_3134, %gt3A_291 : vector<16xi1>
    %and3A_3136 = arith.andi %and3A_3135, %lt3A_57 : vector<16xi1>
    %jit3A_3137 = arith.constant 1 : i32
    %jit3A_3138 = arith.constant 0 : i32
    %broadcast_in_dim3A_3139 = vector.broadcast %jit3A_3137 : i32 to vector<16xi32>
    %broadcast_in_dim3A_3140 = vector.broadcast %jit3A_3138 : i32 to vector<16xi32>
    %select_n3A_3141 = arith.select %and3A_3136, %broadcast_in_dim3A_3139, %broadcast_in_dim3A_3140 : vector<16xi1>, vector<16xi32>
    %max3A_3142 = arith.maxsi %max3A_3132, %select_n3A_3141 : vector<16xi32>
    %lt3A_3143 = arith.constant 3 : i32
    %lt3A_3144 = vector.broadcast %lt3A_3143 : i32 to vector<16xi32>
    %lt3A_3145 = arith.cmpi slt, %iota3A, %lt3A_3144 : vector<16xi32>
    %eq3A_3146 = vector.broadcast %squeeze3A_3053 : i32 to vector<16xi32>
    %eq3A_3147 = arith.cmpi eq, %get3A_271, %eq3A_3146 : vector<16xi32>
    %and3A_3148 = arith.andi %eq3A_3147, %gt3A_294 : vector<16xi1>
    %and3A_3149 = arith.andi %and3A_3148, %lt3A_3145 : vector<16xi1>
    %jit3A_3150 = arith.constant 1 : i32
    %jit3A_3151 = arith.constant 0 : i32
    %broadcast_in_dim3A_3152 = vector.broadcast %jit3A_3150 : i32 to vector<16xi32>
    %broadcast_in_dim3A_3153 = vector.broadcast %jit3A_3151 : i32 to vector<16xi32>
    %select_n3A_3154 = arith.select %and3A_3149, %broadcast_in_dim3A_3152, %broadcast_in_dim3A_3153 : vector<16xi1>, vector<16xi32>
    %max3A_3155 = arith.maxsi %max3A_3142, %select_n3A_3154 : vector<16xi32>
    %reduce_max3A_3156 = arith.constant true
    %reduce_max3A_3157 = vector.broadcast %reduce_max3A_3156 : i1 to vector<16xi1>
    %reduce_max3A_3158 = arith.constant -2147483648 : i32
    %reduce_max3A_3159 = vector.broadcast %reduce_max3A_3158 : i32 to vector<16xi32>
    %reduce_max3A_3160 = arith.xori %max3A_3155, %reduce_max3A_3159 : vector<16xi32>
    %reduce_max3A_3161 = tpu.scan <max>, %reduce_max3A_3160 masked %reduce_max3A_3157 : vector<16xi32>, vector<16xi1> -> vector<16xi32>
    %reduce_max3A_3162 = arith.xori %reduce_max3A_3161, %reduce_max3A_3159 : vector<16xi32>
    %reduce_max3A_3163 = vector.extract %reduce_max3A_3162[15] : i32 from vector<16xi32>
    %sub3A_3164 = arith.constant 1 : i32
    %sub3A_3165 = arith.subi %sub3A_3164, %reduce_max3A_3163 : i32
    %mul3A_3166 = arith.muli %reduce_max3A_3070, %sub3A_3165 : i32
    %add3A_3167 = arith.addi %add3A_3042, %mul3A_3166 : i32
    %eq3A_3168 = arith.constant 7 : i32
    %eq3A_3169 = arith.cmpi eq, %select_n3A_30, %eq3A_3168 : i32
    %eq3A_3170 = arith.constant 3 : i32
    %eq3A_3171 = vector.broadcast %eq3A_3170 : i32 to vector<16xi32>
    %eq3A_3172 = arith.cmpi eq, %iota3A, %eq3A_3171 : vector<16xi32>
    %and3A_3173 = vector.broadcast %eq3A_3169 : i1 to vector<16xi1>
    %and3A_3174 = arith.andi %eq3A_3172, %and3A_3173 : vector<16xi1>
    %broadcast_in_dim3A_3175 = vector.broadcast %mul3A_3166 : i32 to vector<16xi32>
    %select_n3A_3176 = arith.select %and3A_3174, %broadcast_in_dim3A_3175, %select_n3A_3051 : vector<16xi1>, vector<16xi32>
    %convert_element_type3A = arith.sitofp %select_n3A_3176 : vector<16xi32> to vector<16xf32>
    %gather3A = tpu.vector_load_idx %arg5[%select_n3A_228] : memref<100000xf32, #tpu.memory_space<vmem>>[vector<16xi32>], vector<16xf32>,
    %add3A_3177 = arith.constant 20000 : i32
    %add3A_3178 = vector.broadcast %add3A_3177 : i32 to vector<16xi32>
    %add3A_3179 = arith.addi %add3A_3178, %select_n3A_228 : vector<16xi32>
    %gather3A_3180 = tpu.vector_load_idx %arg5[%add3A_3179] : memref<100000xf32, #tpu.memory_space<vmem>>[vector<16xi32>], vector<16xf32>,
    %add3A_3181 = arith.constant 40000 : i32
    %add3A_3182 = vector.broadcast %add3A_3181 : i32 to vector<16xi32>
    %add3A_3183 = arith.addi %add3A_3182, %select_n3A_228 : vector<16xi32>
    %gather3A_3184 = tpu.vector_load_idx %arg5[%add3A_3183] : memref<100000xf32, #tpu.memory_space<vmem>>[vector<16xi32>], vector<16xf32>,
    %add3A_3185 = arith.constant 60000 : i32
    %add3A_3186 = vector.broadcast %add3A_3185 : i32 to vector<16xi32>
    %add3A_3187 = arith.addi %add3A_3186, %select_n3A_228 : vector<16xi32>
    %gather3A_3188 = tpu.vector_load_idx %arg5[%add3A_3187] : memref<100000xf32, #tpu.memory_space<vmem>>[vector<16xi32>], vector<16xf32>,
    %add3A_3189 = arith.constant 80000 : i32
    %add3A_3190 = vector.broadcast %add3A_3189 : i32 to vector<16xi32>
    %add3A_3191 = arith.addi %add3A_3190, %select_n3A_228 : vector<16xi32>
    %gather3A_3192 = tpu.vector_load_idx %arg5[%add3A_3191] : memref<100000xf32, #tpu.memory_space<vmem>>[vector<16xi32>], vector<16xf32>,
    %min3A = arith.constant 3 : i32
    %min3A_3193 = vector.broadcast %min3A : i32 to vector<16xi32>
    %min3A_3194 = arith.minsi %iota3A, %min3A_3193 : vector<16xi32>
    %mul3A_3195 = arith.constant 4 : i32
    %mul3A_3196 = vector.broadcast %mul3A_3195 : i32 to vector<16xi32>
    %mul3A_3197 = arith.muli %min3A_3194, %mul3A_3196 : vector<16xi32>
    %gather3A_3198 = tpu.vector_load_idx %arg6[%mul3A_3197] : memref<16xf32, #tpu.memory_space<vmem>>[vector<16xi32>], vector<16xf32>,
    %add3A_3199 = arith.constant 1 : i32
    %add3A_3200 = vector.broadcast %add3A_3199 : i32 to vector<16xi32>
    %add3A_3201 = arith.addi %mul3A_3197, %add3A_3200 : vector<16xi32>
    %gather3A_3202 = tpu.vector_load_idx %arg6[%add3A_3201] : memref<16xf32, #tpu.memory_space<vmem>>[vector<16xi32>], vector<16xf32>,
    %add3A_3203 = arith.constant 2 : i32
    %add3A_3204 = vector.broadcast %add3A_3203 : i32 to vector<16xi32>
    %add3A_3205 = arith.addi %mul3A_3197, %add3A_3204 : vector<16xi32>
    %gather3A_3206 = tpu.vector_load_idx %arg6[%add3A_3205] : memref<16xf32, #tpu.memory_space<vmem>>[vector<16xi32>], vector<16xf32>,
    %add3A_3207 = arith.constant 3 : i32
    %add3A_3208 = vector.broadcast %add3A_3207 : i32 to vector<16xi32>
    %add3A_3209 = arith.addi %mul3A_3197, %add3A_3208 : vector<16xi32>
    %gather3A_3210 = tpu.vector_load_idx %arg6[%add3A_3209] : memref<16xf32, #tpu.memory_space<vmem>>[vector<16xi32>], vector<16xf32>,
    %max3A_3211 = arith.constant 9.99999974E-5 : f32
    %max3A_3212 = vector.broadcast %max3A_3211 : f32 to vector<16xf32>
    %max3A_3213 = arith.maximumf %gather3A_3184, %max3A_3212 : vector<16xf32>
    %max3A_3214 = arith.constant 9.99999974E-5 : f32
    %max3A_3215 = vector.broadcast %max3A_3214 : f32 to vector<16xf32>
    %max3A_3216 = arith.maximumf %gather3A_3188, %max3A_3215 : vector<16xf32>
    %div3A_3217 = arith.constant 2.000000e+00 : f32
    %div3A_3218 = vector.broadcast %div3A_3217 : f32 to vector<16xf32>
    %div3A_3219 = arith.divf %max3A_3213, %div3A_3218 : vector<16xf32>
    %sub3A_3220 = arith.subf %gather3A, %div3A_3219 : vector<16xf32>
    %div3A_3221 = arith.constant 2.000000e+00 : f32
    %div3A_3222 = vector.broadcast %div3A_3221 : f32 to vector<16xf32>
    %div3A_3223 = arith.divf %max3A_3216, %div3A_3222 : vector<16xf32>
    %sub3A_3224 = arith.subf %gather3A_3180, %div3A_3223 : vector<16xf32>
    %div3A_3225 = arith.constant 2.000000e+00 : f32
    %div3A_3226 = vector.broadcast %div3A_3225 : f32 to vector<16xf32>
    %div3A_3227 = arith.divf %max3A_3213, %div3A_3226 : vector<16xf32>
    %add3A_3228 = arith.addf %gather3A, %div3A_3227 : vector<16xf32>
    %div3A_3229 = arith.constant 2.000000e+00 : f32
    %div3A_3230 = vector.broadcast %div3A_3229 : f32 to vector<16xf32>
    %div3A_3231 = arith.divf %max3A_3216, %div3A_3230 : vector<16xf32>
    %add3A_3232 = arith.addf %gather3A_3180, %div3A_3231 : vector<16xf32>
    %min3A_3233 = arith.minimumf %add3A_3228, %gather3A_3206 : vector<16xf32>
    %max3A_3234 = arith.maximumf %sub3A_3220, %gather3A_3198 : vector<16xf32>
    %sub3A_3235 = arith.subf %min3A_3233, %max3A_3234 : vector<16xf32>
    %max3A_3236 = arith.constant 0.000000e+00 : f32
    %max3A_3237 = vector.broadcast %max3A_3236 : f32 to vector<16xf32>
    %max3A_3238 = arith.maximumf %sub3A_3235, %max3A_3237 : vector<16xf32>
    %min3A_3239 = arith.minimumf %add3A_3232, %gather3A_3210 : vector<16xf32>
    %max3A_3240 = arith.maximumf %sub3A_3224, %gather3A_3202 : vector<16xf32>
    %sub3A_3241 = arith.subf %min3A_3239, %max3A_3240 : vector<16xf32>
    %max3A_3242 = arith.constant 0.000000e+00 : f32
    %max3A_3243 = vector.broadcast %max3A_3242 : f32 to vector<16xf32>
    %max3A_3244 = arith.maximumf %sub3A_3241, %max3A_3243 : vector<16xf32>
    %mul3A_3245 = arith.mulf %max3A_3238, %max3A_3244 : vector<16xf32>
    %sub3A_3246 = arith.subf %add3A_3228, %sub3A_3220 : vector<16xf32>
    %sub3A_3247 = arith.subf %add3A_3232, %sub3A_3224 : vector<16xf32>
    %mul3A_3248 = arith.mulf %sub3A_3246, %sub3A_3247 : vector<16xf32>
    %sub3A_3249 = arith.subf %gather3A_3206, %gather3A_3198 : vector<16xf32>
    %sub3A_3250 = arith.subf %gather3A_3210, %gather3A_3202 : vector<16xf32>
    %mul3A_3251 = arith.mulf %sub3A_3249, %sub3A_3250 : vector<16xf32>
    %add3A_3252 = arith.addf %mul3A_3248, %mul3A_3251 : vector<16xf32>
    %sub3A_3253 = arith.subf %add3A_3252, %mul3A_3245 : vector<16xf32>
    %add3A_3254 = arith.constant 1.000000e-07 : f32
    %add3A_3255 = vector.broadcast %add3A_3254 : f32 to vector<16xf32>
    %add3A_3256 = arith.addf %sub3A_3253, %add3A_3255 : vector<16xf32>
    %div3A_3257 = arith.divf %mul3A_3245, %add3A_3256 : vector<16xf32>
    %max3A_3258 = arith.maximumf %add3A_3228, %gather3A_3206 : vector<16xf32>
    %min3A_3259 = arith.minimumf %sub3A_3220, %gather3A_3198 : vector<16xf32>
    %sub3A_3260 = arith.subf %max3A_3258, %min3A_3259 : vector<16xf32>
    %max3A_3261 = arith.maximumf %add3A_3232, %gather3A_3210 : vector<16xf32>
    %min3A_3262 = arith.minimumf %sub3A_3224, %gather3A_3202 : vector<16xf32>
    %sub3A_3263 = arith.subf %max3A_3261, %min3A_3262 : vector<16xf32>
    %mul3A_3264 = arith.mulf %sub3A_3260, %sub3A_3260 : vector<16xf32>
    %mul3A_3265 = arith.mulf %sub3A_3263, %sub3A_3263 : vector<16xf32>
    %add3A_3266 = arith.addf %mul3A_3264, %mul3A_3265 : vector<16xf32>
    %add3A_3267 = arith.constant 1.000000e-07 : f32
    %add3A_3268 = vector.broadcast %add3A_3267 : f32 to vector<16xf32>
    %add3A_3269 = arith.addf %add3A_3266, %add3A_3268 : vector<16xf32>
    %add3A_3270 = arith.addf %gather3A_3198, %gather3A_3206 : vector<16xf32>
    %add3A_3271 = arith.addf %sub3A_3220, %add3A_3228 : vector<16xf32>
    %sub3A_3272 = arith.subf %add3A_3270, %add3A_3271 : vector<16xf32>
    %div3A_3273 = arith.constant 2.000000e+00 : f32
    %div3A_3274 = vector.broadcast %div3A_3273 : f32 to vector<16xf32>
    %div3A_3275 = arith.divf %sub3A_3272, %div3A_3274 : vector<16xf32>
    %add3A_3276 = arith.addf %gather3A_3202, %gather3A_3210 : vector<16xf32>
    %add3A_3277 = arith.addf %sub3A_3224, %add3A_3232 : vector<16xf32>
    %sub3A_3278 = arith.subf %add3A_3276, %add3A_3277 : vector<16xf32>
    %div3A_3279 = arith.constant 2.000000e+00 : f32
    %div3A_3280 = vector.broadcast %div3A_3279 : f32 to vector<16xf32>
    %div3A_3281 = arith.divf %sub3A_3278, %div3A_3280 : vector<16xf32>
    %mul3A_3282 = arith.mulf %div3A_3275, %div3A_3275 : vector<16xf32>
    %mul3A_3283 = arith.mulf %div3A_3281, %div3A_3281 : vector<16xf32>
    %add3A_3284 = arith.addf %mul3A_3282, %mul3A_3283 : vector<16xf32>
    %sub3A_3285 = arith.constant 1.000000e+00 : f32
    %sub3A_3286 = vector.broadcast %sub3A_3285 : f32 to vector<16xf32>
    %sub3A_3287 = arith.subf %sub3A_3286, %div3A_3257 : vector<16xf32>
    %div3A_3288 = arith.divf %add3A_3284, %add3A_3269 : vector<16xf32>
    %add3A_3289 = arith.addf %sub3A_3287, %div3A_3288 : vector<16xf32>
    %sub3A_3290 = arith.subf %gather3A_3206, %gather3A_3198 : vector<16xf32>
    %sub3A_3291 = arith.subf %gather3A_3210, %gather3A_3202 : vector<16xf32>
    %div3A_3292 = arith.divf %sub3A_3290, %sub3A_3291 : vector<16xf32>
    %abs3A = math.absf %div3A_3292 : vector<16xf32>
    %gt3A_3293 = arith.constant 1.000000e+00 : f32
    %gt3A_3294 = vector.broadcast %gt3A_3293 : f32 to vector<16xf32>
    %gt3A_3295 = arith.cmpf ogt, %abs3A, %gt3A_3294 : vector<16xf32>
    %div3A_3296 = arith.constant 1.000000e+00 : f32
    %div3A_3297 = vector.broadcast %div3A_3296 : f32 to vector<16xf32>
    %div3A_3298 = arith.divf %div3A_3297, %abs3A : vector<16xf32>
    %select_n3A_3299 = arith.select %gt3A_3295, %div3A_3298, %abs3A : vector<16xi1>, vector<16xf32>
    %mul3A_3300 = arith.mulf %select_n3A_3299, %select_n3A_3299 : vector<16xf32>
    %broadcast_in_dim3A_3301 = arith.constant -0.00158530858 : f32
    %broadcast_in_dim3A_3302 = vector.broadcast %broadcast_in_dim3A_3301 : f32 to vector<16xf32>
    %mul3A_3303 = arith.mulf %broadcast_in_dim3A_3302, %mul3A_3300 : vector<16xf32>
    %add3A_3304 = arith.constant 0.00990694481 : f32
    %add3A_3305 = vector.broadcast %add3A_3304 : f32 to vector<16xf32>
    %add3A_3306 = arith.addf %mul3A_3303, %add3A_3305 : vector<16xf32>
    %mul3A_3307 = arith.mulf %add3A_3306, %mul3A_3300 : vector<16xf32>
    %add3A_3308 = arith.constant -0.0291263387 : f32
    %add3A_3309 = vector.broadcast %add3A_3308 : f32 to vector<16xf32>
    %add3A_3310 = arith.addf %mul3A_3307, %add3A_3309 : vector<16xf32>
    %mul3A_3311 = arith.mulf %add3A_3310, %mul3A_3300 : vector<16xf32>
    %add3A_3312 = arith.constant 0.0556745753 : f32
    %add3A_3313 = vector.broadcast %add3A_3312 : f32 to vector<16xf32>
    %add3A_3314 = arith.addf %mul3A_3311, %add3A_3313 : vector<16xf32>
    %mul3A_3315 = arith.mulf %add3A_3314, %mul3A_3300 : vector<16xf32>
    %add3A_3316 = arith.constant -0.0825255364 : f32
    %add3A_3317 = vector.broadcast %add3A_3316 : f32 to vector<16xf32>
    %add3A_3318 = arith.addf %mul3A_3315, %add3A_3317 : vector<16xf32>
    %mul3A_3319 = arith.mulf %add3A_3318, %mul3A_3300 : vector<16xf32>
    %add3A_3320 = arith.constant 0.108919539 : f32
    %add3A_3321 = vector.broadcast %add3A_3320 : f32 to vector<16xf32>
    %add3A_3322 = arith.addf %mul3A_3319, %add3A_3321 : vector<16xf32>
    %mul3A_3323 = arith.mulf %add3A_3322, %mul3A_3300 : vector<16xf32>
    %add3A_3324 = arith.constant -0.142501339 : f32
    %add3A_3325 = vector.broadcast %add3A_3324 : f32 to vector<16xf32>
    %add3A_3326 = arith.addf %mul3A_3323, %add3A_3325 : vector<16xf32>
    %mul3A_3327 = arith.mulf %add3A_3326, %mul3A_3300 : vector<16xf32>
    %add3A_3328 = arith.constant 0.199967623 : f32
    %add3A_3329 = vector.broadcast %add3A_3328 : f32 to vector<16xf32>
    %add3A_3330 = arith.addf %mul3A_3327, %add3A_3329 : vector<16xf32>
    %mul3A_3331 = arith.mulf %add3A_3330, %mul3A_3300 : vector<16xf32>
    %add3A_3332 = arith.constant -0.333331972 : f32
    %add3A_3333 = vector.broadcast %add3A_3332 : f32 to vector<16xf32>
    %add3A_3334 = arith.addf %mul3A_3331, %add3A_3333 : vector<16xf32>
    %mul3A_3335 = arith.mulf %add3A_3334, %mul3A_3300 : vector<16xf32>
    %add3A_3336 = arith.constant 1.000000e+00 : f32
    %add3A_3337 = vector.broadcast %add3A_3336 : f32 to vector<16xf32>
    %add3A_3338 = arith.addf %mul3A_3335, %add3A_3337 : vector<16xf32>
    %mul3A_3339 = arith.mulf %add3A_3338, %select_n3A_3299 : vector<16xf32>
    %sub3A_3340 = arith.constant 1.57079637 : f32
    %sub3A_3341 = vector.broadcast %sub3A_3340 : f32 to vector<16xf32>
    %sub3A_3342 = arith.subf %sub3A_3341, %mul3A_3339 : vector<16xf32>
    %select_n3A_3343 = arith.select %gt3A_3295, %sub3A_3342, %mul3A_3339 : vector<16xi1>, vector<16xf32>
    %lt3A_3344 = arith.constant 0.000000e+00 : f32
    %lt3A_3345 = vector.broadcast %lt3A_3344 : f32 to vector<16xf32>
    %lt3A_3346 = arith.cmpf olt, %div3A_3292, %lt3A_3345 : vector<16xf32>
    %neg3A = arith.constant 0.000000e+00 : f32
    %neg3A_3347 = vector.broadcast %neg3A : f32 to vector<16xf32>
    %neg3A_3348 = arith.subf %neg3A_3347, %select_n3A_3343 : vector<16xf32>
    %select_n3A_3349 = arith.select %lt3A_3346, %neg3A_3348, %select_n3A_3343 : vector<16xi1>, vector<16xf32>
    %sub3A_3350 = arith.subf %add3A_3228, %sub3A_3220 : vector<16xf32>
    %sub3A_3351 = arith.subf %add3A_3232, %sub3A_3224 : vector<16xf32>
    %div3A_3352 = arith.divf %sub3A_3350, %sub3A_3351 : vector<16xf32>
    %abs3A_3353 = math.absf %div3A_3352 : vector<16xf32>
    %gt3A_3354 = arith.constant 1.000000e+00 : f32
    %gt3A_3355 = vector.broadcast %gt3A_3354 : f32 to vector<16xf32>
    %gt3A_3356 = arith.cmpf ogt, %abs3A_3353, %gt3A_3355 : vector<16xf32>
    %div3A_3357 = arith.constant 1.000000e+00 : f32
    %div3A_3358 = vector.broadcast %div3A_3357 : f32 to vector<16xf32>
    %div3A_3359 = arith.divf %div3A_3358, %abs3A_3353 : vector<16xf32>
    %select_n3A_3360 = arith.select %gt3A_3356, %div3A_3359, %abs3A_3353 : vector<16xi1>, vector<16xf32>
    %mul3A_3361 = arith.mulf %select_n3A_3360, %select_n3A_3360 : vector<16xf32>
    %broadcast_in_dim3A_3362 = arith.constant -0.00158530858 : f32
    %broadcast_in_dim3A_3363 = vector.broadcast %broadcast_in_dim3A_3362 : f32 to vector<16xf32>
    %mul3A_3364 = arith.mulf %broadcast_in_dim3A_3363, %mul3A_3361 : vector<16xf32>
    %add3A_3365 = arith.constant 0.00990694481 : f32
    %add3A_3366 = vector.broadcast %add3A_3365 : f32 to vector<16xf32>
    %add3A_3367 = arith.addf %mul3A_3364, %add3A_3366 : vector<16xf32>
    %mul3A_3368 = arith.mulf %add3A_3367, %mul3A_3361 : vector<16xf32>
    %add3A_3369 = arith.constant -0.0291263387 : f32
    %add3A_3370 = vector.broadcast %add3A_3369 : f32 to vector<16xf32>
    %add3A_3371 = arith.addf %mul3A_3368, %add3A_3370 : vector<16xf32>
    %mul3A_3372 = arith.mulf %add3A_3371, %mul3A_3361 : vector<16xf32>
    %add3A_3373 = arith.constant 0.0556745753 : f32
    %add3A_3374 = vector.broadcast %add3A_3373 : f32 to vector<16xf32>
    %add3A_3375 = arith.addf %mul3A_3372, %add3A_3374 : vector<16xf32>
    %mul3A_3376 = arith.mulf %add3A_3375, %mul3A_3361 : vector<16xf32>
    %add3A_3377 = arith.constant -0.0825255364 : f32
    %add3A_3378 = vector.broadcast %add3A_3377 : f32 to vector<16xf32>
    %add3A_3379 = arith.addf %mul3A_3376, %add3A_3378 : vector<16xf32>
    %mul3A_3380 = arith.mulf %add3A_3379, %mul3A_3361 : vector<16xf32>
    %add3A_3381 = arith.constant 0.108919539 : f32
    %add3A_3382 = vector.broadcast %add3A_3381 : f32 to vector<16xf32>
    %add3A_3383 = arith.addf %mul3A_3380, %add3A_3382 : vector<16xf32>
    %mul3A_3384 = arith.mulf %add3A_3383, %mul3A_3361 : vector<16xf32>
    %add3A_3385 = arith.constant -0.142501339 : f32
    %add3A_3386 = vector.broadcast %add3A_3385 : f32 to vector<16xf32>
    %add3A_3387 = arith.addf %mul3A_3384, %add3A_3386 : vector<16xf32>
    %mul3A_3388 = arith.mulf %add3A_3387, %mul3A_3361 : vector<16xf32>
    %add3A_3389 = arith.constant 0.199967623 : f32
    %add3A_3390 = vector.broadcast %add3A_3389 : f32 to vector<16xf32>
    %add3A_3391 = arith.addf %mul3A_3388, %add3A_3390 : vector<16xf32>
    %mul3A_3392 = arith.mulf %add3A_3391, %mul3A_3361 : vector<16xf32>
    %add3A_3393 = arith.constant -0.333331972 : f32
    %add3A_3394 = vector.broadcast %add3A_3393 : f32 to vector<16xf32>
    %add3A_3395 = arith.addf %mul3A_3392, %add3A_3394 : vector<16xf32>
    %mul3A_3396 = arith.mulf %add3A_3395, %mul3A_3361 : vector<16xf32>
    %add3A_3397 = arith.constant 1.000000e+00 : f32
    %add3A_3398 = vector.broadcast %add3A_3397 : f32 to vector<16xf32>
    %add3A_3399 = arith.addf %mul3A_3396, %add3A_3398 : vector<16xf32>
    %mul3A_3400 = arith.mulf %add3A_3399, %select_n3A_3360 : vector<16xf32>
    %sub3A_3401 = arith.constant 1.57079637 : f32
    %sub3A_3402 = vector.broadcast %sub3A_3401 : f32 to vector<16xf32>
    %sub3A_3403 = arith.subf %sub3A_3402, %mul3A_3400 : vector<16xf32>
    %select_n3A_3404 = arith.select %gt3A_3356, %sub3A_3403, %mul3A_3400 : vector<16xi1>, vector<16xf32>
    %lt3A_3405 = arith.constant 0.000000e+00 : f32
    %lt3A_3406 = vector.broadcast %lt3A_3405 : f32 to vector<16xf32>
    %lt3A_3407 = arith.cmpf olt, %div3A_3352, %lt3A_3406 : vector<16xf32>
    %neg3A_3408 = arith.constant 0.000000e+00 : f32
    %neg3A_3409 = vector.broadcast %neg3A_3408 : f32 to vector<16xf32>
    %neg3A_3410 = arith.subf %neg3A_3409, %select_n3A_3404 : vector<16xf32>
    %select_n3A_3411 = arith.select %lt3A_3407, %neg3A_3410, %select_n3A_3404 : vector<16xi1>, vector<16xf32>
    %sub3A_3412 = arith.subf %select_n3A_3349, %select_n3A_3411 : vector<16xf32>
    %mul3A_3413 = arith.constant 0.405284733 : f32
    %mul3A_3414 = vector.broadcast %mul3A_3413 : f32 to vector<16xf32>
    %mul3A_3415 = arith.mulf %mul3A_3414, %sub3A_3412 : vector<16xf32>
    %mul3A_3416 = arith.mulf %mul3A_3415, %sub3A_3412 : vector<16xf32>
    %sub3A_3417 = arith.constant 1.000000e+00 : f32
    %sub3A_3418 = vector.broadcast %sub3A_3417 : f32 to vector<16xf32>
    %sub3A_3419 = arith.subf %sub3A_3418, %div3A_3257 : vector<16xf32>
    %add3A_3420 = arith.addf %sub3A_3419, %mul3A_3416 : vector<16xf32>
    %add3A_3421 = arith.constant 1.000000e-07 : f32
    %add3A_3422 = vector.broadcast %add3A_3421 : f32 to vector<16xf32>
    %add3A_3423 = arith.addf %add3A_3420, %add3A_3422 : vector<16xf32>
    %div3A_3424 = arith.divf %mul3A_3416, %add3A_3423 : vector<16xf32>
    %mul3A_3425 = arith.mulf %div3A_3424, %mul3A_3416 : vector<16xf32>
    %add3A_3426 = arith.addf %add3A_3289, %mul3A_3425 : vector<16xf32>
    %broadcast_in_dim3A_3427 = vector.broadcast %add3A_3167 : i32 to vector<16xi32>
    %convert_element_type3A_3428 = arith.sitofp %broadcast_in_dim3A_3427 : vector<16xi32> to vector<16xf32>
    %mul3A_3429 = arith.mulf %add3A_3426, %convert_element_type3A : vector<16xf32>
    %jit3A_3430 = arith.constant 0.000000e+00 : f32
    %broadcast_in_dim3A_3431 = vector.broadcast %jit3A_3430 : f32 to vector<16xf32>
    %select_n3A_3432 = arith.select %lt3A_57, %mul3A_3429, %broadcast_in_dim3A_3431 : vector<16xi1>, vector<16xf32>
    %gt3A_3433 = arith.constant 0.000000e+00 : f32
    %gt3A_3434 = vector.broadcast %gt3A_3433 : f32 to vector<16xf32>
    %gt3A_3435 = arith.cmpf ogt, %convert_element_type3A_3428, %gt3A_3434 : vector<16xf32>
    %max3A_3436 = arith.constant 1.000000e+00 : f32
    %max3A_3437 = vector.broadcast %max3A_3436 : f32 to vector<16xf32>
    %max3A_3438 = arith.maximumf %convert_element_type3A_3428, %max3A_3437 : vector<16xf32>
    %mul3A_3439 = arith.constant 4.000000e+00 : f32
    %mul3A_3440 = vector.broadcast %mul3A_3439 : f32 to vector<16xf32>
    %mul3A_3441 = arith.mulf %max3A_3438, %mul3A_3440 : vector<16xf32>
    %div3A_3442 = arith.divf %select_n3A_3432, %mul3A_3441 : vector<16xf32>
    %jit3A_3443 = arith.constant 0.000000e+00 : f32
    %broadcast_in_dim3A_3444 = vector.broadcast %jit3A_3443 : f32 to vector<16xf32>
    %select_n3A_3445 = arith.select %gt3A_3435, %div3A_3442, %broadcast_in_dim3A_3444 : vector<16xi1>, vector<16xf32>
    %abs3A_3446 = math.absf %gather3A_3192 : vector<16xf32>
    %neg3A_3447 = arith.constant 0.000000e+00 : f32
    %neg3A_3448 = vector.broadcast %neg3A_3447 : f32 to vector<16xf32>
    %neg3A_3449 = arith.subf %neg3A_3448, %abs3A_3446 : vector<16xf32>
    %exp3A = math.exp %neg3A_3449 : vector<16xf32>
    %broadcast_in_dim3A_3450 = arith.constant -9.2396303E-4 : f32
    %broadcast_in_dim3A_3451 = vector.broadcast %broadcast_in_dim3A_3450 : f32 to vector<16xf32>
    %mul3A_3452 = arith.mulf %broadcast_in_dim3A_3451, %exp3A : vector<16xf32>
    %add3A_3453 = arith.constant 0.00697732717 : f32
    %add3A_3454 = vector.broadcast %add3A_3453 : f32 to vector<16xf32>
    %add3A_3455 = arith.addf %mul3A_3452, %add3A_3454 : vector<16xf32>
    %mul3A_3456 = arith.mulf %add3A_3455, %exp3A : vector<16xf32>
    %add3A_3457 = arith.constant -0.0247565638 : f32
    %add3A_3458 = vector.broadcast %add3A_3457 : f32 to vector<16xf32>
    %add3A_3459 = arith.addf %mul3A_3456, %add3A_3458 : vector<16xf32>
    %mul3A_3460 = arith.mulf %add3A_3459, %exp3A : vector<16xf32>
    %add3A_3461 = arith.constant 0.0560202524 : f32
    %add3A_3462 = vector.broadcast %add3A_3461 : f32 to vector<16xf32>
    %add3A_3463 = arith.addf %mul3A_3460, %add3A_3462 : vector<16xf32>
    %mul3A_3464 = arith.mulf %add3A_3463, %exp3A : vector<16xf32>
    %add3A_3465 = arith.constant -0.0937988087 : f32
    %add3A_3466 = vector.broadcast %add3A_3465 : f32 to vector<16xf32>
    %add3A_3467 = arith.addf %mul3A_3464, %add3A_3466 : vector<16xf32>
    %mul3A_3468 = arith.mulf %add3A_3467, %exp3A : vector<16xf32>
    %add3A_3469 = arith.constant 0.129701689 : f32
    %add3A_3470 = vector.broadcast %add3A_3469 : f32 to vector<16xf32>
    %add3A_3471 = arith.addf %mul3A_3468, %add3A_3470 : vector<16xf32>
    %mul3A_3472 = arith.mulf %add3A_3471, %exp3A : vector<16xf32>
    %add3A_3473 = arith.constant -0.162672609 : f32
    %add3A_3474 = vector.broadcast %add3A_3473 : f32 to vector<16xf32>
    %add3A_3475 = arith.addf %mul3A_3472, %add3A_3474 : vector<16xf32>
    %mul3A_3476 = arith.mulf %add3A_3475, %exp3A : vector<16xf32>
    %add3A_3477 = arith.constant 0.199159637 : f32
    %add3A_3478 = vector.broadcast %add3A_3477 : f32 to vector<16xf32>
    %add3A_3479 = arith.addf %mul3A_3476, %add3A_3478 : vector<16xf32>
    %mul3A_3480 = arith.mulf %add3A_3479, %exp3A : vector<16xf32>
    %add3A_3481 = arith.constant -0.249883816 : f32
    %add3A_3482 = vector.broadcast %add3A_3481 : f32 to vector<16xf32>
    %add3A_3483 = arith.addf %mul3A_3480, %add3A_3482 : vector<16xf32>
    %mul3A_3484 = arith.mulf %add3A_3483, %exp3A : vector<16xf32>
    %add3A_3485 = arith.constant 0.333323628 : f32
    %add3A_3486 = vector.broadcast %add3A_3485 : f32 to vector<16xf32>
    %add3A_3487 = arith.addf %mul3A_3484, %add3A_3486 : vector<16xf32>
    %mul3A_3488 = arith.mulf %add3A_3487, %exp3A : vector<16xf32>
    %add3A_3489 = arith.constant -0.499999583 : f32
    %add3A_3490 = vector.broadcast %add3A_3489 : f32 to vector<16xf32>
    %add3A_3491 = arith.addf %mul3A_3488, %add3A_3490 : vector<16xf32>
    %mul3A_3492 = arith.mulf %add3A_3491, %exp3A : vector<16xf32>
    %add3A_3493 = arith.constant 1.000000e+00 : f32
    %add3A_3494 = vector.broadcast %add3A_3493 : f32 to vector<16xf32>
    %add3A_3495 = arith.addf %mul3A_3492, %add3A_3494 : vector<16xf32>
    %mul3A_3496 = arith.mulf %add3A_3495, %exp3A : vector<16xf32>
    %max3A_3497 = arith.constant 0.000000e+00 : f32
    %max3A_3498 = vector.broadcast %max3A_3497 : f32 to vector<16xf32>
    %max3A_3499 = arith.maximumf %gather3A_3192, %max3A_3498 : vector<16xf32>
    %add3A_3500 = arith.addf %max3A_3499, %mul3A_3496 : vector<16xf32>
    %ge3A = arith.constant 0.000000e+00 : f32
    %ge3A_3501 = vector.broadcast %ge3A : f32 to vector<16xf32>
    %ge3A_3502 = arith.cmpf oge, %gather3A_3192, %ge3A_3501 : vector<16xf32>
    %jit3A_3503 = arith.constant 1.000000e+00 : f32
    %broadcast_in_dim3A_3504 = vector.broadcast %jit3A_3503 : f32 to vector<16xf32>
    %select_n3A_3505 = arith.select %ge3A_3502, %broadcast_in_dim3A_3504, %exp3A : vector<16xi1>, vector<16xf32>
    %add3A_3506 = arith.constant 1.000000e+00 : f32
    %add3A_3507 = vector.broadcast %add3A_3506 : f32 to vector<16xf32>
    %add3A_3508 = arith.addf %add3A_3507, %exp3A : vector<16xf32>
    %div3A_3509 = arith.divf %select_n3A_3505, %add3A_3508 : vector<16xf32>
    %sub3A_3510 = arith.constant 1.000000e+00 : f32
    %sub3A_3511 = vector.broadcast %sub3A_3510 : f32 to vector<16xf32>
    %sub3A_3512 = arith.subf %sub3A_3511, %div3A_3509 : vector<16xf32>
    %jit3A_3513 = arith.constant 9.99999997E-7 : f32
    %jit3A_3514 = arith.constant 0.999998986 : f32
    %max3A_3515 = vector.broadcast %jit3A_3513 : f32 to vector<16xf32>
    %max3A_3516 = arith.maximumf %max3A_3515, %sub3A_3512 : vector<16xf32>
    %min3A_3517 = vector.broadcast %jit3A_3514 : f32 to vector<16xf32>
    %min3A_3518 = arith.minimumf %min3A_3517, %max3A_3516 : vector<16xf32>
    %sub3A_3519 = arith.constant 1.000000e+00 : f32
    %sub3A_3520 = vector.broadcast %sub3A_3519 : f32 to vector<16xf32>
    %sub3A_3521 = arith.subf %sub3A_3520, %min3A_3518 : vector<16xf32>
    %mul3A_3522 = arith.constant 7.500000e-01 : f32
    %mul3A_3523 = vector.broadcast %mul3A_3522 : f32 to vector<16xf32>
    %mul3A_3524 = arith.mulf %mul3A_3523, %sub3A_3521 : vector<16xf32>
    %mul3A_3525 = arith.mulf %mul3A_3524, %sub3A_3521 : vector<16xf32>
    %mul3A_3526 = arith.mulf %mul3A_3525, %add3A_3500 : vector<16xf32>
    %jit3A_3527 = arith.constant 9.99999997E-7 : f32
    %jit3A_3528 = arith.constant 0.999998986 : f32
    %max3A_3529 = vector.broadcast %jit3A_3527 : f32 to vector<16xf32>
    %max3A_3530 = arith.maximumf %max3A_3529, %div3A_3509 : vector<16xf32>
    %min3A_3531 = vector.broadcast %jit3A_3528 : f32 to vector<16xf32>
    %min3A_3532 = arith.minimumf %min3A_3531, %max3A_3530 : vector<16xf32>
    %sub3A_3533 = arith.constant 1.000000e+00 : f32
    %sub3A_3534 = vector.broadcast %sub3A_3533 : f32 to vector<16xf32>
    %sub3A_3535 = arith.subf %sub3A_3534, %min3A_3532 : vector<16xf32>
    %mul3A_3536 = arith.constant 2.500000e-01 : f32
    %mul3A_3537 = vector.broadcast %mul3A_3536 : f32 to vector<16xf32>
    %mul3A_3538 = arith.mulf %mul3A_3537, %sub3A_3535 : vector<16xf32>
    %mul3A_3539 = arith.mulf %mul3A_3538, %sub3A_3535 : vector<16xf32>
    %sub3A_3540 = arith.subf %add3A_3500, %gather3A_3192 : vector<16xf32>
    %mul3A_3541 = arith.mulf %mul3A_3539, %sub3A_3540 : vector<16xf32>
    %sub3A_3542 = arith.subf %mul3A_3541, %mul3A_3526 : vector<16xf32>
    %mul3A_3543 = arith.mulf %convert_element_type3A, %sub3A_3542 : vector<16xf32>
    %mul3A_3544 = arith.constant 1.250000e-05 : f32
    %mul3A_3545 = vector.broadcast %mul3A_3544 : f32 to vector<16xf32>
    %mul3A_3546 = arith.mulf %mul3A_3543, %mul3A_3545 : vector<16xf32>
    %mul3A_3547 = arith.constant 2500 : i32
    %mul3A_3548 = arith.muli %select_n3A_30, %mul3A_3547 : i32
    %broadcast_in_dim3A_3549 = arith.constant 0.000000e+00 : f32
    %broadcast_in_dim3A_3550 = vector.broadcast %broadcast_in_dim3A_3549 : f32 to vector<16xf32>
    %parallel_loop3A_3551 = arith.constant 0 : i32
    %parallel_loop3A_3552 = arith.constant 157 : i32
    %parallel_loop3A_3553 = arith.constant 1 : i32
    %parallel_loop3A_3554 = scf.for %parallel_loop3A_3562 = %parallel_loop3A_3551 to %parallel_loop3A_3552 step %parallel_loop3A_3553 iter_args(%parallel_loop3A_3563 = %broadcast_in_dim3A_3550) -> (vector<16xf32>)  : i32 {
      %parallel_loop3A_3564 = arith.constant 80000 : i32
      %parallel_loop3A_3565 = arith.addi %parallel_loop3A_3564, %mul3A_3548 : i32
      %parallel_loop3A_3566 = arith.constant 16 : i32
      %parallel_loop3A_3567 = arith.muli %parallel_loop3A_3562, %parallel_loop3A_3566 : i32
      %parallel_loop3A_3568 = arith.addi %parallel_loop3A_3565, %parallel_loop3A_3567 : i32
      %parallel_loop3A_3569 = arith.index_cast %parallel_loop3A_3568 : i32 to index
      %parallel_loop3A_3570 = tpu.vector_load %arg5[%parallel_loop3A_3569] {strides = array<i32>} : memref<100000xf32, #tpu.memory_space<vmem>>, vector<16xf32>,
      %parallel_loop3A_3571 = math.absf %parallel_loop3A_3570 : vector<16xf32>
      %parallel_loop3A_3572 = arith.constant 0.000000e+00 : f32
      %parallel_loop3A_3573 = vector.broadcast %parallel_loop3A_3572 : f32 to vector<16xf32>
      %parallel_loop3A_3574 = arith.subf %parallel_loop3A_3573, %parallel_loop3A_3571 : vector<16xf32>
      %parallel_loop3A_3575 = math.exp %parallel_loop3A_3574 : vector<16xf32>
      %parallel_loop3A_3576 = arith.constant -9.2396303E-4 : f32
      %parallel_loop3A_3577 = vector.broadcast %parallel_loop3A_3576 : f32 to vector<16xf32>
      %parallel_loop3A_3578 = arith.mulf %parallel_loop3A_3577, %parallel_loop3A_3575 : vector<16xf32>
      %parallel_loop3A_3579 = arith.constant 0.00697732717 : f32
      %parallel_loop3A_3580 = vector.broadcast %parallel_loop3A_3579 : f32 to vector<16xf32>
      %parallel_loop3A_3581 = arith.addf %parallel_loop3A_3578, %parallel_loop3A_3580 : vector<16xf32>
      %parallel_loop3A_3582 = arith.mulf %parallel_loop3A_3581, %parallel_loop3A_3575 : vector<16xf32>
      %parallel_loop3A_3583 = arith.constant -0.0247565638 : f32
      %parallel_loop3A_3584 = vector.broadcast %parallel_loop3A_3583 : f32 to vector<16xf32>
      %parallel_loop3A_3585 = arith.addf %parallel_loop3A_3582, %parallel_loop3A_3584 : vector<16xf32>
      %parallel_loop3A_3586 = arith.mulf %parallel_loop3A_3585, %parallel_loop3A_3575 : vector<16xf32>
      %parallel_loop3A_3587 = arith.constant 0.0560202524 : f32
      %parallel_loop3A_3588 = vector.broadcast %parallel_loop3A_3587 : f32 to vector<16xf32>
      %parallel_loop3A_3589 = arith.addf %parallel_loop3A_3586, %parallel_loop3A_3588 : vector<16xf32>
      %parallel_loop3A_3590 = arith.mulf %parallel_loop3A_3589, %parallel_loop3A_3575 : vector<16xf32>
      %parallel_loop3A_3591 = arith.constant -0.0937988087 : f32
      %parallel_loop3A_3592 = vector.broadcast %parallel_loop3A_3591 : f32 to vector<16xf32>
      %parallel_loop3A_3593 = arith.addf %parallel_loop3A_3590, %parallel_loop3A_3592 : vector<16xf32>
      %parallel_loop3A_3594 = arith.mulf %parallel_loop3A_3593, %parallel_loop3A_3575 : vector<16xf32>
      %parallel_loop3A_3595 = arith.constant 0.129701689 : f32
      %parallel_loop3A_3596 = vector.broadcast %parallel_loop3A_3595 : f32 to vector<16xf32>
      %parallel_loop3A_3597 = arith.addf %parallel_loop3A_3594, %parallel_loop3A_3596 : vector<16xf32>
      %parallel_loop3A_3598 = arith.mulf %parallel_loop3A_3597, %parallel_loop3A_3575 : vector<16xf32>
      %parallel_loop3A_3599 = arith.constant -0.162672609 : f32
      %parallel_loop3A_3600 = vector.broadcast %parallel_loop3A_3599 : f32 to vector<16xf32>
      %parallel_loop3A_3601 = arith.addf %parallel_loop3A_3598, %parallel_loop3A_3600 : vector<16xf32>
      %parallel_loop3A_3602 = arith.mulf %parallel_loop3A_3601, %parallel_loop3A_3575 : vector<16xf32>
      %parallel_loop3A_3603 = arith.constant 0.199159637 : f32
      %parallel_loop3A_3604 = vector.broadcast %parallel_loop3A_3603 : f32 to vector<16xf32>
      %parallel_loop3A_3605 = arith.addf %parallel_loop3A_3602, %parallel_loop3A_3604 : vector<16xf32>
      %parallel_loop3A_3606 = arith.mulf %parallel_loop3A_3605, %parallel_loop3A_3575 : vector<16xf32>
      %parallel_loop3A_3607 = arith.constant -0.249883816 : f32
      %parallel_loop3A_3608 = vector.broadcast %parallel_loop3A_3607 : f32 to vector<16xf32>
      %parallel_loop3A_3609 = arith.addf %parallel_loop3A_3606, %parallel_loop3A_3608 : vector<16xf32>
      %parallel_loop3A_3610 = arith.mulf %parallel_loop3A_3609, %parallel_loop3A_3575 : vector<16xf32>
      %parallel_loop3A_3611 = arith.constant 0.333323628 : f32
      %parallel_loop3A_3612 = vector.broadcast %parallel_loop3A_3611 : f32 to vector<16xf32>
      %parallel_loop3A_3613 = arith.addf %parallel_loop3A_3610, %parallel_loop3A_3612 : vector<16xf32>
      %parallel_loop3A_3614 = arith.mulf %parallel_loop3A_3613, %parallel_loop3A_3575 : vector<16xf32>
      %parallel_loop3A_3615 = arith.constant -0.499999583 : f32
      %parallel_loop3A_3616 = vector.broadcast %parallel_loop3A_3615 : f32 to vector<16xf32>
      %parallel_loop3A_3617 = arith.addf %parallel_loop3A_3614, %parallel_loop3A_3616 : vector<16xf32>
      %parallel_loop3A_3618 = arith.mulf %parallel_loop3A_3617, %parallel_loop3A_3575 : vector<16xf32>
      %parallel_loop3A_3619 = arith.constant 1.000000e+00 : f32
      %parallel_loop3A_3620 = vector.broadcast %parallel_loop3A_3619 : f32 to vector<16xf32>
      %parallel_loop3A_3621 = arith.addf %parallel_loop3A_3618, %parallel_loop3A_3620 : vector<16xf32>
      %parallel_loop3A_3622 = arith.mulf %parallel_loop3A_3621, %parallel_loop3A_3575 : vector<16xf32>
      %parallel_loop3A_3623 = arith.constant 0.000000e+00 : f32
      %parallel_loop3A_3624 = vector.broadcast %parallel_loop3A_3623 : f32 to vector<16xf32>
      %parallel_loop3A_3625 = arith.maximumf %parallel_loop3A_3570, %parallel_loop3A_3624 : vector<16xf32>
      %parallel_loop3A_3626 = arith.addf %parallel_loop3A_3625, %parallel_loop3A_3622 : vector<16xf32>
      %parallel_loop3A_3627 = arith.constant 0.000000e+00 : f32
      %parallel_loop3A_3628 = vector.broadcast %parallel_loop3A_3627 : f32 to vector<16xf32>
      %parallel_loop3A_3629 = arith.cmpf oge, %parallel_loop3A_3570, %parallel_loop3A_3628 : vector<16xf32>
      %parallel_loop3A_3630 = arith.constant 1.000000e+00 : f32
      %parallel_loop3A_3631 = vector.broadcast %parallel_loop3A_3630 : f32 to vector<16xf32>
      %parallel_loop3A_3632 = arith.select %parallel_loop3A_3629, %parallel_loop3A_3631, %parallel_loop3A_3575 : vector<16xi1>, vector<16xf32>
      %parallel_loop3A_3633 = arith.constant 1.000000e+00 : f32
      %parallel_loop3A_3634 = vector.broadcast %parallel_loop3A_3633 : f32 to vector<16xf32>
      %parallel_loop3A_3635 = arith.addf %parallel_loop3A_3634, %parallel_loop3A_3575 : vector<16xf32>
      %parallel_loop3A_3636 = arith.divf %parallel_loop3A_3632, %parallel_loop3A_3635 : vector<16xf32>
      %parallel_loop3A_3637 = arith.constant 1.000000e+00 : f32
      %parallel_loop3A_3638 = vector.broadcast %parallel_loop3A_3637 : f32 to vector<16xf32>
      %parallel_loop3A_3639 = arith.subf %parallel_loop3A_3638, %parallel_loop3A_3636 : vector<16xf32>
      %parallel_loop3A_3640 = arith.constant 9.99999997E-7 : f32
      %parallel_loop3A_3641 = arith.constant 0.999998986 : f32
      %parallel_loop3A_3642 = vector.broadcast %parallel_loop3A_3640 : f32 to vector<16xf32>
      %parallel_loop3A_3643 = arith.maximumf %parallel_loop3A_3642, %parallel_loop3A_3639 : vector<16xf32>
      %parallel_loop3A_3644 = vector.broadcast %parallel_loop3A_3641 : f32 to vector<16xf32>
      %parallel_loop3A_3645 = arith.minimumf %parallel_loop3A_3644, %parallel_loop3A_3643 : vector<16xf32>
      %parallel_loop3A_3646 = arith.constant 1.000000e+00 : f32
      %parallel_loop3A_3647 = vector.broadcast %parallel_loop3A_3646 : f32 to vector<16xf32>
      %parallel_loop3A_3648 = arith.subf %parallel_loop3A_3647, %parallel_loop3A_3645 : vector<16xf32>
      %parallel_loop3A_3649 = arith.constant 7.500000e-01 : f32
      %parallel_loop3A_3650 = vector.broadcast %parallel_loop3A_3649 : f32 to vector<16xf32>
      %parallel_loop3A_3651 = arith.mulf %parallel_loop3A_3650, %parallel_loop3A_3648 : vector<16xf32>
      %parallel_loop3A_3652 = arith.mulf %parallel_loop3A_3651, %parallel_loop3A_3648 : vector<16xf32>
      %parallel_loop3A_3653 = arith.mulf %parallel_loop3A_3652, %parallel_loop3A_3626 : vector<16xf32>
      %parallel_loop3A_3654 = arith.constant 9.99999997E-7 : f32
      %parallel_loop3A_3655 = arith.constant 0.999998986 : f32
      %parallel_loop3A_3656 = vector.broadcast %parallel_loop3A_3654 : f32 to vector<16xf32>
      %parallel_loop3A_3657 = arith.maximumf %parallel_loop3A_3656, %parallel_loop3A_3636 : vector<16xf32>
      %parallel_loop3A_3658 = vector.broadcast %parallel_loop3A_3655 : f32 to vector<16xf32>
      %parallel_loop3A_3659 = arith.minimumf %parallel_loop3A_3658, %parallel_loop3A_3657 : vector<16xf32>
      %parallel_loop3A_3660 = arith.constant 1.000000e+00 : f32
      %parallel_loop3A_3661 = vector.broadcast %parallel_loop3A_3660 : f32 to vector<16xf32>
      %parallel_loop3A_3662 = arith.subf %parallel_loop3A_3661, %parallel_loop3A_3659 : vector<16xf32>
      %parallel_loop3A_3663 = arith.constant 2.500000e-01 : f32
      %parallel_loop3A_3664 = vector.broadcast %parallel_loop3A_3663 : f32 to vector<16xf32>
      %parallel_loop3A_3665 = arith.mulf %parallel_loop3A_3664, %parallel_loop3A_3662 : vector<16xf32>
      %parallel_loop3A_3666 = arith.mulf %parallel_loop3A_3665, %parallel_loop3A_3662 : vector<16xf32>
      %parallel_loop3A_3667 = arith.subf %parallel_loop3A_3626, %parallel_loop3A_3570 : vector<16xf32>
      %parallel_loop3A_3668 = arith.mulf %parallel_loop3A_3666, %parallel_loop3A_3667 : vector<16xf32>
      %parallel_loop3A_3669 = arith.constant 16 : i32
      %parallel_loop3A_3670 = arith.muli %parallel_loop3A_3562, %parallel_loop3A_3669 : i32
      %parallel_loop3A_3671 = vector.broadcast %parallel_loop3A_3670 : i32 to vector<16xi32>
      %parallel_loop3A_3672 = arith.addi %parallel_loop3A_3671, %iota3A : vector<16xi32>
      %parallel_loop3A_3673 = arith.constant 2500 : i32
      %parallel_loop3A_3674 = vector.broadcast %parallel_loop3A_3673 : i32 to vector<16xi32>
      %parallel_loop3A_3675 = arith.cmpi slt, %parallel_loop3A_3672, %parallel_loop3A_3674 : vector<16xi32>
      %parallel_loop3A_3676 = arith.constant 0.000000e+00 : f32
      %parallel_loop3A_3677 = vector.broadcast %parallel_loop3A_3676 : f32 to vector<16xf32>
      %parallel_loop3A_3678 = arith.select %parallel_loop3A_3675, %parallel_loop3A_3653, %parallel_loop3A_3677 : vector<16xi1>, vector<16xf32>
      %parallel_loop3A_3679 = arith.addf %parallel_loop3A_3563, %parallel_loop3A_3678 : vector<16xf32>
      scf.yield %parallel_loop3A_3679 : vector<16xf32>
    } {sc.loop_unroll_factor = 2 : i64, sc.parallel_access}
    %mul3A_3555 = arith.constant 1.250000e-05 : f32
    %mul3A_3556 = vector.broadcast %mul3A_3555 : f32 to vector<16xf32>
    %mul3A_3557 = arith.mulf %parallel_loop3A_3554, %mul3A_3556 : vector<16xf32>
    %add3A_3558 = arith.addf %mul3A_3557, %mul3A_3546 : vector<16xf32>
    %add3A_3559 = arith.addf %add3A_3558, %select_n3A_3445 : vector<16xf32>
    %swap3A_3560 = arith.constant 0 : index
    %swap3A_3561 = tpu.vector_load %arg11[%swap3A_3560] {strides = array<i32>} : memref<16xf32, #tpu.memory_space<vmem>>, vector<16xf32>,
    tpu.vector_store %arg11[%swap3A_3560], %add3A_3559 {strides = array<i32>} : memref<16xf32, #tpu.memory_space<vmem>>, vector<16xf32>,
    "tpu.region"() ({
      %run_scoped3A = tpu.sem_alloc : memref<!tpu.dma_semaphore, #tpu.memory_space<semaphore_mem>>
      %dma_start3A = arith.constant 0 : i32
      %dma_start3A_3562 = tpu.memref_slice %arg4[%add3A, %dma_start3A] : memref<32x16xf32, #tpu.memory_space<hbm>> -> memref<1x16xf32, #tpu.memory_space<hbm>>
      %dma_start3A_3563 = tpu.memref_squeeze %dma_start3A_3562 : memref<1x16xf32, #tpu.memory_space<hbm>> -> memref<16xf32, #tpu.memory_space<hbm>>
      %dma_start3A_3564 = arith.constant 0 : i32
      %dma_start3A_3565 = tpu.memref_slice %arg4[%add3A, %dma_start3A_3564] : memref<32x16xf32, #tpu.memory_space<hbm>> -> memref<1x16xf32, #tpu.memory_space<hbm>>
      %dma_start3A_3566 = tpu.memref_squeeze %dma_start3A_3565 : memref<1x16xf32, #tpu.memory_space<hbm>> -> memref<16xf32, #tpu.memory_space<hbm>>
      tpu.enqueue_dma source(%arg11 : memref<16xf32, #tpu.memory_space<vmem>>) target(%dma_start3A_3566 : memref<16xf32, #tpu.memory_space<hbm>>) target_semaphore(%run_scoped3A : memref<!tpu.dma_semaphore, #tpu.memory_space<semaphore_mem>>)
      %dma_wait3A = arith.constant 0 : i32
      %dma_wait3A_3567 = tpu.memref_slice %arg4[%add3A, %dma_wait3A] : memref<32x16xf32, #tpu.memory_space<hbm>> -> memref<1x16xf32, #tpu.memory_space<hbm>>
      %dma_wait3A_3568 = tpu.memref_squeeze %dma_wait3A_3567 : memref<1x16xf32, #tpu.memory_space<hbm>> -> memref<16xf32, #tpu.memory_space<hbm>>
      %dma_wait3A_3569 = arith.constant 0 : i32
      %dma_wait3A_3570 = tpu.memref_slice %arg4[%add3A, %dma_wait3A_3569] : memref<32x16xf32, #tpu.memory_space<hbm>> -> memref<1x16xf32, #tpu.memory_space<hbm>>
      %dma_wait3A_3571 = tpu.memref_squeeze %dma_wait3A_3570 : memref<1x16xf32, #tpu.memory_space<hbm>> -> memref<16xf32, #tpu.memory_space<hbm>>
      tpu.wait_dma2 semaphore(%run_scoped3A : memref<!tpu.dma_semaphore, #tpu.memory_space<semaphore_mem>>) src(%arg11 : memref<16xf32, #tpu.memory_space<vmem>>) dst(%dma_wait3A_3571 : memref<16xf32, #tpu.memory_space<hbm>>)
      tpu.yield
    }) : () -> ()
    return
  }
}

</mosaic_0001>

<sc_bundles>
// kernel: kernel.3.cloned.1.call-start
scs
__scs_entry_jumppad:
0x0: {  	(pc) =	sbr.rel $0x88, $3  }
0x1: {  	(tag) =	ssettag $0x0;
	lr =	simm.s32 $0x1  }
0x2: {  	[smem:$0x3F9F] =	sst lr;
	_ =	strace $0xD0000000  }
0x3: {  	_ = 	snop  }
0x4: {  	_ = 	snop  }
0x5: {  	_ = 	snop  }
0x6: {  	_ = 	snop  }
0x7: {  	_ = 	snop  }
__scs_overlays_trampoline_lowered:
0x8: {  	[smem:$0x3FAE] =	sst s0  }
0x9: {  	[smem:$0x3FAF] =	sst s1  }
0xa: {  	[smem:$0x3FB0] =	sst s2  }
0xb: {  	[smem:$0x3FB1] =	sst s3  }
0xc: {  	[smem:$0x3FB2] =	sst s4  }
0xd: {  	[smem:$0x3FB3] =	sst s5  }
0xe: {  	[smem:$0x3FB4] =	sst s6  }
0xf: {  	[smem:$0x3FB5] =	sst s7  }
0x10: {  	[smem:$0x3FB6] =	sst s8  }
0x11: {  	[smem:$0x3FB7] =	sst s9;
	s0 =	simm.s32 @!p0 $0x0  }
0x12: {  	s1 =	sld [smem:$0x3F9D];
	s0 =	simm.s32 @p0 $0x1  }
0x13: {  	[smem:$0x3FB8] =	sst s0;
	s0 =	simm.s32 @!p1 $0x0  }
0x14: {  	s2 =	sld [smem:$0x3F9C];
	s0 =	simm.s32 @p1 $0x1  }
0x15: {  	[smem:$0x3FB9] =	sst s0;
	s0 =	simm.s32 @!p2 $0x0  }
0x16: {  	s3 =	sld [smem:$0x3FDB];
	s0 =	simm.s32 @p2 $0x1  }
0x17: {  	s4 =	simm.s32 $0x1BF5;
	[smem:$0x3FBB] =	sst s0  }
0x18: {  	s0 =	sld [smem:$0x3F9E];
	_ =	swait.ge [sflag:s4], $0x0  }
0x19: {  	s7 =	sld [smem:$0x3F9F]  }
0x1a: {  	s8 =	sadd.s32 $0xFFFFE003, lr  }
0x1b: {  	s9 =	sadd.s32 $0xFFFFFEF7, lr;
	s5 =	simm.s32 $0xFFFFFFFF;
	p2 =	slt.u32 s8, $0xFFFFF086  }
0x1c: {  	p1 =	slt.u32 s9, $0xF7A;
	s5 =	simm.s32 @!p2 $0x0  }
0x1d: {  	s5 =	simm.s32 @p1 $0x1;
	p0 =	seq.s32 s7, s2  }
0x1e: {  	s7 =	smul.u32 @!p0 $0xF7A, s2;
	p2 =	seq.s32 @!p0 s5, $0x0  }
0x1f: {  	s9 =	smul.u32 $0xF7A, s1;
	s8 =	simm.s32 @!p0 $0x1BF5;
	p2 =	por !p2, p0  }
0x20: {  	[sflag:s8] =	ssyncset.s32 @!p0 $0xFFFFF086;
	s6 =	sadd.s32 @!p0 s3, s7;
	s7 =	simm.s32 @!p0 $0x108  }
0x21: {  	s3 =	sadd.s32 s3, s9;
	s6 =	sadd.s32 @!p0 $0x88, s6;
	s7 =	simm.s32 @p2 $0x1082  }
0x22: {  	[simem:s7], [sflag:s8] =	dma.local @!p0 [hbm:s6], $0xF7A  }
0x23: {  	s9 =	sor.u32 $0xD0000000, s2;
	s6 =	simm.s32 $0x108;
	_ =	swait.ge @!p0 [sflag:s8], $0x0  }
0x24: {  	s3 =	sadd.s32 $0x88, s3;
	s6 =	simm.s32 @!p1 $0x1082;
	[sflag:s4] =	ssyncset.s32 $0xFFFFF086  }
0x25: {  	[simem:s6], [sflag:s4] =	dma.local [hbm:s3], $0xF7A  }
0x26: {  	[smem:$0x3F9F] =	sst s1;
	(tag) =	ssettag s2;
	_ =	strace s9  }
0x27: {  	s1 =	sld [smem:$0x3FAF]  }
0x28: {  	s2 =	sld [smem:$0x3FB0]  }
0x29: {  	s4 =	sld [smem:$0x3FB2]  }
0x2a: {  	p0 =	seq.s32 s5, $0x0;
	s5 =	sld [smem:$0x3FB3]  }
0x2b: {  	s6 =	sld [smem:$0x3FB4]  }
0x2c: {  	s7 =	sld [smem:$0x3FB5]  }
0x2d: {  	s3 =	simm.s32 $0x108;
	s8 =	sld [smem:$0x3FB6]  }
0x2e: {  	s3 =	simm.s32 @!p0 $0x1082;
	s9 =	sld [smem:$0x3FB7]  }
0x2f: {  	lr =	sadd.s32 s0, s3;
	s0 =	sld [smem:$0x3FAE]  }
0x30: {  	s3 =	sld [smem:$0x3FB1]  }
0x31: {  	[smem:$0x3FBA] =	sst s10  }
0x32: {  	s10 =	sld [smem:$0x3FB8];
	_ =	sdelay $0x3  }
0x33: {  	p0 =	seq.s32 s10, $0x1;
	s10 =	sld [smem:$0x3FBA];
	_ =	sdelay $0x3  }
0x34: {  	[smem:$0x3FBA] =	sst s10  }
0x35: {  	s10 =	sld [smem:$0x3FB9];
	_ =	sdelay $0x3  }
0x36: {  	p1 =	seq.s32 s10, $0x1;
	s10 =	sld [smem:$0x3FBA];
	_ =	sdelay $0x3  }
0x37: {  	[smem:$0x3FBA] =	sst s10  }
0x38: {  	s10 =	sld [smem:$0x3FBB]  }
0x39: {  	_ = 	snop;
	(pc) =	sbr.ind lr, $3  }
0x3a: {  	_ = 	snop  }
0x3b: {  	_ = 	snop  }
0x3c: {  	p2 =	seq.s32 s10, $0x1;
	s10 =	sld [smem:$0x3FBA]  }
0x3d: {  	_ =	shalt  }
0x3e: {  	_ =	shalt  }
0x3f: {  	_ =	shalt  }
0x40: {  	_ =	shalt  }
0x41: {  	_ =	shalt  }
0x42: {  	_ =	shalt  }
0x43: {  	_ =	shalt  }
0x44: {  	_ =	shalt  }
0x45: {  	_ =	shalt  }
0x46: {  	_ =	shalt  }
0x47: {  	_ =	shalt  }
0x48: {  	_ =	shalt  }
0x49: {  	_ =	shalt  }
0x4a: {  	_ =	shalt  }
0x4b: {  	_ =	shalt  }
0x4c: {  	_ =	shalt  }
0x4d: {  	_ =	shalt  }
0x4e: {  	_ =	shalt  }
0x4f: {  	_ =	shalt  }
0x50: {  	_ =	shalt  }
0x51: {  	_ =	shalt  }
0x52: {  	_ =	shalt  }
0x53: {  	_ =	shalt  }
0x54: {  	_ =	shalt  }
0x55: {  	_ =	shalt  }
0x56: {  	_ =	shalt  }
0x57: {  	_ =	shalt  }
0x58: {  	_ =	shalt  }
0x59: {  	_ =	shalt  }
0x5a: {  	_ =	shalt  }
0x5b: {  	_ =	shalt  }
0x5c: {  	_ =	shalt  }
0x5d: {  	_ =	shalt  }
0x5e: {  	_ =	shalt  }
0x5f: {  	_ =	shalt  }
0x60: {  	_ =	shalt  }
0x61: {  	_ =	shalt  }
0x62: {  	_ =	shalt  }
0x63: {  	_ =	shalt  }
0x64: {  	_ =	shalt  }
0x65: {  	_ =	shalt  }
0x66: {  	_ =	shalt  }
0x67: {  	_ =	shalt  }
0x68: {  	_ =	shalt  }
0x69: {  	_ =	shalt  }
0x6a: {  	_ =	shalt  }
0x6b: {  	_ =	shalt  }
0x6c: {  	_ =	shalt  }
0x6d: {  	_ =	shalt  }
0x6e: {  	_ =	shalt  }
0x6f: {  	_ =	shalt  }
0x70: {  	_ =	shalt  }
0x71: {  	_ =	shalt  }
0x72: {  	_ =	shalt  }
0x73: {  	_ =	shalt  }
0x74: {  	_ =	shalt  }
0x75: {  	_ =	shalt  }
0x76: {  	_ =	shalt  }
0x77: {  	_ =	shalt  }
0x78: {  	_ =	shalt  }
0x79: {  	_ =	shalt  }
0x7a: {  	_ =	shalt  }
0x7b: {  	_ =	shalt  }
0x7c: {  	_ =	shalt  }
0x7d: {  	_ =	shalt  }
0x7e: {  	_ =	shalt  }
0x7f: {  	_ =	shalt  }
0x80: {  	_ =	shalt  }
0x81: {  	_ =	shalt  }
0x82: {  	_ =	shalt  }
0x83: {  	_ =	shalt  }
0x84: {  	_ =	shalt  }
0x85: {  	_ =	shalt  }
0x86: {  	_ =	shalt  }
0x87: {  	_ =	shalt  }
.Lfunc_end0:
.L_simem_size_0:
called_computation_lowered:
.L_overlay_start_0:
0x88: {  	s2 =	sld [smem:$0x3FD9]  }
0x89: {  	s3 =	sld [smem:$0x3FFE];
	_ =	sdelay $0x1  }
0x8a: {  	s1 =	srdreg.scid  }
0x8b: {  	s0 =	sand.u32 $0x1, s1  }
0x8c: {  	s16 =	sshll.u32 s0, $0xA;
	s2 =	sadd.s32 s3, s2  }
0x8d: {  	s2 =	sadd.s32 s2, s16  }
0x8e: {  	[smem:$0x3FC6] =	sst s2  }
0x8f: {  	_ = 	snop  }
0x90: {  	(tm) =	ssettm $0x1  }
0x91: {  	s17 =	sld [smem:$0x3FFB];
	_ =	sdelay $0x3  }
0x92: {  	_ =	strace s17  }
0x93: {  	s2 =	sld [smem:$0x3FFC];
	_ =	sdelay $0x3  }
0x94: {  	_ =	strace s2  }
0x95: {  	s2 =	sld [smem:$0x3FFD];
	_ =	sdelay $0x3  }
0x96: {  	_ =	strace s2  }
0x97: {  	_ =	strace $0x8FFFFFFF  }
0x98: {  	s18 =	sld [smem:$0x3FDB];
	_ =	sdelay $0x1  }
0x99: {  	s19 =	simm.s32 $_scs_section_size  }
0x9a: {  	s4 =	simm.s32 $_size__tile_overlayer_lowered;
	s5 =	simm.s32 $_tile_overlayer_lowered  }
0x9b: {  	s22 =	simm.s32 $0x1BFF;
	s21 =	sshll.u32 s5, $0x1;
	s2 =	sadd.s32 s19, s18  }
0x9c: {  	s6 =	simm.s32 $0x0;
	s20 =	sshll.u32 s4, $0x1;
	s4 =	sadd.s32 s21, s2  }
0x9d: {  	[timem:s6], [sflag:s22] =	dma.local [hbm:s4], s20  }
0x9e: {  	_ =	swait.ge [sflag:s22], s20  }
0x9f: {  	s3 =	ssub.s32 $0x0, s20;
	[sflag:s22] =	ssyncset.done $0x0  }
0xa0: {  	[sflag:s22] =	ssyncadd.s32 s3;
	_ =	sdelay $0x1  }
0xa1: {  	s23 =	simm.s32 $0x1B8B  }
0xa2: {  	_ =	swait.ge [sflag:s23], $0x1  }
0xa3: {  	[sflag:s23] =	ssyncset.done $0x0  }
0xa4: {  	s25 =	simm.s32 $0x1B8E;
	s24 =	sld [smem:$0x3FFE];
	[sflag:s23] =	ssyncadd.s32 $0xFFFFFFFF  }
0xa5: {  	s26 =	simm.s32 $execute0_lowered;
	[smem:$0x3FD2] =	sst s25  }
0xa6: {  	s4 =	sshll.u32 s26, $0x1;
	_ =	strace $0x80000046;
	[dreg:$0x1] =	wrdreg $0xFFFFFFFF  }
0xa7: {  	s28 =	simm.s32 $_size_execute0_lowered;
	s2 =	sadd.s32 s2, s4;
	[dreg:$0x0] =	wrdreg $0x0  }
0xa8: {  	s4 =	sshll.u32 s28, $0x1;
	[dreg:$0x2] =	wrdreg s2  }
0xa9: {  	[dreg:$0x3] =	wrdreg s4  }
0xaa: {  	[dreg:$0x4] =	wrdreg $0xC0  }
0xab: {  	_ =	task [dreg:s6], $0x5FFFF  }
0xac: {  	[dreg:$0x1] =	wrdreg $0xFFFFFFFF  }
0xad: {  	[dreg:$0x0] =	wrdreg $0x60  }
0xae: {  	[dreg:$0x2] =	wrdreg s24  }
0xaf: {  	[dreg:$0x3] =	wrdreg $0x18A000  }
0xb0: {  	[dreg:$0x4] =	wrdreg $0x18A200  }
0xb1: {  	[dreg:$0x5] =	wrdreg $0x9  }
0xb2: {  	_ =	task.clear_ibuf [dreg:s6], $0x6FFFF;
	_ =	strace $0x90000046  }
0xb3: {  	s29 =	simm.s32 $0x9;
	_ =	strace $0x80000048  }
0xb4: {  	_ =	swait.ge [sflag:s29], $0x1  }
0xb5: {  	[sflag:s29] =	ssyncadd.s32 $0xFFFFFFFF  }
0xb6: {  	_ =	strace $0x90000048  }
0xb7: {  	_ =	sfence  }
0xb8: {  	s30 =	sld [smem:$0x0];
	_ =	sdelay $0x2  }
0xb9: {  	s31 =	sshll.u32 s1, $0xD;
	s1 =	sshrl.u32 s1, $0x2  }
0xba: {  	s3 =	sand.u32 $0x4000, s31;
	s1 =	sadd.s32 s1, s30  }
0xbb: {  	s0 =	sor.u32 s3, s0;
	s1 =	sshll.u32 s1, $0x11  }
0xbc: {  	s0 =	sor.u32 s1, s0  }
0xbd: {  	s0 =	sadd.s32 $0x8F2B, s0  }
0xbe: {  	[sflag:s0] =	ssyncadd.remote.s32 $0x1  }
0xbf: {  	_ =	sfence.sel $0xFFFF  }
0xc0: {  	[dreg:$0x0] =	wrdreg $0xFFFFFFFF;
	(pc) =	sbr.abs _section_cstart, $3  }
0xc1: {  	[dreg:$0x1] =	wrdreg $0xFFFFFFFF  }
0xc2: {  	_ =	task.clear_ibuf [dreg:s6], $0x2FFFF;
	_ =	strace $0x9FFFFFFF  }
0xc3: {  	(tm) =	ssettm $0x7FFFFFFF  }
tec
execute0_lowered:
.L_overlay_start_1:
0x0: {  	(tag) =	ssettag $0x1  }
0x1: {  	s5 =	rddreg [dreg:$0x0]  }
0x2: {  	s2 =	rddreg [dreg:$0x1];
	s1 =	simm.s32 $0x0  }
0x3: {  	v0 =	vimm.s32 $0x80000000;
	v27 =	vimm.f32 $2.000000000e+00;
	vm0 =	vmxor vm0, vm0;
	[smem:$0x7FF] =	sst s1  }
0x4: {  	s4 =	rddreg [dreg:$0x2];
	s0 =	srdreg.scid;
	vm4 =	vmmov $0x1;
	vm5 =	vcmask $0x704;
	v28 =	vimm.s32 $0x0;
	_ =	strace $0x80000047  }
0x5: {  	v29 =	vimm.s32 $0x0;
	vm6 =	vcmask $0xB08;
	v30 =	vimm.s32 $0x0;
	s3 =	sand.u32 $0x1, s0;
	(xrf0) =	vmax.scan.msk.u32 $0xffff, v0  }
0x6: {  	s8 =	stileid.u32;
	vm8 =	vcmask $0xF0C;
	v31 =	vimm.s32 $0x0;
	v32 =	vimm.s32 $0x0;
	s0 =	sshll.u32 s3, $0x4  }
0x7: {  	v33 =	vimm.s32 $0x0;
	v34 =	vimm.s32 $0x0;
	v35 =	vimm.s32 $0x0;
	s31 =	sand.u32 $0x7, s8;
	s7 =	sor.u32 s8, s0  }
0x8: {  	v36 =	vimm.s32 $0xC080400;
	v1 =	vimm.s32 $0xD090501;
	v2 =	vimm.s32 $0xE0A0602;
	p1 =	sne.s32 s31, $0x0;
	p0 =	seq.s32 s7, $0x0  }
0x9: {  	v3 =	vimm.s32 $0xF0B0703;
	v4 =	vimm.s32 $0x0;
	vm1 =	vmmov vm0;
	p0 =	por !p1, !p0;
	p1 =	seq.s32 s31, $0x0  }
0xa: {  	v40 =	vimm.s32 $0x0;
	v41 =	vimm.s32 $0x0;
	vm1 =	vmneg @p1 vm1  }
0xb: {  	v42 =	vimm.s32 $0x0;
	v43 =	vimm.s32 $0x0;
	vm2 =	vmand vm1, vm4;
	v0, _, _ =	vpop (xrf0)  }
0xc: {  	s6 =	simm.s32 $0x1;
	p0 =	por !p0, !p0;
	vm15 =	vmand vm1, vm5;
	(v2sf) =	vpush v0, $0xF;
	v0 =	vsel vm2, $0xFFFFFFFF, v28  }
0xd: {  	s6 =	simm.s32 @!p0 $0x0;
	p0 =	seq.s32 s31, $0x1;
	vm3 =	vmand vm1, vm6;
	vm2 =	vmmov vm0;
	[tilespmem:$0x1FDA0] =	vst v0;
	v0 =	vsel vm15, $0xFFFFFFFF, v29  }
0xe: {  	vm1 =	vmand vm1, vm8;
	vm2 =	vmneg @p0 vm2;
	[tilespmem:$0x1FDB0] =	vst v0;
	v0 =	vsel vm3, $0xFFFFFFFF, v30  }
0xf: {  	v44 =	vimm.s32 $0x0;
	vm12 =	vmand vm2, vm4;
	[tilespmem:$0x1FDC0] =	vst v0;
	v0 =	vsel vm1, $0xFFFFFFFF, v31  }
0x10: {  	v1 =	vunpack.c.0.s8.s32 v1;
	vm13 =	vmand vm2, vm5;
	[tilespmem:$0x1FDD0] =	vst v0;
	v0 =	vsel vm12, $0xFFFFFFFF, v32  }
0x11: {  	v2 =	vunpack.c.0.s8.s32 v2;
	vm12 =	vcmask $0xF00;
	[tilespmem:$0x1FDE0] =	vst v0;
	v0 =	vsel vm13, $0xFFFFFFFF, v33  }
0x12: {  	v45 =	vimm.s32 $0x0;
	v46 =	vimm.s32 $0x0;
	v37 =	vnsel vm12, $0xD, v1;
	[tilespmem:$0x1FDF0] =	vst v0  }
0x13: {  	v3 =	vunpack.c.0.s8.s32 v3;
	vm14 =	vmand vm2, vm6;
	v38 =	vnsel vm12, $0xE, v2;
	[tilespmem:$0x1FE40] =	vst v37  }
0x14: {  	p0 =	seq.s32 s31, $0x2;
	vm15 =	vmand vm2, vm8;
	vm1 =	vmmov vm0;
	v0 =	vsel vm14, $0xFFFFFFFF, v34;
	[tilespmem:$0x1FE50] =	vst v38  }
0x15: {  	v47 =	vimm.s32 $0x0;
	vm1 =	vmneg @p0 vm1;
	[tilespmem:$0x1FE00] =	vst v0;
	v0 =	vsel vm15, $0xFFFFFFFF, v35  }
0x16: {  	vm13 =	vmand vm1, vm4;
	v39 =	vnsel vm12, $0xF, v3;
	[tilespmem:$0x1FE10] =	vst v0;
	v0 =	vunpack.c.0.s8.s32 v36  }
0x17: {  	v48 =	vimm.s32 $0x0;
	v49 =	vimm.s32 $0x0;
	v4 =	vsel vm13, $0xFFFFFFFF, v4;
	[tilespmem:$0x1FE60] =	vst v39  }
0x18: {  	v50 =	vimm.s32 $0x0;
	vm14 =	vmand vm1, vm5;
	[tilespmem:$0x1FE20] =	vst v4;
	v0 =	vnsel vm12, $0xC, v0  }
0x19: {  	vm2 =	vmmov vm0;
	p0 =	seq.s32 s31, $0x3;
	vm15 =	vmand vm1, vm6;
	[tilespmem:$0x1FE30] =	vst v0;
	v0 =	vsel vm14, $0xFFFFFFFF, v40  }
0x1a: {  	vm2 =	vmneg @p0 vm2;
	vm1 =	vmand vm1, vm8;
	[tilespmem:$0x1FE70] =	vst v0;
	v0 =	vsel vm15, $0xFFFFFFFF, v41  }
0x1b: {  	v51 =	vimm.s32 $0x0;
	vm12 =	vmand vm2, vm4;
	[tilespmem:$0x1FE80] =	vst v0;
	v0 =	vsel vm1, $0xFFFFFFFF, v42  }
0x1c: {  	v52 =	vimm.s32 $0x0;
	s9 =	sadd.s32 $0x200, s5;
	vm13 =	vmand vm2, vm5;
	[tilespmem:$0x1FE90] =	vst v0;
	v0 =	vsel vm12, $0xFFFFFFFF, v43  }
0x1d: {  	s3 =	ssub.s32 $0x2, s3;
	s19 =	sshll.u32 s31, $0x4;
	p0 =	seq.s32 s31, $0x4;
	vm14 =	vmand vm2, vm6;
	vm1 =	vmmov vm0;
	[tilespmem:$0x1FEA0] =	vst v0;
	v0 =	vsel vm13, $0xFFFFFFFF, v44  }
0x1e: {  	s25 =	smul.u32 $0x2710, s31;
	s8 =	sshll.u32 s8, $0x4;
	s11 =	sshrl.u32 s3, $0x1;
	vm2 =	vmand vm2, vm8;
	vm1 =	vmneg @p0 vm1;
	[tilespmem:$0x1FEB0] =	vst v0;
	v0 =	vsel vm14, $0xFFFFFFFF, v45  }
0x1f: {  	v53 =	vimm.s32 $0x0;
	s10 =	sshrl.u32 s7, $0x3;
	s14 =	sand.u32 $0x70, s8;
	s20 =	sshll.u32 s7, $0x4;
	vm15 =	vmand vm1, vm4;
	[tilespmem:$0x1FEC0] =	vst v0;
	v0 =	vsel vm2, $0xFFFFFFFF, v46  }
0x20: {  	v54 =	vimm.s32 $0x0;
	s15 =	ssub.s32 s3, s11;
	s28 =	sshrl.u32 s25, $0x2;
	s7 =	sadd.s32 s20, s2;
	vm12 =	vmand vm1, vm5;
	[tilespmem:$0x1FED0] =	vst v0;
	v0 =	vsel vm15, $0xFFFFFFFF, v47  }
0x21: {  	s21 =	sadd.s32 s20, s4;
	[dreg:$0xf] =	wrdreg s28;
	p1 =	seq.s32 s31, $0x5;
	vm3 =	vmmov vm0;
	vm13 =	vmand vm1, vm6;
	[tilespmem:$0x1FEE0] =	vst v0;
	v0 =	vsel vm12, $0xFFFFFFFF, v48  }
0x22: {  	s29 =	smax.u32 s15, $0x1;
	[dreg:$0xa] =	wrdreg s7;
	s10 =	ssub.s32 s10, s6;
	vm3 =	vmneg @p1 vm3;
	vm1 =	vmand vm1, vm8;
	[tilespmem:$0x1FEF0] =	vst v0;
	v0 =	vsel vm13, $0xFFFFFFFF, v49  }
0x23: {  	v55 =	vimm.s32 $0x0;
	[dreg:$0xb] =	wrdreg s21;
	s12 =	smul.u32 $0x4E20, s10;
	s10 =	sshll.u32 s10, $0x7;
	vm14 =	vmand vm3, vm4;
	[tilespmem:$0x1FF00] =	vst v0;
	v0 =	vsel vm1, $0xFFFFFFFF, v50  }
0x24: {  	(erf) = vrcp.f32 v27;
	s8 =	sadd.s32 s14, s5;
	[dreg:$0x11] =	wrdreg s29;
	s2 =	sadd.s32 s10, s2;
	vm15 =	vmand vm3, vm5;
	[tilespmem:$0x1FF10] =	vst v0;
	v0 =	vsel vm14, $0xFFFFFFFF, v51  }
0x25: {  	s23 =	sadd.s32 s10, s4;
	s16 =	sadd.s32 $0x13880, s12;
	p0 =	seq.s32 s31, $0x6;
	vm12 =	vmand vm3, vm6;
	vm1 =	vmmov vm0;
	[tilespmem:$0x1FF20] =	vst v0;
	v0 =	vsel vm15, $0xFFFFFFFF, v52  }
0x26: {  	s13 =	sadd.s32 $0x27100, s12;
	s14 =	sshrl.u32 s12, $0x3;
	[dreg:$0xc] =	wrdreg s2;
	vm13 =	vmand vm3, vm8;
	vm1 =	vmneg @p0 vm1;
	[tilespmem:$0x1FF30] =	vst v0;
	v0 =	vsel vm12, $0xFFFFFFFF, v53  }
0x27: {  	v56 =	vimm.s32 $0x0;
	s18 =	sadd.s32 $0x3A980, s12;
	s12 =	sadd.s32 $0x4E200, s12;
	[dreg:$0xd] =	wrdreg s23;
	vm14 =	vmand vm1, vm4;
	[tilespmem:$0x1FF40] =	vst v0;
	v0 =	vsel vm13, $0xFFFFFFFF, v54  }
0x28: {  	v57 =	vimm.s32 $0x0;
	s11 =	sshrl.u32 s16, $0x3;
	s13 =	sshrl.u32 s13, $0x3;
	s14 =	sadd.s32 s9, s14;
	vm15 =	vmand vm1, vm5;
	[tilespmem:$0x1FF50] =	vst v0;
	v0 =	vsel vm14, $0xFFFFFFFF, v55  }
0x29: {  	v58 =	vimm.s32 $0x0;
	s12 =	sshrl.u32 s12, $0x3;
	[dreg:$0x4] =	wrdreg s14;
	s11 =	sadd.s32 s9, s11;
	vm12 =	vmand vm1, vm6;
	[tilespmem:$0x1FF60] =	vst v0;
	v0 =	vsel vm15, $0xFFFFFFFF, v56  }
0x2a: {  	v59 =	vimm.s32 $0x0;
	s17 =	sadd.s32 s9, s13;
	s13 =	sor.u32 s19, s10;
	[dreg:$0x5] =	wrdreg s11;
	vm1 =	vmand vm1, vm8;
	[tilespmem:$0x1FF70] =	vst v0;
	v0 =	vsel vm12, $0xFFFFFFFF, v57  }
0x2b: {  	s11 =	sshrl.u32 s18, $0x3;
	s13 =	sshrl.u32 s13, $0x3;
	p0 =	seq.s32 s31, $0x7;
	[tilespmem:$0x1FF80] =	vst v0;
	v0 =	vsel vm1, $0xFFFFFFFF, v58  }
0x2c: {  	[dreg:$0x6] =	wrdreg s17;
	s11 =	sadd.s32 s9, s11;
	s5 =	sadd.s32 s5, s13;
	vm0 =	vmneg @p0 vm0;
	[tilespmem:$0x1FF90] =	vst v0;
	v0 =	vsel vm4, $0xFFFFFFFF, v59  }
0x2d: {  	v60 =	vimm.s32 $0x0;
	s9 =	sadd.s32 s9, s12;
	[dreg:$0x9] =	wrdreg s5;
	s5 =	sand.u32 $0x180, s20;
	vm13 =	vmand vm0, vm4;
	v59 =	vpop (erf);
	[tilespmem:$0x1FFA0] =	vst v0  }
0x2e: {  	v61 =	vimm.s32 $0x0;
	[dreg:$0x7] =	wrdreg s11;
	s26 =	sadd.s32 s5, s8;
	s22 =	spop (v2sf);
	vm14 =	vmand vm0, vm5;
	v0 =	vsel vm13, $0xFFFFFFFF, v60;
	[tilespmem:$0x1FFF0] =	vst v59  }
0x2f: {  	v62 =	vimm.s32 $0x0;
	[dreg:$0x8] =	wrdreg s9;
	s0 =	sadd.s32 $0xC600, s26;
	s24 =	sxor.u32 $0x80000000, s22;
	vm15 =	vmand vm0, vm6;
	[tilespmem:$0x1FFB0] =	vst v0;
	v0 =	vsel vm14, $0xFFFFFFFF, v61  }
0x30: {  	v63 =	vimm.s32 $0x0;
	[dreg:$0x10] =	wrdreg s0;
	s2 =	ssub.s32 $0x1, s24;
	vm0 =	vmand vm0, vm8;
	[tilespmem:$0x1FFC0] =	vst v0;
	v0 =	vsel vm15, $0xFFFFFFFF, v62  }
0x31: {  	s30 =	simm.s32 $0x0;
	[dreg:$0xe] =	wrdreg s2;
	s31 =	sadd.s32 $0x13890, s28;
	[tilespmem:$0x1FFD0] =	vst v0;
	v0 =	vsel vm0, $0xFFFFFFFF, v63  }
0x32: {  	vm10 =	vmmov vm5;
	s3 =	simm.s32 $0x1;
	s14 =	simm.s32 $0x18700;
	v4 =	vlaneseq.u32;
	[dreg:$0x12] =	wrdreg s31;
	v56 =	vimm.s32 $0x0;
	[tilespmem:$0x1FFE0] =	vst v0  }
.LBB2_1:
0x33: {  	s0 =	rddreg [dreg:$0x4]  }
0x34: {  	[tilespmem:s1], [sflag:$0x1] =	stream.linear.gather [hbm4b:s0+s1], $0x4E20, $0x38;
	[tilespmem:$0x18A40] =	vst v63  }
0x35: {  	_ =	swait.ge [sflag:s3], $0x4E20  }
0x36: {  	[sflag:s3] =	ssyncset.done $0x0  }
0x37: {  	s2 =	simm.s32 $0x4E20;
	s10 =	rddreg [dreg:$0x5];
	[sflag:s3] =	ssyncadd.s32 $0xFFFFB1E0  }
0x38: {  	[tilespmem:s2], [sflag:$0x1] =	stream.linear.gather [hbm4b:s10+s1], $0x4E20, $0x38;
	[tilespmem:$0x18A40] =	vst v63  }
0x39: {  	_ =	swait.ge [sflag:s3], $0x4E20  }
0x3a: {  	[sflag:s3] =	ssyncset.done $0x0  }
0x3b: {  	s12 =	simm.s32 $0x9C40;
	s11 =	rddreg [dreg:$0x6];
	[sflag:s3] =	ssyncadd.s32 $0xFFFFB1E0  }
0x3c: {  	[tilespmem:s12], [sflag:$0x1] =	stream.linear.gather [hbm4b:s11+s1], $0x4E20, $0x38;
	[tilespmem:$0x18A40] =	vst v63  }
0x3d: {  	_ =	swait.ge [sflag:s3], $0x4E20  }
0x3e: {  	[sflag:s3] =	ssyncset.done $0x0  }
0x3f: {  	s15 =	simm.s32 $0xEA60;
	s13 =	rddreg [dreg:$0x7];
	[sflag:s3] =	ssyncadd.s32 $0xFFFFB1E0  }
0x40: {  	[tilespmem:s15], [sflag:$0x1] =	stream.linear.gather [hbm4b:s13+s1], $0x4E20, $0x38;
	[tilespmem:$0x18A40] =	vst v63  }
0x41: {  	_ =	swait.ge [sflag:s3], $0x4E20  }
0x42: {  	[sflag:s3] =	ssyncset.done $0x0  }
0x43: {  	s17 =	simm.s32 $0x13880;
	s16 =	rddreg [dreg:$0x8];
	[sflag:s3] =	ssyncadd.s32 $0xFFFFB1E0  }
0x44: {  	[tilespmem:s17], [sflag:$0x1] =	stream.linear.gather [hbm4b:s16+s1], $0x4E20, $0x38;
	[tilespmem:$0x18A40] =	vst v63  }
0x45: {  	_ =	swait.ge [sflag:s3], $0x4E20  }
0x46: {  	[sflag:s3] =	ssyncset.done $0x0  }
0x47: {  	s18 =	rddreg [dreg:$0x9];
	[sflag:s3] =	ssyncadd.s32 $0xFFFFB1E0  }
0x48: {  	[tilespmem:s14], [sflag:$0x1] =	stream.linear.gather [hbm4b:s18+s1], $0x10, $0x38;
	[tilespmem:$0x18A40] =	vst v63  }
0x49: {  	_ =	swait.ge [sflag:s3], $0x10  }
0x4a: {  	[sflag:s3] =	ssyncset.done $0x0  }
0x4b: {  	[sflag:s3] =	ssyncadd.s32 $0xFFFFFFF0  }
0x4c: {  	v0 =	vld [tilespmem:$0x18700];
	_ =	sdelay $0x3  }
0x4d: {  	s23 =	simm.s32 $0x0  }
0x4e: {  	v2 =	vld [tilespmem:s23+$0x9C50];
	v12 =	vbroadcast v0, $0x2;
	v13 =	vbroadcast v0, $0x0  }
0x4f: {  	v3 =	vld [tilespmem:s23+$0xEA70];
	v14 =	vbroadcast v0, $0x3;
	v15 =	vbroadcast v0, $0x1  }
0x50: {  	v7 =	vld [tilespmem:s23+$0x9C40];
	v16 =	vbroadcast v0, $0x6;
	v17 =	vbroadcast v0, $0x4  }
0x51: {  	(v2sf) =	vpush v0, $0x0;
	v18 =	vbroadcast v0, $0x7;
	v19 =	vbroadcast v0, $0x5  }
0x52: {  	v9 =	vld [tilespmem:s23+$0xEA60];
	v20 =	vbroadcast v0, $0xA;
	v21 =	vbroadcast v0, $0x8;
	(v2sf) =	vpush v0, $0x4  }
0x53: {  	v1 =	vld [tilespmem:s23+$0x10];
	v22 =	vbroadcast v0, $0xB;
	v23 =	vbroadcast v0, $0x9  }
0x54: {  	v27 =	vld [tilespmem:s23+$0x4E30];
	v24 =	vbroadcast v0, $0xE;
	v2 =	vmax.f32 v2, $9.999999740e-05;
	(v2sf) =	vpush v0, $0x8  }
0x55: {  	v3 =	vmax.f32 v3, $9.999999740e-05;
	v7 =	vmax.f32 v7, $9.999999740e-05;
	(v2sf) =	vpush v0, $0xC  }
0x56: {  	v28 =	vld [tilespmem:s23+$0x0];
	v25 =	vbroadcast v0, $0xC;
	v2 =	vmul.f32 v2, v59;
	(v2sf) =	vpush v0, $0x1  }
0x57: {  	v9 =	vmax.f32 v9, $9.999999740e-05;
	v3 =	vmul.f32 v3, v59;
	(v2sf) =	vpush v0, $0x5  }
0x58: {  	v26 =	vbroadcast v0, $0xF;
	v31 =	vsub.f32 v1, v2;
	(v2sf) =	vpush v0, $0x9  }
0x59: {  	v30 =	vmul.f32 v7, v59;
	v33 =	vsub.f32 v27, v3;
	(v2sf) =	vpush v0, $0xD  }
0x5a: {  	v32 =	vmul.f32 v9, v59;
	v1 =	vadd.f32 v2, v1;
	(v2sf) =	vpush v0, $0x2  }
0x5b: {  	v9 =	vbroadcast v0, $0xD;
	v2 =	vsub.f32 v28, v30;
	(v2sf) =	vpush v0, $0x6  }
0x5c: {  	v63 =	vmin.f32 v1, v12;
	v34 =	vmax.f32 v31, v13;
	(v2sf) =	vpush v0, $0xA  }
0x5d: {  	v29 =	vld [tilespmem:s23+$0x4E20];
	v36 =	vmax.f32 v33, v15;
	v37 =	vmin.f32 v1, v16;
	(v2sf) =	vpush v0, $0xE  }
0x5e: {  	v38 =	vmax.f32 v31, v17;
	v41 =	vmin.f32 v1, v20;
	(v2sf) =	vpush v0, $0x3  }
0x5f: {  	v42 =	vmax.f32 v31, v21;
	v57 =	vsub.f32 v37, v38;
	(v2sf) =	vpush v0, $0x7  }
0x60: {  	v40 =	vmax.f32 v33, v19;
	v61 =	vsub.f32 v41, v42;
	s19 =	spop (v2sf);
	(v2sf) =	vpush v0, $0xB  }
0x61: {  	v44 =	vmax.f32 v33, v23;
	s20 =	spop (v2sf);
	(v2sf) =	vpush v0, $0xF;
	v0 =	vadd.f32 v3, v27  }
0x62: {  	v48 =	vmax.f32 v2, v13;
	v3 =	vsub.f32 v29, v32;
	v27 =	vadd.f32 v30, v28  }
0x63: {  	v52 =	vmax.f32 v2, v17;
	v28 =	vadd.f32 v32, v29;
	v29 =	vsub.f32 v1, v31  }
0x64: {  	v1 =	vmin.f32 v1, v24;
	v31 =	vmax.f32 v31, v25;
	v32 =	vsub.f32 v63, v34  }
0x65: {  	v34 =	vmax.f32 v2, v21;
	v1 =	vsub.f32 v1, v31;
	v30 =	vsub.f32 v0, v33  }
0x66: {  	v35 =	vmin.f32 v0, v14;
	v39 =	vmin.f32 v0, v18;
	v43 =	vmin.f32 v0, v22  }
0x67: {  	v0 =	vmin.f32 v0, v26;
	v33 =	vmax.f32 v33, v9;
	v45 =	vsub.f32 v27, v2  }
0x68: {  	v46 =	vsub.f32 v28, v3;
	v47 =	vmin.f32 v27, v12;
	v49 =	vmin.f32 v28, v14  }
0x69: {  	v50 =	vmax.f32 v3, v15;
	v51 =	vmin.f32 v27, v16;
	v53 =	vmin.f32 v28, v18  }
0x6a: {  	v54 =	vmax.f32 v3, v19;
	v55 =	vmin.f32 v27, v20;
	v58 =	vmin.f32 v28, v22  }
0x6b: {  	v62 =	vmax.f32 v3, v23;
	v35 =	vsub.f32 v35, v36;
	v60 =	vsub.f32 v39, v40  }
0x6c: {  	v27 =	vmin.f32 v27, v24;
	v63 =	vsub.f32 v43, v44;
	v31 =	vsub.f32 v47, v48  }
0x6d: {  	s4 =	spop (v2sf);
	v2 =	vmax.f32 v2, v25;
	v0 =	vsub.f32 v0, v33;
	v50 =	vsub.f32 v49, v50  }
0x6e: {  	s5 =	spop (v2sf);
	v28 =	vmin.f32 v28, v26;
	v52 =	vsub.f32 v51, v52;
	v53 =	vsub.f32 v53, v54  }
0x6f: {  	v3 =	vmax.f32 v3, v9;
	s6 =	spop (v2sf);
	v34 =	vsub.f32 v55, v34;
	v37 =	vsub.f32 v58, v62  }
0x70: {  	s29 =	simm.s32 $0x20;
	v2 =	vsub.f32 v27, v2;
	v3 =	vsub.f32 v28, v3;
	s7 =	spop (v2sf)  }
0x71: {  	v54 =	vmax.f32 v57, $0.0e+00;
	v57 =	vmax.f32 v61, $0.0e+00;
	v1 =	vmax.f32 v1, $0.0e+00;
	v49 =	vld [tilespmem:s29+$0x9C50];
	s8 =	spop (v2sf)  }
0x72: {  	v27 =	vmul.f32 v46, v45;
	v28 =	vmul.f32 v30, v29;
	v29 =	vmax.f32 v32, $0.0e+00;
	s9 =	spop (v2sf)  }
0x73: {  	v30 =	vmax.f32 v35, $0.0e+00;
	v55 =	vmax.f32 v60, $0.0e+00;
	v58 =	vmax.f32 v63, $0.0e+00;
	s10 =	spop (v2sf)  }
0x74: {  	v47 =	vld [tilespmem:s29+$0x10];
	v31 =	vmax.f32 v31, $0.0e+00;
	v0 =	vmax.f32 v0, $0.0e+00;
	v33 =	vmax.f32 v50, $0.0e+00;
	s11 =	spop (v2sf)  }
0x75: {  	v60 =	vmax.f32 v52, $0.0e+00;
	v34 =	vmax.f32 v34, $0.0e+00;
	v37 =	vmax.f32 v37, $0.0e+00;
	s0 =	ssub.f32 s10, s19;
	s12 =	spop (v2sf)  }
0x76: {  	v61 =	vmax.f32 v53, $0.0e+00;
	v34 =	vmul.f32 v37, v34;
	v37 =	vmax.f32 v49, $9.999999740e-05;
	s2 =	ssub.f32 s11, s20;
	s13 =	spop (v2sf)  }
0x77: {  	v2 =	vmax.f32 v2, $0.0e+00;
	v29 =	vmul.f32 v30, v29;
	v37 =	vmul.f32 v37, v59;
	s4 =	ssub.f32 s12, s4;
	s21 =	spop (v2sf)  }
0x78: {  	v3 =	vmax.f32 v3, $0.0e+00;
	v35 =	vmul.f32 v55, v54;
	v36 =	vmul.f32 v58, v57;
	s6 =	ssub.f32 s21, s6;
	s22 =	spop (v2sf)  }
0x79: {  	s31 =	simm.s32 $0x10;
	v33 =	vmul.f32 v33, v31;
	v42 =	vsub.f32 v47, v37;
	v37 =	vadd.f32 v37, v47;
	s7 =	ssub.f32 s22, s7  }
0x7a: {  	v0 =	vmul.f32 v0, v1;
	v57 =	vor.u32 s1, v4;
	v58 =	vor.u32 s31, v4;
	s24 =	spop (v2sf);
	s0 =	smul.f32 s6, s0  }
0x7b: {  	v4 =	vmin.f32 v37, v12;
	v46 =	vmax.f32 v42, v13;
	v49 =	vmin.f32 v37, v16;
	s25 =	ssub.f32 s24, s8;
	s2 =	smul.f32 s7, s2  }
0x7c: {  	s26 =	ssub.f32 s13, s5;
	v44 =	vmax.f32 v42, v17;
	v46 =	vsub.f32 v4, v46;
	v11 =	vmov s0  }
0x7d: {  	v49 =	vsub.f32 v49, v44;
	s28 =	spop (v2sf);
	s4 =	smul.f32 s25, s4;
	v10 =	vmov s2;
	v30 =	vadd.f32 v28, v11  }
0x7e: {  	v63 =	vmul.f32 v61, v60;
	s2 =	ssub.f32 s28, s9;
	v1 =	vadd.f32 v27, v11;
	v62 =	vadd.f32 v28, v10  }
0x7f: {  	v48 =	vadd.f32 v27, v10;
	v6 =	vmov s4;
	v30 =	vsub.f32 v30, v29  }
0x80: {  	v2 =	vmul.f32 v3, v2;
	s0 =	smul.f32 s2, s26;
	v31 =	vadd.f32 v28, v6;
	v32 =	vsub.f32 v62, v35;
	[tilespmem:$0x1FD80] =	vst v6  }
0x81: {  	v1 =	vsub.f32 v1, v33;
	v50 =	vadd.f32 v27, v6;
	(erf) = vrcp.f32 v30;
	v30 =	vld [tilespmem:s29+$0xEA70]  }
0x82: {  	v5 =	vmov s0;
	v3 =	vsub.f32 v31, v36;
	(erf) = vrcp.f32 v32;
	v31 =	vld [tilespmem:s29+$0x9C40]  }
0x83: {  	v51 =	vsub.f32 v48, v63;
	v27 =	vadd.f32 v27, v5;
	(erf) = vrcp.f32 v1;
	v1 =	vld [tilespmem:s29+$0xEA60];
	[tilespmem:$0x1FD90] =	vst v5  }
0x84: {  	v52 =	vsub.f32 v50, v34;
	v28 =	vadd.f32 v28, v5;
	(erf) = vrcp.f32 v3;
	v53 =	vld [tilespmem:s29+$0x4E30]  }
0x85: {  	v32 =	vsub.f32 v37, v42;
	v27 =	vsub.f32 v27, v2;
	v54 =	vld [tilespmem:s29+$0x0];
	(erf) = vrcp.f32 v51  }
0x86: {  	v28 =	vsub.f32 v28, v0;
	v55 =	vld [tilespmem:s29+$0x4E20];
	(erf) = vrcp.f32 v52;
	v30 =	vmax.f32 v30, $9.999999740e-05  }
0x87: {  	(erf) = vrcp.f32 v27;
	v27 =	vmax.f32 v31, $9.999999740e-05;
	v30 =	vmul.f32 v30, v59  }
0x88: {  	v3 =	vimm.f32 $-Inf;
	v1 =	vmax.f32 v1, $9.999999740e-05;
	v27 =	vmul.f32 v27, v59  }
0x89: {  	v1 =	vmul.f32 v1, v59;
	v43 =	vsub.f32 v53, v30;
	v39 =	vadd.f32 v30, v53  }
0x8a: {  	(erf) = vrcp.f32 v28;
	v50 =	vsub.f32 v54, v27;
	v47 =	vadd.f32 v27, v54  }
0x8b: {  	v53 =	vmin.f32 v37, v20;
	v28 =	vpop (erf);
	v31 =	vsub.f32 v55, v1;
	v54 =	vadd.f32 v1, v55  }
0x8c: {  	v28 =	vmul.f32 v28, v29;
	v6 =	vmin.f32 v39, v14;
	v48 =	vmax.f32 v43, v15  }
0x8d: {  	v30 =	vpop (erf);
	v51 =	vmin.f32 v39, v18;
	v52 =	vmax.f32 v43, v19;
	v45 =	vmin.f32 v39, v22  }
0x8e: {  	v8 =	vmovc v59;
	v59 =	vmax.f32 v43, v9;
	v35 =	vmul.f32 v30, v35;
	v40 =	vsub.f32 v47, v50  }
0x8f: {  	v27 =	vpop (erf);
	v38 =	vmax.f32 v50, v17;
	v5 =	vmax.f32 v50, v21;
	v48 =	vsub.f32 v6, v48  }
0x90: {  	v51 =	vsub.f32 v51, v52;
	v1 =	vmul.f32 v27, v33;
	v27 =	vpop (erf);
	v33 =	vsub.f32 v39, v43  }
0x91: {  	v41 =	vsub.f32 v54, v31;
	v55 =	vmax.f32 v31, v19;
	v29 =	vpop (erf);
	v27 =	vmul.f32 v27, v36  }
0x92: {  	v36 =	vmax.f32 v42, v21;
	vm0 =	vgt.f32 v1, v3;
	v30 =	vpop (erf);
	v29 =	vmul.f32 v29, v63  }
0x93: {  	v44 =	vsub.f32 v53, v36;
	v36 =	vmin.f32 v47, v24;
	v1 =	vsel vm0, v1, v3;
	v61 =	vpop (erf)  }
0x94: {  	v60 =	vsel vm0, v57, v56;
	v34 =	vmul.f32 v30, v34;
	v2 =	vmul.f32 v61, v2  }
0x95: {  	vm14 =	vgt.f32 v28, v1;
	v62 =	vpop (erf);
	vm15 =	vgt.f32 v29, v3;
	v61 =	vmax.f32 v50, v13  }
0x96: {  	v30 =	vsel vm14, v28, v1;
	v28 =	vsel vm14, v58, v60;
	v0 =	vmul.f32 v62, v0  }
0x97: {  	vm1 =	vgt.f32 v34, v3;
	v1 =	vsel vm15, v29, v3;
	v60 =	vmin.f32 v47, v12  }
0x98: {  	v62 =	vmin.f32 v54, v14;
	vm2 =	vgt.f32 v2, v3;
	v34 =	vsel vm1, v34, v3  }
0x99: {  	vm3 =	vgt.f32 v35, v1;
	v52 =	vsub.f32 v60, v61;
	v2 =	vsel vm2, v2, v3  }
0x9a: {  	vm4 =	vgt.f32 v27, v34;
	v29 =	vsel vm3, v35, v1;
	v63 =	vsel vm2, v57, v56  }
0x9b: {  	v35 =	vmax.f32 v42, v25;
	v42 =	vmin.f32 v47, v20;
	vm5 =	vgt.f32 v0, v2  }
0x9c: {  	v3 =	vsel vm4, v27, v34;
	v34 =	vmin.f32 v37, v24;
	v37 =	vmin.f32 v47, v16  }
0x9d: {  	v42 =	vsub.f32 v42, v5;
	v1 =	vsel vm5, v0, v2;
	v0 =	vsel vm15, v57, v56  }
0x9e: {  	v2 =	vsel vm1, v57, v56;
	v57 =	vmax.f32 v43, v23;
	v56 =	vmin.f32 v54, v18  }
0x9f: {  	v43 =	vmax.f32 v31, v23;
	v34 =	vsub.f32 v34, v35;
	v47 =	vsub.f32 v37, v38  }
0xa0: {  	v37 =	vmax.f32 v50, v25;
	v38 =	vmin.f32 v54, v26;
	v27 =	vsel vm3, v58, v0  }
0xa1: {  	v2 =	vsel vm4, v58, v2;
	v0 =	vsel vm5, v58, v63;
	v58 =	vmin.f32 v39, v26  }
0xa2: {  	v63 =	vmax.f32 v31, v15;
	v45 =	vsub.f32 v45, v57;
	v50 =	vsub.f32 v56, v55  }
0xa3: {  	s2 =	simm.s32 $0x100;
	s0 =	simm.s32 $0x0;
	v39 =	vmin.f32 v54, v22;
	v35 =	vsub.f32 v58, v59;
	v53 =	vsub.f32 v62, v63  }
.LBB2_2:
0xa4: {  	v5 =	vsub.f32 v39, v43;
	v36 =	vsub.f32 v36, v37;
	v31 =	vmax.f32 v31, v9  }
0xa5: {  	v61 =	vmax.f32 v46, $0.0e+00;
	v37 =	vmul.f32 v41, v40;
	v31 =	vsub.f32 v38, v31  }
0xa6: {  	v32 =	vmul.f32 v33, v32;
	v62 =	vmax.f32 v48, $0.0e+00;
	v63 =	vmax.f32 v49, $0.0e+00  }
0xa7: {  	v48 =	vmax.f32 v51, $0.0e+00;
	v49 =	vmax.f32 v44, $0.0e+00;
	v51 =	vmax.f32 v45, $0.0e+00  }
0xa8: {  	v52 =	vmax.f32 v52, $0.0e+00;
	v34 =	vmax.f32 v34, $0.0e+00;
	v35 =	vmax.f32 v35, $0.0e+00  }
0xa9: {  	v4 =	vld [tilespmem:$0x1FD80];
	v54 =	vmax.f32 v53, $0.0e+00;
	v55 =	vmax.f32 v47, $0.0e+00;
	v56 =	vmax.f32 v50, $0.0e+00  }
0xaa: {  	v42 =	vmax.f32 v42, $0.0e+00;
	v5 =	vmax.f32 v5, $0.0e+00;
	v38 =	vmul.f32 v62, v61  }
0xab: {  	s4 =	sshra.s32 s2, $0x2;
	v36 =	vmax.f32 v36, $0.0e+00;
	v39 =	vmul.f32 v48, v63;
	v41 =	vmul.f32 v51, v49  }
0xac: {  	v43 =	vmul.f32 v54, v52;
	v34 =	vmul.f32 v35, v34;
	v62 =	vld [tilespmem:s4+$0x9C50];
	v57 =	vadd.f32 v32, v11  }
0xad: {  	v45 =	vmul.f32 v56, v55;
	v52 =	vld [tilespmem:s4+$0xEA70];
	v58 =	vadd.f32 v32, v10;
	v60 =	vadd.f32 v37, v11  }
0xae: {  	v53 =	vld [tilespmem:s4+$0x9C40];
	v31 =	vmax.f32 v31, $0.0e+00;
	v61 =	vadd.f32 v37, v10;
	v59 =	vadd.f32 v32, v4  }
0xaf: {  	v55 =	vld [tilespmem:s4+$0xEA60];
	v5 =	vmul.f32 v5, v42;
	v33 =	vsub.f32 v57, v38;
	v40 =	vsub.f32 v58, v39  }
0xb0: {  	v36 =	vmul.f32 v31, v36;
	v35 =	vsub.f32 v60, v43;
	v63 =	vadd.f32 v37, v4;
	v4 =	vld [tilespmem:$0x1FD90]  }
0xb1: {  	v54 =	vsub.f32 v61, v45;
	v57 =	vld [tilespmem:s4+$0x0];
	(erf) = vrcp.f32 v33;
	v31 =	vsub.f32 v59, v41  }
0xb2: {  	v56 =	vsub.f32 v63, v5;
	v42 =	vmax.f32 v62, $9.999999740e-05;
	v33 =	vmax.f32 v52, $9.999999740e-05  }
0xb3: {  	v59 =	vmax.f32 v53, $9.999999740e-05;
	(erf) = vrcp.f32 v40;
	v42 =	vmul.f32 v42, v8  }
0xb4: {  	v46 =	vld [tilespmem:s4+$0x10];
	v60 =	vmax.f32 v55, $9.999999740e-05;
	v33 =	vmul.f32 v33, v8;
	v61 =	vmul.f32 v59, v8  }
0xb5: {  	(erf) = vrcp.f32 v35;
	v37 =	vadd.f32 v37, v4;
	v32 =	vadd.f32 v32, v4  }
0xb6: {  	(erf) = vrcp.f32 v31;
	v31 =	vld [tilespmem:s4+$0x4E30];
	v50 =	vsub.f32 v57, v61;
	v4 =	vlaneseq.u32  }
0xb7: {  	s0 =	sadd.s32 $0x20, s0;
	v58 =	vld [tilespmem:s4+$0x4E20];
	v35 =	vadd.f32 v61, v57;
	(erf) = vrcp.f32 v54;
	v37 =	vsub.f32 v37, v36  }
0xb8: {  	s31 =	sadd.s32 $0x10, s0;
	v49 =	vor.u32 s0, v4;
	v32 =	vsub.f32 v32, v34;
	(erf) = vrcp.f32 v56  }
0xb9: {  	v44 =	vor.u32 s31, v4;
	(erf) = vrcp.f32 v37;
	v37 =	vsub.f32 v46, v42  }
0xba: {  	v42 =	vadd.f32 v42, v46;
	(erf) = vrcp.f32 v32;
	v32 =	vmul.f32 v60, v8  }
0xbb: {  	v7 =	vmin.f32 v35, v20;
	v40 =	vsub.f32 v31, v33;
	v48 =	vadd.f32 v33, v31  }
0xbc: {  	v62 =	vpop (erf);
	v52 =	vmin.f32 v42, v12;
	v31 =	vsub.f32 v58, v32;
	v54 =	vadd.f32 v32, v58  }
0xbd: {  	v47 =	vmax.f32 v37, v21;
	v63 =	vpop (erf);
	v32 =	vsub.f32 v42, v37;
	v33 =	vsub.f32 v48, v40  }
0xbe: {  	v38 =	vmul.f32 v62, v38;
	v53 =	vmin.f32 v48, v22;
	v55 =	vmax.f32 v40, v23;
	v57 =	vpop (erf)  }
0xbf: {  	v56 =	vmin.f32 v48, v26;
	v39 =	vmul.f32 v63, v39;
	v43 =	vmul.f32 v57, v43  }
0xc0: {  	v58 =	vpop (erf);
	v57 =	vmax.f32 v40, v9;
	v4 =	vmin.f32 v54, v18;
	v6 =	vmax.f32 v31, v19  }
0xc1: {  	v59 =	vpop (erf);
	v41 =	vmul.f32 v58, v41;
	v58 =	vmin.f32 v35, v12;
	vm0 =	vgt.f32 v43, v30  }
0xc2: {  	v60 =	vpop (erf);
	v61 =	vmul.f32 v59, v45;
	v45 =	vmin.f32 v42, v20;
	v59 =	vmax.f32 v50, v13  }
0xc3: {  	v30 =	vsel vm0, v43, v30;
	v28 =	vsel vm0, v49, v28;
	v5 =	vmul.f32 v60, v5  }
0xc4: {  	v43 =	vmin.f32 v48, v18;
	v60 =	vmin.f32 v54, v14;
	v62 =	vpop (erf);
	vm14 =	vgt.f32 v38, v30  }
0xc5: {  	vm15 =	vgt.f32 v61, v29;
	v36 =	vmul.f32 v62, v36;
	v30 =	vsel vm14, v38, v30  }
0xc6: {  	v28 =	vsel vm14, v44, v28;
	vm1 =	vgt.f32 v5, v3;
	v29 =	vsel vm15, v61, v29  }
0xc7: {  	v63 =	vpop (erf);
	v38 =	vmin.f32 v42, v16;
	v42 =	vmin.f32 v42, v24;
	v61 =	vmax.f32 v31, v15  }
0xc8: {  	v62 =	vmin.f32 v35, v16;
	v34 =	vmul.f32 v63, v34;
	v3 =	vsel vm1, v5, v3  }
0xc9: {  	vm3 =	vgt.f32 v39, v29;
	v5 =	vsel vm15, v49, v27;
	v2 =	vsel vm1, v49, v2  }
0xca: {  	v63 =	vmax.f32 v50, v17;
	vm2 =	vgt.f32 v36, v1;
	vm4 =	vgt.f32 v41, v3  }
0xcb: {  	v29 =	vsel vm3, v39, v29;
	v27 =	vsel vm3, v44, v5;
	v5 =	vmax.f32 v37, v13  }
0xcc: {  	v39 =	vmax.f32 v37, v17;
	v37 =	vmax.f32 v37, v25;
	v1 =	vsel vm2, v36, v1  }
0xcd: {  	v3 =	vsel vm4, v41, v3;
	v0 =	vsel vm2, v49, v0;
	v2 =	vsel vm4, v44, v2  }
0xce: {  	v49 =	vmax.f32 v40, v15;
	v41 =	vsub.f32 v54, v31;
	v46 =	vsub.f32 v52, v5  }
0xcf: {  	v52 =	vsub.f32 v58, v59;
	v36 =	vmin.f32 v35, v24;
	vm5 =	vgt.f32 v34, v1  }
0xd0: {  	v1 =	vsel vm5, v34, v1;
	v0 =	vsel vm5, v44, v0;
	v34 =	vmin.f32 v48, v14  }
0xd1: {  	p0 =	sne.s32 s2, $0x13800;
	v44 =	vmax.f32 v40, v19;
	v40 =	vsub.f32 v35, v50;
	v35 =	vsub.f32 v56, v57  }
.Ltmp0:
0xd2: {  	v5 =	vmax.f32 v50, v21;
	v48 =	vsub.f32 v34, v49;
	v49 =	vsub.f32 v38, v39;
	(pc) =	sbr.rel @p0 .LBB2_2-.Ltmp0, $4  }
0xd3: {  	v39 =	vmin.f32 v54, v22;
	v51 =	vsub.f32 v43, v44;
	v44 =	vsub.f32 v45, v47  }
0xd4: {  	v43 =	vmax.f32 v31, v23;
	v45 =	vsub.f32 v53, v55;
	v34 =	vsub.f32 v42, v37  }
0xd5: {  	v53 =	vsub.f32 v60, v61;
	v47 =	vsub.f32 v62, v63;
	v37 =	vmax.f32 v50, v25  }
0xd6: {  	s2 =	sadd.s32 $0x80, s2;
	v50 =	vsub.f32 v4, v6;
	v42 =	vsub.f32 v7, v5;
	v38 =	vmin.f32 v54, v26  }
0xd7: {  	v4 =	vmul.f32 v41, v40;
	v5 =	vmul.f32 v33, v32;
	v6 =	vmax.f32 v46, $0.0e+00  }
0xd8: {  	v7 =	vmax.f32 v48, $0.0e+00;
	v12 =	vmax.f32 v49, $0.0e+00;
	v13 =	vmax.f32 v51, $0.0e+00  }
0xd9: {  	v14 =	vmax.f32 v52, $0.0e+00;
	v6 =	vmul.f32 v7, v6;
	v7 =	vadd.f32 v5, v11  }
0xda: {  	v15 =	vmax.f32 v53, $0.0e+00;
	v12 =	vmul.f32 v13, v12;
	v13 =	vadd.f32 v5, v10  }
0xdb: {  	v14 =	vmul.f32 v15, v14;
	v11 =	vadd.f32 v4, v11;
	v7 =	vsub.f32 v7, v6  }
0xdc: {  	v13 =	vsub.f32 v13, v12  }
0xdd: {  	v11 =	vsub.f32 v11, v14;
	(erf) = vrcp.f32 v7  }
0xde: {  	(erf) = vrcp.f32 v13  }
0xdf: {  	(erf) = vrcp.f32 v11;
	_ =	sdelay $0x1  }
0xe0: {  	v8 =	vld [tilespmem:$0x1FD80];
	_ =	sdelay $0x2  }
0xe1: {  	v15 =	vmax.f32 v50, $0.0e+00  }
0xe2: {  	v7 =	vmax.f32 v44, $0.0e+00;
	v11 =	vmax.f32 v45, $0.0e+00  }
0xe3: {  	v13 =	vmax.f32 v47, $0.0e+00;
	v7 =	vmul.f32 v11, v7;
	v11 =	vadd.f32 v5, v8;
	v16 =	vpop (erf)  }
0xe4: {  	v10 =	vadd.f32 v4, v10;
	v13 =	vmul.f32 v15, v13;
	v15 =	vpop (erf)  }
0xe5: {  	v11 =	vsub.f32 v11, v7;
	v17 =	vpop (erf)  }
0xe6: {  	v10 =	vsub.f32 v10, v13;
	v14 =	vmul.f32 v17, v14  }
0xe7: {  	(erf) = vrcp.f32 v11  }
0xe8: {  	(erf) = vrcp.f32 v10;
	v6 =	vmul.f32 v16, v6;
	vm0 =	vgt.f32 v14, v30  }
0xe9: {  	v10 =	vsel vm0, v14, v30  }
0xea: {  	vm1 =	vgt.f32 v6, v10  }
0xeb: {  	v11 =	vsub.f32 v39, v43;
	v6 =	vsel vm1, v6, v10  }
0xec: {  	(xrf0) =	vmax.scan.msk.f32 $0xffff, v6  }
0xed: {  	v11 =	vmax.f32 v11, $0.0e+00;
	v10 =	vmax.f32 v42, $0.0e+00  }
0xee: {  	v8 =	vadd.f32 v4, v8;
	v10 =	vmul.f32 v11, v10;
	_ =	sdelay $0x1  }
0xef: {  	v11 =	vpop (erf);
	v8 =	vsub.f32 v8, v10  }
0xf0: {  	s0 =	sadd.s32 $0x20, s0;
	v19 =	vlaneseq.u32;
	v14 =	vpop (erf)  }
0xf1: {  	v13 =	vmul.f32 v14, v13;
	(erf) = vrcp.f32 v8;
	v8 =	vor.u32 s0, v19;
	s0 =	sadd.s32 $0x10, s0;
	v14, _, _ =	vpop (xrf0)  }
0xf2: {  	v16 =	vor.u32 s0, v19;
	v17 =	vsel vm0, v8, v28;
	v14 =	vbroadcast v14, $0xF  }
0xf3: {  	v12 =	vmul.f32 v15, v12;
	vm14 =	vgt.f32 v13, v29;
	v15 =	vsel vm1, v16, v17  }
0xf4: {  	v13 =	vsel vm14, v13, v29;
	vm15 =	veq.f32 v6, v14;
	v6 =	vxor.u32 $0x80000000, v15  }
0xf5: {  	vm2 =	vgt.f32 v12, v13;
	v17 =	vld [tilespmem:$0x1FD90];
	v6 =	vnsel vm15, $0xC0000000, v6  }
0xf6: {  	v9 =	vmax.f32 v31, v9;
	v12 =	vsel vm2, v12, v13;
	(xrf0) =	vmin.scan.msk.u32 $0xffff, v6  }
0xf7: {  	v9 =	vsub.f32 v38, v9;
	v6 =	vsub.f32 v36, v37;
	(xrf0) =	vmax.scan.msk.f32 $0xffff, v12  }
0xf8: {  	v13 =	vmax.f32 v34, $0.0e+00  }
0xf9: {  	v9 =	vmax.f32 v9, $0.0e+00;
	v15 =	vmax.f32 v35, $0.0e+00;
	v6 =	vmax.f32 v6, $0.0e+00  }
0xfa: {  	v4 =	vadd.f32 v4, v17;
	v6 =	vmul.f32 v9, v6  }
0xfb: {  	v9 =	vmul.f32 v15, v13;
	v13 =	vpop (erf)  }
0xfc: {  	v4 =	vsub.f32 v4, v6;
	v15, _, _ =	vpop (xrf0)  }
0xfd: {  	v7 =	vmul.f32 v11, v7;
	v5 =	vadd.f32 v5, v17;
	v10 =	vmul.f32 v13, v10;
	v13, _, _ =	vpop (xrf0)  }
0xfe: {  	(erf) = vrcp.f32 v4;
	v4 =	vsel vm14, v8, v27;
	v13 =	vbroadcast v13, $0xF  }
0xff: {  	v5 =	vsub.f32 v5, v9;
	vm12 =	vgt.f32 v10, v3;
	v4 =	vsel vm2, v16, v4  }
0x100: {  	v3 =	vsel vm12, v10, v3;
	v4 =	vxor.u32 $0x80000000, v4;
	vm13 =	veq.f32 v12, v13  }
0x101: {  	(erf) = vrcp.f32 v5;
	vm14 =	vgt.f32 v7, v3;
	v4 =	vnsel vm13, $0xC0000000, v4  }
0x102: {  	v3 =	vsel vm14, v7, v3;
	(xrf0) =	vmin.scan.msk.u32 $0xffff, v4  }
0x103: {  	(xrf0) =	vmax.scan.msk.f32 $0xffff, v3;
	_ =	sdelay $0x3  }
0x104: {  	v4 =	vpop (erf)  }
0x105: {  	v5, _, _ =	vpop (xrf0)  }
0x106: {  	v4 =	vmul.f32 v4, v6;
	v6, _, _ =	vpop (xrf0)  }
0x107: {  	v2 =	vsel vm12, v8, v2;
	v7 =	vpop (erf);
	v6 =	vbroadcast v6, $0xF  }
0x108: {  	v2 =	vsel vm14, v16, v2;
	v7 =	vmul.f32 v7, v9;
	vm15 =	vgt.f32 v4, v1  }
0x109: {  	v2 =	vxor.u32 $0x80000000, v2;
	v1 =	vsel vm15, v4, v1;
	vm12 =	veq.f32 v3, v6  }
0x10a: {  	vm13 =	vgt.f32 v7, v1;
	v2 =	vnsel vm12, $0xC0000000, v2  }
0x10b: {  	v1 =	vsel vm13, v7, v1;
	(xrf0) =	vmin.scan.msk.u32 $0xffff, v2  }
0x10c: {  	(xrf0) =	vmax.scan.msk.f32 $0xffff, v1;
	_ =	sdelay $0x4  }
0x10d: {  	v2, _, _ =	vpop (xrf0)  }
0x10e: {  	v3, _, _ =	vpop (xrf0)  }
0x10f: {  	v0 =	vsel vm15, v8, v0;
	v3 =	vbroadcast v3, $0xF  }
0x110: {  	v0 =	vsel vm13, v16, v0  }
0x111: {  	v0 =	vxor.u32 $0x80000000, v0;
	vm14 =	veq.f32 v1, v3  }
0x112: {  	v0 =	vnsel vm14, $0xC0000000, v0  }
0x113: {  	(xrf0) =	vmin.scan.msk.u32 $0xffff, v0;
	_ =	sdelay $0x2  }
0x114: {  	(v2sf) =	vpush v15, $0xF;
	_ =	sdelay $0x1  }
0x115: {  	(v2sf) =	vpush v5, $0xF  }
0x116: {  	(v2sf) =	vpush v2, $0xF;
	v0, _, _ =	vpop (xrf0)  }
0x117: {  	(v2sf) =	vpush v0, $0xF;
	_ =	sdelay $0x6  }
0x118: {  	v0 =	vld [tilespmem:$0x1FFA0];
	_ =	sdelay $0x3  }
0x119: {  	s16 =	spop (v2sf)  }
0x11a: {  	vm13 =	vcmask $0x300;
	s0 =	sxor.u32 $0x80000000, s16;
	vm15 =	vnez.u8 v0  }
0x11b: {  	vm12 =	vcmask $0x310;
	s2 =	spop (v2sf);
	v1 =	vmov s0;
	v0 =	vnsel vm15, $0x0, v14  }
0x11c: {  	s2 =	sxor.u32 $0x80000000, s2;
	v1 =	vnsel vm13, $0x0, v1;
	vm14 =	vcmask $0x710;
	s17 =	spop (v2sf);
	v0 =	vsel vm12, v0, v13  }
0x11d: {  	v1 =	vsel vm10, s2, v1;
	s0 =	sxor.u32 $0x80000000, s17;
	vm15 =	vcmask $0xB10;
	v0 =	vsel vm14, v0, v6;
	s4 =	spop (v2sf)  }
0x11e: {  	v1 =	vsel vm6, s0, v1;
	v0 =	vsel vm15, v0, v3;
	s18 =	sxor.u32 $0x80000000, s4  }
0x11f: {  	[tilespmem:$0x18780] =	vst v0;
	v4 =	vsel vm8, s18, v1  }
0x120: {  	s19 =	rddreg [dreg:$0xa];
	s20 =	simm.s32 $0x18780;
	[tilespmem:$0x18800] =	vst v4  }
0x121: {  	[spmem:s19] =	stream.linear.scatter [tilespmem:s20], [sflag:$0x1], $0x10, $0x38;
	[tilespmem:$0x18A40] =	vst v63  }
0x122: {  	_ =	swait.ge [sflag:s3], $0x10  }
0x123: {  	[sflag:s3] =	ssyncset.done $0x0  }
0x124: {  	s22 =	simm.s32 $0x18800;
	s21 =	rddreg [dreg:$0xb];
	[sflag:s3] =	ssyncadd.s32 $0xFFFFFFF0  }
0x125: {  	[spmem:s21] =	stream.linear.scatter [tilespmem:s22], [sflag:$0x1], $0x10, $0x38;
	[tilespmem:$0x18A40] =	vst v63  }
0x126: {  	_ =	swait.ge [sflag:s3], $0x10  }
0x127: {  	[sflag:s3] =	ssyncset.done $0x0  }
0x128: {  	[sflag:s3] =	ssyncadd.s32 $0xFFFFFFF0  }
0x129: {  	[bflag:$0x0] =	sbarrier.arrive $0xFFFF  }
0x12a: {  	s24 =	simm.s32 $0x18880;
	s23 =	rddreg [dreg:$0xc]  }
0x12b: {  	[tilespmem:s24], [sflag:$0x1] =	stream.linear.gather [spmem:s23], $0x80, $0x38;
	[tilespmem:$0x18A40] =	vst v63  }
0x12c: {  	_ =	swait.ge [sflag:s3], $0x80  }
0x12d: {  	[sflag:s3] =	ssyncset.done $0x0  }
0x12e: {  	s26 =	simm.s32 $0x18900;
	s25 =	rddreg [dreg:$0xd];
	[sflag:s3] =	ssyncadd.s32 $0xFFFFFF80  }
0x12f: {  	[tilespmem:s26], [sflag:$0x1] =	stream.linear.gather [spmem:s25], $0x80, $0x38;
	[tilespmem:$0x18A40] =	vst v63  }
0x130: {  	_ =	swait.ge [sflag:s3], $0x80  }
0x131: {  	[sflag:s3] =	ssyncset.done $0x0  }
0x132: {  	[sflag:s3] =	ssyncadd.s32 $0xFFFFFF80  }
0x133: {  	v8 =	vld [tilespmem:$0x188F0];
	_ =	sdelay $0x1  }
0x134: {  	s28 =	rddreg [dreg:$0x12]  }
0x135: {  	v13 =	vld [tilespmem:s28+$0x0]  }
0x136: {  	v9 =	vadd.s32 $0x9C40, v4;
	v18 =	vld [tilespmem:s28+$0xFFFFFFF0]  }
0x137: {  	v10 =	vadd.s32 $0xEA60, v4;
	v11 =	vadd.s32 $0x13880, v4;
	[tilespmem:$0x1FCE0] =	vst v8;
	v8 =	vadd.s32 $0x4E20, v4;
	v4 =	vld.idx.msk [tilespmem:v4+s1+$0x0], $0xffff;
	_ =	sdelay $0x1  }
0x138: {  	s29 =	sadd.s32 $0x20, s28  }
0x139: {  	v0 =	vand.u32 $0x7FFFFFFF, v13;
	v15 =	vld [tilespmem:s29+$0x0]  }
0x13a: {  	v1 =	vand.u32 $0x7FFFFFFF, v18;
	v0 =	vsub.f32 $0.0e+00, v0;
	v14 =	vld [tilespmem:s29+$0xFFFFFFF0]  }
0x13b: {  	v1 =	vsub.f32 $0.0e+00, v1;
	[tilespmem:$0x1FCF0] =	vst v4;
	v4 =	vld.idx.msk [tilespmem:v8+s1+$0x0], $0xffff  }
0x13c: {  	v0 =	vmul.f32 $1.442695020e+00, v0;
	v8 =	vld.idx.msk [tilespmem:v9+s1+$0x0], $0xffff  }
0x13d: {  	v1 =	vmul.f32 $1.442695020e+00, v1;
	v9 =	vld.idx.msk [tilespmem:v10+s1+$0x0], $0xffff  }
0x13e: {  	(erf) = vpow2.f32 v0  }
0x13f: {  	(erf) = vpow2.f32 v1;
	_ =	sdelay $0x2  }
0x140: {  	[tilespmem:$0x1FD20] =	vst v9;
	v9 =	vld.idx.msk [tilespmem:v11+s1+$0x0], $0xffff  }
0x141: {  	[tilespmem:$0x1FD00] =	vst v4;
	v4 =	vand.u32 $0x7FFFFFFF, v15  }
0x142: {  	v4 =	vsub.f32 $0.0e+00, v4;
	_ =	sdelay $0x1  }
0x143: {  	v4 =	vmul.f32 $1.442695020e+00, v4  }
0x144: {  	v16 =	vpop (erf);
	[tilespmem:$0x1FD30] =	vst v9;
	v9 =	vld [tilespmem:$0x1FE30]  }
0x145: {  	v17 =	vpop (erf);
	(erf) = vpow2.f32 v4;
	v4 =	vld [tilespmem:$0x1FE50];
	_ =	sdelay $0x2  }
0x146: {  	v5 =	vmul.f32 $9.239630300e-04, v17;
	_ =	sdelay $0x1  }
0x147: {  	v6 =	vmul.f32 $9.239630300e-04, v16;
	v5 =	vsub.f32 $6.977327170e-03, v5  }
0x148: {  	v2 =	vld [tilespmem:$0x188A0]  }
0x149: {  	v6 =	vsub.f32 $6.977327170e-03, v6;
	v5 =	vmul.f32 v5, v17;
	v9 =	vld.idx.msk [tilespmem:v9+s14+$0x0], $0xffff  }
0x14a: {  	v4 =	vld.idx.msk [tilespmem:v4+s14+$0x0], $0xffff  }
0x14b: {  	v3 =	vld [tilespmem:$0x188B0];
	[tilespmem:$0x1FD10] =	vst v8;
	v8 =	vand.u32 $0x7FFFFFFF, v14;
	v6 =	vmul.f32 v6, v16;
	v5 =	vadd.f32 $-2.475656380e-02, v5  }
0x14c: {  	v7 =	vld [tilespmem:$0x188C0];
	v8 =	vsub.f32 $0.0e+00, v8  }
0x14d: {  	v33 =	vld [tilespmem:$0x188D0];
	v6 =	vadd.f32 $-2.475656380e-02, v6;
	v5 =	vmul.f32 v5, v17  }
0x14e: {  	[tilespmem:$0x1FD40] =	vst v9;
	v9 =	vmul.f32 $1.442695020e+00, v8;
	v8 =	vld [tilespmem:$0x1FE40]  }
0x14f: {  	v6 =	vmul.f32 v6, v16;
	v5 =	vadd.f32 $5.602025240e-02, v5;
	[tilespmem:$0x1FD60] =	vst v4;
	v4 =	vld [tilespmem:$0x1FE60]  }
0x150: {  	v32 =	vld [tilespmem:$0x188E0]  }
0x151: {  	v30 =	vld [tilespmem:$0x18900];
	v6 =	vadd.f32 $5.602025240e-02, v6;
	v5 =	vmul.f32 v5, v17  }
0x152: {  	v29 =	vld [tilespmem:$0x18910]  }
0x153: {  	v28 =	vld [tilespmem:$0x18920];
	v6 =	vmul.f32 v6, v16;
	v5 =	vadd.f32 $-9.379880870e-02, v5  }
0x154: {  	v27 =	vld [tilespmem:$0x18930]  }
0x155: {  	v26 =	vld [tilespmem:$0x18940];
	v6 =	vadd.f32 $-9.379880870e-02, v6;
	v5 =	vmul.f32 v5, v17  }
0x156: {  	v8 =	vld.idx.msk [tilespmem:v8+s14+$0x0], $0xffff  }
0x157: {  	v6 =	vmul.f32 v6, v16;
	v5 =	vadd.f32 $1.297016890e-01, v5;
	v4 =	vld.idx.msk [tilespmem:v4+s14+$0x0], $0xffff  }
0x158: {  	v25 =	vld [tilespmem:$0x18950]  }
0x159: {  	v24 =	vld [tilespmem:$0x18960];
	v6 =	vadd.f32 $1.297016890e-01, v6;
	v5 =	vmul.f32 v5, v17  }
0x15a: {  	s31 =	simm.s32 $0x10;
	v23 =	vld [tilespmem:$0x18970];
	(erf) = vpow2.f32 v9  }
0x15b: {  	v20 =	vmov s31;
	v0 =	vld [tilespmem:$0x18880];
	v21 =	vmul.f32 v6, v16;
	v22 =	vadd.f32 $-1.626726090e-01, v5;
	[tilespmem:$0x1FD50] =	vst v8  }
0x15c: {  	v19 =	vmul.u32 $0xFFFFFFFF, v19;
	s0 =	simm.s32 $0x2;
	s2 =	sadd.s32 $0x20, s29;
	v1 =	vld [tilespmem:$0x18890];
	v38 =	vadd.f32 $1.000000000e+00, v16;
	v8 =	vimm.f32 $0.0e+00;
	[tilespmem:$0x1FD70] =	vst v4  }
.LBB2_4:
0x15d: {  	v4 =	vld [tilespmem:s2+$0x0];
	s4 =	sadd.s32 $0xFFFFFFF0, s31;
	v5 =	vmul.f32 v22, v17;
	v6 =	vadd.f32 $1.000000000e+00, v17;
	v9 =	vadd.f32 $-1.626726090e-01, v21  }
0x15e: {  	v12 =	vadd.s32 $0x9C4, v19;
	v10 =	vld [tilespmem:s2+$0xFFFFFFF0];
	v11 =	vmov s4;
	(erf) = vrcp.f32 v38  }
0x15f: {  	v5 =	vadd.f32 $1.991596370e-01, v5;
	v9 =	vmul.f32 v9, v16;
	(erf) = vrcp.f32 v6  }
0x160: {  	vm0 =	vlt.u32 v20, v12;
	vm1 =	vlt.u32 v11, v12;
	v6 =	vmax.f32 v13, $0.0e+00  }
0x161: {  	vm2 =	vge.f32 v13, $0.0e+00;
	v11 =	vpop (erf);
	v5 =	vmul.f32 v5, v17;
	v9 =	vadd.f32 $1.991596370e-01, v9  }
0x162: {  	vm3 =	vge.f32 v18, $0.0e+00;
	v13 =	vmovc v15;
	v12 =	vand.u32 $0x7FFFFFFF, v4;
	v20 =	vmul.f32 $9.239630300e-04, v11;
	v15 =	vmovc v4  }
0x163: {  	v4 =	vand.u32 $0x7FFFFFFF, v10;
	v21 =	vpop (erf);
	v5 =	vadd.f32 $-2.498838160e-01, v5;
	v9 =	vmul.f32 v9, v16  }
0x164: {  	v12 =	vsub.f32 $0.0e+00, v12;
	v22 =	vmul.f32 $9.239630300e-04, v21;
	v20 =	vsub.f32 $6.977327170e-03, v20  }
0x165: {  	v4 =	vsub.f32 $0.0e+00, v4;
	v5 =	vmul.f32 v5, v17;
	v9 =	vadd.f32 $-2.498838160e-01, v9  }
0x166: {  	v31 =	vsel vm2, $0x3F800000, v16;
	v22 =	vsub.f32 $6.977327170e-03, v22;
	v20 =	vmul.f32 v20, v11  }
0x167: {  	v34 =	vsel vm3, $0x3F800000, v17;
	v5 =	vadd.f32 $3.333236280e-01, v5;
	v9 =	vmul.f32 v9, v16;
	v35 =	vpop (erf)  }
0x168: {  	v22 =	vmul.f32 v22, v21;
	v20 =	vadd.f32 $-2.475656380e-02, v20;
	v31 =	vmul.f32 v35, v31;
	v35 =	vpop (erf)  }
0x169: {  	v5 =	vmul.f32 v5, v17;
	v34 =	vmul.f32 v35, v34;
	v9 =	vadd.f32 $3.333236280e-01, v9  }
0x16a: {  	v35 =	vmax.f32 v18, $0.0e+00;
	v18 =	vmovc v14;
	v14 =	vmovc v10;
	v22 =	vadd.f32 $-2.475656380e-02, v22;
	v31 =	vsub.f32 $1.000000000e+00, v31  }
0x16b: {  	v5 =	vadd.f32 $-4.999995830e-01, v5;
	v10 =	vsub.f32 $1.000000000e+00, v34;
	v9 =	vmul.f32 v9, v16  }
0x16c: {  	v20 =	vmul.f32 v20, v11;
	v22 =	vmul.f32 v22, v21;
	v31 =	vmax.f32 v31, $9.999999970e-07  }
0x16d: {  	v5 =	vmul.f32 v5, v17;
	v10 =	vmax.f32 v10, $9.999999970e-07;
	v9 =	vadd.f32 $-4.999995830e-01, v9  }
0x16e: {  	v31 =	vmin.f32 v31, $9.999989860e-01;
	v22 =	vadd.f32 $5.602025240e-02, v22;
	v10 =	vmin.f32 v10, $9.999989860e-01  }
0x16f: {  	s0 =	sadd.s32 $0x2, s0;
	v5 =	vadd.f32 $1.000000000e+00, v5;
	v10 =	vsub.f32 $1.000000000e+00, v10;
	v9 =	vmul.f32 v9, v16  }
0x170: {  	p0 =	slt.u32 s0, $0x9A;
	v20 =	vadd.f32 $5.602025240e-02, v20;
	v31 =	vsub.f32 $1.000000000e+00, v31;
	v22 =	vmul.f32 v22, v21  }
0x171: {  	v5 =	vmul.f32 v5, v17;
	v34 =	vmul.f32 $7.500000000e-01, v10;
	v9 =	vadd.f32 $1.000000000e+00, v9;
	v17 =	vmovc v21  }
0x172: {  	v20 =	vmul.f32 v20, v11;
	v21 =	vadd.f32 $-9.379880870e-02, v22;
	v22 =	vmul.f32 $7.500000000e-01, v31  }
0x173: {  	v5 =	vadd.f32 v5, v35;
	v10 =	vmul.f32 v34, v10;
	v9 =	vmul.f32 v9, v16;
	v16 =	vmovc v11  }
0x174: {  	v20 =	vadd.f32 $-9.379880870e-02, v20;
	v11 =	vmul.f32 $1.442695020e+00, v12;
	v12 =	vmul.f32 v21, v17  }
0x175: {  	v5 =	vmul.f32 v5, v10;
	v6 =	vadd.f32 v9, v6;
	v9 =	vmul.f32 v22, v31  }
0x176: {  	v4 =	vmul.f32 $1.442695020e+00, v4;
	v10 =	vadd.f32 $1.297016890e-01, v12;
	v12 =	vmul.f32 v20, v16  }
.Ltmp1:
0x177: {  	(erf) = vpow2.f32 v11;
	v5 =	vnsel vm1, $0x0, v5;
	v6 =	vmul.f32 v6, v9;
	(pc) =	sbr.rel @p0 .LBB2_4-.Ltmp1, $4  }
0x178: {  	v9 =	vmul.f32 v10, v17;
	v10 =	vadd.f32 $1.297016890e-01, v12;
	v5 =	vadd.f32 v5, v8  }
0x179: {  	(erf) = vpow2.f32 v4;
	v4 =	vnsel vm0, $0x0, v6  }
0x17a: {  	s31 =	sadd.s32 $0x20, s31;
	v22 =	vadd.f32 $-1.626726090e-01, v9;
	v21 =	vmul.f32 v10, v16;
	v8 =	vadd.f32 v4, v5  }
0x17b: {  	s2 =	sadd.s32 $0x20, s2;
	v38 =	vadd.f32 $1.000000000e+00, v16;
	v20 =	vmov s31  }
0x17c: {  	vm5 =	vgt.f32 v0, $2.000000030e-01;
	vm12 =	vgt.f32 v1, $2.000000030e-01  }
0x17d: {  	vm15 =	vgt.f32 v2, $2.000000030e-01;
	vm13 =	vgt.f32 v3, $2.000000030e-01;
	vm0 =	vgt.f32 v7, $2.000000030e-01  }
0x17e: {  	v40 =	vimm.s32 $0x0;
	v41 =	vbroadcast v30, $0x1;
	v43 =	vbroadcast v30, $0x2  }
0x17f: {  	vm7 =	vmmov vm10;
	v44 =	vbroadcast v30, $0x3;
	v45 =	vbroadcast v29, $0x0  }
0x180: {  	v62 =	vimm.s32 $0x0;
	v46 =	vbroadcast v29, $0x1;
	v47 =	vbroadcast v29, $0x2  }
0x181: {  	vm11 =	vmmov $0x3;
	v50 =	vbroadcast v29, $0x3;
	v55 =	vbroadcast v28, $0x0  }
0x182: {  	v42 =	vld [tilespmem:$0x1FFA0];
	vm3 =	vmmov $0xf;
	v61 =	vbroadcast v28, $0x1;
	v9 =	vbroadcast v28, $0x2  }
0x183: {  	v10 =	vbroadcast v28, $0x3;
	v11 =	vimm.s32 $0x0;
	v12 =	vbroadcast v27, $0x0  }
0x184: {  	vm2 =	vcmask $0xF0C;
	v34 =	vbroadcast v27, $0x1;
	v35 =	vbroadcast v27, $0x2  }
0x185: {  	v39 =	vbroadcast v27, $0x3;
	v5 =	vbroadcast v25, $0x2;
	v0 =	vsel vm0, $0xFFFFFFFF, v40  }
0x186: {  	vm1 =	vmand vm5, vm10;
	vm10 =	vmmov $0x7;
	v1 =	vsel vm11, $0xFFFFFFFF, v11  }
0x187: {  	v11 =	vimm.s32 $0x0;
	v57 =	vsel vm1, $0x1, v62;
	vm14 =	vnez.u8 v42  }
0x188: {  	vm1 =	veq.s32 v30, v41;
	vm4 =	veq.s32 v30, v43;
	vm0 =	vmand vm5, vm14  }
0x189: {  	vm9 =	veq.s32 v28, v34;
	vm4 =	vmand vm5, vm4;
	v3 =	vsel vm0, $0x1, v62  }
0x18a: {  	vm0 =	vmand vm0, vm1;
	vm1 =	vmand vm5, vm6;
	vm6 =	veq.s32 v29, v46  }
0x18b: {  	v31 =	vsel vm0, $0x1, v62;
	v6 =	vsel vm1, $0x1, v62;
	vm0 =	vmand vm4, vm11  }
0x18c: {  	vm1 =	veq.s32 v30, v44;
	vm4 =	veq.s32 v30, v46;
	v58 =	vsel vm0, $0x1, v62  }
0x18d: {  	vm0 =	vmand vm5, vm8;
	vm1 =	vmand vm5, vm1;
	vm4 =	vmand vm5, vm4  }
0x18e: {  	v36 =	vsel vm0, $0x1, v62;
	vm0 =	vmand vm1, vm10;
	vm1 =	veq.s32 v30, v45  }
0x18f: {  	vm4 =	vmand vm4, vm3;
	v60 =	vsel vm0, $0x1, v62;
	vm0 =	vmand vm12, vm14  }
0x190: {  	vm1 =	vmand vm5, vm1;
	v37 =	vsel vm0, $0x1, v62;
	vm0 =	vmand vm0, vm6  }
0x191: {  	vm1 =	vmand vm1, vm3;
	vm6 =	vmand vm12, vm7;
	vm0 =	vmor vm4, vm0  }
0x192: {  	v63 =	vsel vm1, $0x1, v62;
	v54 =	vsel vm6, $0x1, v62;
	vm1 =	veq.s32 v30, v47  }
0x193: {  	vm4 =	veq.s32 v29, v47;
	vm6 =	vmand vm12, vm8;
	vm8 =	veq.s32 v29, v61  }
0x194: {  	v48 =	vsel vm0, $0x1, v62;
	vm0 =	vcmask $0xB08;
	vm1 =	vmand vm5, vm1  }
0x195: {  	vm4 =	vmand vm12, vm4;
	v49 =	vsel vm6, $0x1, v62;
	vm0 =	vmand vm12, vm0  }
0x196: {  	v53 =	vsel vm0, $0x1, v62;
	vm0 =	vmand vm1, vm3;
	vm1 =	vmand vm4, vm11  }
0x197: {  	vm4 =	veq.s32 v29, v50;
	vm0 =	vmor vm0, vm1;
	vm1 =	veq.s32 v30, v50  }
0x198: {  	vm6 =	veq.s32 v30, v61;
	vm4 =	vmand vm12, vm4;
	vm1 =	vmand vm5, vm1  }
0x199: {  	vm8 =	vmand vm12, vm8;
	vm4 =	vmand vm4, vm10;
	vm1 =	vmand vm1, vm3  }
0x19a: {  	v59 =	vsel vm0, $0x1, v62;
	vm0 =	vmor vm1, vm4;
	vm4 =	veq.s32 v30, v55  }
0x19b: {  	v50 =	vsel vm0, $0x1, v62;
	vm0 =	vmand vm5, vm4;
	vm4 =	veq.s32 v29, v55  }
0x19c: {  	vm6 =	vmand vm5, vm6;
	vm1 =	vmand vm15, vm14;
	vm4 =	vmand vm12, vm4  }
0x19d: {  	v46 =	vsel vm1, $0x1, v62;
	vm0 =	vmor vm0, vm4;
	vm4 =	vmor vm6, vm8  }
0x19e: {  	vm6 =	veq.s32 v28, v61;
	vm8 =	vmand vm15, vm2;
	vm2 =	vcmask $0xF0C  }
0x19f: {  	vm0 =	vmand vm0, vm3;
	vm4 =	vmand vm4, vm3;
	vm1 =	vmand vm1, vm6  }
0x1a0: {  	vm6 =	vmand vm15, vm7;
	v41 =	vsel vm8, $0x1, v62;
	vm8 =	veq.s32 v29, v34  }
0x1a1: {  	vm1 =	vmor vm1, vm4;
	v2 =	vsel vm0, $0x1, v62;
	v55 =	vsel vm6, $0x1, v62  }
0x1a2: {  	vm0 =	vcmask $0xB08;
	vm4 =	veq.s32 v29, v9;
	vm6 =	veq.s32 v28, v9  }
0x1a3: {  	vm8 =	vmand vm12, vm8;
	v51 =	vsel vm1, $0x1, v62;
	vm1 =	veq.s32 v30, v9  }
0x1a4: {  	vm0 =	vmand vm15, vm0;
	vm4 =	vmand vm12, vm4;
	vm1 =	vmand vm5, vm1  }
0x1a5: {  	v9 =	vbroadcast v26, $0x0;
	vm1 =	vmor vm1, vm4;
	vm4 =	vmand vm15, vm6  }
0x1a6: {  	v56 =	vsel vm0, $0x1, v62;
	vm0 =	vmand vm1, vm3;
	vm1 =	vmand vm4, vm11  }
0x1a7: {  	vm6 =	veq.s32 v28, v10;
	vm4 =	veq.s32 v29, v10;
	vm0 =	vmor vm1, vm0  }
0x1a8: {  	vm1 =	veq.s32 v30, v10;
	vm4 =	vmand vm12, vm4;
	v10 =	vimm.s32 $0x0  }
0x1a9: {  	[tilespmem:$0x1FC70] =	vst v1;
	vm1 =	vmand vm5, vm1;
	v40 =	vsel vm0, $0x1, v62;
	v1 =	vsel vm10, $0xFFFFFFFF, v10  }
0x1aa: {  	vm1 =	vmor vm1, vm4;
	vm4 =	vmand vm15, vm6;
	vm6 =	veq.s32 v29, v12  }
0x1ab: {  	vm1 =	vmand vm1, vm3;
	vm4 =	vmand vm4, vm10;
	vm6 =	vmand vm12, vm6  }
0x1ac: {  	vm0 =	vmor vm4, vm1;
	vm1 =	vmand vm13, vm14;
	vm4 =	veq.s32 v30, v12  }
0x1ad: {  	vm4 =	vmand vm5, vm4;
	v45 =	vsel vm0, $0x1, v62;
	v43 =	vsel vm1, $0x1, v62  }
0x1ae: {  	[tilespmem:$0x1FBC0] =	vst v0;
	vm0 =	vmor vm4, vm6;
	vm4 =	veq.s32 v28, v12;
	vm6 =	veq.s32 v30, v34  }
0x1af: {  	v4 =	vld [tilespmem:$0x1FBC0];
	v12 =	vbroadcast v26, $0x1;
	vm6 =	vmand vm5, vm6;
	vm4 =	vmand vm15, vm4  }
0x1b0: {  	vm6 =	vmor vm6, vm8;
	vm8 =	vmand vm15, vm9;
	vm0 =	vmor vm4, vm0  }
0x1b1: {  	vm9 =	veq.s32 v28, v12;
	vm4 =	vmor vm8, vm6;
	vm6 =	veq.s32 v27, v34  }
0x1b2: {  	vm0 =	vmand vm0, vm3;
	vm8 =	vmmov vm10;
	v34 =	vbroadcast v26, $0x2  }
0x1b3: {  	vm4 =	vmand vm4, vm3;
	vm1 =	vmand vm1, vm6;
	vm6 =	vmand vm13, vm7  }
0x1b4: {  	v61 =	vsel vm0, $0x1, v62;
	vm0 =	vcmask $0xB08;
	vm7 =	vnez.u8 v4  }
0x1b5: {  	v4 =	vimm.s32 $0x0;
	vm1 =	vmor vm1, vm4;
	v52 =	vsel vm6, $0x1, v62  }
0x1b6: {  	vm4 =	veq.s32 v29, v35;
	v47 =	vsel vm1, $0x1, v62;
	vm1 =	veq.s32 v30, v35  }
0x1b7: {  	vm6 =	veq.s32 v28, v35;
	vm4 =	vmand vm12, vm4;
	vm1 =	vmand vm5, vm1  }
0x1b8: {  	vm1 =	vmor vm1, vm4;
	vm4 =	vmand vm15, vm6;
	vm6 =	veq.s32 v27, v35  }
0x1b9: {  	vm0 =	vmand vm13, vm0;
	vm1 =	vmor vm4, vm1;
	vm4 =	vmand vm13, vm6  }
0x1ba: {  	v44 =	vsel vm0, $0x1, v62;
	vm0 =	vmand vm1, vm3;
	vm1 =	vmand vm4, vm11  }
0x1bb: {  	vm4 =	veq.s32 v29, v39;
	vm0 =	vmor vm1, vm0;
	vm1 =	veq.s32 v30, v39  }
0x1bc: {  	v42 =	vsel vm0, $0x1, v62;
	vm0 =	vmand vm5, vm1;
	vm1 =	vmand vm12, vm4  }
0x1bd: {  	v35 =	vbroadcast v26, $0x3;
	vm0 =	vmor vm0, vm1;
	vm1 =	veq.s32 v28, v39  }
0x1be: {  	vm6 =	veq.s32 v27, v39;
	vm11 =	veq.s32 v28, v34;
	vm1 =	vmand vm15, vm1  }
0x1bf: {  	vm11 =	vmand vm15, vm11;
	vm0 =	vmor vm1, vm0;
	vm1 =	vmand vm13, vm6  }
0x1c0: {  	vm4 =	vmand vm13, vm2;
	vm0 =	vmand vm0, vm3;
	vm1 =	vmand vm1, vm10  }
0x1c1: {  	v39 =	vsel vm4, $0x1, v62;
	vm4 =	veq.s32 v30, v9;
	vm0 =	vmor vm1, vm0  }
0x1c2: {  	[tilespmem:$0x1FBF0] =	vst v1;
	vm6 =	veq.s32 v28, v9;
	v1 =	vsel vm0, $0xFFFFFFFF, v11;
	vm0 =	veq.s32 v29, v9  }
0x1c3: {  	vm10 =	veq.s32 v27, v9;
	vm1 =	vmand vm5, vm4;
	vm4 =	vmand vm12, vm0  }
0x1c4: {  	v9 =	vbroadcast v25, $0x0;
	vm1 =	vmor vm1, vm4;
	vm4 =	vmand vm15, vm6  }
0x1c5: {  	vm6 =	veq.s32 v29, v12;
	vm1 =	vmor vm4, vm1;
	vm4 =	veq.s32 v30, v12  }
0x1c6: {  	v11 =	vimm.s32 $0x0;
	vm6 =	vmand vm12, vm6;
	vm4 =	vmand vm5, vm4  }
0x1c7: {  	vm4 =	vmor vm4, vm6;
	vm6 =	vmand vm15, vm9;
	vm9 =	veq.s32 v27, v12  }
0x1c8: {  	vm0 =	vmand vm7, vm14;
	vm4 =	vmor vm6, vm4;
	vm6 =	vmand vm13, vm9  }
0x1c9: {  	vm9 =	vmand vm13, vm10;
	vm10 =	veq.s32 v29, v34;
	vm4 =	vmor vm6, vm4  }
0x1ca: {  	vm1 =	vmor vm9, vm1;
	vm6 =	vmmov vm0;
	vm9 =	veq.s32 v30, v34  }
0x1cb: {  	vm10 =	vmand vm12, vm10;
	v4 =	vsel vm1, $0xFFFFFFFF, v4;
	vm14 =	vmand vm4, vm3  }
0x1cc: {  	v10 =	vld [tilespmem:$0x1FC70];
	vm4 =	veq.s32 v26, v12;
	vm9 =	vmand vm5, vm9;
	v12 =	vimm.s32 $0x0  }
0x1cd: {  	[tilespmem:$0x1FBE0] =	vst v4;
	vm4 =	vmand vm0, vm4;
	vm10 =	vmor vm9, vm10;
	v4 =	vbroadcast v25, $0x1  }
0x1ce: {  	vm9 =	vmor vm4, vm14;
	vm1 =	vmor vm11, vm10;
	vm4 =	veq.s32 v27, v34  }
0x1cf: {  	vm10 =	veq.s32 v30, v35;
	vm11 =	veq.s32 v29, v35;
	vm14 =	veq.s32 v28, v35  }
0x1d0: {  	vm4 =	vmand vm13, vm4;
	vm10 =	vmand vm5, vm10;
	vm11 =	vmand vm12, vm11  }
0x1d1: {  	vm0 =	vmand vm15, vm14;
	vm14 =	vnez.u8 v10;
	vm1 =	vmor vm4, vm1  }
0x1d2: {  	vm4 =	vmor vm10, vm11;
	vm10 =	veq.s32 v26, v34;
	vm11 =	veq.s32 v30, v9  }
0x1d3: {  	[tilespmem:$0x1FBD0] =	vst v1;
	vm0 =	vmor vm0, vm4;
	vm4 =	veq.s32 v27, v35;
	vm2 =	vmand vm1, vm3  }
0x1d4: {  	v34 =	vld [tilespmem:$0x1FBD0];
	vm10 =	vmand vm7, vm10;
	vm11 =	vmand vm5, vm11;
	vm4 =	vmand vm13, vm4  }
0x1d5: {  	vm10 =	vmand vm10, vm14;
	vm14 =	veq.s32 v29, v9;
	vm0 =	vmor vm4, vm0  }
0x1d6: {  	vm4 =	veq.s32 v26, v35;
	vm2 =	vmor vm10, vm2;
	vm10 =	veq.s32 v28, v9  }
0x1d7: {  	v35 =	vimm.s32 $0x0;
	vm1 =	vmand vm0, vm3;
	vm4 =	vmand vm7, vm4  }
0x1d8: {  	vm0 =	vmand vm12, vm14;
	v1 =	vsel vm2, $0xFFFFFFFF, v11;
	vm4 =	vmand vm4, vm8  }
0x1d9: {  	vm0 =	vmor vm11, vm0;
	vm14 =	vnez.u8 v34;
	vm8 =	veq.s32 v29, v4  }
0x1da: {  	vm11 =	veq.s32 v27, v9;
	vm1 =	vmor vm4, vm1;
	v7 =	vsel vm14, $0x1, v62  }
0x1db: {  	[tilespmem:$0x1FC00] =	vst v1;
	vm8 =	vmand vm12, vm8;
	v1 =	vsel vm1, $0xFFFFFFFF, v12;
	vm1 =	veq.s32 v30, v4  }
0x1dc: {  	vm14 =	veq.s32 v29, v5;
	vm4 =	vcmask $0x704;
	vm1 =	vmand vm5, vm1  }
0x1dd: {  	[tilespmem:$0x1FC10] =	vst v1;
	v1 =	vsel vm6, $0x1, v62;
	vm6 =	vmand vm7, vm4;
	vm1 =	vmor vm1, vm8  }
0x1de: {  	vm8 =	vmand vm15, vm10;
	vm10 =	veq.s32 v28, v4;
	v11 =	vsel vm6, $0x1, v62  }
0x1df: {  	vm6 =	veq.s32 v25, v4;
	vm10 =	vmand vm15, vm10;
	vm2 =	vmor vm8, vm0  }
0x1e0: {  	vm8 =	vmand vm13, vm11;
	vm11 =	veq.s32 v30, v5;
	vm0 =	vmand vm12, vm14  }
0x1e1: {  	vm14 =	vmmov vm7;
	vm2 =	vmor vm8, vm2;
	vm8 =	veq.s32 v26, v9;
	v9 =	vld [tilespmem:$0x1FBE0]  }
0x1e2: {  	vm1 =	vmor vm10, vm1;
	vm10 =	veq.s32 v27, v4;
	vm11 =	vmand vm5, vm11  }
0x1e3: {  	v10 =	vld [tilespmem:$0x1FFA0];
	vm10 =	vmand vm13, vm10;
	vm0 =	vmor vm11, vm0;
	vm11 =	veq.s32 v28, v5  }
0x1e4: {  	vm8 =	vmand vm7, vm8;
	vm1 =	vmor vm10, vm1;
	vm10 =	veq.s32 v26, v4  }
0x1e5: {  	vm11 =	vmand vm15, vm11;
	vm2 =	vmor vm8, vm2;
	vm8 =	vgt.f32 v33, $2.000000030e-01  }
0x1e6: {  	v0 =	vsel vm2, $0xFFFFFFFF, v35;
	vm2 =	vmor vm11, vm0;
	vm0 =	vnez.u8 v9  }
0x1e7: {  	v33 =	vbroadcast v25, $0x3;
	v4 =	vimm.s32 $0x0;
	vm0 =	vmand vm0, vm3  }
0x1e8: {  	vm10 =	vmand vm7, vm10;
	v12 =	vsel vm0, $0x1, v62;
	vm0 =	vnez.u8 v10  }
0x1e9: {  	vm7 =	veq.s32 v27, v5;
	vm1 =	vmor vm10, vm1;
	vm10 =	vmand vm8, vm0  }
0x1ea: {  	vm1 =	vmand vm1, vm3;
	vm0 =	vcmask $0xB08;
	vm6 =	vmand vm10, vm6  }
0x1eb: {  	v9 =	vsel vm9, $0x1, v62;
	vm9 =	vmand vm14, vm0;
	vm0 =	vmor vm6, vm1  }
0x1ec: {  	vm7 =	vmand vm13, vm7;
	v4 =	vsel vm0, $0xFFFFFFFF, v4  }
0x1ed: {  	v35 =	vbroadcast v24, $0x1;
	vm11 =	veq.s32 v25, v33;
	vm1 =	vmor vm7, vm2;
	[tilespmem:$0x1FC30] =	vst v4;
	v4 =	vld [tilespmem:$0x1FC70]  }
0x1ee: {  	vm2 =	veq.s32 v26, v5;
	vm6 =	veq.s32 v30, v33;
	vm7 =	veq.s32 v29, v33  }
0x1ef: {  	vm2 =	vmand vm14, vm2;
	vm6 =	vmand vm5, vm6;
	vm7 =	vmand vm12, vm7  }
0x1f0: {  	v10 =	vsel vm9, $0x1, v62;
	vm1 =	vmor vm2, vm1;
	vm2 =	vmor vm6, vm7  }
0x1f1: {  	v34 =	vld [tilespmem:$0x1FBF0];
	vm6 =	veq.s32 v25, v5;
	vm7 =	veq.s32 v28, v33;
	v5 =	vimm.s32 $0x0  }
0x1f2: {  	vm1 =	vmand vm1, vm3;
	vm6 =	vmand vm8, vm6;
	vm4 =	vnez.u8 v4  }
0x1f3: {  	vm7 =	vmand vm15, vm7;
	v4 =	vbroadcast v24, $0x0;
	vm6 =	vmand vm6, vm4  }
0x1f4: {  	vm0 =	vmor vm6, vm1;
	vm1 =	vmor vm7, vm2;
	vm2 =	veq.s32 v27, v33  }
0x1f5: {  	vm7 =	veq.s32 v30, v4;
	vm9 =	veq.s32 v29, v4;
	vm2 =	vmand vm13, vm2  }
0x1f6: {  	vm6 =	vnez.u8 v34;
	v5 =	vsel vm0, $0xFFFFFFFF, v5;
	vm1 =	vmor vm2, vm1  }
0x1f7: {  	vm2 =	vmand vm5, vm7;
	vm7 =	vmand vm12, vm9;
	vm9 =	veq.s32 v28, v4  }
0x1f8: {  	[tilespmem:$0x1FC40] =	vst v5;
	v5 =	vimm.s32 $0x0;
	vm2 =	vmor vm2, vm7;
	vm7 =	veq.s32 v26, v33  }
0x1f9: {  	vm9 =	vmand vm15, vm9;
	v33 =	vbroadcast v24, $0x3;
	vm7 =	vmand vm14, vm7  }
0x1fa: {  	vm2 =	vmor vm9, vm2;
	vm1 =	vmor vm7, vm1;
	vm7 =	vmand vm8, vm11  }
0x1fb: {  	vm9 =	veq.s32 v27, v4;
	vm1 =	vmand vm1, vm3;
	vm7 =	vmand vm7, vm6  }
0x1fc: {  	vm9 =	vmand vm13, vm9;
	vm11 =	veq.s32 v26, v4;
	vm0 =	vmor vm7, vm1  }
0x1fd: {  	vm1 =	vmor vm9, vm2;
	vm2 =	vmand vm14, vm11;
	vm7 =	veq.s32 v29, v35  }
0x1fe: {  	vm9 =	veq.s32 v28, v35;
	vm1 =	vmor vm2, vm1;
	vm2 =	veq.s32 v30, v35  }
0x1ff: {  	vm11 =	veq.s32 v25, v35;
	vm7 =	vmand vm12, vm7;
	vm2 =	vmand vm5, vm2  }
0x200: {  	v5 =	vsel vm0, $0xFFFFFFFF, v5;
	vm2 =	vmor vm2, vm7;
	vm7 =	vmand vm15, vm9  }
0x201: {  	[tilespmem:$0x1FC50] =	vst v5;
	v5 =	vimm.s32 $0x0;
	vm9 =	veq.s32 v27, v35;
	vm2 =	vmor vm7, vm2  }
0x202: {  	vm7 =	vmand vm13, vm9;
	vm9 =	veq.s32 v25, v4;
	v4 =	vbroadcast v24, $0x2  }
0x203: {  	vm2 =	vmor vm7, vm2;
	vm7 =	vmand vm8, vm9;
	vm9 =	veq.s32 v26, v35  }
0x204: {  	vm9 =	vmand vm14, vm9;
	vm0 =	vmor vm7, vm1;
	vm7 =	veq.s32 v29, v4  }
0x205: {  	v5 =	vsel vm0, $0xFFFFFFFF, v5;
	vm1 =	vmor vm9, vm2;
	vm2 =	vmand vm8, vm11  }
0x206: {  	vm7 =	vmand vm12, vm7;
	[tilespmem:$0x1FC80] =	vst v5;
	vm1 =	vmor vm2, vm1;
	vm2 =	veq.s32 v30, v4;
	v5 =	vld [tilespmem:$0x1FFA0]  }
0x207: {  	vm9 =	veq.s32 v28, v4;
	vm11 =	veq.s32 v24, v35;
	vm2 =	vmand vm5, vm2  }
0x208: {  	vm2 =	vmor vm2, vm7;
	vm7 =	vmand vm15, vm9;
	vm9 =	veq.s32 v27, v4  }
0x209: {  	vm2 =	vmor vm7, vm2;
	vm7 =	vmand vm13, vm9;
	vm9 =	veq.s32 v26, v4  }
0x20a: {  	vm1 =	vmand vm1, vm3;
	vm2 =	vmor vm7, vm2;
	vm7 =	vmand vm14, vm9  }
0x20b: {  	vm9 =	vgt.f32 v32, $2.000000030e-01;
	vm2 =	vmor vm7, vm2;
	vm0 =	vnez.u8 v5  }
0x20c: {  	v5 =	vimm.s32 $0x0;
	vm7 =	veq.s32 v25, v4;
	vm0 =	vmand vm9, vm0  }
0x20d: {  	vm7 =	vmand vm8, vm7;
	v5 =	vsel vm0, $0xFFFFFFFF, v5;
	vm11 =	vmand vm0, vm11  }
0x20e: {  	vm0 =	veq.s32 v24, v4;
	v4 =	vimm.s32 $0x0;
	vm1 =	vmor vm11, vm1  }
0x20f: {  	vm0 =	vmand vm9, vm0;
	v4 =	vsel vm1, $0xFFFFFFFF, v4;
	vm1 =	vmor vm7, vm2  }
0x210: {  	vm0 =	vmand vm0, vm4;
	vm1 =	vmand vm1, vm3  }
0x211: {  	vm2 =	veq.s32 v30, v33;
	[tilespmem:$0x1FC90] =	vst v4;
	v4 =	vimm.s32 $0x0;
	vm0 =	vmor vm0, vm1  }
0x212: {  	vm1 =	veq.s32 v29, v33;
	v4 =	vsel vm0, $0xFFFFFFFF, v4;
	vm0 =	vmand vm5, vm2  }
0x213: {  	vm1 =	vmand vm12, vm1;
	vm2 =	veq.s32 v28, v33;
	[tilespmem:$0x1FCA0] =	vst v4;
	v4 =	vbroadcast v23, $0x0  }
0x214: {  	vm0 =	vmor vm0, vm1;
	vm1 =	vmand vm15, vm2;
	vm2 =	veq.s32 v27, v33  }
0x215: {  	vm0 =	vmor vm1, vm0;
	vm1 =	vmand vm13, vm2;
	vm2 =	veq.s32 v30, v4  }
0x216: {  	vm0 =	vmor vm1, vm0;
	vm1 =	vmand vm5, vm2;
	vm2 =	veq.s32 v29, v4  }
0x217: {  	vm7 =	veq.s32 v26, v33;
	vm2 =	vmand vm12, vm2  }
0x218: {  	vm11 =	veq.s32 v28, v4;
	vm1 =	vmor vm1, vm2;
	vm2 =	vmand vm14, vm7  }
0x219: {  	vm7 =	vmand vm15, vm11;
	vm0 =	vmor vm2, vm0;
	vm2 =	veq.s32 v27, v4  }
0x21a: {  	vm1 =	vmor vm7, vm1;
	vm7 =	veq.s32 v25, v33;
	vm2 =	vmand vm13, vm2  }
0x21b: {  	vm11 =	veq.s32 v26, v4;
	vm1 =	vmor vm2, vm1;
	vm2 =	vmand vm8, vm7  }
0x21c: {  	vm7 =	vmand vm14, vm11;
	vm0 =	vmor vm2, vm0;
	vm2 =	veq.s32 v24, v33  }
0x21d: {  	vm1 =	vmor vm7, vm1;
	vm2 =	vmand vm9, vm2  }
0x21e: {  	vm7 =	veq.s32 v25, v4;
	vm0 =	vmand vm0, vm3;
	vm2 =	vmand vm2, vm6  }
0x21f: {  	[tilespmem:$0x1FC60] =	vst v5;
	v5 =	vimm.s32 $0x0;
	vm7 =	vmand vm8, vm7;
	vm0 =	vmor vm2, vm0  }
0x220: {  	v5 =	vsel vm0, $0xFFFFFFFF, v5;
	vm0 =	vmor vm7, vm1;
	vm1 =	veq.s32 v24, v4  }
0x221: {  	v34 =	vld [tilespmem:$0x1FC00];
	vm1 =	vmand vm9, vm1  }
0x222: {  	v4 =	vimm.s32 $0x0;
	vm0 =	vmor vm1, vm0  }
0x223: {  	v3 =	vor.u32 $0x80000000, v3;
	v4 =	vsel vm0, $0xFFFFFFFF, v4  }
0x224: {  	(xrf0) =	vmax.scan.msk.u32 $0xffff, v3;
	v3 =	vor.u32 $0x80000000, v57;
	v35 =	vbroadcast v23, $0x1;
	[tilespmem:$0x1FCC0] =	vst v4;
	v4 =	vld [tilespmem:$0x1FC10]  }
0x225: {  	(erf) = vrcp.f32 v38;
	(xrf0) =	vmax.scan.msk.u32 $0xffff, v3;
	v2 =	vor.u32 $0x80000000, v2;
	v3 =	vsel vm10, $0x1, v62  }
0x226: {  	vm4 =	vnez.u8 v34;
	vm2 =	veq.s32 v30, v35;
	vm7 =	veq.s32 v29, v35  }
0x227: {  	vm2 =	vmand vm5, vm2;
	vm7 =	vmand vm12, vm7;
	vm1 =	veq.s32 v28, v35  }
0x228: {  	[tilespmem:$0x1FC20] =	vst v0;
	v0 =	vsel vm4, $0x1, v62;
	vm0 =	vmor vm2, vm7;
	vm1 =	vmand vm15, vm1  }
0x229: {  	[tilespmem:$0x1FCB0] =	vst v5;
	vm0 =	vmor vm1, vm0;
	vm1 =	vnez.u8 v4;
	v4 =	vor.u32 $0x80000000, v31  }
0x22a: {  	v5 =	vor.u32 $0x80000000, v37;
	vm2 =	vcmask $0xF0C;
	(xrf0) =	vmax.scan.msk.u32 $0xffff, v4;
	v4 =	vor.u32 $0x80000000, v6  }
0x22b: {  	vm2 =	vmand vm14, vm2;
	v31 =	vbroadcast v23, $0x2;
	(xrf0) =	vmax.scan.msk.u32 $0xffff, v4;
	v4 =	vor.u32 $0x80000000, v58  }
0x22c: {  	v57 =	vsel vm1, $0x1, v62;
	vm1 =	veq.s32 v27, v35;
	v6, _, _ =	vpop (xrf0);
	(xrf0) =	vmax.scan.msk.u32 $0xffff, v4;
	v4 =	vor.u32 $0x80000000, v36  }
0x22d: {  	vm1 =	vmand vm13, vm1;
	(v2sf) =	vpush v6, $0xF;
	v6 =	vld [tilespmem:$0x1FC20];
	(xrf0) =	vmax.scan.msk.u32 $0xffff, v4;
	v4 =	vor.u32 $0x80000000, v60  }
0x22e: {  	v34 =	vsel vm2, $0x1, v62;
	vm0 =	vmor vm1, vm0;
	vm1 =	veq.s32 v26, v35  }
0x22f: {  	vm2 =	veq.s32 v30, v31;
	vm4 =	veq.s32 v29, v31;
	vm1 =	vmand vm14, vm1;
	(xrf0) =	vmax.scan.msk.u32 $0xffff, v4  }
0x230: {  	vm0 =	vmor vm1, vm0;
	vm1 =	veq.s32 v25, v35;
	(xrf0) =	vmax.scan.msk.u32 $0xffff, v5;
	v5 =	vor.u32 $0x80000000, v63;
	v4, _, _ =	vpop (xrf0)  }
0x231: {  	vm2 =	vmand vm5, vm2;
	vm1 =	vmand vm8, vm1;
	v63, _, _ =	vpop (xrf0);
	(xrf0) =	vmax.scan.msk.u32 $0xffff, v5;
	v5 =	vor.u32 $0x80000000, v54  }
0x232: {  	v37 =	vld [tilespmem:$0x1FC30];
	vm7 =	vmand vm12, vm4;
	vm4 =	vmor vm1, vm0;
	vm1 =	vnez.u8 v6  }
0x233: {  	vm1 =	vmand vm1, vm3;
	(v2sf) =	vpush v4, $0xF;
	v4 =	vor.u32 $0x80000000, v48;
	v6, _, _ =	vpop (xrf0);
	(xrf0) =	vmax.scan.msk.u32 $0xffff, v5  }
0x234: {  	v58 =	vsel vm1, $0x1, v62;
	(v2sf) =	vpush v63, $0xF;
	v5, _, _ =	vpop (xrf0);
	(xrf0) =	vmax.scan.msk.u32 $0xffff, v4;
	v4 =	vor.u32 $0x80000000, v53  }
0x235: {  	v48 =	vld [tilespmem:$0x1FFA0];
	vm1 =	vcmask $0x704;
	(v2sf) =	vpush v6, $0xF;
	v36, _, _ =	vpop (xrf0);
	(xrf0) =	vmax.scan.msk.u32 $0xffff, v4;
	v4 =	vor.u32 $0x80000000, v59  }
0x236: {  	vm1 =	vmand vm8, vm1;
	(v2sf) =	vpush v5, $0xF;
	v5, _, _ =	vpop (xrf0);
	(xrf0) =	vmax.scan.msk.u32 $0xffff, v4;
	v4 =	vor.u32 $0x80000000, v49;
	v49 =	vld [tilespmem:$0x1FC40]  }
0x237: {  	vm0 =	vmor vm2, vm7;
	v60 =	vsel vm1, $0x1, v62;
	vm1 =	vnez.u8 v37  }
0x238: {  	v53 =	vsel vm1, $0x1, v62;
	(v2sf) =	vpush v36, $0xF;
	v6, _, _ =	vpop (xrf0);
	(xrf0) =	vmax.scan.msk.u32 $0xffff, v4;
	v4 =	vor.u32 $0x80000000, v50  }
0x239: {  	vm1 =	vcmask $0xB08;
	(v2sf) =	vpush v5, $0xF;
	v5, _, _ =	vpop (xrf0);
	(xrf0) =	vmax.scan.msk.u32 $0xffff, v4;
	v4 =	vor.u32 $0x80000000, v46  }
0x23a: {  	v32 =	vpop (erf);
	vm7 =	vnez.u8 v48;
	vm1 =	vmand vm8, vm1;
	(v2sf) =	vpush v6, $0xF  }
0x23b: {  	v54 =	vsel vm1, $0x1, v62;
	v6, _, _ =	vpop (xrf0);
	(v2sf) =	vpush v5, $0xF;
	(xrf0) =	vmax.scan.msk.u32 $0xffff, v4;
	vm1 =	vnez.u8 v49  }
0x23c: {  	v5 =	vor.u32 $0x80000000, v55;
	(v2sf) =	vpush v6, $0xF;
	v4, _, _ =	vpop (xrf0);
	(xrf0) =	vmax.scan.msk.u32 $0xffff, v2;
	v48 =	vsel vm1, $0x1, v62  }
0x23d: {  	vm1 =	vcmask $0xF0C;
	v50, _, _ =	vpop (xrf0);
	(v2sf) =	vpush v4, $0xF;
	(xrf0) =	vmax.scan.msk.u32 $0xffff, v5;
	v4 =	vor.u32 $0x80000000, v51  }
0x23e: {  	v5 =	vadd.f32 $1.000000000e+00, v17;
	(v2sf) =	vpush v50, $0xF;
	v55, _, _ =	vpop (xrf0);
	(xrf0) =	vmax.scan.msk.u32 $0xffff, v4;
	v4 =	vor.u32 $0x80000000, v56  }
0x23f: {  	vm1 =	vmand vm8, vm1;
	v50 =	vld [tilespmem:$0x1FD20];
	(v2sf) =	vpush v55, $0xF;
	v59, _, _ =	vpop (xrf0);
	(xrf0) =	vmax.scan.msk.u32 $0xffff, v4;
	v4 =	vadd.f32 $1.000000000e+00, v32  }
0x240: {  	v46 =	vsel vm1, $0x1, v62;
	(erf) = vrcp.f32 v5;
	(v2sf) =	vpush v59, $0xF;
	v62, _, _ =	vpop (xrf0);
	v59 =	vld [tilespmem:$0x1FFF0]  }
0x241: {  	(v2sf) =	vpush v62, $0xF;
	v63, _, _ =	vpop (xrf0);
	(erf) = vrcp.f32 v4;
	v4 =	vld [tilespmem:$0x1FD10]  }
0x242: {  	v33 =	vpop (erf);
	(v2sf) =	vpush v63, $0xF;
	v63 =	vld [tilespmem:$0x1FD00]  }
0x243: {  	v5 =	vadd.f32 $1.000000000e+00, v33  }
0x244: {  	v2 =	vmax.f32 v50, $9.999999740e-05  }
0x245: {  	v62 =	vld [tilespmem:$0x1FCF0];
	(erf) = vrcp.f32 v5;
	v5 =	vor.u32 $0x80000000, v40;
	v51 =	vmul.f32 v2, v59  }
0x246: {  	v40 =	vor.u32 $0x80000000, v45;
	(xrf0) =	vmax.scan.msk.u32 $0xffff, v5;
	v5 =	vor.u32 $0x80000000, v61;
	v61 =	vld [tilespmem:$0x1FD40]  }
0x247: {  	v36, _, _ =	vpop (xrf0);
	v4 =	vmax.f32 v4, $9.999999740e-05;
	v55 =	vsub.f32 v63, v51;
	v45 =	vadd.f32 v51, v63;
	v63 =	vld [tilespmem:$0x1FD60]  }
0x248: {  	(v2sf) =	vpush v36, $0xF;
	v37, _, _ =	vpop (xrf0);
	v4 =	vmul.f32 v4, v59  }
0x249: {  	(v2sf) =	vpush v37, $0xF  }
0x24a: {  	v38, _, _ =	vpop (xrf0);
	v36 =	vsub.f32 v62, v4;
	v37 =	vadd.f32 v4, v62  }
0x24b: {  	v6 =	vor.u32 $0x80000000, v41;
	(v2sf) =	vpush v38, $0xF;
	v49, _, _ =	vpop (xrf0)  }
0x24c: {  	(v2sf) =	vpush v49, $0xF;
	v62 =	vld [tilespmem:$0x1FD50];
	v49 =	vmax.f32 v36, v61;
	v2 =	vmin.f32 v37, v63  }
0x24d: {  	(xrf0) =	vmax.scan.msk.u32 $0xffff, v6;
	v6 =	vsub.f32 v2, v49;
	v2 =	vld [tilespmem:$0x1FD70]  }
0x24e: {  	v44 =	vor.u32 $0x80000000, v44;
	v42 =	vor.u32 $0x80000000, v42;
	v39 =	vor.u32 $0x80000000, v39  }
0x24f: {  	v7 =	vor.u32 $0x80000000, v7;
	v1 =	vor.u32 $0x80000000, v1;
	v0 =	vor.u32 $0x80000000, v0  }
0x250: {  	(xrf0) =	vmax.scan.msk.u32 $0xffff, v40;
	v40 =	vor.u32 $0x80000000, v47;
	v4 =	vor.u32 $0x80000000, v43;
	v43 =	vor.u32 $0x80000000, v52  }
0x251: {  	v47 =	vsub.f32 v45, v55;
	v52 =	vmin.f32 v36, v61;
	v49 =	vsub.f32 v37, v36  }
0x252: {  	(xrf0) =	vmax.scan.msk.u32 $0xffff, v4;
	v51 =	vmax.f32 v55, v62;
	v50 =	vmin.f32 v45, v2;
	v4 =	vsub.f32 v2, v62  }
0x253: {  	v56 =	vmax.f32 v37, v63;
	v38 =	vsub.f32 v50, v51;
	v51 =	vsub.f32 v63, v61  }
0x254: {  	vm11 =	vmmov vm6;
	[tilespmem:$0x1FCD0] =	vst v55;
	(xrf0) =	vmax.scan.msk.u32 $0xffff, v5;
	v5 =	vsub.f32 v56, v52  }
0x255: {  	(xrf0) =	vmax.scan.msk.u32 $0xffff, v43;
	v56 =	vmin.f32 v55, v62;
	v43 =	vmul.f32 v47, v49;
	v55 =	vmul.f32 v4, v51  }
0x256: {  	v6 =	vmax.f32 v6, $0.0e+00;
	v41 =	vmax.f32 v45, v2;
	v38 =	vmax.f32 v38, $0.0e+00  }
0x257: {  	v52, _, _ =	vpop (xrf0);
	v50 =	vsub.f32 v41, v56;
	v41 =	vmul.f32 v38, v6;
	v6 =	vadd.f32 v55, v43  }
0x258: {  	vm6 =	veq.s32 v23, v35;
	vm2 =	veq.s32 v25, v31;
	s10 =	spop (v2sf);
	vm1 =	veq.s32 v28, v31;
	(xrf0) =	vmax.scan.msk.u32 $0xffff, v40;
	v40 =	vpop (erf)  }
0x259: {  	vm1 =	vmand vm15, vm1;
	s8 =	spop (v2sf);
	(v2sf) =	vpush v52, $0xF;
	(xrf0) =	vmax.scan.msk.u32 $0xffff, v44;
	v56, _, _ =	vpop (xrf0);
	v6 =	vsub.f32 v6, v41  }
0x25a: {  	vm0 =	vmor vm1, vm0;
	s9 =	spop (v2sf);
	(v2sf) =	vpush v56, $0xF;
	v52, _, _ =	vpop (xrf0);
	v43 =	vmul.f32 v50, v50  }
0x25b: {  	vm1 =	veq.s32 v27, v31;
	s4 =	spop (v2sf);
	(v2sf) =	vpush v52, $0xF;
	v55, _, _ =	vpop (xrf0);
	v6 =	vadd.f32 $1.000000010e-07, v6  }
0x25c: {  	vm1 =	vmand vm13, vm1;
	s13 =	spop (v2sf);
	v5 =	vmul.f32 v5, v5;
	v52 =	vld [tilespmem:$0x1FC50];
	(v2sf) =	vpush v55, $0xF;
	v55, _, _ =	vpop (xrf0)  }
0x25d: {  	vm2 =	vmand vm8, vm2;
	vm0 =	vmor vm1, vm0;
	s2 =	spop (v2sf);
	(xrf0) =	vmax.scan.msk.u32 $0xffff, v42;
	(v2sf) =	vpush v55, $0xF;
	v42, _, _ =	vpop (xrf0)  }
0x25e: {  	vm1 =	veq.s32 v26, v31;
	v5 =	vadd.f32 v43, v5;
	(xrf0) =	vmax.scan.msk.u32 $0xffff, v39;
	(v2sf) =	vpush v42, $0xF;
	v43, _, _ =	vpop (xrf0)  }
0x25f: {  	vm1 =	vmand vm14, vm1;
	s6 =	spop (v2sf);
	(xrf0) =	vmax.scan.msk.u32 $0xffff, v7;
	(v2sf) =	vpush v43, $0xF;
	(erf) = vrcp.f32 v6;
	v6, _, _ =	vpop (xrf0)  }
0x260: {  	vm0 =	vmor vm1, vm0;
	s0 =	spop (v2sf);
	v5 =	vadd.f32 $1.000000010e-07, v5;
	(xrf0) =	vmax.scan.msk.u32 $0xffff, v1;
	(v2sf) =	vpush v6, $0xF;
	v6 =	vld [tilespmem:$0x1FCE0]  }
0x261: {  	v44 =	vor.u32 $0x80000000, v12;
	v56 =	vimm.s32 $0x0;
	vm1 =	vnez.u8 v52;
	v42 =	vpop (erf)  }
0x262: {  	v52 =	vor.u32 $0x80000000, v11;
	v50 =	vsel vm1, $0x1, v56;
	v38 =	vpop (erf);
	(erf) = vrcp.f32 v5  }
0x263: {  	vm1 =	veq.s32 v24, v35;
	(xrf0) =	vmax.scan.msk.u32 $0xffff, v44;
	(erf) = vrcp.f32 v4;
	v4 =	vor.u32 $0x80000000, v9;
	v55, _, _ =	vpop (xrf0)  }
0x264: {  	vm2 =	vmor vm2, vm0;
	v35 =	vor.u32 $0x80000000, v34;
	vm1 =	vmand vm9, vm1;
	(xrf0) =	vmax.scan.msk.u32 $0xffff, v52;
	v11, _, _ =	vpop (xrf0)  }
0x265: {  	vm4 =	vmor vm1, vm4;
	v5 =	vor.u32 $0x80000000, v10;
	vm0 =	vgt.f32 v6, $2.000000030e-01;
	v6, _, _ =	vpop (xrf0);
	(xrf0) =	vmax.scan.msk.u32 $0xffff, v4  }
0x266: {  	v34 =	vor.u32 $0x80000000, v60;
	v7 =	vbroadcast v23, $0x3;
	vm4 =	vmand vm4, vm3;
	v4, _, _ =	vpop (xrf0);
	(xrf0) =	vmax.scan.msk.u32 $0xffff, v5;
	v5 =	vld [tilespmem:$0x1FC60]  }
0x267: {  	s11 =	spop (v2sf);
	v39 =	vpop (erf);
	v52 =	vor.u32 $0x80000000, v57;
	v57 =	vor.u32 $0x80000000, v3;
	(v2sf) =	vpush v55, $0xF  }
0x268: {  	s12 =	spop (v2sf);
	v55 =	vld [tilespmem:$0x1FC70];
	(v2sf) =	vpush v11, $0xF;
	v11 =	vor.u32 $0x80000000, v58;
	vm1 =	vmand vm0, vm7;
	v43 =	vpop (erf)  }
0x269: {  	s14 =	spop (v2sf);
	vm7 =	veq.s32 v24, v31;
	(v2sf) =	vpush v6, $0xF;
	vm6 =	vmand vm1, vm6;
	v12, _, _ =	vpop (xrf0);
	(xrf0) =	vmax.scan.msk.u32 $0xffff, v0  }
0x26a: {  	s7 =	spop (v2sf);
	v3 =	vld [tilespmem:$0x1FC80];
	vm7 =	vmand vm9, vm7;
	(v2sf) =	vpush v4, $0xF;
	vm4 =	vmor vm6, vm4;
	v6, _, _ =	vpop (xrf0);
	(xrf0) =	vmax.scan.msk.u32 $0xffff, v35  }
0x26b: {  	s1 =	rddreg [dreg:$0xe];
	s16 =	spop (v2sf);
	vm6 =	vmor vm7, vm2;
	(v2sf) =	vpush v12, $0xF;
	(xrf0) =	vmax.scan.msk.u32 $0xffff, v52;
	vm2 =	vnez.u8 v5;
	v10, _, _ =	vpop (xrf0)  }
0x26c: {  	s17 =	sxor.u32 $0x80000000, s10;
	s9 =	sxor.u32 $0x80000000, s9;
	s5 =	spop (v2sf);
	(v2sf) =	vpush v6, $0xF;
	(xrf0) =	vmax.scan.msk.u32 $0xffff, v57;
	v5 =	vsel vm2, $0x1, v56;
	vm2 =	veq.s32 v23, v31;
	v31 =	vpop (erf)  }
0x26d: {  	s22 =	sxor.u32 $0x80000000, s8;
	s19 =	ssub.s32 $0x1, s9;
	s10 =	spop (v2sf);
	vm7 =	vnez.u8 v55;
	v35 =	vor.u32 $0x80000000, v53;
	(xrf0) =	vmax.scan.msk.u32 $0xffff, v11;
	(v2sf) =	vpush v10, $0xF;
	v12, _, _ =	vpop (xrf0)  }
0x26e: {  	s4 =	sxor.u32 $0x80000000, s4;
	s13 =	sxor.u32 $0x80000000, s13;
	s8 =	spop (v2sf);
	v53 =	vor.u32 $0x80000000, v48;
	(xrf0) =	vmax.scan.msk.u32 $0xffff, v34;
	vm2 =	vmand vm0, vm2;
	v9 =	vpop (erf);
	(v2sf) =	vpush v12, $0xF  }
0x26f: {  	s21 =	smul.u32 s22, s19;
	s13 =	ssub.s32 $0x1, s13;
	s23 =	spop (v2sf);
	v4, _, _ =	vpop (xrf0);
	(xrf0) =	vmax.scan.msk.u32 $0xffff, v35;
	vm7 =	vmand vm2, vm7;
	v44 =	vmul.f32 v9, v51;
	vm2 =	vnez.u8 v3  }
0x270: {  	s2 =	sxor.u32 $0x80000000, s2;
	s28 =	sxor.u32 $0x80000000, s6;
	s6 =	spop (v2sf);
	v52 =	vor.u32 $0x80000000, v54;
	v6, _, _ =	vpop (xrf0);
	(v2sf) =	vpush v4, $0xF;
	vm2 =	vmand vm2, vm3  }
0x271: {  	s22 =	smul.u32 s4, s13;
	s4 =	ssub.s32 $0x1, s28;
	s13 =	spop (v2sf);
	v4, _, _ =	vpop (xrf0);
	(v2sf) =	vpush v6, $0xF;
	v3 =	vsel vm2, $0x1, v56;
	v51 =	vand.u32 $0x7FFFFFFF, v44  }
0x272: {  	s24 =	smul.u32 s2, s4;
	s2 =	spop (v2sf);
	(xrf0) =	vmax.scan.msk.u32 $0xffff, v52;
	vm2 =	vcmask $0x704;
	v55, _, _ =	vpop (xrf0);
	(v2sf) =	vpush v4, $0xF;
	v4 =	vor.u32 $0x80000000, v46  }
0x273: {  	s20 =	smul.u32 s1, s17;
	s17 =	spop (v2sf);
	v57 =	vld [tilespmem:$0x1FC90];
	(xrf0) =	vmax.scan.msk.u32 $0xffff, v53;
	(erf) = vrcp.f32 v51;
	vm2 =	vmand vm9, vm2;
	v6, _, _ =	vpop (xrf0);
	(v2sf) =	vpush v55, $0xF  }
0x274: {  	(xrf0) =	vmax.scan.msk.u32 $0xffff, v4;
	(erf) = vrcp.f32 v47;
	v58, _, _ =	vpop (xrf0);
	(v2sf) =	vpush v6, $0xF;
	v6 =	vor.u32 $0x80000000, v50  }
0x275: {  	s29 =	sxor.u32 $0x80000000, s11;
	v54 =	vsel vm2, $0x1, v56;
	vm2 =	veq.s32 v30, v7;
	v4, _, _ =	vpop (xrf0);
	(xrf0) =	vmax.scan.msk.u32 $0xffff, v6  }
0x276: {  	s0 =	sxor.u32 $0x80000000, s0;
	s4 =	ssub.s32 $0x1, s29;
	v5 =	vor.u32 $0x80000000, v5;
	vm2 =	vmand vm5, vm2;
	vm5 =	veq.s32 v29, v7  }
0x277: {  	s25 =	smul.u32 s0, s4;
	s0 =	spop (v2sf);
	v3 =	vor.u32 $0x80000000, v3;
	(v2sf) =	vpush v58, $0xF;
	vm12 =	vmand vm12, vm5  }
0x278: {  	s1 =	sxor.u32 $0x80000000, s12;
	s12 =	spop (v2sf);
	v29, _, _ =	vpop (xrf0);
	(v2sf) =	vpush v4, $0xF;
	(xrf0) =	vmax.scan.msk.u32 $0xffff, v5;
	vm5 =	vmor vm2, vm12;
	vm12 =	vnez.u8 v57  }
0x279: {  	s11 =	spop (v2sf);
	v5 =	vld [tilespmem:$0x1FCA0];
	v4, _, _ =	vpop (xrf0);
	(v2sf) =	vpush v29, $0xF;
	(xrf0) =	vmax.scan.msk.u32 $0xffff, v3;
	v10 =	vsel vm12, $0x1, v56;
	vm12 =	vcmask $0xB08  }
0x27a: {  	s15 =	sxor.u32 $0x80000000, s7;
	s7 =	spop (v2sf);
	(v2sf) =	vpush v4, $0xF;
	vm2 =	vmand vm9, vm12;
	v4, _, _ =	vpop (xrf0)  }
0x27b: {  	s19 =	sxor.u32 $0x80000000, s10;
	s10 =	spop (v2sf);
	vm12 =	veq.s32 v28, v7;
	(v2sf) =	vpush v4, $0xF;
	v4 =	vor.u32 $0x80000000, v54;
	v6, _, _ =	vpop (xrf0)  }
0x27c: {  	s14 =	sxor.u32 $0x80000000, s14;
	s16 =	sxor.u32 $0x80000000, s16;
	v60 =	vsel vm2, $0x1, v56;
	vm2 =	vmand vm15, vm12;
	v3 =	vpop (erf)  }
0x27d: {  	vm10 =	vmmov vm3;
	s14 =	ssub.s32 $0x1, s14;
	s18 =	ssub.s32 $0x1, s16;
	s16 =	spop (v2sf);
	v46 =	vsel vm1, $0x1, v56;
	vm2 =	vmor vm2, vm5;
	v30 =	vpop (erf)  }
0x27e: {  	s26 =	smul.u32 s1, s14;
	s14 =	spop (v2sf);
	vm5 =	vnez.u8 v5;
	(xrf0) =	vmax.scan.msk.u32 $0xffff, v4;
	(v2sf) =	vpush v6, $0xF;
	v4, _, _ =	vpop (xrf0);
	v0 =	vmul.f32 v30, v49  }
0x27f: {  	s5 =	sxor.u32 $0x80000000, s5;
	v10 =	vor.u32 $0x80000000, v10;
	v5 =	vsel vm5, $0x1, v56;
	v6 =	vld [tilespmem:$0x1FCB0];
	(v2sf) =	vpush v4, $0xF;
	v4, _, _ =	vpop (xrf0)  }
0x280: {  	s28 =	smul.u32 s15, s18;
	s4 =	ssub.s32 $0x1, s19;
	s19 =	spop (v2sf);
	vm5 =	veq.s32 v27, v7;
	(v2sf) =	vpush v4, $0xF;
	v4 =	vld [tilespmem:$0x1FCC0];
	v34 =	vand.u32 $0x7FFFFFFF, v0  }
0x281: {  	s1 =	sxor.u32 $0x80000000, s8;
	s29 =	smul.u32 s5, s4;
	s23 =	sxor.u32 $0x80000000, s23;
	vm15 =	vmand vm6, vm10;
	vm5 =	vmand vm13, vm5;
	(erf) = vrcp.f32 v34  }
0x282: {  	s4 =	ssub.s32 $0x1, s23;
	s8 =	sxor.u32 $0x80000000, s6;
	s9 =	sxor.u32 $0x80000000, s13;
	vm3 =	vmor vm7, vm15;
	vm2 =	vmor vm5, vm2;
	vm5 =	vcmask $0xF0C  }
0x283: {  	s4 =	smul.u32 s1, s4;
	s6 =	ssub.s32 $0x1, s9;
	s15 =	sxor.u32 $0x80000000, s17;
	vm7 =	vcmask $0x704;
	v47 =	vor.u32 $0x80000000, v60;
	(xrf0) =	vmax.scan.msk.u32 $0xffff, v10;
	vm5 =	vmand vm9, vm5  }
0x284: {  	s18 =	sxor.u32 $0x80000000, s2;
	s5 =	smul.u32 s8, s6;
	s8 =	ssub.s32 $0x1, s15;
	vm13 =	veq.s32 v26, v7;
	v5 =	vor.u32 $0x80000000, v5;
	v35 =	vsel vm5, $0x1, v56  }
0x285: {  	s6 =	smul.u32 s18, s8;
	s23 =	sxor.u32 $0x80000000, s12;
	s13 =	spop (v2sf);
	(xrf0) =	vmax.scan.msk.u32 $0xffff, v47;
	vm5 =	vnez.u8 v6;
	v9 =	vor.u32 $0x80000000, v35;
	vm15 =	vnez.u8 v4  }
0x286: {  	s0 =	sxor.u32 $0x80000000, s0;
	s8 =	ssub.s32 $0x1, s23;
	s17 =	spop (v2sf);
	(xrf0) =	vmax.scan.msk.u32 $0xffff, v5;
	v6 =	vsel vm5, $0x1, v56;
	vm5 =	vmand vm0, vm7;
	vm1 =	vmand vm15, vm10  }
0x287: {  	s11 =	sxor.u32 $0x80000000, s11;
	s1 =	sxor.u32 $0x80000000, s7;
	s2 =	spop (v2sf);
	v5, _, _ =	vpop (xrf0);
	(xrf0) =	vmax.scan.msk.u32 $0xffff, v9;
	v48 =	vsel vm5, $0x1, v56;
	v4 =	vsel vm1, $0x1, v56;
	vm1 =	vmand vm14, vm13  }
0x288: {  	s7 =	smul.u32 s0, s8;
	s16 =	sxor.u32 $0x80000000, s16;
	s12 =	spop (v2sf);
	vm5 =	veq.s32 v25, v7;
	vm2 =	vmor vm1, vm2;
	vm1 =	vgt.f32 v51, $1.000000000e+00  }
0x289: {  	s15 =	ssub.s32 $0x1, s1;
	s0 =	ssub.s32 $0x1, s16;
	s16 =	spop (v2sf);
	(v2sf) =	vpush v5, $0xF;
	vm5 =	vmand vm8, vm5;
	v1 =	vsel vm1, v3, v51;
	v3, _, _ =	vpop (xrf0)  }
0x28a: {  	s18 =	sxor.u32 $0x80000000, s10;
	s8 =	smul.u32 s11, s15;
	v5 =	vor.u32 $0x80000000, v6;
	vm5 =	vmor vm5, vm2;
	vm2 =	vgt.f32 v34, $1.000000000e+00;
	v6 =	vpop (erf)  }
0x28b: {  	s9 =	smul.u32 s18, s0;
	s23 =	sxor.u32 $0x80000000, s19;
	v50 =	vor.u32 $0x80000000, v46;
	s15 =	spop (v2sf);
	(xrf0) =	vmax.scan.msk.u32 $0xffff, v5;
	(v2sf) =	vpush v3, $0xF;
	v3 =	vsel vm2, v6, v34;
	v6, _, _ =	vpop (xrf0)  }
0x28c: {  	s1 =	sxor.u32 $0x80000000, s14;
	s0 =	ssub.s32 $0x1, s23;
	s14 =	spop (v2sf);
	(xrf0) =	vmax.scan.msk.u32 $0xffff, v50;
	(v2sf) =	vpush v6, $0xF;
	v6, _, _ =	vpop (xrf0)  }
0x28d: {  	s13 =	sxor.u32 $0x80000000, s13;
	s10 =	smul.u32 s1, s0;
	s11 =	sxor.u32 $0x80000000, s17;
	(v2sf) =	vpush v6, $0xF;
	v6, _, _ =	vpop (xrf0)  }
0x28e: {  	s1 =	sadd.s32 s20, s21;
	s0 =	ssub.s32 $0x1, s11;
	s2 =	sxor.u32 $0x80000000, s2;
	vm15 =	veq.s32 v24, v7;
	(v2sf) =	vpush v6, $0xF;
	v6 =	vor.u32 $0x80000000, v48  }
0x28f: {  	s11 =	smul.u32 s13, s0;
	s18 =	sxor.u32 $0x80000000, s12;
	s17 =	spop (v2sf);
	vm6 =	vmand vm9, vm15;
	v4 =	vor.u32 $0x80000000, v4  }
0x290: {  	v52 =	vsel vm4, $0x1, v56;
	s0 =	ssub.s32 $0x1, s18;
	s18 =	sadd.s32 s22, s1;
	s19 =	spop (v2sf);
	vm4 =	vmor vm6, vm5;
	vm6 =	vcmask $0xB08;
	(xrf0) =	vmax.scan.msk.u32 $0xffff, v4  }
0x291: {  	s12 =	smul.u32 s2, s0;
	s18 =	sadd.s32 s24, s18;
	s23 =	spop (v2sf);
	vm5 =	vmand vm0, vm6;
	(xrf0) =	vmax.scan.msk.u32 $0xffff, v6;
	v6, _, _ =	vpop (xrf0)  }
0x292: {  	s2 =	sxor.u32 $0x80000000, s15;
	s17 =	sxor.u32 $0x80000000, s17;
	s15 =	spop (v2sf);
	vm13 =	veq.s32 v23, v7;
	v53 =	vsel vm5, $0x1, v56;
	(v2sf) =	vpush v6, $0xF;
	v7, _, _ =	vpop (xrf0)  }
0x293: {  	v12 =	vor.u32 $0x80000000, v52;
	s0 =	ssub.s32 $0x1, s2;
	s2 =	ssub.s32 $0x1, s17;
	s17 =	spop (v2sf);
	(v2sf) =	vpush v7, $0xF;
	v7 =	vor.u32 $0x80000000, v53  }
0x294: {  	s13 =	sxor.u32 $0x80000000, s16;
	s18 =	sadd.s32 s25, s18;
	vm8 =	vcmask $0xF0C;
	v6 =	vsel vm3, $0x1, v56;
	(xrf0) =	vmax.scan.msk.u32 $0xffff, v12  }
0x295: {  	s16 =	sxor.u32 $0x80000000, s14;
	s13 =	smul.u32 s13, s0;
	s1 =	sxor.u32 $0x80000000, s23;
	vm3 =	vmand vm0, vm13;
	vm0 =	vmand vm0, vm8;
	v6 =	vor.u32 $0x80000000, v6;
	(xrf0) =	vmax.scan.msk.u32 $0xffff, v7  }
0x296: {  	s14 =	smul.u32 s16, s2;
	s2 =	sxor.u32 $0x80000000, s19;
	s23 =	spop (v2sf);
	v54 =	vsel vm0, $0x1, v56;
	v7, _, _ =	vpop (xrf0);
	(xrf0) =	vmax.scan.msk.u32 $0xffff, v6  }
0x297: {  	s19 =	ssub.s32 $0x1, s1;
	s17 =	sxor.u32 $0x80000000, s17;
	s1 =	spop (v2sf);
	(v2sf) =	vpush v7, $0xF;
	v7 =	vor.u32 $0x80000000, v54  }
0x298: {  	s15 =	sxor.u32 $0x80000000, s15;
	s16 =	smul.u32 s2, s19;
	s17 =	ssub.s32 $0x1, s17  }
0x299: {  	s17 =	smul.u32 s15, s17;
	s0 =	sxor.u32 $0x80000000, s1;
	s15 =	spop (v2sf);
	v6, _, _ =	vpop (xrf0)  }
0x29a: {  	s19 =	sxor.u32 $0x80000000, s23;
	s0 =	ssub.s32 $0x1, s0;
	s23 =	spop (v2sf);
	(v2sf) =	vpush v6, $0xF;
	(xrf0) =	vmax.scan.msk.u32 $0xffff, v7;
	v7, _, _ =	vpop (xrf0)  }
0x29b: {  	s2 =	sadd.s32 s26, s18;
	s0 =	smul.u32 s19, s0;
	s19 =	sxor.u32 $0x80000000, s23;
	v55, _, _ =	vpop (xrf0);
	(v2sf) =	vpush v7, $0xF  }
0x29c: {  	vm12 =	vmmov vm10;
	s1 =	sadd.s32 s28, s2;
	s2 =	ssub.s32 $0x1, s19;
	s19 =	spop (v2sf);
	(v2sf) =	vpush v55, $0xF;
	v7, _, _ =	vpop (xrf0)  }
0x29d: {  	s23 =	sadd.s32 s29, s1;
	vm15 =	vmand vm4, vm12;
	s1 =	spop (v2sf);
	vm14 =	vmand vm3, vm11;
	(v2sf) =	vpush v7, $0xF;
	v7 =	vld [tilespmem:$0x1FDA0]  }
0x29e: {  	vm0 =	vmor vm14, vm15  }
0x29f: {  	v6 =	vsel vm0, $0x1, v56  }
0x2a0: {  	v6 =	vor.u32 $0x80000000, v6  }
0x2a1: {  	(xrf0) =	vmax.scan.msk.u32 $0xffff, v6  }
0x2a2: {  	vm13 =	vnez.u8 v7;
	v7 =	vld [tilespmem:$0x1FDB0];
	_ =	sdelay $0x1  }
0x2a3: {  	s15 =	sxor.u32 $0x80000000, s15  }
0x2a4: {  	s2 =	smul.u32 s15, s2  }
0x2a5: {  	s15 =	sadd.s32 s4, s23;
	s18 =	sxor.u32 $0x80000000, s1;
	s23 =	spop (v2sf);
	v6, _, _ =	vpop (xrf0)  }
0x2a6: {  	s19 =	sxor.u32 $0x80000000, s19;
	s18 =	ssub.s32 $0x1, s18;
	s1 =	spop (v2sf);
	(v2sf) =	vpush v6, $0xF;
	vm14 =	vnez.u8 v7;
	v7, _, _ =	vpop (xrf0)  }
0x2a7: {  	s19 =	smul.u32 s19, s18;
	s18 =	sxor.u32 $0x80000000, s23;
	s23 =	spop (v2sf);
	(v2sf) =	vpush v7, $0xF;
	v7 =	vld [tilespmem:$0x1FDD0]  }
0x2a8: {  	_ =	sdelay $0x2  }
0x2a9: {  	v6 =	vmov s20  }
0x2aa: {  	v6 =	vnsel vm13, $0x0, v6;
	vm13 =	vnez.u8 v7;
	v7 =	vld [tilespmem:$0x1FDE0];
	_ =	sdelay $0x3  }
0x2ab: {  	v57 =	vld [tilespmem:$0x1FDC0]  }
0x2ac: {  	v6 =	vsel vm14, s21, v6;
	vm14 =	vnez.u8 v7;
	v7 =	vld [tilespmem:$0x1FDF0];
	_ =	sdelay $0x1  }
0x2ad: {  	v49 =	vmul.f32 v1, v1;
	_ =	sdelay $0x1  }
0x2ae: {  	v5 =	vmul.f32 $1.585308580e-03, v49;
	vm15 =	vnez.u8 v57  }
0x2af: {  	v6 =	vsel vm15, s22, v6;
	vm15 =	vnez.u8 v7;
	v7 =	vld [tilespmem:$0x1FE00]  }
0x2b0: {  	v5 =	vsub.f32 $9.906944810e-03, v5  }
0x2b1: {  	v51 =	vmul.f32 v3, v3  }
0x2b2: {  	v4 =	vmul.f32 v5, v49  }
0x2b3: {  	v5 =	vmul.f32 $1.585308580e-03, v51  }
0x2b4: {  	v4 =	vadd.f32 $-2.912633870e-02, v4;
	v6 =	vsel vm13, s24, v6;
	vm13 =	vnez.u8 v7;
	v7 =	vld [tilespmem:$0x1FE10]  }
0x2b5: {  	v5 =	vsub.f32 $9.906944810e-03, v5  }
0x2b6: {  	v4 =	vmul.f32 v4, v49  }
0x2b7: {  	v5 =	vmul.f32 v5, v51  }
0x2b8: {  	v4 =	vadd.f32 $5.567457530e-02, v4  }
0x2b9: {  	v5 =	vadd.f32 $-2.912633870e-02, v5;
	v6 =	vsel vm14, s25, v6;
	vm14 =	vnez.u8 v7;
	v7 =	vld [tilespmem:$0x1FE20]  }
0x2ba: {  	v4 =	vmul.f32 v4, v49  }
0x2bb: {  	v5 =	vmul.f32 v5, v51  }
0x2bc: {  	v4 =	vadd.f32 $-8.252553640e-02, v4  }
0x2bd: {  	v5 =	vadd.f32 $5.567457530e-02, v5  }
0x2be: {  	v4 =	vmul.f32 v4, v49;
	v6 =	vsel vm15, s26, v6;
	vm15 =	vnez.u8 v7;
	v7 =	vld [tilespmem:$0x1FE70]  }
0x2bf: {  	v5 =	vmul.f32 v5, v51  }
0x2c0: {  	v4 =	vadd.f32 $1.089195390e-01, v4  }
0x2c1: {  	v5 =	vadd.f32 $-8.252553640e-02, v5  }
0x2c2: {  	v4 =	vmul.f32 v4, v49  }
0x2c3: {  	v5 =	vmul.f32 v5, v51;
	v6 =	vsel vm13, s28, v6;
	vm13 =	vnez.u8 v7;
	v7 =	vld [tilespmem:$0x1FE80]  }
0x2c4: {  	v4 =	vadd.f32 $-1.425013390e-01, v4  }
0x2c5: {  	v5 =	vadd.f32 $1.089195390e-01, v5  }
0x2c6: {  	v4 =	vmul.f32 v4, v49  }
0x2c7: {  	v5 =	vmul.f32 v5, v51  }
0x2c8: {  	v4 =	vadd.f32 $1.999676230e-01, v4;
	v6 =	vsel vm14, s29, v6;
	vm14 =	vnez.u8 v7;
	v7 =	vld [tilespmem:$0x1FE90]  }
0x2c9: {  	v5 =	vadd.f32 $-1.425013390e-01, v5  }
0x2ca: {  	v4 =	vmul.f32 v4, v49  }
0x2cb: {  	v5 =	vmul.f32 v5, v51  }
0x2cc: {  	v4 =	vadd.f32 $-3.333319720e-01, v4  }
0x2cd: {  	v5 =	vadd.f32 $1.999676230e-01, v5;
	v6 =	vsel vm15, s4, v6;
	vm15 =	vnez.u8 v7;
	v7 =	vld [tilespmem:$0x1FEA0];
	_ =	sdelay $0x1  }
0x2ce: {  	v4 =	vmul.f32 v4, v49;
	v5 =	vmul.f32 v5, v51;
	_ =	sdelay $0x1  }
0x2cf: {  	v4 =	vadd.f32 $1.000000000e+00, v4;
	v5 =	vadd.f32 $-3.333319720e-01, v5  }
0x2d0: {  	v6 =	vsel vm13, s5, v6;
	vm13 =	vnez.u8 v7;
	v7 =	vld [tilespmem:$0x1FEB0]  }
0x2d1: {  	v1 =	vmul.f32 v4, v1;
	v4 =	vmul.f32 v5, v51;
	v5 =	vld [tilespmem:$0x1FEC0];
	_ =	sdelay $0x1  }
0x2d2: {  	v6 =	vsel vm14, s6, v6  }
0x2d3: {  	v6 =	vsel vm15, s7, v6  }
0x2d4: {  	v6 =	vsel vm13, s8, v6;
	vm14 =	vnez.u8 v7  }
0x2d5: {  	vm15 =	vnez.u8 v5;
	v6 =	vsel vm14, s9, v6  }
0x2d6: {  	v5 =	vsel vm15, s10, v6;
	v6 =	vld [tilespmem:$0x1FED0]  }
0x2d7: {  	s1 =	sxor.u32 $0x80000000, s1  }
0x2d8: {  	s15 =	sadd.s32 s5, s15;
	s1 =	ssub.s32 $0x1, s1  }
0x2d9: {  	v26 =	vmul.f32 $9.239630300e-04, v33;
	s15 =	sadd.s32 s6, s15;
	s20 =	smul.u32 s18, s1;
	s18 =	spop (v2sf)  }
0x2da: {  	s1 =	sadd.s32 s7, s15;
	s15 =	sxor.u32 $0x80000000, s18  }
0x2db: {  	v29 =	vsub.f32 $6.977327170e-03, v26;
	s18 =	spop (v2sf);
	s1 =	sadd.s32 s8, s1;
	s15 =	ssub.s32 $0x1, s15;
	vm13 =	vnez.u8 v6;
	v6 =	vsub.f32 $1.570796370e+00, v1  }
0x2dc: {  	s1 =	sadd.s32 s9, s1;
	s21 =	sxor.u32 $0x80000000, s23;
	s23 =	spop (v2sf)  }
0x2dd: {  	v35 =	vmul.f32 v29, v33;
	s18 =	sxor.u32 $0x80000000, s18;
	s21 =	smul.u32 s21, s15;
	s15 =	spop (v2sf);
	v1 =	vsel vm1, v6, v1;
	v6 =	vld [tilespmem:$0x1FEF0]  }
0x2de: {  	s1 =	sadd.s32 s10, s1;
	s23 =	sxor.u32 $0x80000000, s23;
	s24 =	spop (v2sf)  }
0x2df: {  	v27 =	vmul.f32 v43, v41;
	v43 =	vadd.f32 $-2.475656380e-02, v35;
	s1 =	sadd.s32 s11, s1;
	s22 =	ssub.s32 $0x1, s23;
	s25 =	spop (v2sf)  }
0x2e0: {  	s1 =	sadd.s32 s12, s1;
	s22 =	smul.u32 s18, s22;
	s18 =	spop (v2sf)  }
0x2e1: {  	v9 =	vmul.f32 v43, v33;
	s1 =	sadd.s32 s13, s1;
	s26 =	spop (v2sf);
	v7 =	vld [tilespmem:$0x1FEE0]  }
0x2e2: {  	s1 =	sadd.s32 s14, s1;
	s23 =	sxor.u32 $0x80000000, s24;
	v4 =	vadd.f32 $1.000000000e+00, v4;
	s4 =	spop (v2sf);
	vm15 =	vnez.u8 v6;
	v6 =	vld [tilespmem:$0x1FF00]  }
0x2e3: {  	v9 =	vadd.f32 $5.602025240e-02, v9;
	s15 =	sxor.u32 $0x80000000, s15;
	s23 =	ssub.s32 $0x1, s23;
	s5 =	spop (v2sf)  }
0x2e4: {  	s1 =	sadd.s32 s16, s1;
	s24 =	smul.u32 s15, s23;
	v3 =	vmul.f32 v4, v3;
	s23 =	spop (v2sf)  }
0x2e5: {  	v58 =	vld [tilespmem:$0x1FF20];
	v50 =	vmul.f32 v9, v33;
	s1 =	sadd.s32 s17, s1;
	s6 =	sxor.u32 $0x80000000, s23;
	s23 =	rddreg [dreg:$0xf]  }
0x2e6: {  	s1 =	sadd.s32 s0, s1;
	v9 =	vld [tilespmem:s23+$0x14240];
	vm14 =	vnez.u8 v7;
	v7 =	vsub.f32 $1.570796370e+00, v3  }
0x2e7: {  	v53 =	vadd.f32 $-9.379880870e-02, v50;
	s1 =	sadd.s32 s2, s1;
	s29 =	sxor.u32 $0x80000000, s18;
	s10 =	sadd.s32 $0xFFFFFFF0, s31;
	v5 =	vsel vm13, s11, v5;
	vm13 =	vnez.u8 v6;
	v6 =	vld [tilespmem:$0x1FF10]  }
0x2e8: {  	v51 =	vmax.f32 v18, $0.0e+00;
	s18 =	sxor.u32 $0x80000000, s25;
	s15 =	ssub.s32 $0x1, s29;
	v4 =	vmov s10;
	v3 =	vsel vm2, v7, v3;
	s11 =	sadd.s32 $0x20, s31  }
0x2e9: {  	s1 =	sadd.s32 s19, s1;
	s25 =	smul.u32 s18, s15;
	v7 =	vsub.f32 $0.0e+00, v3;
	v5 =	vsel vm14, s12, v5;
	v10 =	vmov s11;
	s15 =	sadd.s32 $0xFFFFFFF0, s11  }
0x2ea: {  	s1 =	sadd.s32 s20, s1;
	v12 =	vmov s15;
	v60 =	vsub.f32 $0.0e+00, v1;
	v5 =	vsel vm15, s13, v5  }
0x2eb: {  	s1 =	sadd.s32 s21, s1;
	vm15 =	vnez.u8 v58;
	v5 =	vsel vm13, s14, v5;
	vm13 =	vlt.f32 v44, $0.0e+00  }
0x2ec: {  	s1 =	sadd.s32 s22, s1;
	s29 =	sxor.u32 $0x80000000, s26;
	s4 =	sxor.u32 $0x80000000, s4;
	v58 =	vand.u32 $0x7FFFFFFF, v9;
	v1 =	vsel vm13, v60, v1;
	vm14 =	vnez.u8 v6  }
0x2ed: {  	s4 =	ssub.s32 $0x1, s4;
	s5 =	sxor.u32 $0x80000000, s5;
	s28 =	spop (v2sf);
	vm13 =	vge.f32 v18, $0.0e+00;
	v5 =	vsel vm14, s16, v5;
	vm14 =	vlt.f32 v0, $0.0e+00  }
0x2ee: {  	s6 =	ssub.s32 $0x1, s6;
	s9 =	smul.u32 s29, s4;
	s13 =	spop (v2sf);
	v26 =	vsub.f32 $0.0e+00, v58;
	v47 =	vsel vm13, $0x3F800000, v17;
	v3 =	vsel vm14, v7, v3  }
0x2ef: {  	s1 =	sadd.s32 s24, s1;
	s12 =	smul.u32 s5, s6;
	s5 =	sxor.u32 $0x80000000, s13;
	vm13 =	vge.f32 v14, $0.0e+00;
	v6 =	vmul.f32 v22, v17;
	v3 =	vsub.f32 v1, v3  }
0x2f0: {  	s1 =	sadd.s32 s25, s1;
	s5 =	ssub.s32 $0x1, s5;
	v49 =	vmul.f32 v42, v47;
	s16 =	sxor.u32 $0x80000000, s28;
	v11 =	vsel vm15, s17, v5;
	v5 =	vadd.f32 $-1.626726090e-01, v21  }
0x2f1: {  	s1 =	sadd.s32 s9, s1;
	s18 =	smul.u32 s16, s5;
	v6 =	vadd.f32 $1.991596370e-01, v6;
	vm15 =	vge.f32 v13, $0.0e+00;
	v28 =	vmul.f32 $4.052847330e-01, v3  }
0x2f2: {  	s1 =	sadd.s32 s12, s1;
	v52 =	vsub.f32 $1.000000000e+00, v49;
	v7 =	vsel vm15, $0x3F800000, v16;
	v5 =	vmul.f32 v5, v16  }
0x2f3: {  	v1 =	vsub.f32 $1.000000000e+00, v27;
	s1 =	sadd.s32 s18, s1;
	v25 =	vmul.f32 v6, v17;
	v3 =	vmul.f32 v28, v3;
	v28 =	vld [tilespmem:$0x1FD30]  }
0x2f4: {  	v6 =	vmul.f32 $9.239630300e-04, v32;
	v7 =	vmul.f32 v40, v7;
	v24 =	vmov s1  }
0x2f5: {  	v5 =	vadd.f32 $1.991596370e-01, v5;
	v0 =	vadd.f32 $-2.498838160e-01, v25;
	v30 =	vcvt.s32.f32 v24  }
0x2f6: {  	vm15 =	vge.f32 v15, $0.0e+00;
	v6 =	vsub.f32 $6.977327170e-03, v6;
	v7 =	vsub.f32 $1.000000000e+00, v7  }
0x2f7: {  	v34 =	vmul.f32 v0, v17;
	v0 =	vbroadcast v30, $0x0;
	v41 =	vadd.f32 v3, v1  }
0x2f8: {  	v5 =	vmul.f32 v5, v16;
	v6 =	vmul.f32 v6, v32;
	v44 =	vand.u32 $0x7FFFFFFF, v28  }
0x2f9: {  	v46 =	vmax.f32 v0, $1.000000000e+00;
	v23 =	vadd.f32 $1.000000010e-07, v41;
	v22 =	vsub.f32 $0.0e+00, v44  }
0x2fa: {  	v54 =	vmax.f32 v7, $9.999999970e-07;
	v30 =	vmul.f32 $1.442695020e+00, v26;
	v24 =	vmul.f32 $4.000000000e+00, v46  }
0x2fb: {  	v5 =	vadd.f32 $-2.498838160e-01, v5;
	(erf) = vrcp.f32 v23;
	v22 =	vmul.f32 $1.442695020e+00, v22  }
0x2fc: {  	v21 =	vadd.f32 $3.333236280e-01, v34;
	v6 =	vadd.f32 $-2.475656380e-02, v6;
	(erf) = vrcp.f32 v24  }
0x2fd: {  	v7 =	vmax.f32 v52, $9.999999970e-07;
	v5 =	vmul.f32 v5, v16;
	(erf) = vpow2.f32 v22  }
0x2fe: {  	v55 =	vmin.f32 v7, $9.999989860e-01;
	v48 =	vmul.f32 v21, v17;
	v6 =	vmul.f32 v6, v32  }
0x2ff: {  	v21 =	vadd.s32 $0x9C4, v19;
	v19 =	vmul.f32 v53, v33;
	v5 =	vadd.f32 $3.333236280e-01, v5  }
0x300: {  	vm14 =	vlt.u32 v4, v21;
	v4 =	vadd.f32 $-4.999995830e-01, v48;
	v6 =	vadd.f32 $5.602025240e-02, v6  }
0x301: {  	v44 =	vmax.f32 v13, $0.0e+00;
	v57 =	vadd.f32 $1.297016890e-01, v19;
	v24 =	vsub.f32 $1.000000000e+00, v55  }
0x302: {  	v48 =	vsel vm15, $0x3F800000, v32;
	v5 =	vmul.f32 v5, v16;
	v6 =	vmul.f32 v6, v32  }
0x303: {  	vm15 =	vlt.u32 v12, v21;
	v4 =	vmul.f32 v4, v17;
	v25 =	vmul.f32 v57, v33  }
0x304: {  	v34 =	vmul.f32 $7.500000000e-01, v24;
	v5 =	vadd.f32 $-4.999995830e-01, v5;
	v6 =	vadd.f32 $-9.379880870e-02, v6;
	v18 =	vpop (erf)  }
0x305: {  	v22 =	vmin.f32 v54, $9.999989860e-01;
	v4 =	vadd.f32 $1.000000000e+00, v4;
	v25 =	vadd.f32 $-1.626726090e-01, v25;
	v7 =	vpop (erf)  }
0x306: {  	v35 =	vsub.f32 $1.000000000e+00, v22;
	v41 =	vmul.f32 v34, v24;
	v22 =	vmul.f32 v38, v48;
	v19 =	vpop (erf)  }
0x307: {  	v6 =	vmul.f32 v6, v32;
	v5 =	vmul.f32 v5, v16;
	v60 =	vadd.f32 $1.000000000e+00, v19  }
0x308: {  	v57 =	vmax.f32 v14, $0.0e+00;
	v4 =	vmul.f32 v4, v17;
	v40 =	vmul.f32 v25, v33  }
0x309: {  	v34 =	vadd.f32 v37, v36;
	v42 =	vmul.f32 $7.500000000e-01, v35;
	(erf) = vrcp.f32 v60  }
0x30a: {  	v22 =	vsub.f32 $1.000000000e+00, v22;
	v6 =	vadd.f32 $1.297016890e-01, v6;
	(erf) = vpow2.f32 v30  }
0x30b: {  	v54 =	vmax.f32 v15, $0.0e+00;
	v38 =	vld [tilespmem:$0x1FCD0];
	v5 =	vadd.f32 $1.000000000e+00, v5;
	v43 =	vadd.f32 $1.991596370e-01, v40  }
0x30c: {  	v4 =	vadd.f32 v4, v51;
	v17 =	vmul.f32 v42, v35;
	v51 =	vsel vm13, $0x3F800000, v33  }
0x30d: {  	v22 =	vmax.f32 v22, $9.999999970e-07;
	vm13 =	vlt.u32 v10, v21;
	v46 =	vmul.f32 v43, v33  }
0x30e: {  	v35 =	vadd.f32 v2, v62;
	v55 =	vmul.f32 v39, v51;
	v22 =	vmin.f32 v22, $9.999989860e-01  }
0x30f: {  	v51 =	vmul.f32 v18, v3;
	v6 =	vmul.f32 v6, v32;
	v13 =	vadd.f32 $-2.498838160e-01, v46  }
0x310: {  	v2 =	vadd.f32 v45, v38;
	v5 =	vmul.f32 v5, v16;
	v4 =	vmul.f32 v4, v41  }
0x311: {  	v22 =	vsub.f32 $1.000000000e+00, v22;
	v24 =	vsub.f32 $1.000000000e+00, v55;
	v47 =	vmul.f32 $9.239630300e-04, v19  }
0x312: {  	v2 =	vsub.f32 v35, v2;
	v3 =	vmul.f32 v51, v3;
	v6 =	vadd.f32 $-1.626726090e-01, v6;
	v49 =	vpop (erf)  }
0x313: {  	v5 =	vadd.f32 v5, v44;
	v50 =	vmul.f32 v13, v33;
	v16 =	vsub.f32 $6.977327170e-03, v47;
	v13 =	vpop (erf)  }
0x314: {  	v4 =	vnsel vm14, $0x0, v4;
	vm14 =	vlt.u32 v20, v21;
	v52 =	vmul.f32 $9.239630300e-04, v13  }
0x315: {  	v24 =	vmax.f32 v24, $9.999999970e-07;
	v2 =	vmul.f32 v2, v59;
	v16 =	vmul.f32 v16, v19  }
0x316: {  	v4 =	vadd.f32 v4, v8;
	v6 =	vmul.f32 v6, v32;
	v20 =	vsub.f32 $6.977327170e-03, v52  }
0x317: {  	v5 =	vmul.f32 v5, v17;
	v24 =	vmin.f32 v24, $9.999989860e-01;
	v16 =	vadd.f32 $-2.475656380e-02, v16  }
0x318: {  	v24 =	vsub.f32 $1.000000000e+00, v24;
	v60 =	vmul.f32 $7.500000000e-01, v22;
	v20 =	vmul.f32 v20, v13  }
0x319: {  	v6 =	vadd.f32 $1.991596370e-01, v6;
	v53 =	vadd.f32 $3.333236280e-01, v50;
	v16 =	vmul.f32 v16, v19  }
0x31a: {  	v2 =	vmul.f32 v2, v2;
	v5 =	vnsel vm14, $0x0, v5;
	v20 =	vadd.f32 $-2.475656380e-02, v20  }
0x31b: {  	v37 =	vld [tilespmem:$0x1FF40];
	v6 =	vmul.f32 v6, v32;
	v17 =	vmul.f32 v53, v33;
	v16 =	vadd.f32 $5.602025240e-02, v16  }
0x31c: {  	vm14 =	vge.f32 v28, $0.0e+00;
	v58 =	vmul.f32 $7.500000000e-01, v24;
	v20 =	vmul.f32 v20, v13  }
0x31d: {  	v6 =	vadd.f32 $-2.498838160e-01, v6;
	v17 =	vadd.f32 $-4.999995830e-01, v17;
	v16 =	vmul.f32 v16, v19  }
0x31e: {  	v25 =	vmul.f32 v60, v22;
	v29 =	vsel vm14, $0x3F800000, v19;
	v20 =	vadd.f32 $5.602025240e-02, v20  }
0x31f: {  	v6 =	vmul.f32 v6, v32;
	v17 =	vmul.f32 v17, v33;
	v16 =	vadd.f32 $-9.379880870e-02, v16  }
0x320: {  	vm14 =	vnez.u8 v37;
	v4 =	vadd.f32 v5, v4;
	v20 =	vmul.f32 v20, v13  }
0x321: {  	v6 =	vadd.f32 $3.333236280e-01, v6;
	v17 =	vadd.f32 $1.000000000e+00, v17;
	v16 =	vmul.f32 v16, v19  }
0x322: {  	v24 =	vmul.f32 v58, v24;
	v46 =	vmul.f32 v49, v29;
	v20 =	vadd.f32 $-9.379880870e-02, v20  }
0x323: {  	v6 =	vmul.f32 v6, v32;
	v17 =	vmul.f32 v17, v33;
	v16 =	vadd.f32 $1.297016890e-01, v16  }
0x324: {  	v33 =	vadd.f32 v63, v61;
	v36 =	vadd.f32 $1.000000000e+00, v13;
	v20 =	vmul.f32 v20, v13  }
0x325: {  	v6 =	vadd.f32 $-4.999995830e-01, v6;
	v14 =	vadd.f32 v17, v57;
	v16 =	vmul.f32 v16, v19  }
0x326: {  	v17 =	vsub.f32 v33, v34;
	(erf) = vrcp.f32 v36;
	v26 =	vadd.f32 $1.297016890e-01, v20  }
0x327: {  	v6 =	vmul.f32 v6, v32;
	v14 =	vmul.f32 v14, v24;
	v16 =	vadd.f32 $-1.626726090e-01, v16  }
0x328: {  	v53 =	vmax.f32 v28, $0.0e+00;
	v17 =	vmul.f32 v17, v59;
	v12 =	vmul.f32 v26, v13  }
0x329: {  	v39 =	vld [tilespmem:$0x1FF50];
	v48 =	vsub.f32 $1.000000000e+00, v46;
	v6 =	vadd.f32 $1.000000000e+00, v6;
	v27 =	vmul.f32 v16, v19  }
0x32a: {  	v14 =	vnsel vm15, $0x0, v14;
	v42 =	vmul.f32 v17, v17;
	v12 =	vadd.f32 $-1.626726090e-01, v12  }
0x32b: {  	vm15 =	vge.f32 v9, $0.0e+00;
	v6 =	vmul.f32 v6, v32;
	v10 =	vadd.f32 $1.991596370e-01, v27  }
0x32c: {  	v9 =	vmax.f32 v9, $0.0e+00;
	v32 =	vld [tilespmem:$0x1FF30];
	v2 =	vadd.f32 v2, v42;
	v12 =	vmul.f32 v12, v13  }
0x32d: {  	v30 =	vsel vm15, $0x3F800000, v13;
	v6 =	vadd.f32 v6, v54;
	v10 =	vmul.f32 v10, v19  }
0x32e: {  	v40 =	vld [tilespmem:$0x1FF60];
	vm15 =	vnez.u8 v39;
	v2 =	vmul.f32 v31, v2;
	v12 =	vadd.f32 $1.991596370e-01, v12  }
0x32f: {  	v41 =	vld [tilespmem:$0x1FF70];
	v4 =	vadd.f32 v14, v4;
	v49 =	vpop (erf);
	v6 =	vmul.f32 v6, v25;
	v10 =	vadd.f32 $-2.498838160e-01, v10  }
0x330: {  	v14 =	vmul.f32 v49, v30;
	v1 =	vadd.f32 v1, v2;
	v12 =	vmul.f32 v12, v13  }
0x331: {  	v43 =	vld [tilespmem:$0x1FF80];
	v6 =	vnsel vm13, $0x0, v6;
	vm13 =	vnez.u8 v32;
	v10 =	vmul.f32 v10, v19  }
0x332: {  	v44 =	vld [tilespmem:$0x1FF90];
	v14 =	vsub.f32 $1.000000000e+00, v14;
	v11 =	vsel vm13, s0, v11;
	v12 =	vadd.f32 $-2.498838160e-01, v12  }
0x333: {  	vm13 =	vnez.u8 v40;
	v4 =	vadd.f32 v6, v4;
	v10 =	vadd.f32 $3.333236280e-01, v10  }
0x334: {  	v47 =	vld [tilespmem:$0x1FFB0];
	v11 =	vsel vm14, s2, v11;
	vm14 =	vnez.u8 v41;
	v5 =	vmul.f32 v12, v13  }
0x335: {  	v50 =	vld [tilespmem:$0x1FFC0];
	v14 =	vmax.f32 v14, $9.999999970e-07;
	v11 =	vsel vm15, s19, v11;
	v10 =	vmul.f32 v10, v19  }
0x336: {  	vm15 =	vnez.u8 v43;
	v14 =	vmin.f32 v14, $9.999989860e-01;
	v5 =	vadd.f32 $3.333236280e-01, v5  }
0x337: {  	v11 =	vsel vm13, s20, v11;
	vm13 =	vnez.u8 v44;
	v45 =	vadd.f32 $-4.999995830e-01, v10  }
0x338: {  	v14 =	vsub.f32 $1.000000000e+00, v14;
	v11 =	vsel vm14, s21, v11;
	v5 =	vmul.f32 v5, v13  }
0x339: {  	v55 =	vld [tilespmem:$0x1FFD0];
	vm14 =	vnez.u8 v47;
	v11 =	vsel vm15, s22, v11;
	v8 =	vmul.f32 v45, v19  }
0x33a: {  	vm15 =	vnez.u8 v50;
	v57 =	vmul.f32 $7.500000000e-01, v14;
	v5 =	vadd.f32 $-4.999995830e-01, v5  }
0x33b: {  	v10 =	vmax.f32 v46, $9.999999970e-07;
	v8 =	vadd.f32 $1.000000000e+00, v8;
	v12 =	vmax.f32 v48, $9.999999970e-07  }
0x33c: {  	v10 =	vmin.f32 v10, $9.999989860e-01;
	v12 =	vmin.f32 v12, $9.999989860e-01;
	v5 =	vmul.f32 v5, v13  }
0x33d: {  	v6 =	vld [tilespmem:$0x1FFE0];
	v10 =	vsub.f32 $1.000000000e+00, v10;
	v8 =	vmul.f32 v8, v19;
	v12 =	vsub.f32 $1.000000000e+00, v12  }
0x33e: {  	v11 =	vsel vm13, s24, v11;
	vm13 =	vnez.u8 v55;
	v5 =	vadd.f32 $1.000000000e+00, v5  }
0x33f: {  	v54 =	vmul.f32 $2.500000000e-01, v10;
	v8 =	vadd.f32 v8, v53;
	v52 =	vmul.f32 $-7.500000000e-01, v12  }
0x340: {  	v11 =	vsel vm14, s25, v11;
	v60 =	vmul.f32 v57, v14;
	v5 =	vmul.f32 v5, v13  }
0x341: {  	v10 =	vmul.f32 v54, v10;
	v58 =	vsub.f32 v8, v28;
	v12 =	vmul.f32 v52, v12  }
0x342: {  	vm14 =	vnez.u8 v6;
	v11 =	vsel vm15, s9, v11;
	v5 =	vadd.f32 v5, v9  }
0x343: {  	v11 =	vsel vm13, s12, v11;
	v62 =	vmul.f32 v58, v10;
	v61 =	vmul.f32 v8, v12  }
0x344: {  	v6 =	vsel vm14, s18, v11;
	v5 =	vmul.f32 v5, v60  }
0x345: {  	v1 =	vadd.f32 v3, v1;
	v6 =	vcvt.s32.f32 v6;
	v2 =	vadd.f32 v61, v62  }
0x346: {  	v3 =	vnsel vm12, $0x0, v5  }
0x347: {  	v1 =	vmul.f32 v6, v1;
	v2 =	vmul.f32 v6, v2;
	v3 =	vadd.f32 v3, v4;
	_ =	sdelay $0x1  }
0x348: {  	v1 =	vnsel vm12, $0x0, v1;
	v2 =	vmul.f32 $1.249999970e-05, v2;
	v3 =	vmul.f32 $1.249999970e-05, v3  }
0x349: {  	v1 =	vmul.f32 v1, v7  }
0x34a: {  	vm15 =	vgt.f32 v0, $0.0e+00;
	v63 =	vadd.f32 v3, v2  }
0x34b: {  	v1 =	vnsel vm15, $0x0, v1  }
0x34c: {  	v0 =	vadd.f32 v63, v1;
	_ =	sdelay $0x1  }
0x34d: {  	s29 =	simm.s32 $0x18980;
	s28 =	rddreg [dreg:$0x10];
	s1 =	simm.s32 $0x0;
	[tilespmem:$0x18980] =	vst v0  }
0x34e: {  	[hbm4b:s28+s1] =	stream.linear.scatter [tilespmem:s29], [sflag:$0x1], $0x80, $0x38;
	[tilespmem:$0x18A40] =	vst v63  }
0x34f: {  	_ =	swait.ge [sflag:s3], $0x80  }
0x350: {  	s30 =	sadd.s32 $0x1, s30;
	s31 =	rddreg [dreg:$0x11]  }
0x351: {  	p0 =	sne.s32 s30, s31  }
.Ltmp2:
0x352: {  	_ = 	snop;
	(pc) =	sbr.rel @p0 .LBB2_1-.Ltmp2, $3  }
0x353: {  	_ =	sdelay $0x1  }
0x354: {  	[sflag:s3] =	ssyncset.done $0x0  }
0x355: {  	vm10 =	vmmov vm7;
	s14 =	simm.s32 $0x18700;
	v4 =	vlaneseq.u32;
	[sflag:s3] =	ssyncadd.s32 $0xFFFFFF80  }
0x356: {  	_ =	sfence.sel $0x180000  }
0x357: {  	[bflag:$0x0] =	sbarrier.arrive $0xFFFF  }
0x358: {  	_ =	strace $0x90000047  }
0x359: {  	s0 =	stileid.u32;
	[bflag:$0x2] =	sbarrier.arrive $0xFFFF  }
0x35a: {  	p0 =	sne.s32 s0, $0x0;
	s0 =	rddreg [dreg:$0x3]  }
0x35b: {  	s0 =	sadd.s32 @!p0 $0x100000, s0  }
0x35c: {  	[sflag:s0] =	ssyncadd.tile.s32 @!p0 $0x1;
	_ =	shalt  }
.Lfunc_end2:
_tile_overlayer_lowered:
.L_overlay_start_2:
0x35d: {  	(tag) =	ssettag $0x2  }
0x35e: {  	s0 =	rddreg [dreg:$0x0];
	s2 =	stileid.u32  }
0x35f: {  	s1 =	rddreg [dreg:$0x1];
	p0 =	sne.s32 s2, $0x0  }
0x360: {  	s3 =	rddreg [dreg:$0x2];
	[bflag:$0x3] =	sbarrier.arrive $0xFFFF;
	s2 =	simm.s32 @!p0 $0x1C01  }
0x361: {  	[timem:s3], [sflag:s2] =	dma.local @!p0 [hbm:s0], s1  }
0x362: {  	s0 =	simm.s32 @!p0 $0x1  }
0x363: {  	_ =	swait.ge @!p0 [sflag:s0], s1  }
0x364: {  	s1 =	ssub.s32 @!p0 $0x0, s1;
	[sflag:s0] =	ssyncset.done @!p0 $0x0  }
0x365: {  	[sflag:s0] =	ssyncadd.s32 @!p0 s1  }
0x366: {  	[bflag:$0x3] =	sbarrier.arrive $0xFFFF  }
0x367: {  	_ =	shalt  }

</sc_bundles>
